<compile_context>
chip_gen: v7x
topology: tpu7x:2x2x1
jax: 0.10.2.dev20260603
libtpu: 0.0.44.dev20260713+nightly
codegen_flags: <defaults>
</compile_context>

<pallas_src>
import jax
import jax.numpy as jnp
from jax import lax
from jax.experimental import pallas as pl
from jax.experimental.pallas import tpu as pltpu
from jax.experimental.pallas import tpu_sc as plsc

B = 4096
M = 74
N = 64
HALF = 5.0

NC = 2
NS = 16
NW = NC * NS
BPW = B // NW
L = 16
NVEC = N // L


def _floor_f32(x):
  t = x.astype(jnp.int32)
  return t - (t.astype(jnp.float32) > x).astype(jnp.int32)


def _patch_body(obj_hbm, px_hbm, py_hbm, out_hbm,
                img0, img1, ob0, ob1, pxl, pyl,
                is0, is1, os0, os1):
  wid = lax.axis_index("s") * NC + lax.axis_index("c")
  base = wid * BPW
  pltpu.sync_copy(px_hbm.at[pl.ds(base, BPW)], pxl)
  pltpu.sync_copy(py_hbm.at[pl.ds(base, BPW)], pyl)
  iot = lax.iota(jnp.int32, 16)

  pltpu.async_copy(obj_hbm.at[base], img0, is0)
  pltpu.async_copy(obj_hbm.at[base + 1], img1, is1)

  def compute_batch(g, img, ob):
    grp = (g // L) * L
    lane = g % L
    oh = iot == lane
    pxv = pxl[pl.ds(grp, L)] + HALF
    pyv = pyl[pl.ds(grp, L)] + HALF
    oxv = _floor_f32(pxv)
    oyv = _floor_f32(pyv)
    fxv = pxv - oxv.astype(jnp.float32)
    fyv = pyv - oyv.astype(jnp.float32)
    ox = jnp.sum(jnp.where(oh, oxv, 0))
    oy = jnp.sum(jnp.where(oh, oyv, 0))
    fx = jnp.sum(jnp.where(oh, fxv, 0.0))
    fy = jnp.sum(jnp.where(oh, fyv, 0.0))

    c0 = [jnp.clip(iot + (v * L) + ox, 0, M - 1) for v in range(NVEC)]
    c1 = [jnp.minimum(c + 1, M - 1) for c in c0]

    def fast_path():
      rb0 = jnp.zeros((L,), jnp.int32) + jnp.minimum(oy, M - 1) * M
      tops = []
      for v in range(NVEC):
        v00 = plsc.load_gather(img, [rb0 + c0[v]])
        v01 = plsc.load_gather(img, [rb0 + c1[v]])
        tops.append(v00 + fx * (v01 - v00))

      @plsc.parallel_loop(0, N, 1, unroll=4, carry=tuple(tops))
      def row_body(i, tops_c):
        r1 = jnp.minimum(jnp.minimum(i + oy, M - 1) + 1, M - 1)
        rb1 = jnp.zeros((L,), jnp.int32) + r1 * M
        bots = []
        for v in range(NVEC):
          v10 = plsc.load_gather(img, [rb1 + c0[v]])
          v11 = plsc.load_gather(img, [rb1 + c1[v]])
          bot = v10 + fx * (v11 - v10)
          ob[pl.ds(i * N + v * L, L)] = tops_c[v] + fy * (bot - tops_c[v])
          bots.append(bot)
        return tuple(bots)

    def slow_path():
      @plsc.parallel_loop(0, N, 1, unroll=4)
      def row_body(i):
        r0 = jnp.clip(i + oy, 0, M - 1)
        r1 = jnp.minimum(r0 + 1, M - 1)
        rb0 = jnp.zeros((L,), jnp.int32) + r0 * M
        rb1 = jnp.zeros((L,), jnp.int32) + r1 * M
        for v in range(NVEC):
          v00 = plsc.load_gather(img, [rb0 + c0[v]])
          v01 = plsc.load_gather(img, [rb0 + c1[v]])
          v10 = plsc.load_gather(img, [rb1 + c0[v]])
          v11 = plsc.load_gather(img, [rb1 + c1[v]])
          top = v00 + fx * (v01 - v00)
          bot = v10 + fx * (v11 - v10)
          ob[pl.ds(i * N + v * L, L)] = top + fy * (bot - top)

    lax.cond(oy >= 0, fast_path, slow_path)

  def pair_body(p, carry):
    for k, img, ob, isem, osem in ((0, img0, ob0, is0, os0),
                                   (1, img1, ob1, is1, os1)):
      g = 2 * p + k
      b = base + g
      pltpu.make_async_copy(obj_hbm.at[b], img, isem).wait()

      @pl.when(p > 0)
      def _():
        pltpu.make_async_copy(ob, out_hbm.at[b - 2], osem).wait()

      compute_batch(g, img, ob)
      pltpu.async_copy(ob, out_hbm.at[b], osem)

      @pl.when(p < BPW // 2 - 1)
      def _():
        pltpu.async_copy(obj_hbm.at[b + 2], img, isem)
    return carry

  lax.fori_loop(0, BPW // 2, pair_body, 0)
  pltpu.make_async_copy(ob0, out_hbm.at[base + BPW - 2], os0).wait()
  pltpu.make_async_copy(ob1, out_hbm.at[base + BPW - 1], os1).wait()


@jax.jit
def _run(obj, px, py):
  kern = pl.kernel(
      _patch_body,
      out_type=jax.ShapeDtypeStruct((B, N * N), jnp.float32),
      mesh=plsc.VectorSubcoreMesh(core_axis_name="c", subcore_axis_name="s"),
      compiler_params=pltpu.CompilerParams(needs_layout_passes=False),
      scratch_types=[
          pltpu.VMEM((M * M,), jnp.float32),
          pltpu.VMEM((M * M,), jnp.float32),
          pltpu.VMEM((N * N,), jnp.float32),
          pltpu.VMEM((N * N,), jnp.float32),
          pltpu.VMEM((BPW,), jnp.float32),
          pltpu.VMEM((BPW,), jnp.float32),
          pltpu.SemaphoreType.DMA,
          pltpu.SemaphoreType.DMA,
          pltpu.SemaphoreType.DMA,
          pltpu.SemaphoreType.DMA,
      ],
  )
  return kern(obj, px, py)


def kernel(padded_obj, positions):
  obj = padded_obj.reshape(B, M * M)
  px = positions[:, 0]
  py = positions[:, 1]
  out = _run(obj, px, py)
  return out.reshape(B, N, N, 1)

# --- scband reference (transcript-rebuilt; emitter-appended) ---
"""Pipeline reference for scband-extract-patches-position-layer-42984032698838 (READ-ONLY COPY).

The authoritative reference and input builder live on the scoring server;
editing this copy changes nothing except your own understanding.
"""

import jax, jax.numpy as jnp
import numpy as np

B, M, C = 4096, 74, 1
PAD = 10

def setup_inputs(seed: int = 0) -> dict:
    key = jax.random.key(seed)
    k1, k2 = jax.random.split(key)
    padded_obj = jax.random.normal(k1, (B, M, M, C), dtype=jnp.float32)
    positions = jax.random.normal(k2, (B, 2), dtype=jnp.float32)
    return {"padded_obj": padded_obj, "positions": positions}

def _extract_patches_position(padded_obj, positions, jitter=0.0):
    Bn, Mn, _, Cn = padded_obj.shape
    N = Mn - PAD
    half = PAD / 2.0
    pos = positions + jitter
    y = jnp.arange(N, dtype=jnp.float32)[None, :, None] + half + pos[:, 1][:, None, None]
    x = jnp.arange(N, dtype=jnp.float32)[None, None, :] + half + pos[:, 0][:, None, None]
    y = jnp.broadcast_to(y, (Bn, N, N))
    x = jnp.broadcast_to(x, (Bn, N, N))
    y0f = jnp.floor(y)
    x0f = jnp.floor(x)
    wy = (y - y0f)[..., None]
    wx = (x - x0f)[..., None]
    y0 = jnp.clip(y0f.astype(jnp.int32), 0, Mn - 1)
    y1 = jnp.clip(y0 + 1, 0, Mn - 1)
    x0 = jnp.clip(x0f.astype(jnp.int32), 0, Mn - 1)
    x1 = jnp.clip(x0 + 1, 0, Mn - 1)
    b = jnp.arange(Bn)[:, None, None]
    v00 = padded_obj[b, y0, x0]
    v01 = padded_obj[b, y0, x1]
    v10 = padded_obj[b, y1, x0]
    v11 = padded_obj[b, y1, x1]
    out = ((1.0 - wy) * (1.0 - wx) * v00
           + (1.0 - wy) * wx * v01
           + wy * (1.0 - wx) * v10
           + wy * wx * v11)
    return out

def reference(padded_obj, positions):
    return _extract_patches_position(padded_obj, positions, 0.0)

if __name__ == "__main__":
    import jax
    _d = setup_inputs()
    print(jax.jit(kernel)(*tuple(_d.values())))

</pallas_src>

<mosaic_0001>
#map = affine_map<(d0, d1) -> (0, 0)>
#map1 = affine_map<(d0, d1) -> (0)>
module attributes {stable_mosaic.version = 14 : i64} {
  func.func @_patch_body(%arg0: i32, %arg1: i32, %arg2: memref<4096x5476xf32, #tpu.memory_space<hbm>>, %arg3: memref<4096xf32, #tpu.memory_space<hbm>>, %arg4: memref<4096xf32, #tpu.memory_space<hbm>>, %arg5: memref<4096x4096xf32, #tpu.memory_space<hbm>>, %arg6: memref<5476xf32, #tpu.memory_space<vmem>>, %arg7: memref<5476xf32, #tpu.memory_space<vmem>>, %arg8: memref<4096xf32, #tpu.memory_space<vmem>>, %arg9: memref<4096xf32, #tpu.memory_space<vmem>>, %arg10: memref<128xf32, #tpu.memory_space<vmem>>, %arg11: memref<128xf32, #tpu.memory_space<vmem>>, %arg12: memref<!tpu.dma_semaphore, #tpu.memory_space<semaphore_mem>>, %arg13: memref<!tpu.dma_semaphore, #tpu.memory_space<semaphore_mem>>, %arg14: memref<!tpu.dma_semaphore, #tpu.memory_space<semaphore_mem>>, %arg15: memref<!tpu.dma_semaphore, #tpu.memory_space<semaphore_mem>>) attributes {dimension_semantics = [#tpu.dimension_semantics<core_parallel>, #tpu.dimension_semantics<subcore_parallel>], iteration_bounds = array<i64: 2, 16>, scalar_prefetch = 0 : i64, scratch_operands = 10 : i64, tpu.core_type = #tpu.core_type<sc_vector_subcore>, window_params = [{transform_indices = #map}, {transform_indices = #map1}, {transform_indices = #map1}, {transform_indices = #map}]} {
    %mul3A = arith.constant 2 : i32
    %mul3A_0 = arith.muli %arg1, %mul3A : i32
    %add3A = arith.addi %mul3A_0, %arg0 : i32
    %mul3A_1 = arith.constant 128 : i32
    %mul3A_2 = arith.muli %add3A, %mul3A_1 : i32
    "tpu.region"() ({
      %run_scoped3A = tpu.sem_alloc : memref<!tpu.dma_semaphore, #tpu.memory_space<semaphore_mem>>
      %dma_start3A_39 = tpu.memref_slice %arg3[%mul3A_2] : memref<4096xf32, #tpu.memory_space<hbm>> -> memref<128xf32, #tpu.memory_space<hbm>>
      %dma_start3A_40 = tpu.memref_slice %arg3[%mul3A_2] : memref<4096xf32, #tpu.memory_space<hbm>> -> memref<128xf32, #tpu.memory_space<hbm>>
      tpu.enqueue_dma source(%dma_start3A_40 : memref<128xf32, #tpu.memory_space<hbm>>) target(%arg10 : memref<128xf32, #tpu.memory_space<vmem>>) target_semaphore(%run_scoped3A : memref<!tpu.dma_semaphore, #tpu.memory_space<semaphore_mem>>)
      %dma_wait3A_41 = tpu.memref_slice %arg3[%mul3A_2] : memref<4096xf32, #tpu.memory_space<hbm>> -> memref<128xf32, #tpu.memory_space<hbm>>
      %dma_wait3A_42 = tpu.memref_slice %arg3[%mul3A_2] : memref<4096xf32, #tpu.memory_space<hbm>> -> memref<128xf32, #tpu.memory_space<hbm>>
      tpu.wait_dma2 semaphore(%run_scoped3A : memref<!tpu.dma_semaphore, #tpu.memory_space<semaphore_mem>>) src(%dma_wait3A_42 : memref<128xf32, #tpu.memory_space<hbm>>) dst(%arg10 : memref<128xf32, #tpu.memory_space<vmem>>)
      tpu.yield
    }) : () -> ()
    "tpu.region"() ({
      %run_scoped3A = tpu.sem_alloc : memref<!tpu.dma_semaphore, #tpu.memory_space<semaphore_mem>>
      %dma_start3A_39 = tpu.memref_slice %arg4[%mul3A_2] : memref<4096xf32, #tpu.memory_space<hbm>> -> memref<128xf32, #tpu.memory_space<hbm>>
      %dma_start3A_40 = tpu.memref_slice %arg4[%mul3A_2] : memref<4096xf32, #tpu.memory_space<hbm>> -> memref<128xf32, #tpu.memory_space<hbm>>
      tpu.enqueue_dma source(%dma_start3A_40 : memref<128xf32, #tpu.memory_space<hbm>>) target(%arg11 : memref<128xf32, #tpu.memory_space<vmem>>) target_semaphore(%run_scoped3A : memref<!tpu.dma_semaphore, #tpu.memory_space<semaphore_mem>>)
      %dma_wait3A_41 = tpu.memref_slice %arg4[%mul3A_2] : memref<4096xf32, #tpu.memory_space<hbm>> -> memref<128xf32, #tpu.memory_space<hbm>>
      %dma_wait3A_42 = tpu.memref_slice %arg4[%mul3A_2] : memref<4096xf32, #tpu.memory_space<hbm>> -> memref<128xf32, #tpu.memory_space<hbm>>
      tpu.wait_dma2 semaphore(%run_scoped3A : memref<!tpu.dma_semaphore, #tpu.memory_space<semaphore_mem>>) src(%dma_wait3A_42 : memref<128xf32, #tpu.memory_space<hbm>>) dst(%arg11 : memref<128xf32, #tpu.memory_space<vmem>>)
      tpu.yield
    }) : () -> ()
    %iota3A = tpu.iota {dimensions = array<i32: 0>} : vector<16xi32>
    %dma_start3A = arith.constant 0 : i32
    %dma_start3A_3 = tpu.memref_slice %arg2[%mul3A_2, %dma_start3A] : memref<4096x5476xf32, #tpu.memory_space<hbm>> -> memref<1x5476xf32, #tpu.memory_space<hbm>>
    %dma_start3A_4 = tpu.memref_squeeze %dma_start3A_3 : memref<1x5476xf32, #tpu.memory_space<hbm>> -> memref<5476xf32, #tpu.memory_space<hbm>>
    %dma_start3A_5 = arith.constant 0 : i32
    %dma_start3A_6 = tpu.memref_slice %arg2[%mul3A_2, %dma_start3A_5] : memref<4096x5476xf32, #tpu.memory_space<hbm>> -> memref<1x5476xf32, #tpu.memory_space<hbm>>
    %dma_start3A_7 = tpu.memref_squeeze %dma_start3A_6 : memref<1x5476xf32, #tpu.memory_space<hbm>> -> memref<5476xf32, #tpu.memory_space<hbm>>
    tpu.enqueue_dma source(%dma_start3A_7 : memref<5476xf32, #tpu.memory_space<hbm>>) target(%arg6 : memref<5476xf32, #tpu.memory_space<vmem>>) target_semaphore(%arg12 : memref<!tpu.dma_semaphore, #tpu.memory_space<semaphore_mem>>)
    %add3A_8 = arith.constant 1 : i32
    %add3A_9 = arith.addi %mul3A_2, %add3A_8 : i32
    %dma_start3A_10 = arith.constant 0 : i32
    %dma_start3A_11 = tpu.memref_slice %arg2[%add3A_9, %dma_start3A_10] : memref<4096x5476xf32, #tpu.memory_space<hbm>> -> memref<1x5476xf32, #tpu.memory_space<hbm>>
    %dma_start3A_12 = tpu.memref_squeeze %dma_start3A_11 : memref<1x5476xf32, #tpu.memory_space<hbm>> -> memref<5476xf32, #tpu.memory_space<hbm>>
    %dma_start3A_13 = arith.constant 0 : i32
    %dma_start3A_14 = tpu.memref_slice %arg2[%add3A_9, %dma_start3A_13] : memref<4096x5476xf32, #tpu.memory_space<hbm>> -> memref<1x5476xf32, #tpu.memory_space<hbm>>
    %dma_start3A_15 = tpu.memref_squeeze %dma_start3A_14 : memref<1x5476xf32, #tpu.memory_space<hbm>> -> memref<5476xf32, #tpu.memory_space<hbm>>
    tpu.enqueue_dma source(%dma_start3A_15 : memref<5476xf32, #tpu.memory_space<hbm>>) target(%arg7 : memref<5476xf32, #tpu.memory_space<vmem>>) target_semaphore(%arg13 : memref<!tpu.dma_semaphore, #tpu.memory_space<semaphore_mem>>)
    %scan3A = arith.constant 0 : i32
    %scan3A_16 = arith.constant 0 : i32
    %scan3A_17 = arith.constant 64 : i32
    %scan3A_18 = arith.addi %scan3A_16, %scan3A_17 : i32
    %scan3A_19 = arith.constant 1 : i32
    scf.for %scan3A_39 = %scan3A_16 to %scan3A_18 step %scan3A_19  : i32 {
      %mul3A_40 = arith.constant 2 : i32
      %mul3A_41 = arith.muli %mul3A_40, %scan3A_39 : i32
      %add3A_42 = arith.constant 0 : i32
      %add3A_43 = arith.addi %mul3A_41, %add3A_42 : i32
      %add3A_44 = arith.addi %mul3A_2, %add3A_43 : i32
      %dma_wait3A_45 = arith.constant 0 : i32
      %dma_wait3A_46 = tpu.memref_slice %arg2[%add3A_44, %dma_wait3A_45] : memref<4096x5476xf32, #tpu.memory_space<hbm>> -> memref<1x5476xf32, #tpu.memory_space<hbm>>
      %dma_wait3A_47 = tpu.memref_squeeze %dma_wait3A_46 : memref<1x5476xf32, #tpu.memory_space<hbm>> -> memref<5476xf32, #tpu.memory_space<hbm>>
      %dma_wait3A_48 = arith.constant 0 : i32
      %dma_wait3A_49 = tpu.memref_slice %arg2[%add3A_44, %dma_wait3A_48] : memref<4096x5476xf32, #tpu.memory_space<hbm>> -> memref<1x5476xf32, #tpu.memory_space<hbm>>
      %dma_wait3A_50 = tpu.memref_squeeze %dma_wait3A_49 : memref<1x5476xf32, #tpu.memory_space<hbm>> -> memref<5476xf32, #tpu.memory_space<hbm>>
      tpu.wait_dma2 semaphore(%arg12 : memref<!tpu.dma_semaphore, #tpu.memory_space<semaphore_mem>>) src(%dma_wait3A_50 : memref<5476xf32, #tpu.memory_space<hbm>>) dst(%arg6 : memref<5476xf32, #tpu.memory_space<vmem>>)
      %gt3A = arith.constant 0 : i32
      %gt3A_51 = arith.cmpi sgt, %scan3A_39, %gt3A : i32
      %convert_element_type3A = arith.extui %gt3A_51 : i1 to i32
      %cond3A = arith.constant 0 : i32
      %cond3A_52 = arith.cmpi ne, %convert_element_type3A, %cond3A : i32
      scf.if %cond3A_52 {
        %sub3A_414 = arith.constant 2 : i32
        %sub3A_415 = arith.subi %add3A_44, %sub3A_414 : i32
        %dma_wait3A_416 = arith.constant 0 : i32
        %dma_wait3A_417 = tpu.memref_slice %arg5[%sub3A_415, %dma_wait3A_416] : memref<4096x4096xf32, #tpu.memory_space<hbm>> -> memref<1x4096xf32, #tpu.memory_space<hbm>>
        %dma_wait3A_418 = tpu.memref_squeeze %dma_wait3A_417 : memref<1x4096xf32, #tpu.memory_space<hbm>> -> memref<4096xf32, #tpu.memory_space<hbm>>
        %dma_wait3A_419 = arith.constant 0 : i32
        %dma_wait3A_420 = tpu.memref_slice %arg5[%sub3A_415, %dma_wait3A_419] : memref<4096x4096xf32, #tpu.memory_space<hbm>> -> memref<1x4096xf32, #tpu.memory_space<hbm>>
        %dma_wait3A_421 = tpu.memref_squeeze %dma_wait3A_420 : memref<1x4096xf32, #tpu.memory_space<hbm>> -> memref<4096xf32, #tpu.memory_space<hbm>>
        tpu.wait_dma2 semaphore(%arg14 : memref<!tpu.dma_semaphore, #tpu.memory_space<semaphore_mem>>) src(%arg8 : memref<4096xf32, #tpu.memory_space<vmem>>) dst(%dma_wait3A_421 : memref<4096xf32, #tpu.memory_space<hbm>>)
      } else {
      }
      %jit3A = arith.constant 16 : i32
      %div3A = arith.divsi %add3A_43, %jit3A : i32
      %sign3A = arith.constant 0 : i32
      %sign3A_53 = arith.cmpi sgt, %add3A_43, %sign3A : i32
      %sign3A_54 = arith.extui %sign3A_53 : i1 to i32
      %sign3A_55 = arith.constant 0 : i32
      %sign3A_56 = arith.cmpi slt, %add3A_43, %sign3A_55 : i32
      %sign3A_57 = arith.extui %sign3A_56 : i1 to i32
      %sign3A_58 = arith.subi %sign3A_54, %sign3A_57 : i32
      %sign3A_59 = arith.constant 0 : i32
      %sign3A_60 = arith.cmpi sgt, %jit3A, %sign3A_59 : i32
      %sign3A_61 = arith.extui %sign3A_60 : i1 to i32
      %sign3A_62 = arith.constant 0 : i32
      %sign3A_63 = arith.cmpi slt, %jit3A, %sign3A_62 : i32
      %sign3A_64 = arith.extui %sign3A_63 : i1 to i32
      %sign3A_65 = arith.subi %sign3A_61, %sign3A_64 : i32
      %ne3A = arith.cmpi ne, %sign3A_58, %sign3A_65 : i32
      %rem3A = arith.remsi %add3A_43, %jit3A : i32
      %ne3A_66 = arith.constant 0 : i32
      %ne3A_67 = arith.cmpi ne, %rem3A, %ne3A_66 : i32
      %and3A = arith.andi %ne3A, %ne3A_67 : i1
      %sub3A_68 = arith.constant 1 : i32
      %sub3A_69 = arith.subi %div3A, %sub3A_68 : i32
      %select_n3A = arith.select %and3A, %sub3A_69, %div3A : i32
      %mul3A_70 = arith.constant 16 : i32
      %mul3A_71 = arith.muli %select_n3A, %mul3A_70 : i32
      %jit3A_72 = arith.constant 16 : i32
      %eq3A = arith.constant 0 : i32
      %eq3A_73 = arith.cmpi eq, %jit3A_72, %eq3A : i32
      %jit3A_74 = arith.constant 1 : i32
      %select_n3A_75 = arith.select %eq3A_73, %jit3A_74, %jit3A_72 : i32
      %rem3A_76 = arith.remsi %add3A_43, %select_n3A_75 : i32
      %ne3A_77 = arith.constant 0 : i32
      %ne3A_78 = arith.cmpi ne, %rem3A_76, %ne3A_77 : i32
      %lt3A = arith.constant 0 : i32
      %lt3A_79 = arith.cmpi slt, %rem3A_76, %lt3A : i32
      %lt3A_80 = arith.constant 0 : i32
      %lt3A_81 = arith.cmpi slt, %select_n3A_75, %lt3A_80 : i32
      %ne3A_82 = arith.xori %lt3A_79, %lt3A_81 : i1
      %and3A_83 = arith.andi %ne3A_82, %ne3A_78 : i1
      %add3A_84 = arith.addi %rem3A_76, %select_n3A_75 : i32
      %select_n3A_85 = arith.select %and3A_83, %add3A_84, %rem3A_76 : i32
      %eq3A_86 = vector.broadcast %select_n3A_85 : i32 to vector<16xi32>
      %eq3A_87 = arith.cmpi eq, %iota3A, %eq3A_86 : vector<16xi32>
      %get3A = arith.index_cast %mul3A_71 : i32 to index
      %get3A_88 = tpu.vector_load %arg10[%get3A] {strides = array<i32>} : memref<128xf32, #tpu.memory_space<vmem>>, vector<16xf32>,
      %add3A_89 = arith.constant 5.000000e+00 : f32
      %add3A_90 = vector.broadcast %add3A_89 : f32 to vector<16xf32>
      %add3A_91 = arith.addf %get3A_88, %add3A_90 : vector<16xf32>
      %get3A_92 = arith.index_cast %mul3A_71 : i32 to index
      %get3A_93 = tpu.vector_load %arg11[%get3A_92] {strides = array<i32>} : memref<128xf32, #tpu.memory_space<vmem>>, vector<16xf32>,
      %add3A_94 = arith.constant 5.000000e+00 : f32
      %add3A_95 = vector.broadcast %add3A_94 : f32 to vector<16xf32>
      %add3A_96 = arith.addf %get3A_93, %add3A_95 : vector<16xf32>
      %convert_element_type3A_97 = arith.fptosi %add3A_91 : vector<16xf32> to vector<16xi32>
      %convert_element_type3A_98 = arith.sitofp %convert_element_type3A_97 : vector<16xi32> to vector<16xf32>
      %gt3A_99 = arith.cmpf ogt, %convert_element_type3A_98, %add3A_91 : vector<16xf32>
      %convert_element_type3A_100 = arith.extui %gt3A_99 : vector<16xi1> to vector<16xi32>
      %sub3A_101 = arith.subi %convert_element_type3A_97, %convert_element_type3A_100 : vector<16xi32>
      %convert_element_type3A_102 = arith.fptosi %add3A_96 : vector<16xf32> to vector<16xi32>
      %convert_element_type3A_103 = arith.sitofp %convert_element_type3A_102 : vector<16xi32> to vector<16xf32>
      %gt3A_104 = arith.cmpf ogt, %convert_element_type3A_103, %add3A_96 : vector<16xf32>
      %convert_element_type3A_105 = arith.extui %gt3A_104 : vector<16xi1> to vector<16xi32>
      %sub3A_106 = arith.subi %convert_element_type3A_102, %convert_element_type3A_105 : vector<16xi32>
      %convert_element_type3A_107 = arith.sitofp %sub3A_101 : vector<16xi32> to vector<16xf32>
      %sub3A_108 = arith.subf %add3A_91, %convert_element_type3A_107 : vector<16xf32>
      %convert_element_type3A_109 = arith.sitofp %sub3A_106 : vector<16xi32> to vector<16xf32>
      %sub3A_110 = arith.subf %add3A_96, %convert_element_type3A_109 : vector<16xf32>
      %jit3A_111 = arith.constant 0 : i32
      %broadcast_in_dim3A = vector.broadcast %jit3A_111 : i32 to vector<16xi32>
      %select_n3A_112 = arith.select %eq3A_87, %sub3A_101, %broadcast_in_dim3A : vector<16xi1>, vector<16xi32>
      %reduce_sum3A = arith.constant true
      %reduce_sum3A_113 = vector.broadcast %reduce_sum3A : i1 to vector<16xi1>
      %reduce_sum3A_114 = tpu.scan <sum>, %select_n3A_112 masked %reduce_sum3A_113 : vector<16xi32>, vector<16xi1> -> vector<16xi32>
      %reduce_sum3A_115 = vector.extract %reduce_sum3A_114[15] : i32 from vector<16xi32>
      %jit3A_116 = arith.constant 0 : i32
      %broadcast_in_dim3A_117 = vector.broadcast %jit3A_116 : i32 to vector<16xi32>
      %select_n3A_118 = arith.select %eq3A_87, %sub3A_106, %broadcast_in_dim3A_117 : vector<16xi1>, vector<16xi32>
      %reduce_sum3A_119 = arith.constant true
      %reduce_sum3A_120 = vector.broadcast %reduce_sum3A_119 : i1 to vector<16xi1>
      %reduce_sum3A_121 = tpu.scan <sum>, %select_n3A_118 masked %reduce_sum3A_120 : vector<16xi32>, vector<16xi1> -> vector<16xi32>
      %reduce_sum3A_122 = vector.extract %reduce_sum3A_121[15] : i32 from vector<16xi32>
      %jit3A_123 = arith.constant 0.000000e+00 : f32
      %broadcast_in_dim3A_124 = vector.broadcast %jit3A_123 : f32 to vector<16xf32>
      %select_n3A_125 = arith.select %eq3A_87, %sub3A_108, %broadcast_in_dim3A_124 : vector<16xi1>, vector<16xf32>
      %reduce_sum3A_126 = arith.constant true
      %reduce_sum3A_127 = vector.broadcast %reduce_sum3A_126 : i1 to vector<16xi1>
      %reduce_sum3A_128 = tpu.scan <sum>, %select_n3A_125 masked %reduce_sum3A_127 : vector<16xf32>, vector<16xi1> -> vector<16xf32>
      %reduce_sum3A_129 = vector.extract %reduce_sum3A_128[15] : f32 from vector<16xf32>
      %jit3A_130 = arith.constant 0.000000e+00 : f32
      %broadcast_in_dim3A_131 = vector.broadcast %jit3A_130 : f32 to vector<16xf32>
      %select_n3A_132 = arith.select %eq3A_87, %sub3A_110, %broadcast_in_dim3A_131 : vector<16xi1>, vector<16xf32>
      %reduce_sum3A_133 = arith.constant true
      %reduce_sum3A_134 = vector.broadcast %reduce_sum3A_133 : i1 to vector<16xi1>
      %reduce_sum3A_135 = tpu.scan <sum>, %select_n3A_132 masked %reduce_sum3A_134 : vector<16xf32>, vector<16xi1> -> vector<16xf32>
      %reduce_sum3A_136 = vector.extract %reduce_sum3A_135[15] : f32 from vector<16xf32>
      %add3A_137 = arith.constant 0 : i32
      %add3A_138 = vector.broadcast %add3A_137 : i32 to vector<16xi32>
      %add3A_139 = arith.addi %iota3A, %add3A_138 : vector<16xi32>
      %add3A_140 = vector.broadcast %reduce_sum3A_115 : i32 to vector<16xi32>
      %add3A_141 = arith.addi %add3A_139, %add3A_140 : vector<16xi32>
      %jit3A_142 = arith.constant 0 : i32
      %jit3A_143 = arith.constant 73 : i32
      %max3A = vector.broadcast %jit3A_142 : i32 to vector<16xi32>
      %max3A_144 = arith.maxsi %max3A, %add3A_141 : vector<16xi32>
      %min3A = vector.broadcast %jit3A_143 : i32 to vector<16xi32>
      %min3A_145 = arith.minsi %min3A, %max3A_144 : vector<16xi32>
      %add3A_146 = arith.constant 16 : i32
      %add3A_147 = vector.broadcast %add3A_146 : i32 to vector<16xi32>
      %add3A_148 = arith.addi %iota3A, %add3A_147 : vector<16xi32>
      %add3A_149 = vector.broadcast %reduce_sum3A_115 : i32 to vector<16xi32>
      %add3A_150 = arith.addi %add3A_148, %add3A_149 : vector<16xi32>
      %jit3A_151 = arith.constant 0 : i32
      %jit3A_152 = arith.constant 73 : i32
      %max3A_153 = vector.broadcast %jit3A_151 : i32 to vector<16xi32>
      %max3A_154 = arith.maxsi %max3A_153, %add3A_150 : vector<16xi32>
      %min3A_155 = vector.broadcast %jit3A_152 : i32 to vector<16xi32>
      %min3A_156 = arith.minsi %min3A_155, %max3A_154 : vector<16xi32>
      %add3A_157 = arith.constant 32 : i32
      %add3A_158 = vector.broadcast %add3A_157 : i32 to vector<16xi32>
      %add3A_159 = arith.addi %iota3A, %add3A_158 : vector<16xi32>
      %add3A_160 = vector.broadcast %reduce_sum3A_115 : i32 to vector<16xi32>
      %add3A_161 = arith.addi %add3A_159, %add3A_160 : vector<16xi32>
      %jit3A_162 = arith.constant 0 : i32
      %jit3A_163 = arith.constant 73 : i32
      %max3A_164 = vector.broadcast %jit3A_162 : i32 to vector<16xi32>
      %max3A_165 = arith.maxsi %max3A_164, %add3A_161 : vector<16xi32>
      %min3A_166 = vector.broadcast %jit3A_163 : i32 to vector<16xi32>
      %min3A_167 = arith.minsi %min3A_166, %max3A_165 : vector<16xi32>
      %add3A_168 = arith.constant 48 : i32
      %add3A_169 = vector.broadcast %add3A_168 : i32 to vector<16xi32>
      %add3A_170 = arith.addi %iota3A, %add3A_169 : vector<16xi32>
      %add3A_171 = vector.broadcast %reduce_sum3A_115 : i32 to vector<16xi32>
      %add3A_172 = arith.addi %add3A_170, %add3A_171 : vector<16xi32>
      %jit3A_173 = arith.constant 0 : i32
      %jit3A_174 = arith.constant 73 : i32
      %max3A_175 = vector.broadcast %jit3A_173 : i32 to vector<16xi32>
      %max3A_176 = arith.maxsi %max3A_175, %add3A_172 : vector<16xi32>
      %min3A_177 = vector.broadcast %jit3A_174 : i32 to vector<16xi32>
      %min3A_178 = arith.minsi %min3A_177, %max3A_176 : vector<16xi32>
      %add3A_179 = arith.constant 1 : i32
      %add3A_180 = vector.broadcast %add3A_179 : i32 to vector<16xi32>
      %add3A_181 = arith.addi %min3A_145, %add3A_180 : vector<16xi32>
      %min3A_182 = arith.constant 73 : i32
      %min3A_183 = vector.broadcast %min3A_182 : i32 to vector<16xi32>
      %min3A_184 = arith.minsi %add3A_181, %min3A_183 : vector<16xi32>
      %add3A_185 = arith.constant 1 : i32
      %add3A_186 = vector.broadcast %add3A_185 : i32 to vector<16xi32>
      %add3A_187 = arith.addi %min3A_156, %add3A_186 : vector<16xi32>
      %min3A_188 = arith.constant 73 : i32
      %min3A_189 = vector.broadcast %min3A_188 : i32 to vector<16xi32>
      %min3A_190 = arith.minsi %add3A_187, %min3A_189 : vector<16xi32>
      %add3A_191 = arith.constant 1 : i32
      %add3A_192 = vector.broadcast %add3A_191 : i32 to vector<16xi32>
      %add3A_193 = arith.addi %min3A_167, %add3A_192 : vector<16xi32>
      %min3A_194 = arith.constant 73 : i32
      %min3A_195 = vector.broadcast %min3A_194 : i32 to vector<16xi32>
      %min3A_196 = arith.minsi %add3A_193, %min3A_195 : vector<16xi32>
      %add3A_197 = arith.constant 1 : i32
      %add3A_198 = vector.broadcast %add3A_197 : i32 to vector<16xi32>
      %add3A_199 = arith.addi %min3A_178, %add3A_198 : vector<16xi32>
      %min3A_200 = arith.constant 73 : i32
      %min3A_201 = vector.broadcast %min3A_200 : i32 to vector<16xi32>
      %min3A_202 = arith.minsi %add3A_199, %min3A_201 : vector<16xi32>
      %ge3A = arith.constant 0 : i32
      %ge3A_203 = arith.cmpi sge, %reduce_sum3A_122, %ge3A : i32
      %convert_element_type3A_204 = arith.extui %ge3A_203 : i1 to i32
      %cond3A_205 = arith.constant 0 : i32
      %cond3A_206 = arith.cmpi ne, %convert_element_type3A_204, %cond3A_205 : i32
      scf.if %cond3A_206 {
        %broadcast_in_dim3A_414 = arith.constant 0 : i32
        %broadcast_in_dim3A_415 = vector.broadcast %broadcast_in_dim3A_414 : i32 to vector<16xi32>
        %min3A_416 = arith.constant 73 : i32
        %min3A_417 = arith.minsi %reduce_sum3A_122, %min3A_416 : i32
        %mul3A_418 = arith.constant 74 : i32
        %mul3A_419 = arith.muli %min3A_417, %mul3A_418 : i32
        %add3A_420 = vector.broadcast %mul3A_419 : i32 to vector<16xi32>
        %add3A_421 = arith.addi %broadcast_in_dim3A_415, %add3A_420 : vector<16xi32>
        %add3A_422 = arith.addi %add3A_421, %min3A_145 : vector<16xi32>
        %gather3A = tpu.vector_load_idx %arg6[%add3A_422] : memref<5476xf32, #tpu.memory_space<vmem>>[vector<16xi32>], vector<16xf32>,
        %add3A_423 = arith.addi %add3A_421, %min3A_184 : vector<16xi32>
        %gather3A_424 = tpu.vector_load_idx %arg6[%add3A_423] : memref<5476xf32, #tpu.memory_space<vmem>>[vector<16xi32>], vector<16xf32>,
        %sub3A_425 = arith.subf %gather3A_424, %gather3A : vector<16xf32>
        %mul3A_426 = vector.broadcast %reduce_sum3A_129 : f32 to vector<16xf32>
        %mul3A_427 = arith.mulf %mul3A_426, %sub3A_425 : vector<16xf32>
        %add3A_428 = arith.addf %gather3A, %mul3A_427 : vector<16xf32>
        %add3A_429 = arith.addi %add3A_421, %min3A_156 : vector<16xi32>
        %gather3A_430 = tpu.vector_load_idx %arg6[%add3A_429] : memref<5476xf32, #tpu.memory_space<vmem>>[vector<16xi32>], vector<16xf32>,
        %add3A_431 = arith.addi %add3A_421, %min3A_190 : vector<16xi32>
        %gather3A_432 = tpu.vector_load_idx %arg6[%add3A_431] : memref<5476xf32, #tpu.memory_space<vmem>>[vector<16xi32>], vector<16xf32>,
        %sub3A_433 = arith.subf %gather3A_432, %gather3A_430 : vector<16xf32>
        %mul3A_434 = vector.broadcast %reduce_sum3A_129 : f32 to vector<16xf32>
        %mul3A_435 = arith.mulf %mul3A_434, %sub3A_433 : vector<16xf32>
        %add3A_436 = arith.addf %gather3A_430, %mul3A_435 : vector<16xf32>
        %add3A_437 = arith.addi %add3A_421, %min3A_167 : vector<16xi32>
        %gather3A_438 = tpu.vector_load_idx %arg6[%add3A_437] : memref<5476xf32, #tpu.memory_space<vmem>>[vector<16xi32>], vector<16xf32>,
        %add3A_439 = arith.addi %add3A_421, %min3A_196 : vector<16xi32>
        %gather3A_440 = tpu.vector_load_idx %arg6[%add3A_439] : memref<5476xf32, #tpu.memory_space<vmem>>[vector<16xi32>], vector<16xf32>,
        %sub3A_441 = arith.subf %gather3A_440, %gather3A_438 : vector<16xf32>
        %mul3A_442 = vector.broadcast %reduce_sum3A_129 : f32 to vector<16xf32>
        %mul3A_443 = arith.mulf %mul3A_442, %sub3A_441 : vector<16xf32>
        %add3A_444 = arith.addf %gather3A_438, %mul3A_443 : vector<16xf32>
        %add3A_445 = arith.addi %add3A_421, %min3A_178 : vector<16xi32>
        %gather3A_446 = tpu.vector_load_idx %arg6[%add3A_445] : memref<5476xf32, #tpu.memory_space<vmem>>[vector<16xi32>], vector<16xf32>,
        %add3A_447 = arith.addi %add3A_421, %min3A_202 : vector<16xi32>
        %gather3A_448 = tpu.vector_load_idx %arg6[%add3A_447] : memref<5476xf32, #tpu.memory_space<vmem>>[vector<16xi32>], vector<16xf32>,
        %sub3A_449 = arith.subf %gather3A_448, %gather3A_446 : vector<16xf32>
        %mul3A_450 = vector.broadcast %reduce_sum3A_129 : f32 to vector<16xf32>
        %mul3A_451 = arith.mulf %mul3A_450, %sub3A_449 : vector<16xf32>
        %add3A_452 = arith.addf %gather3A_446, %mul3A_451 : vector<16xf32>
        %parallel_loop3A = arith.constant 0 : i32
        %parallel_loop3A_453 = arith.constant 64 : i32
        %parallel_loop3A_454 = arith.constant 1 : i32
        %parallel_loop3A_455:4 = scf.for %parallel_loop3A_456 = %parallel_loop3A to %parallel_loop3A_453 step %parallel_loop3A_454 iter_args(%parallel_loop3A_457 = %add3A_428, %parallel_loop3A_458 = %add3A_436, %parallel_loop3A_459 = %add3A_444, %parallel_loop3A_460 = %add3A_452) -> (vector<16xf32>, vector<16xf32>, vector<16xf32>, vector<16xf32>)  : i32 {
          %parallel_loop3A_461 = arith.addi %parallel_loop3A_456, %reduce_sum3A_122 : i32
          %parallel_loop3A_462 = arith.constant 73 : i32
          %parallel_loop3A_463 = arith.minsi %parallel_loop3A_461, %parallel_loop3A_462 : i32
          %parallel_loop3A_464 = arith.constant 1 : i32
          %parallel_loop3A_465 = arith.addi %parallel_loop3A_463, %parallel_loop3A_464 : i32
          %parallel_loop3A_466 = arith.constant 73 : i32
          %parallel_loop3A_467 = arith.minsi %parallel_loop3A_465, %parallel_loop3A_466 : i32
          %parallel_loop3A_468 = arith.constant 0 : i32
          %parallel_loop3A_469 = vector.broadcast %parallel_loop3A_468 : i32 to vector<16xi32>
          %parallel_loop3A_470 = arith.constant 74 : i32
          %parallel_loop3A_471 = arith.muli %parallel_loop3A_467, %parallel_loop3A_470 : i32
          %parallel_loop3A_472 = vector.broadcast %parallel_loop3A_471 : i32 to vector<16xi32>
          %parallel_loop3A_473 = arith.addi %parallel_loop3A_469, %parallel_loop3A_472 : vector<16xi32>
          %parallel_loop3A_474 = arith.addi %parallel_loop3A_473, %min3A_145 : vector<16xi32>
          %parallel_loop3A_475 = tpu.vector_load_idx %arg6[%parallel_loop3A_474] : memref<5476xf32, #tpu.memory_space<vmem>>[vector<16xi32>], vector<16xf32>,
          %parallel_loop3A_476 = arith.addi %parallel_loop3A_473, %min3A_184 : vector<16xi32>
          %parallel_loop3A_477 = tpu.vector_load_idx %arg6[%parallel_loop3A_476] : memref<5476xf32, #tpu.memory_space<vmem>>[vector<16xi32>], vector<16xf32>,
          %parallel_loop3A_478 = arith.subf %parallel_loop3A_477, %parallel_loop3A_475 : vector<16xf32>
          %parallel_loop3A_479 = vector.broadcast %reduce_sum3A_129 : f32 to vector<16xf32>
          %parallel_loop3A_480 = arith.mulf %parallel_loop3A_479, %parallel_loop3A_478 : vector<16xf32>
          %parallel_loop3A_481 = arith.addf %parallel_loop3A_475, %parallel_loop3A_480 : vector<16xf32>
          %parallel_loop3A_482 = arith.subf %parallel_loop3A_481, %parallel_loop3A_457 : vector<16xf32>
          %parallel_loop3A_483 = vector.broadcast %reduce_sum3A_136 : f32 to vector<16xf32>
          %parallel_loop3A_484 = arith.mulf %parallel_loop3A_483, %parallel_loop3A_482 : vector<16xf32>
          %parallel_loop3A_485 = arith.addf %parallel_loop3A_457, %parallel_loop3A_484 : vector<16xf32>
          %parallel_loop3A_486 = arith.constant 64 : i32
          %parallel_loop3A_487 = arith.muli %parallel_loop3A_456, %parallel_loop3A_486 : i32
          %parallel_loop3A_488 = arith.constant 0 : i32
          %parallel_loop3A_489 = arith.addi %parallel_loop3A_487, %parallel_loop3A_488 : i32
          %parallel_loop3A_490 = arith.index_cast %parallel_loop3A_489 : i32 to index
          %parallel_loop3A_491 = tpu.vector_load %arg8[%parallel_loop3A_490] {strides = array<i32>} : memref<4096xf32, #tpu.memory_space<vmem>>, vector<16xf32>,
          tpu.vector_store %arg8[%parallel_loop3A_490], %parallel_loop3A_485 {strides = array<i32>} : memref<4096xf32, #tpu.memory_space<vmem>>, vector<16xf32>,
          %parallel_loop3A_492 = arith.addi %parallel_loop3A_473, %min3A_156 : vector<16xi32>
          %parallel_loop3A_493 = tpu.vector_load_idx %arg6[%parallel_loop3A_492] : memref<5476xf32, #tpu.memory_space<vmem>>[vector<16xi32>], vector<16xf32>,
          %parallel_loop3A_494 = arith.addi %parallel_loop3A_473, %min3A_190 : vector<16xi32>
          %parallel_loop3A_495 = tpu.vector_load_idx %arg6[%parallel_loop3A_494] : memref<5476xf32, #tpu.memory_space<vmem>>[vector<16xi32>], vector<16xf32>,
          %parallel_loop3A_496 = arith.subf %parallel_loop3A_495, %parallel_loop3A_493 : vector<16xf32>
          %parallel_loop3A_497 = vector.broadcast %reduce_sum3A_129 : f32 to vector<16xf32>
          %parallel_loop3A_498 = arith.mulf %parallel_loop3A_497, %parallel_loop3A_496 : vector<16xf32>
          %parallel_loop3A_499 = arith.addf %parallel_loop3A_493, %parallel_loop3A_498 : vector<16xf32>
          %parallel_loop3A_500 = arith.subf %parallel_loop3A_499, %parallel_loop3A_458 : vector<16xf32>
          %parallel_loop3A_501 = vector.broadcast %reduce_sum3A_136 : f32 to vector<16xf32>
          %parallel_loop3A_502 = arith.mulf %parallel_loop3A_501, %parallel_loop3A_500 : vector<16xf32>
          %parallel_loop3A_503 = arith.addf %parallel_loop3A_458, %parallel_loop3A_502 : vector<16xf32>
          %parallel_loop3A_504 = arith.constant 64 : i32
          %parallel_loop3A_505 = arith.muli %parallel_loop3A_456, %parallel_loop3A_504 : i32
          %parallel_loop3A_506 = arith.constant 16 : i32
          %parallel_loop3A_507 = arith.addi %parallel_loop3A_505, %parallel_loop3A_506 : i32
          %parallel_loop3A_508 = arith.index_cast %parallel_loop3A_507 : i32 to index
          %parallel_loop3A_509 = tpu.vector_load %arg8[%parallel_loop3A_508] {strides = array<i32>} : memref<4096xf32, #tpu.memory_space<vmem>>, vector<16xf32>,
          tpu.vector_store %arg8[%parallel_loop3A_508], %parallel_loop3A_503 {strides = array<i32>} : memref<4096xf32, #tpu.memory_space<vmem>>, vector<16xf32>,
          %parallel_loop3A_510 = arith.addi %parallel_loop3A_473, %min3A_167 : vector<16xi32>
          %parallel_loop3A_511 = tpu.vector_load_idx %arg6[%parallel_loop3A_510] : memref<5476xf32, #tpu.memory_space<vmem>>[vector<16xi32>], vector<16xf32>,
          %parallel_loop3A_512 = arith.addi %parallel_loop3A_473, %min3A_196 : vector<16xi32>
          %parallel_loop3A_513 = tpu.vector_load_idx %arg6[%parallel_loop3A_512] : memref<5476xf32, #tpu.memory_space<vmem>>[vector<16xi32>], vector<16xf32>,
          %parallel_loop3A_514 = arith.subf %parallel_loop3A_513, %parallel_loop3A_511 : vector<16xf32>
          %parallel_loop3A_515 = vector.broadcast %reduce_sum3A_129 : f32 to vector<16xf32>
          %parallel_loop3A_516 = arith.mulf %parallel_loop3A_515, %parallel_loop3A_514 : vector<16xf32>
          %parallel_loop3A_517 = arith.addf %parallel_loop3A_511, %parallel_loop3A_516 : vector<16xf32>
          %parallel_loop3A_518 = arith.subf %parallel_loop3A_517, %parallel_loop3A_459 : vector<16xf32>
          %parallel_loop3A_519 = vector.broadcast %reduce_sum3A_136 : f32 to vector<16xf32>
          %parallel_loop3A_520 = arith.mulf %parallel_loop3A_519, %parallel_loop3A_518 : vector<16xf32>
          %parallel_loop3A_521 = arith.addf %parallel_loop3A_459, %parallel_loop3A_520 : vector<16xf32>
          %parallel_loop3A_522 = arith.constant 64 : i32
          %parallel_loop3A_523 = arith.muli %parallel_loop3A_456, %parallel_loop3A_522 : i32
          %parallel_loop3A_524 = arith.constant 32 : i32
          %parallel_loop3A_525 = arith.addi %parallel_loop3A_523, %parallel_loop3A_524 : i32
          %parallel_loop3A_526 = arith.index_cast %parallel_loop3A_525 : i32 to index
          %parallel_loop3A_527 = tpu.vector_load %arg8[%parallel_loop3A_526] {strides = array<i32>} : memref<4096xf32, #tpu.memory_space<vmem>>, vector<16xf32>,
          tpu.vector_store %arg8[%parallel_loop3A_526], %parallel_loop3A_521 {strides = array<i32>} : memref<4096xf32, #tpu.memory_space<vmem>>, vector<16xf32>,
          %parallel_loop3A_528 = arith.addi %parallel_loop3A_473, %min3A_178 : vector<16xi32>
          %parallel_loop3A_529 = tpu.vector_load_idx %arg6[%parallel_loop3A_528] : memref<5476xf32, #tpu.memory_space<vmem>>[vector<16xi32>], vector<16xf32>,
          %parallel_loop3A_530 = arith.addi %parallel_loop3A_473, %min3A_202 : vector<16xi32>
          %parallel_loop3A_531 = tpu.vector_load_idx %arg6[%parallel_loop3A_530] : memref<5476xf32, #tpu.memory_space<vmem>>[vector<16xi32>], vector<16xf32>,
          %parallel_loop3A_532 = arith.subf %parallel_loop3A_531, %parallel_loop3A_529 : vector<16xf32>
          %parallel_loop3A_533 = vector.broadcast %reduce_sum3A_129 : f32 to vector<16xf32>
          %parallel_loop3A_534 = arith.mulf %parallel_loop3A_533, %parallel_loop3A_532 : vector<16xf32>
          %parallel_loop3A_535 = arith.addf %parallel_loop3A_529, %parallel_loop3A_534 : vector<16xf32>
          %parallel_loop3A_536 = arith.subf %parallel_loop3A_535, %parallel_loop3A_460 : vector<16xf32>
          %parallel_loop3A_537 = vector.broadcast %reduce_sum3A_136 : f32 to vector<16xf32>
          %parallel_loop3A_538 = arith.mulf %parallel_loop3A_537, %parallel_loop3A_536 : vector<16xf32>
          %parallel_loop3A_539 = arith.addf %parallel_loop3A_460, %parallel_loop3A_538 : vector<16xf32>
          %parallel_loop3A_540 = arith.constant 64 : i32
          %parallel_loop3A_541 = arith.muli %parallel_loop3A_456, %parallel_loop3A_540 : i32
          %parallel_loop3A_542 = arith.constant 48 : i32
          %parallel_loop3A_543 = arith.addi %parallel_loop3A_541, %parallel_loop3A_542 : i32
          %parallel_loop3A_544 = arith.index_cast %parallel_loop3A_543 : i32 to index
          %parallel_loop3A_545 = tpu.vector_load %arg8[%parallel_loop3A_544] {strides = array<i32>} : memref<4096xf32, #tpu.memory_space<vmem>>, vector<16xf32>,
          tpu.vector_store %arg8[%parallel_loop3A_544], %parallel_loop3A_539 {strides = array<i32>} : memref<4096xf32, #tpu.memory_space<vmem>>, vector<16xf32>,
          scf.yield %parallel_loop3A_481, %parallel_loop3A_499, %parallel_loop3A_517, %parallel_loop3A_535 : vector<16xf32>, vector<16xf32>, vector<16xf32>, vector<16xf32>
        } {sc.loop_unroll_factor = 4 : i64, sc.parallel_access}
      } else {
        %parallel_loop3A = arith.constant 0 : i32
        %parallel_loop3A_414 = arith.constant 64 : i32
        %parallel_loop3A_415 = arith.constant 1 : i32
        scf.for %parallel_loop3A_416 = %parallel_loop3A to %parallel_loop3A_414 step %parallel_loop3A_415  : i32 {
          %parallel_loop3A_417 = arith.addi %parallel_loop3A_416, %reduce_sum3A_122 : i32
          %parallel_loop3A_418 = arith.constant 0 : i32
          %parallel_loop3A_419 = arith.constant 73 : i32
          %parallel_loop3A_420 = arith.maxsi %parallel_loop3A_418, %parallel_loop3A_417 : i32
          %parallel_loop3A_421 = arith.minsi %parallel_loop3A_419, %parallel_loop3A_420 : i32
          %parallel_loop3A_422 = arith.constant 1 : i32
          %parallel_loop3A_423 = arith.addi %parallel_loop3A_421, %parallel_loop3A_422 : i32
          %parallel_loop3A_424 = arith.constant 73 : i32
          %parallel_loop3A_425 = arith.minsi %parallel_loop3A_423, %parallel_loop3A_424 : i32
          %parallel_loop3A_426 = arith.constant 0 : i32
          %parallel_loop3A_427 = vector.broadcast %parallel_loop3A_426 : i32 to vector<16xi32>
          %parallel_loop3A_428 = arith.constant 74 : i32
          %parallel_loop3A_429 = arith.muli %parallel_loop3A_421, %parallel_loop3A_428 : i32
          %parallel_loop3A_430 = vector.broadcast %parallel_loop3A_429 : i32 to vector<16xi32>
          %parallel_loop3A_431 = arith.addi %parallel_loop3A_427, %parallel_loop3A_430 : vector<16xi32>
          %parallel_loop3A_432 = arith.constant 0 : i32
          %parallel_loop3A_433 = vector.broadcast %parallel_loop3A_432 : i32 to vector<16xi32>
          %parallel_loop3A_434 = arith.constant 74 : i32
          %parallel_loop3A_435 = arith.muli %parallel_loop3A_425, %parallel_loop3A_434 : i32
          %parallel_loop3A_436 = vector.broadcast %parallel_loop3A_435 : i32 to vector<16xi32>
          %parallel_loop3A_437 = arith.addi %parallel_loop3A_433, %parallel_loop3A_436 : vector<16xi32>
          %parallel_loop3A_438 = arith.addi %parallel_loop3A_431, %min3A_145 : vector<16xi32>
          %parallel_loop3A_439 = tpu.vector_load_idx %arg6[%parallel_loop3A_438] : memref<5476xf32, #tpu.memory_space<vmem>>[vector<16xi32>], vector<16xf32>,
          %parallel_loop3A_440 = arith.addi %parallel_loop3A_431, %min3A_184 : vector<16xi32>
          %parallel_loop3A_441 = tpu.vector_load_idx %arg6[%parallel_loop3A_440] : memref<5476xf32, #tpu.memory_space<vmem>>[vector<16xi32>], vector<16xf32>,
          %parallel_loop3A_442 = arith.addi %parallel_loop3A_437, %min3A_145 : vector<16xi32>
          %parallel_loop3A_443 = tpu.vector_load_idx %arg6[%parallel_loop3A_442] : memref<5476xf32, #tpu.memory_space<vmem>>[vector<16xi32>], vector<16xf32>,
          %parallel_loop3A_444 = arith.addi %parallel_loop3A_437, %min3A_184 : vector<16xi32>
          %parallel_loop3A_445 = tpu.vector_load_idx %arg6[%parallel_loop3A_444] : memref<5476xf32, #tpu.memory_space<vmem>>[vector<16xi32>], vector<16xf32>,
          %parallel_loop3A_446 = arith.subf %parallel_loop3A_441, %parallel_loop3A_439 : vector<16xf32>
          %parallel_loop3A_447 = vector.broadcast %reduce_sum3A_129 : f32 to vector<16xf32>
          %parallel_loop3A_448 = arith.mulf %parallel_loop3A_447, %parallel_loop3A_446 : vector<16xf32>
          %parallel_loop3A_449 = arith.addf %parallel_loop3A_439, %parallel_loop3A_448 : vector<16xf32>
          %parallel_loop3A_450 = arith.subf %parallel_loop3A_445, %parallel_loop3A_443 : vector<16xf32>
          %parallel_loop3A_451 = vector.broadcast %reduce_sum3A_129 : f32 to vector<16xf32>
          %parallel_loop3A_452 = arith.mulf %parallel_loop3A_451, %parallel_loop3A_450 : vector<16xf32>
          %parallel_loop3A_453 = arith.addf %parallel_loop3A_443, %parallel_loop3A_452 : vector<16xf32>
          %parallel_loop3A_454 = arith.subf %parallel_loop3A_453, %parallel_loop3A_449 : vector<16xf32>
          %parallel_loop3A_455 = vector.broadcast %reduce_sum3A_136 : f32 to vector<16xf32>
          %parallel_loop3A_456 = arith.mulf %parallel_loop3A_455, %parallel_loop3A_454 : vector<16xf32>
          %parallel_loop3A_457 = arith.addf %parallel_loop3A_449, %parallel_loop3A_456 : vector<16xf32>
          %parallel_loop3A_458 = arith.constant 64 : i32
          %parallel_loop3A_459 = arith.muli %parallel_loop3A_416, %parallel_loop3A_458 : i32
          %parallel_loop3A_460 = arith.constant 0 : i32
          %parallel_loop3A_461 = arith.addi %parallel_loop3A_459, %parallel_loop3A_460 : i32
          %parallel_loop3A_462 = arith.index_cast %parallel_loop3A_461 : i32 to index
          %parallel_loop3A_463 = tpu.vector_load %arg8[%parallel_loop3A_462] {strides = array<i32>} : memref<4096xf32, #tpu.memory_space<vmem>>, vector<16xf32>,
          tpu.vector_store %arg8[%parallel_loop3A_462], %parallel_loop3A_457 {strides = array<i32>} : memref<4096xf32, #tpu.memory_space<vmem>>, vector<16xf32>,
          %parallel_loop3A_464 = arith.addi %parallel_loop3A_431, %min3A_156 : vector<16xi32>
          %parallel_loop3A_465 = tpu.vector_load_idx %arg6[%parallel_loop3A_464] : memref<5476xf32, #tpu.memory_space<vmem>>[vector<16xi32>], vector<16xf32>,
          %parallel_loop3A_466 = arith.addi %parallel_loop3A_431, %min3A_190 : vector<16xi32>
          %parallel_loop3A_467 = tpu.vector_load_idx %arg6[%parallel_loop3A_466] : memref<5476xf32, #tpu.memory_space<vmem>>[vector<16xi32>], vector<16xf32>,
          %parallel_loop3A_468 = arith.addi %parallel_loop3A_437, %min3A_156 : vector<16xi32>
          %parallel_loop3A_469 = tpu.vector_load_idx %arg6[%parallel_loop3A_468] : memref<5476xf32, #tpu.memory_space<vmem>>[vector<16xi32>], vector<16xf32>,
          %parallel_loop3A_470 = arith.addi %parallel_loop3A_437, %min3A_190 : vector<16xi32>
          %parallel_loop3A_471 = tpu.vector_load_idx %arg6[%parallel_loop3A_470] : memref<5476xf32, #tpu.memory_space<vmem>>[vector<16xi32>], vector<16xf32>,
          %parallel_loop3A_472 = arith.subf %parallel_loop3A_467, %parallel_loop3A_465 : vector<16xf32>
          %parallel_loop3A_473 = vector.broadcast %reduce_sum3A_129 : f32 to vector<16xf32>
          %parallel_loop3A_474 = arith.mulf %parallel_loop3A_473, %parallel_loop3A_472 : vector<16xf32>
          %parallel_loop3A_475 = arith.addf %parallel_loop3A_465, %parallel_loop3A_474 : vector<16xf32>
          %parallel_loop3A_476 = arith.subf %parallel_loop3A_471, %parallel_loop3A_469 : vector<16xf32>
          %parallel_loop3A_477 = vector.broadcast %reduce_sum3A_129 : f32 to vector<16xf32>
          %parallel_loop3A_478 = arith.mulf %parallel_loop3A_477, %parallel_loop3A_476 : vector<16xf32>
          %parallel_loop3A_479 = arith.addf %parallel_loop3A_469, %parallel_loop3A_478 : vector<16xf32>
          %parallel_loop3A_480 = arith.subf %parallel_loop3A_479, %parallel_loop3A_475 : vector<16xf32>
          %parallel_loop3A_481 = vector.broadcast %reduce_sum3A_136 : f32 to vector<16xf32>
          %parallel_loop3A_482 = arith.mulf %parallel_loop3A_481, %parallel_loop3A_480 : vector<16xf32>
          %parallel_loop3A_483 = arith.addf %parallel_loop3A_475, %parallel_loop3A_482 : vector<16xf32>
          %parallel_loop3A_484 = arith.constant 64 : i32
          %parallel_loop3A_485 = arith.muli %parallel_loop3A_416, %parallel_loop3A_484 : i32
          %parallel_loop3A_486 = arith.constant 16 : i32
          %parallel_loop3A_487 = arith.addi %parallel_loop3A_485, %parallel_loop3A_486 : i32
          %parallel_loop3A_488 = arith.index_cast %parallel_loop3A_487 : i32 to index
          %parallel_loop3A_489 = tpu.vector_load %arg8[%parallel_loop3A_488] {strides = array<i32>} : memref<4096xf32, #tpu.memory_space<vmem>>, vector<16xf32>,
          tpu.vector_store %arg8[%parallel_loop3A_488], %parallel_loop3A_483 {strides = array<i32>} : memref<4096xf32, #tpu.memory_space<vmem>>, vector<16xf32>,
          %parallel_loop3A_490 = arith.addi %parallel_loop3A_431, %min3A_167 : vector<16xi32>
          %parallel_loop3A_491 = tpu.vector_load_idx %arg6[%parallel_loop3A_490] : memref<5476xf32, #tpu.memory_space<vmem>>[vector<16xi32>], vector<16xf32>,
          %parallel_loop3A_492 = arith.addi %parallel_loop3A_431, %min3A_196 : vector<16xi32>
          %parallel_loop3A_493 = tpu.vector_load_idx %arg6[%parallel_loop3A_492] : memref<5476xf32, #tpu.memory_space<vmem>>[vector<16xi32>], vector<16xf32>,
          %parallel_loop3A_494 = arith.addi %parallel_loop3A_437, %min3A_167 : vector<16xi32>
          %parallel_loop3A_495 = tpu.vector_load_idx %arg6[%parallel_loop3A_494] : memref<5476xf32, #tpu.memory_space<vmem>>[vector<16xi32>], vector<16xf32>,
          %parallel_loop3A_496 = arith.addi %parallel_loop3A_437, %min3A_196 : vector<16xi32>
          %parallel_loop3A_497 = tpu.vector_load_idx %arg6[%parallel_loop3A_496] : memref<5476xf32, #tpu.memory_space<vmem>>[vector<16xi32>], vector<16xf32>,
          %parallel_loop3A_498 = arith.subf %parallel_loop3A_493, %parallel_loop3A_491 : vector<16xf32>
          %parallel_loop3A_499 = vector.broadcast %reduce_sum3A_129 : f32 to vector<16xf32>
          %parallel_loop3A_500 = arith.mulf %parallel_loop3A_499, %parallel_loop3A_498 : vector<16xf32>
          %parallel_loop3A_501 = arith.addf %parallel_loop3A_491, %parallel_loop3A_500 : vector<16xf32>
          %parallel_loop3A_502 = arith.subf %parallel_loop3A_497, %parallel_loop3A_495 : vector<16xf32>
          %parallel_loop3A_503 = vector.broadcast %reduce_sum3A_129 : f32 to vector<16xf32>
          %parallel_loop3A_504 = arith.mulf %parallel_loop3A_503, %parallel_loop3A_502 : vector<16xf32>
          %parallel_loop3A_505 = arith.addf %parallel_loop3A_495, %parallel_loop3A_504 : vector<16xf32>
          %parallel_loop3A_506 = arith.subf %parallel_loop3A_505, %parallel_loop3A_501 : vector<16xf32>
          %parallel_loop3A_507 = vector.broadcast %reduce_sum3A_136 : f32 to vector<16xf32>
          %parallel_loop3A_508 = arith.mulf %parallel_loop3A_507, %parallel_loop3A_506 : vector<16xf32>
          %parallel_loop3A_509 = arith.addf %parallel_loop3A_501, %parallel_loop3A_508 : vector<16xf32>
          %parallel_loop3A_510 = arith.constant 64 : i32
          %parallel_loop3A_511 = arith.muli %parallel_loop3A_416, %parallel_loop3A_510 : i32
          %parallel_loop3A_512 = arith.constant 32 : i32
          %parallel_loop3A_513 = arith.addi %parallel_loop3A_511, %parallel_loop3A_512 : i32
          %parallel_loop3A_514 = arith.index_cast %parallel_loop3A_513 : i32 to index
          %parallel_loop3A_515 = tpu.vector_load %arg8[%parallel_loop3A_514] {strides = array<i32>} : memref<4096xf32, #tpu.memory_space<vmem>>, vector<16xf32>,
          tpu.vector_store %arg8[%parallel_loop3A_514], %parallel_loop3A_509 {strides = array<i32>} : memref<4096xf32, #tpu.memory_space<vmem>>, vector<16xf32>,
          %parallel_loop3A_516 = arith.addi %parallel_loop3A_431, %min3A_178 : vector<16xi32>
          %parallel_loop3A_517 = tpu.vector_load_idx %arg6[%parallel_loop3A_516] : memref<5476xf32, #tpu.memory_space<vmem>>[vector<16xi32>], vector<16xf32>,
          %parallel_loop3A_518 = arith.addi %parallel_loop3A_431, %min3A_202 : vector<16xi32>
          %parallel_loop3A_519 = tpu.vector_load_idx %arg6[%parallel_loop3A_518] : memref<5476xf32, #tpu.memory_space<vmem>>[vector<16xi32>], vector<16xf32>,
          %parallel_loop3A_520 = arith.addi %parallel_loop3A_437, %min3A_178 : vector<16xi32>
          %parallel_loop3A_521 = tpu.vector_load_idx %arg6[%parallel_loop3A_520] : memref<5476xf32, #tpu.memory_space<vmem>>[vector<16xi32>], vector<16xf32>,
          %parallel_loop3A_522 = arith.addi %parallel_loop3A_437, %min3A_202 : vector<16xi32>
          %parallel_loop3A_523 = tpu.vector_load_idx %arg6[%parallel_loop3A_522] : memref<5476xf32, #tpu.memory_space<vmem>>[vector<16xi32>], vector<16xf32>,
          %parallel_loop3A_524 = arith.subf %parallel_loop3A_519, %parallel_loop3A_517 : vector<16xf32>
          %parallel_loop3A_525 = vector.broadcast %reduce_sum3A_129 : f32 to vector<16xf32>
          %parallel_loop3A_526 = arith.mulf %parallel_loop3A_525, %parallel_loop3A_524 : vector<16xf32>
          %parallel_loop3A_527 = arith.addf %parallel_loop3A_517, %parallel_loop3A_526 : vector<16xf32>
          %parallel_loop3A_528 = arith.subf %parallel_loop3A_523, %parallel_loop3A_521 : vector<16xf32>
          %parallel_loop3A_529 = vector.broadcast %reduce_sum3A_129 : f32 to vector<16xf32>
          %parallel_loop3A_530 = arith.mulf %parallel_loop3A_529, %parallel_loop3A_528 : vector<16xf32>
          %parallel_loop3A_531 = arith.addf %parallel_loop3A_521, %parallel_loop3A_530 : vector<16xf32>
          %parallel_loop3A_532 = arith.subf %parallel_loop3A_531, %parallel_loop3A_527 : vector<16xf32>
          %parallel_loop3A_533 = vector.broadcast %reduce_sum3A_136 : f32 to vector<16xf32>
          %parallel_loop3A_534 = arith.mulf %parallel_loop3A_533, %parallel_loop3A_532 : vector<16xf32>
          %parallel_loop3A_535 = arith.addf %parallel_loop3A_527, %parallel_loop3A_534 : vector<16xf32>
          %parallel_loop3A_536 = arith.constant 64 : i32
          %parallel_loop3A_537 = arith.muli %parallel_loop3A_416, %parallel_loop3A_536 : i32
          %parallel_loop3A_538 = arith.constant 48 : i32
          %parallel_loop3A_539 = arith.addi %parallel_loop3A_537, %parallel_loop3A_538 : i32
          %parallel_loop3A_540 = arith.index_cast %parallel_loop3A_539 : i32 to index
          %parallel_loop3A_541 = tpu.vector_load %arg8[%parallel_loop3A_540] {strides = array<i32>} : memref<4096xf32, #tpu.memory_space<vmem>>, vector<16xf32>,
          tpu.vector_store %arg8[%parallel_loop3A_540], %parallel_loop3A_535 {strides = array<i32>} : memref<4096xf32, #tpu.memory_space<vmem>>, vector<16xf32>,
        } {sc.loop_unroll_factor = 4 : i64, sc.parallel_access}
      }
      %dma_start3A_207 = arith.constant 0 : i32
      %dma_start3A_208 = tpu.memref_slice %arg5[%add3A_44, %dma_start3A_207] : memref<4096x4096xf32, #tpu.memory_space<hbm>> -> memref<1x4096xf32, #tpu.memory_space<hbm>>
      %dma_start3A_209 = tpu.memref_squeeze %dma_start3A_208 : memref<1x4096xf32, #tpu.memory_space<hbm>> -> memref<4096xf32, #tpu.memory_space<hbm>>
      %dma_start3A_210 = arith.constant 0 : i32
      %dma_start3A_211 = tpu.memref_slice %arg5[%add3A_44, %dma_start3A_210] : memref<4096x4096xf32, #tpu.memory_space<hbm>> -> memref<1x4096xf32, #tpu.memory_space<hbm>>
      %dma_start3A_212 = tpu.memref_squeeze %dma_start3A_211 : memref<1x4096xf32, #tpu.memory_space<hbm>> -> memref<4096xf32, #tpu.memory_space<hbm>>
      tpu.enqueue_dma source(%arg8 : memref<4096xf32, #tpu.memory_space<vmem>>) target(%dma_start3A_212 : memref<4096xf32, #tpu.memory_space<hbm>>) target_semaphore(%arg14 : memref<!tpu.dma_semaphore, #tpu.memory_space<semaphore_mem>>)
      %lt3A_213 = arith.constant 63 : i32
      %lt3A_214 = arith.cmpi slt, %scan3A_39, %lt3A_213 : i32
      %convert_element_type3A_215 = arith.extui %lt3A_214 : i1 to i32
      %cond3A_216 = arith.constant 0 : i32
      %cond3A_217 = arith.cmpi ne, %convert_element_type3A_215, %cond3A_216 : i32
      scf.if %cond3A_217 {
        %add3A_414 = arith.constant 2 : i32
        %add3A_415 = arith.addi %add3A_44, %add3A_414 : i32
        %dma_start3A_416 = arith.constant 0 : i32
        %dma_start3A_417 = tpu.memref_slice %arg2[%add3A_415, %dma_start3A_416] : memref<4096x5476xf32, #tpu.memory_space<hbm>> -> memref<1x5476xf32, #tpu.memory_space<hbm>>
        %dma_start3A_418 = tpu.memref_squeeze %dma_start3A_417 : memref<1x5476xf32, #tpu.memory_space<hbm>> -> memref<5476xf32, #tpu.memory_space<hbm>>
        %dma_start3A_419 = arith.constant 0 : i32
        %dma_start3A_420 = tpu.memref_slice %arg2[%add3A_415, %dma_start3A_419] : memref<4096x5476xf32, #tpu.memory_space<hbm>> -> memref<1x5476xf32, #tpu.memory_space<hbm>>
        %dma_start3A_421 = tpu.memref_squeeze %dma_start3A_420 : memref<1x5476xf32, #tpu.memory_space<hbm>> -> memref<5476xf32, #tpu.memory_space<hbm>>
        tpu.enqueue_dma source(%dma_start3A_421 : memref<5476xf32, #tpu.memory_space<hbm>>) target(%arg6 : memref<5476xf32, #tpu.memory_space<vmem>>) target_semaphore(%arg12 : memref<!tpu.dma_semaphore, #tpu.memory_space<semaphore_mem>>)
      } else {
      }
      %mul3A_218 = arith.constant 2 : i32
      %mul3A_219 = arith.muli %mul3A_218, %scan3A_39 : i32
      %add3A_220 = arith.constant 1 : i32
      %add3A_221 = arith.addi %mul3A_219, %add3A_220 : i32
      %add3A_222 = arith.addi %mul3A_2, %add3A_221 : i32
      %dma_wait3A_223 = arith.constant 0 : i32
      %dma_wait3A_224 = tpu.memref_slice %arg2[%add3A_222, %dma_wait3A_223] : memref<4096x5476xf32, #tpu.memory_space<hbm>> -> memref<1x5476xf32, #tpu.memory_space<hbm>>
      %dma_wait3A_225 = tpu.memref_squeeze %dma_wait3A_224 : memref<1x5476xf32, #tpu.memory_space<hbm>> -> memref<5476xf32, #tpu.memory_space<hbm>>
      %dma_wait3A_226 = arith.constant 0 : i32
      %dma_wait3A_227 = tpu.memref_slice %arg2[%add3A_222, %dma_wait3A_226] : memref<4096x5476xf32, #tpu.memory_space<hbm>> -> memref<1x5476xf32, #tpu.memory_space<hbm>>
      %dma_wait3A_228 = tpu.memref_squeeze %dma_wait3A_227 : memref<1x5476xf32, #tpu.memory_space<hbm>> -> memref<5476xf32, #tpu.memory_space<hbm>>
      tpu.wait_dma2 semaphore(%arg13 : memref<!tpu.dma_semaphore, #tpu.memory_space<semaphore_mem>>) src(%dma_wait3A_228 : memref<5476xf32, #tpu.memory_space<hbm>>) dst(%arg7 : memref<5476xf32, #tpu.memory_space<vmem>>)
      %gt3A_229 = arith.constant 0 : i32
      %gt3A_230 = arith.cmpi sgt, %scan3A_39, %gt3A_229 : i32
      %convert_element_type3A_231 = arith.extui %gt3A_230 : i1 to i32
      %cond3A_232 = arith.constant 0 : i32
      %cond3A_233 = arith.cmpi ne, %convert_element_type3A_231, %cond3A_232 : i32
      scf.if %cond3A_233 {
        %sub3A_414 = arith.constant 2 : i32
        %sub3A_415 = arith.subi %add3A_222, %sub3A_414 : i32
        %dma_wait3A_416 = arith.constant 0 : i32
        %dma_wait3A_417 = tpu.memref_slice %arg5[%sub3A_415, %dma_wait3A_416] : memref<4096x4096xf32, #tpu.memory_space<hbm>> -> memref<1x4096xf32, #tpu.memory_space<hbm>>
        %dma_wait3A_418 = tpu.memref_squeeze %dma_wait3A_417 : memref<1x4096xf32, #tpu.memory_space<hbm>> -> memref<4096xf32, #tpu.memory_space<hbm>>
        %dma_wait3A_419 = arith.constant 0 : i32
        %dma_wait3A_420 = tpu.memref_slice %arg5[%sub3A_415, %dma_wait3A_419] : memref<4096x4096xf32, #tpu.memory_space<hbm>> -> memref<1x4096xf32, #tpu.memory_space<hbm>>
        %dma_wait3A_421 = tpu.memref_squeeze %dma_wait3A_420 : memref<1x4096xf32, #tpu.memory_space<hbm>> -> memref<4096xf32, #tpu.memory_space<hbm>>
        tpu.wait_dma2 semaphore(%arg15 : memref<!tpu.dma_semaphore, #tpu.memory_space<semaphore_mem>>) src(%arg9 : memref<4096xf32, #tpu.memory_space<vmem>>) dst(%dma_wait3A_421 : memref<4096xf32, #tpu.memory_space<hbm>>)
      } else {
      }
      %jit3A_234 = arith.constant 16 : i32
      %div3A_235 = arith.divsi %add3A_221, %jit3A_234 : i32
      %sign3A_236 = arith.constant 0 : i32
      %sign3A_237 = arith.cmpi sgt, %add3A_221, %sign3A_236 : i32
      %sign3A_238 = arith.extui %sign3A_237 : i1 to i32
      %sign3A_239 = arith.constant 0 : i32
      %sign3A_240 = arith.cmpi slt, %add3A_221, %sign3A_239 : i32
      %sign3A_241 = arith.extui %sign3A_240 : i1 to i32
      %sign3A_242 = arith.subi %sign3A_238, %sign3A_241 : i32
      %sign3A_243 = arith.constant 0 : i32
      %sign3A_244 = arith.cmpi sgt, %jit3A_234, %sign3A_243 : i32
      %sign3A_245 = arith.extui %sign3A_244 : i1 to i32
      %sign3A_246 = arith.constant 0 : i32
      %sign3A_247 = arith.cmpi slt, %jit3A_234, %sign3A_246 : i32
      %sign3A_248 = arith.extui %sign3A_247 : i1 to i32
      %sign3A_249 = arith.subi %sign3A_245, %sign3A_248 : i32
      %ne3A_250 = arith.cmpi ne, %sign3A_242, %sign3A_249 : i32
      %rem3A_251 = arith.remsi %add3A_221, %jit3A_234 : i32
      %ne3A_252 = arith.constant 0 : i32
      %ne3A_253 = arith.cmpi ne, %rem3A_251, %ne3A_252 : i32
      %and3A_254 = arith.andi %ne3A_250, %ne3A_253 : i1
      %sub3A_255 = arith.constant 1 : i32
      %sub3A_256 = arith.subi %div3A_235, %sub3A_255 : i32
      %select_n3A_257 = arith.select %and3A_254, %sub3A_256, %div3A_235 : i32
      %mul3A_258 = arith.constant 16 : i32
      %mul3A_259 = arith.muli %select_n3A_257, %mul3A_258 : i32
      %jit3A_260 = arith.constant 16 : i32
      %eq3A_261 = arith.constant 0 : i32
      %eq3A_262 = arith.cmpi eq, %jit3A_260, %eq3A_261 : i32
      %jit3A_263 = arith.constant 1 : i32
      %select_n3A_264 = arith.select %eq3A_262, %jit3A_263, %jit3A_260 : i32
      %rem3A_265 = arith.remsi %add3A_221, %select_n3A_264 : i32
      %ne3A_266 = arith.constant 0 : i32
      %ne3A_267 = arith.cmpi ne, %rem3A_265, %ne3A_266 : i32
      %lt3A_268 = arith.constant 0 : i32
      %lt3A_269 = arith.cmpi slt, %rem3A_265, %lt3A_268 : i32
      %lt3A_270 = arith.constant 0 : i32
      %lt3A_271 = arith.cmpi slt, %select_n3A_264, %lt3A_270 : i32
      %ne3A_272 = arith.xori %lt3A_269, %lt3A_271 : i1
      %and3A_273 = arith.andi %ne3A_272, %ne3A_267 : i1
      %add3A_274 = arith.addi %rem3A_265, %select_n3A_264 : i32
      %select_n3A_275 = arith.select %and3A_273, %add3A_274, %rem3A_265 : i32
      %eq3A_276 = vector.broadcast %select_n3A_275 : i32 to vector<16xi32>
      %eq3A_277 = arith.cmpi eq, %iota3A, %eq3A_276 : vector<16xi32>
      %get3A_278 = arith.index_cast %mul3A_259 : i32 to index
      %get3A_279 = tpu.vector_load %arg10[%get3A_278] {strides = array<i32>} : memref<128xf32, #tpu.memory_space<vmem>>, vector<16xf32>,
      %add3A_280 = arith.constant 5.000000e+00 : f32
      %add3A_281 = vector.broadcast %add3A_280 : f32 to vector<16xf32>
      %add3A_282 = arith.addf %get3A_279, %add3A_281 : vector<16xf32>
      %get3A_283 = arith.index_cast %mul3A_259 : i32 to index
      %get3A_284 = tpu.vector_load %arg11[%get3A_283] {strides = array<i32>} : memref<128xf32, #tpu.memory_space<vmem>>, vector<16xf32>,
      %add3A_285 = arith.constant 5.000000e+00 : f32
      %add3A_286 = vector.broadcast %add3A_285 : f32 to vector<16xf32>
      %add3A_287 = arith.addf %get3A_284, %add3A_286 : vector<16xf32>
      %convert_element_type3A_288 = arith.fptosi %add3A_282 : vector<16xf32> to vector<16xi32>
      %convert_element_type3A_289 = arith.sitofp %convert_element_type3A_288 : vector<16xi32> to vector<16xf32>
      %gt3A_290 = arith.cmpf ogt, %convert_element_type3A_289, %add3A_282 : vector<16xf32>
      %convert_element_type3A_291 = arith.extui %gt3A_290 : vector<16xi1> to vector<16xi32>
      %sub3A_292 = arith.subi %convert_element_type3A_288, %convert_element_type3A_291 : vector<16xi32>
      %convert_element_type3A_293 = arith.fptosi %add3A_287 : vector<16xf32> to vector<16xi32>
      %convert_element_type3A_294 = arith.sitofp %convert_element_type3A_293 : vector<16xi32> to vector<16xf32>
      %gt3A_295 = arith.cmpf ogt, %convert_element_type3A_294, %add3A_287 : vector<16xf32>
      %convert_element_type3A_296 = arith.extui %gt3A_295 : vector<16xi1> to vector<16xi32>
      %sub3A_297 = arith.subi %convert_element_type3A_293, %convert_element_type3A_296 : vector<16xi32>
      %convert_element_type3A_298 = arith.sitofp %sub3A_292 : vector<16xi32> to vector<16xf32>
      %sub3A_299 = arith.subf %add3A_282, %convert_element_type3A_298 : vector<16xf32>
      %convert_element_type3A_300 = arith.sitofp %sub3A_297 : vector<16xi32> to vector<16xf32>
      %sub3A_301 = arith.subf %add3A_287, %convert_element_type3A_300 : vector<16xf32>
      %jit3A_302 = arith.constant 0 : i32
      %broadcast_in_dim3A_303 = vector.broadcast %jit3A_302 : i32 to vector<16xi32>
      %select_n3A_304 = arith.select %eq3A_277, %sub3A_292, %broadcast_in_dim3A_303 : vector<16xi1>, vector<16xi32>
      %reduce_sum3A_305 = arith.constant true
      %reduce_sum3A_306 = vector.broadcast %reduce_sum3A_305 : i1 to vector<16xi1>
      %reduce_sum3A_307 = tpu.scan <sum>, %select_n3A_304 masked %reduce_sum3A_306 : vector<16xi32>, vector<16xi1> -> vector<16xi32>
      %reduce_sum3A_308 = vector.extract %reduce_sum3A_307[15] : i32 from vector<16xi32>
      %jit3A_309 = arith.constant 0 : i32
      %broadcast_in_dim3A_310 = vector.broadcast %jit3A_309 : i32 to vector<16xi32>
      %select_n3A_311 = arith.select %eq3A_277, %sub3A_297, %broadcast_in_dim3A_310 : vector<16xi1>, vector<16xi32>
      %reduce_sum3A_312 = arith.constant true
      %reduce_sum3A_313 = vector.broadcast %reduce_sum3A_312 : i1 to vector<16xi1>
      %reduce_sum3A_314 = tpu.scan <sum>, %select_n3A_311 masked %reduce_sum3A_313 : vector<16xi32>, vector<16xi1> -> vector<16xi32>
      %reduce_sum3A_315 = vector.extract %reduce_sum3A_314[15] : i32 from vector<16xi32>
      %jit3A_316 = arith.constant 0.000000e+00 : f32
      %broadcast_in_dim3A_317 = vector.broadcast %jit3A_316 : f32 to vector<16xf32>
      %select_n3A_318 = arith.select %eq3A_277, %sub3A_299, %broadcast_in_dim3A_317 : vector<16xi1>, vector<16xf32>
      %reduce_sum3A_319 = arith.constant true
      %reduce_sum3A_320 = vector.broadcast %reduce_sum3A_319 : i1 to vector<16xi1>
      %reduce_sum3A_321 = tpu.scan <sum>, %select_n3A_318 masked %reduce_sum3A_320 : vector<16xf32>, vector<16xi1> -> vector<16xf32>
      %reduce_sum3A_322 = vector.extract %reduce_sum3A_321[15] : f32 from vector<16xf32>
      %jit3A_323 = arith.constant 0.000000e+00 : f32
      %broadcast_in_dim3A_324 = vector.broadcast %jit3A_323 : f32 to vector<16xf32>
      %select_n3A_325 = arith.select %eq3A_277, %sub3A_301, %broadcast_in_dim3A_324 : vector<16xi1>, vector<16xf32>
      %reduce_sum3A_326 = arith.constant true
      %reduce_sum3A_327 = vector.broadcast %reduce_sum3A_326 : i1 to vector<16xi1>
      %reduce_sum3A_328 = tpu.scan <sum>, %select_n3A_325 masked %reduce_sum3A_327 : vector<16xf32>, vector<16xi1> -> vector<16xf32>
      %reduce_sum3A_329 = vector.extract %reduce_sum3A_328[15] : f32 from vector<16xf32>
      %add3A_330 = arith.constant 0 : i32
      %add3A_331 = vector.broadcast %add3A_330 : i32 to vector<16xi32>
      %add3A_332 = arith.addi %iota3A, %add3A_331 : vector<16xi32>
      %add3A_333 = vector.broadcast %reduce_sum3A_308 : i32 to vector<16xi32>
      %add3A_334 = arith.addi %add3A_332, %add3A_333 : vector<16xi32>
      %jit3A_335 = arith.constant 0 : i32
      %jit3A_336 = arith.constant 73 : i32
      %max3A_337 = vector.broadcast %jit3A_335 : i32 to vector<16xi32>
      %max3A_338 = arith.maxsi %max3A_337, %add3A_334 : vector<16xi32>
      %min3A_339 = vector.broadcast %jit3A_336 : i32 to vector<16xi32>
      %min3A_340 = arith.minsi %min3A_339, %max3A_338 : vector<16xi32>
      %add3A_341 = arith.constant 16 : i32
      %add3A_342 = vector.broadcast %add3A_341 : i32 to vector<16xi32>
      %add3A_343 = arith.addi %iota3A, %add3A_342 : vector<16xi32>
      %add3A_344 = vector.broadcast %reduce_sum3A_308 : i32 to vector<16xi32>
      %add3A_345 = arith.addi %add3A_343, %add3A_344 : vector<16xi32>
      %jit3A_346 = arith.constant 0 : i32
      %jit3A_347 = arith.constant 73 : i32
      %max3A_348 = vector.broadcast %jit3A_346 : i32 to vector<16xi32>
      %max3A_349 = arith.maxsi %max3A_348, %add3A_345 : vector<16xi32>
      %min3A_350 = vector.broadcast %jit3A_347 : i32 to vector<16xi32>
      %min3A_351 = arith.minsi %min3A_350, %max3A_349 : vector<16xi32>
      %add3A_352 = arith.constant 32 : i32
      %add3A_353 = vector.broadcast %add3A_352 : i32 to vector<16xi32>
      %add3A_354 = arith.addi %iota3A, %add3A_353 : vector<16xi32>
      %add3A_355 = vector.broadcast %reduce_sum3A_308 : i32 to vector<16xi32>
      %add3A_356 = arith.addi %add3A_354, %add3A_355 : vector<16xi32>
      %jit3A_357 = arith.constant 0 : i32
      %jit3A_358 = arith.constant 73 : i32
      %max3A_359 = vector.broadcast %jit3A_357 : i32 to vector<16xi32>
      %max3A_360 = arith.maxsi %max3A_359, %add3A_356 : vector<16xi32>
      %min3A_361 = vector.broadcast %jit3A_358 : i32 to vector<16xi32>
      %min3A_362 = arith.minsi %min3A_361, %max3A_360 : vector<16xi32>
      %add3A_363 = arith.constant 48 : i32
      %add3A_364 = vector.broadcast %add3A_363 : i32 to vector<16xi32>
      %add3A_365 = arith.addi %iota3A, %add3A_364 : vector<16xi32>
      %add3A_366 = vector.broadcast %reduce_sum3A_308 : i32 to vector<16xi32>
      %add3A_367 = arith.addi %add3A_365, %add3A_366 : vector<16xi32>
      %jit3A_368 = arith.constant 0 : i32
      %jit3A_369 = arith.constant 73 : i32
      %max3A_370 = vector.broadcast %jit3A_368 : i32 to vector<16xi32>
      %max3A_371 = arith.maxsi %max3A_370, %add3A_367 : vector<16xi32>
      %min3A_372 = vector.broadcast %jit3A_369 : i32 to vector<16xi32>
      %min3A_373 = arith.minsi %min3A_372, %max3A_371 : vector<16xi32>
      %add3A_374 = arith.constant 1 : i32
      %add3A_375 = vector.broadcast %add3A_374 : i32 to vector<16xi32>
      %add3A_376 = arith.addi %min3A_340, %add3A_375 : vector<16xi32>
      %min3A_377 = arith.constant 73 : i32
      %min3A_378 = vector.broadcast %min3A_377 : i32 to vector<16xi32>
      %min3A_379 = arith.minsi %add3A_376, %min3A_378 : vector<16xi32>
      %add3A_380 = arith.constant 1 : i32
      %add3A_381 = vector.broadcast %add3A_380 : i32 to vector<16xi32>
      %add3A_382 = arith.addi %min3A_351, %add3A_381 : vector<16xi32>
      %min3A_383 = arith.constant 73 : i32
      %min3A_384 = vector.broadcast %min3A_383 : i32 to vector<16xi32>
      %min3A_385 = arith.minsi %add3A_382, %min3A_384 : vector<16xi32>
      %add3A_386 = arith.constant 1 : i32
      %add3A_387 = vector.broadcast %add3A_386 : i32 to vector<16xi32>
      %add3A_388 = arith.addi %min3A_362, %add3A_387 : vector<16xi32>
      %min3A_389 = arith.constant 73 : i32
      %min3A_390 = vector.broadcast %min3A_389 : i32 to vector<16xi32>
      %min3A_391 = arith.minsi %add3A_388, %min3A_390 : vector<16xi32>
      %add3A_392 = arith.constant 1 : i32
      %add3A_393 = vector.broadcast %add3A_392 : i32 to vector<16xi32>
      %add3A_394 = arith.addi %min3A_373, %add3A_393 : vector<16xi32>
      %min3A_395 = arith.constant 73 : i32
      %min3A_396 = vector.broadcast %min3A_395 : i32 to vector<16xi32>
      %min3A_397 = arith.minsi %add3A_394, %min3A_396 : vector<16xi32>
      %ge3A_398 = arith.constant 0 : i32
      %ge3A_399 = arith.cmpi sge, %reduce_sum3A_315, %ge3A_398 : i32
      %convert_element_type3A_400 = arith.extui %ge3A_399 : i1 to i32
      %cond3A_401 = arith.constant 0 : i32
      %cond3A_402 = arith.cmpi ne, %convert_element_type3A_400, %cond3A_401 : i32
      scf.if %cond3A_402 {
        %broadcast_in_dim3A_414 = arith.constant 0 : i32
        %broadcast_in_dim3A_415 = vector.broadcast %broadcast_in_dim3A_414 : i32 to vector<16xi32>
        %min3A_416 = arith.constant 73 : i32
        %min3A_417 = arith.minsi %reduce_sum3A_315, %min3A_416 : i32
        %mul3A_418 = arith.constant 74 : i32
        %mul3A_419 = arith.muli %min3A_417, %mul3A_418 : i32
        %add3A_420 = vector.broadcast %mul3A_419 : i32 to vector<16xi32>
        %add3A_421 = arith.addi %broadcast_in_dim3A_415, %add3A_420 : vector<16xi32>
        %add3A_422 = arith.addi %add3A_421, %min3A_340 : vector<16xi32>
        %gather3A = tpu.vector_load_idx %arg7[%add3A_422] : memref<5476xf32, #tpu.memory_space<vmem>>[vector<16xi32>], vector<16xf32>,
        %add3A_423 = arith.addi %add3A_421, %min3A_379 : vector<16xi32>
        %gather3A_424 = tpu.vector_load_idx %arg7[%add3A_423] : memref<5476xf32, #tpu.memory_space<vmem>>[vector<16xi32>], vector<16xf32>,
        %sub3A_425 = arith.subf %gather3A_424, %gather3A : vector<16xf32>
        %mul3A_426 = vector.broadcast %reduce_sum3A_322 : f32 to vector<16xf32>
        %mul3A_427 = arith.mulf %mul3A_426, %sub3A_425 : vector<16xf32>
        %add3A_428 = arith.addf %gather3A, %mul3A_427 : vector<16xf32>
        %add3A_429 = arith.addi %add3A_421, %min3A_351 : vector<16xi32>
        %gather3A_430 = tpu.vector_load_idx %arg7[%add3A_429] : memref<5476xf32, #tpu.memory_space<vmem>>[vector<16xi32>], vector<16xf32>,
        %add3A_431 = arith.addi %add3A_421, %min3A_385 : vector<16xi32>
        %gather3A_432 = tpu.vector_load_idx %arg7[%add3A_431] : memref<5476xf32, #tpu.memory_space<vmem>>[vector<16xi32>], vector<16xf32>,
        %sub3A_433 = arith.subf %gather3A_432, %gather3A_430 : vector<16xf32>
        %mul3A_434 = vector.broadcast %reduce_sum3A_322 : f32 to vector<16xf32>
        %mul3A_435 = arith.mulf %mul3A_434, %sub3A_433 : vector<16xf32>
        %add3A_436 = arith.addf %gather3A_430, %mul3A_435 : vector<16xf32>
        %add3A_437 = arith.addi %add3A_421, %min3A_362 : vector<16xi32>
        %gather3A_438 = tpu.vector_load_idx %arg7[%add3A_437] : memref<5476xf32, #tpu.memory_space<vmem>>[vector<16xi32>], vector<16xf32>,
        %add3A_439 = arith.addi %add3A_421, %min3A_391 : vector<16xi32>
        %gather3A_440 = tpu.vector_load_idx %arg7[%add3A_439] : memref<5476xf32, #tpu.memory_space<vmem>>[vector<16xi32>], vector<16xf32>,
        %sub3A_441 = arith.subf %gather3A_440, %gather3A_438 : vector<16xf32>
        %mul3A_442 = vector.broadcast %reduce_sum3A_322 : f32 to vector<16xf32>
        %mul3A_443 = arith.mulf %mul3A_442, %sub3A_441 : vector<16xf32>
        %add3A_444 = arith.addf %gather3A_438, %mul3A_443 : vector<16xf32>
        %add3A_445 = arith.addi %add3A_421, %min3A_373 : vector<16xi32>
        %gather3A_446 = tpu.vector_load_idx %arg7[%add3A_445] : memref<5476xf32, #tpu.memory_space<vmem>>[vector<16xi32>], vector<16xf32>,
        %add3A_447 = arith.addi %add3A_421, %min3A_397 : vector<16xi32>
        %gather3A_448 = tpu.vector_load_idx %arg7[%add3A_447] : memref<5476xf32, #tpu.memory_space<vmem>>[vector<16xi32>], vector<16xf32>,
        %sub3A_449 = arith.subf %gather3A_448, %gather3A_446 : vector<16xf32>
        %mul3A_450 = vector.broadcast %reduce_sum3A_322 : f32 to vector<16xf32>
        %mul3A_451 = arith.mulf %mul3A_450, %sub3A_449 : vector<16xf32>
        %add3A_452 = arith.addf %gather3A_446, %mul3A_451 : vector<16xf32>
        %parallel_loop3A = arith.constant 0 : i32
        %parallel_loop3A_453 = arith.constant 64 : i32
        %parallel_loop3A_454 = arith.constant 1 : i32
        %parallel_loop3A_455:4 = scf.for %parallel_loop3A_456 = %parallel_loop3A to %parallel_loop3A_453 step %parallel_loop3A_454 iter_args(%parallel_loop3A_457 = %add3A_428, %parallel_loop3A_458 = %add3A_436, %parallel_loop3A_459 = %add3A_444, %parallel_loop3A_460 = %add3A_452) -> (vector<16xf32>, vector<16xf32>, vector<16xf32>, vector<16xf32>)  : i32 {
          %parallel_loop3A_461 = arith.addi %parallel_loop3A_456, %reduce_sum3A_315 : i32
          %parallel_loop3A_462 = arith.constant 73 : i32
          %parallel_loop3A_463 = arith.minsi %parallel_loop3A_461, %parallel_loop3A_462 : i32
          %parallel_loop3A_464 = arith.constant 1 : i32
          %parallel_loop3A_465 = arith.addi %parallel_loop3A_463, %parallel_loop3A_464 : i32
          %parallel_loop3A_466 = arith.constant 73 : i32
          %parallel_loop3A_467 = arith.minsi %parallel_loop3A_465, %parallel_loop3A_466 : i32
          %parallel_loop3A_468 = arith.constant 0 : i32
          %parallel_loop3A_469 = vector.broadcast %parallel_loop3A_468 : i32 to vector<16xi32>
          %parallel_loop3A_470 = arith.constant 74 : i32
          %parallel_loop3A_471 = arith.muli %parallel_loop3A_467, %parallel_loop3A_470 : i32
          %parallel_loop3A_472 = vector.broadcast %parallel_loop3A_471 : i32 to vector<16xi32>
          %parallel_loop3A_473 = arith.addi %parallel_loop3A_469, %parallel_loop3A_472 : vector<16xi32>
          %parallel_loop3A_474 = arith.addi %parallel_loop3A_473, %min3A_340 : vector<16xi32>
          %parallel_loop3A_475 = tpu.vector_load_idx %arg7[%parallel_loop3A_474] : memref<5476xf32, #tpu.memory_space<vmem>>[vector<16xi32>], vector<16xf32>,
          %parallel_loop3A_476 = arith.addi %parallel_loop3A_473, %min3A_379 : vector<16xi32>
          %parallel_loop3A_477 = tpu.vector_load_idx %arg7[%parallel_loop3A_476] : memref<5476xf32, #tpu.memory_space<vmem>>[vector<16xi32>], vector<16xf32>,
          %parallel_loop3A_478 = arith.subf %parallel_loop3A_477, %parallel_loop3A_475 : vector<16xf32>
          %parallel_loop3A_479 = vector.broadcast %reduce_sum3A_322 : f32 to vector<16xf32>
          %parallel_loop3A_480 = arith.mulf %parallel_loop3A_479, %parallel_loop3A_478 : vector<16xf32>
          %parallel_loop3A_481 = arith.addf %parallel_loop3A_475, %parallel_loop3A_480 : vector<16xf32>
          %parallel_loop3A_482 = arith.subf %parallel_loop3A_481, %parallel_loop3A_457 : vector<16xf32>
          %parallel_loop3A_483 = vector.broadcast %reduce_sum3A_329 : f32 to vector<16xf32>
          %parallel_loop3A_484 = arith.mulf %parallel_loop3A_483, %parallel_loop3A_482 : vector<16xf32>
          %parallel_loop3A_485 = arith.addf %parallel_loop3A_457, %parallel_loop3A_484 : vector<16xf32>
          %parallel_loop3A_486 = arith.constant 64 : i32
          %parallel_loop3A_487 = arith.muli %parallel_loop3A_456, %parallel_loop3A_486 : i32
          %parallel_loop3A_488 = arith.constant 0 : i32
          %parallel_loop3A_489 = arith.addi %parallel_loop3A_487, %parallel_loop3A_488 : i32
          %parallel_loop3A_490 = arith.index_cast %parallel_loop3A_489 : i32 to index
          %parallel_loop3A_491 = tpu.vector_load %arg9[%parallel_loop3A_490] {strides = array<i32>} : memref<4096xf32, #tpu.memory_space<vmem>>, vector<16xf32>,
          tpu.vector_store %arg9[%parallel_loop3A_490], %parallel_loop3A_485 {strides = array<i32>} : memref<4096xf32, #tpu.memory_space<vmem>>, vector<16xf32>,
          %parallel_loop3A_492 = arith.addi %parallel_loop3A_473, %min3A_351 : vector<16xi32>
          %parallel_loop3A_493 = tpu.vector_load_idx %arg7[%parallel_loop3A_492] : memref<5476xf32, #tpu.memory_space<vmem>>[vector<16xi32>], vector<16xf32>,
          %parallel_loop3A_494 = arith.addi %parallel_loop3A_473, %min3A_385 : vector<16xi32>
          %parallel_loop3A_495 = tpu.vector_load_idx %arg7[%parallel_loop3A_494] : memref<5476xf32, #tpu.memory_space<vmem>>[vector<16xi32>], vector<16xf32>,
          %parallel_loop3A_496 = arith.subf %parallel_loop3A_495, %parallel_loop3A_493 : vector<16xf32>
          %parallel_loop3A_497 = vector.broadcast %reduce_sum3A_322 : f32 to vector<16xf32>
          %parallel_loop3A_498 = arith.mulf %parallel_loop3A_497, %parallel_loop3A_496 : vector<16xf32>
          %parallel_loop3A_499 = arith.addf %parallel_loop3A_493, %parallel_loop3A_498 : vector<16xf32>
          %parallel_loop3A_500 = arith.subf %parallel_loop3A_499, %parallel_loop3A_458 : vector<16xf32>
          %parallel_loop3A_501 = vector.broadcast %reduce_sum3A_329 : f32 to vector<16xf32>
          %parallel_loop3A_502 = arith.mulf %parallel_loop3A_501, %parallel_loop3A_500 : vector<16xf32>
          %parallel_loop3A_503 = arith.addf %parallel_loop3A_458, %parallel_loop3A_502 : vector<16xf32>
          %parallel_loop3A_504 = arith.constant 64 : i32
          %parallel_loop3A_505 = arith.muli %parallel_loop3A_456, %parallel_loop3A_504 : i32
          %parallel_loop3A_506 = arith.constant 16 : i32
          %parallel_loop3A_507 = arith.addi %parallel_loop3A_505, %parallel_loop3A_506 : i32
          %parallel_loop3A_508 = arith.index_cast %parallel_loop3A_507 : i32 to index
          %parallel_loop3A_509 = tpu.vector_load %arg9[%parallel_loop3A_508] {strides = array<i32>} : memref<4096xf32, #tpu.memory_space<vmem>>, vector<16xf32>,
          tpu.vector_store %arg9[%parallel_loop3A_508], %parallel_loop3A_503 {strides = array<i32>} : memref<4096xf32, #tpu.memory_space<vmem>>, vector<16xf32>,
          %parallel_loop3A_510 = arith.addi %parallel_loop3A_473, %min3A_362 : vector<16xi32>
          %parallel_loop3A_511 = tpu.vector_load_idx %arg7[%parallel_loop3A_510] : memref<5476xf32, #tpu.memory_space<vmem>>[vector<16xi32>], vector<16xf32>,
          %parallel_loop3A_512 = arith.addi %parallel_loop3A_473, %min3A_391 : vector<16xi32>
          %parallel_loop3A_513 = tpu.vector_load_idx %arg7[%parallel_loop3A_512] : memref<5476xf32, #tpu.memory_space<vmem>>[vector<16xi32>], vector<16xf32>,
          %parallel_loop3A_514 = arith.subf %parallel_loop3A_513, %parallel_loop3A_511 : vector<16xf32>
          %parallel_loop3A_515 = vector.broadcast %reduce_sum3A_322 : f32 to vector<16xf32>
          %parallel_loop3A_516 = arith.mulf %parallel_loop3A_515, %parallel_loop3A_514 : vector<16xf32>
          %parallel_loop3A_517 = arith.addf %parallel_loop3A_511, %parallel_loop3A_516 : vector<16xf32>
          %parallel_loop3A_518 = arith.subf %parallel_loop3A_517, %parallel_loop3A_459 : vector<16xf32>
          %parallel_loop3A_519 = vector.broadcast %reduce_sum3A_329 : f32 to vector<16xf32>
          %parallel_loop3A_520 = arith.mulf %parallel_loop3A_519, %parallel_loop3A_518 : vector<16xf32>
          %parallel_loop3A_521 = arith.addf %parallel_loop3A_459, %parallel_loop3A_520 : vector<16xf32>
          %parallel_loop3A_522 = arith.constant 64 : i32
          %parallel_loop3A_523 = arith.muli %parallel_loop3A_456, %parallel_loop3A_522 : i32
          %parallel_loop3A_524 = arith.constant 32 : i32
          %parallel_loop3A_525 = arith.addi %parallel_loop3A_523, %parallel_loop3A_524 : i32
          %parallel_loop3A_526 = arith.index_cast %parallel_loop3A_525 : i32 to index
          %parallel_loop3A_527 = tpu.vector_load %arg9[%parallel_loop3A_526] {strides = array<i32>} : memref<4096xf32, #tpu.memory_space<vmem>>, vector<16xf32>,
          tpu.vector_store %arg9[%parallel_loop3A_526], %parallel_loop3A_521 {strides = array<i32>} : memref<4096xf32, #tpu.memory_space<vmem>>, vector<16xf32>,
          %parallel_loop3A_528 = arith.addi %parallel_loop3A_473, %min3A_373 : vector<16xi32>
          %parallel_loop3A_529 = tpu.vector_load_idx %arg7[%parallel_loop3A_528] : memref<5476xf32, #tpu.memory_space<vmem>>[vector<16xi32>], vector<16xf32>,
          %parallel_loop3A_530 = arith.addi %parallel_loop3A_473, %min3A_397 : vector<16xi32>
          %parallel_loop3A_531 = tpu.vector_load_idx %arg7[%parallel_loop3A_530] : memref<5476xf32, #tpu.memory_space<vmem>>[vector<16xi32>], vector<16xf32>,
          %parallel_loop3A_532 = arith.subf %parallel_loop3A_531, %parallel_loop3A_529 : vector<16xf32>
          %parallel_loop3A_533 = vector.broadcast %reduce_sum3A_322 : f32 to vector<16xf32>
          %parallel_loop3A_534 = arith.mulf %parallel_loop3A_533, %parallel_loop3A_532 : vector<16xf32>
          %parallel_loop3A_535 = arith.addf %parallel_loop3A_529, %parallel_loop3A_534 : vector<16xf32>
          %parallel_loop3A_536 = arith.subf %parallel_loop3A_535, %parallel_loop3A_460 : vector<16xf32>
          %parallel_loop3A_537 = vector.broadcast %reduce_sum3A_329 : f32 to vector<16xf32>
          %parallel_loop3A_538 = arith.mulf %parallel_loop3A_537, %parallel_loop3A_536 : vector<16xf32>
          %parallel_loop3A_539 = arith.addf %parallel_loop3A_460, %parallel_loop3A_538 : vector<16xf32>
          %parallel_loop3A_540 = arith.constant 64 : i32
          %parallel_loop3A_541 = arith.muli %parallel_loop3A_456, %parallel_loop3A_540 : i32
          %parallel_loop3A_542 = arith.constant 48 : i32
          %parallel_loop3A_543 = arith.addi %parallel_loop3A_541, %parallel_loop3A_542 : i32
          %parallel_loop3A_544 = arith.index_cast %parallel_loop3A_543 : i32 to index
          %parallel_loop3A_545 = tpu.vector_load %arg9[%parallel_loop3A_544] {strides = array<i32>} : memref<4096xf32, #tpu.memory_space<vmem>>, vector<16xf32>,
          tpu.vector_store %arg9[%parallel_loop3A_544], %parallel_loop3A_539 {strides = array<i32>} : memref<4096xf32, #tpu.memory_space<vmem>>, vector<16xf32>,
          scf.yield %parallel_loop3A_481, %parallel_loop3A_499, %parallel_loop3A_517, %parallel_loop3A_535 : vector<16xf32>, vector<16xf32>, vector<16xf32>, vector<16xf32>
        } {sc.loop_unroll_factor = 4 : i64, sc.parallel_access}
      } else {
        %parallel_loop3A = arith.constant 0 : i32
        %parallel_loop3A_414 = arith.constant 64 : i32
        %parallel_loop3A_415 = arith.constant 1 : i32
        scf.for %parallel_loop3A_416 = %parallel_loop3A to %parallel_loop3A_414 step %parallel_loop3A_415  : i32 {
          %parallel_loop3A_417 = arith.addi %parallel_loop3A_416, %reduce_sum3A_315 : i32
          %parallel_loop3A_418 = arith.constant 0 : i32
          %parallel_loop3A_419 = arith.constant 73 : i32
          %parallel_loop3A_420 = arith.maxsi %parallel_loop3A_418, %parallel_loop3A_417 : i32
          %parallel_loop3A_421 = arith.minsi %parallel_loop3A_419, %parallel_loop3A_420 : i32
          %parallel_loop3A_422 = arith.constant 1 : i32
          %parallel_loop3A_423 = arith.addi %parallel_loop3A_421, %parallel_loop3A_422 : i32
          %parallel_loop3A_424 = arith.constant 73 : i32
          %parallel_loop3A_425 = arith.minsi %parallel_loop3A_423, %parallel_loop3A_424 : i32
          %parallel_loop3A_426 = arith.constant 0 : i32
          %parallel_loop3A_427 = vector.broadcast %parallel_loop3A_426 : i32 to vector<16xi32>
          %parallel_loop3A_428 = arith.constant 74 : i32
          %parallel_loop3A_429 = arith.muli %parallel_loop3A_421, %parallel_loop3A_428 : i32
          %parallel_loop3A_430 = vector.broadcast %parallel_loop3A_429 : i32 to vector<16xi32>
          %parallel_loop3A_431 = arith.addi %parallel_loop3A_427, %parallel_loop3A_430 : vector<16xi32>
          %parallel_loop3A_432 = arith.constant 0 : i32
          %parallel_loop3A_433 = vector.broadcast %parallel_loop3A_432 : i32 to vector<16xi32>
          %parallel_loop3A_434 = arith.constant 74 : i32
          %parallel_loop3A_435 = arith.muli %parallel_loop3A_425, %parallel_loop3A_434 : i32
          %parallel_loop3A_436 = vector.broadcast %parallel_loop3A_435 : i32 to vector<16xi32>
          %parallel_loop3A_437 = arith.addi %parallel_loop3A_433, %parallel_loop3A_436 : vector<16xi32>
          %parallel_loop3A_438 = arith.addi %parallel_loop3A_431, %min3A_340 : vector<16xi32>
          %parallel_loop3A_439 = tpu.vector_load_idx %arg7[%parallel_loop3A_438] : memref<5476xf32, #tpu.memory_space<vmem>>[vector<16xi32>], vector<16xf32>,
          %parallel_loop3A_440 = arith.addi %parallel_loop3A_431, %min3A_379 : vector<16xi32>
          %parallel_loop3A_441 = tpu.vector_load_idx %arg7[%parallel_loop3A_440] : memref<5476xf32, #tpu.memory_space<vmem>>[vector<16xi32>], vector<16xf32>,
          %parallel_loop3A_442 = arith.addi %parallel_loop3A_437, %min3A_340 : vector<16xi32>
          %parallel_loop3A_443 = tpu.vector_load_idx %arg7[%parallel_loop3A_442] : memref<5476xf32, #tpu.memory_space<vmem>>[vector<16xi32>], vector<16xf32>,
          %parallel_loop3A_444 = arith.addi %parallel_loop3A_437, %min3A_379 : vector<16xi32>
          %parallel_loop3A_445 = tpu.vector_load_idx %arg7[%parallel_loop3A_444] : memref<5476xf32, #tpu.memory_space<vmem>>[vector<16xi32>], vector<16xf32>,
          %parallel_loop3A_446 = arith.subf %parallel_loop3A_441, %parallel_loop3A_439 : vector<16xf32>
          %parallel_loop3A_447 = vector.broadcast %reduce_sum3A_322 : f32 to vector<16xf32>
          %parallel_loop3A_448 = arith.mulf %parallel_loop3A_447, %parallel_loop3A_446 : vector<16xf32>
          %parallel_loop3A_449 = arith.addf %parallel_loop3A_439, %parallel_loop3A_448 : vector<16xf32>
          %parallel_loop3A_450 = arith.subf %parallel_loop3A_445, %parallel_loop3A_443 : vector<16xf32>
          %parallel_loop3A_451 = vector.broadcast %reduce_sum3A_322 : f32 to vector<16xf32>
          %parallel_loop3A_452 = arith.mulf %parallel_loop3A_451, %parallel_loop3A_450 : vector<16xf32>
          %parallel_loop3A_453 = arith.addf %parallel_loop3A_443, %parallel_loop3A_452 : vector<16xf32>
          %parallel_loop3A_454 = arith.subf %parallel_loop3A_453, %parallel_loop3A_449 : vector<16xf32>
          %parallel_loop3A_455 = vector.broadcast %reduce_sum3A_329 : f32 to vector<16xf32>
          %parallel_loop3A_456 = arith.mulf %parallel_loop3A_455, %parallel_loop3A_454 : vector<16xf32>
          %parallel_loop3A_457 = arith.addf %parallel_loop3A_449, %parallel_loop3A_456 : vector<16xf32>
          %parallel_loop3A_458 = arith.constant 64 : i32
          %parallel_loop3A_459 = arith.muli %parallel_loop3A_416, %parallel_loop3A_458 : i32
          %parallel_loop3A_460 = arith.constant 0 : i32
          %parallel_loop3A_461 = arith.addi %parallel_loop3A_459, %parallel_loop3A_460 : i32
          %parallel_loop3A_462 = arith.index_cast %parallel_loop3A_461 : i32 to index
          %parallel_loop3A_463 = tpu.vector_load %arg9[%parallel_loop3A_462] {strides = array<i32>} : memref<4096xf32, #tpu.memory_space<vmem>>, vector<16xf32>,
          tpu.vector_store %arg9[%parallel_loop3A_462], %parallel_loop3A_457 {strides = array<i32>} : memref<4096xf32, #tpu.memory_space<vmem>>, vector<16xf32>,
          %parallel_loop3A_464 = arith.addi %parallel_loop3A_431, %min3A_351 : vector<16xi32>
          %parallel_loop3A_465 = tpu.vector_load_idx %arg7[%parallel_loop3A_464] : memref<5476xf32, #tpu.memory_space<vmem>>[vector<16xi32>], vector<16xf32>,
          %parallel_loop3A_466 = arith.addi %parallel_loop3A_431, %min3A_385 : vector<16xi32>
          %parallel_loop3A_467 = tpu.vector_load_idx %arg7[%parallel_loop3A_466] : memref<5476xf32, #tpu.memory_space<vmem>>[vector<16xi32>], vector<16xf32>,
          %parallel_loop3A_468 = arith.addi %parallel_loop3A_437, %min3A_351 : vector<16xi32>
          %parallel_loop3A_469 = tpu.vector_load_idx %arg7[%parallel_loop3A_468] : memref<5476xf32, #tpu.memory_space<vmem>>[vector<16xi32>], vector<16xf32>,
          %parallel_loop3A_470 = arith.addi %parallel_loop3A_437, %min3A_385 : vector<16xi32>
          %parallel_loop3A_471 = tpu.vector_load_idx %arg7[%parallel_loop3A_470] : memref<5476xf32, #tpu.memory_space<vmem>>[vector<16xi32>], vector<16xf32>,
          %parallel_loop3A_472 = arith.subf %parallel_loop3A_467, %parallel_loop3A_465 : vector<16xf32>
          %parallel_loop3A_473 = vector.broadcast %reduce_sum3A_322 : f32 to vector<16xf32>
          %parallel_loop3A_474 = arith.mulf %parallel_loop3A_473, %parallel_loop3A_472 : vector<16xf32>
          %parallel_loop3A_475 = arith.addf %parallel_loop3A_465, %parallel_loop3A_474 : vector<16xf32>
          %parallel_loop3A_476 = arith.subf %parallel_loop3A_471, %parallel_loop3A_469 : vector<16xf32>
          %parallel_loop3A_477 = vector.broadcast %reduce_sum3A_322 : f32 to vector<16xf32>
          %parallel_loop3A_478 = arith.mulf %parallel_loop3A_477, %parallel_loop3A_476 : vector<16xf32>
          %parallel_loop3A_479 = arith.addf %parallel_loop3A_469, %parallel_loop3A_478 : vector<16xf32>
          %parallel_loop3A_480 = arith.subf %parallel_loop3A_479, %parallel_loop3A_475 : vector<16xf32>
          %parallel_loop3A_481 = vector.broadcast %reduce_sum3A_329 : f32 to vector<16xf32>
          %parallel_loop3A_482 = arith.mulf %parallel_loop3A_481, %parallel_loop3A_480 : vector<16xf32>
          %parallel_loop3A_483 = arith.addf %parallel_loop3A_475, %parallel_loop3A_482 : vector<16xf32>
          %parallel_loop3A_484 = arith.constant 64 : i32
          %parallel_loop3A_485 = arith.muli %parallel_loop3A_416, %parallel_loop3A_484 : i32
          %parallel_loop3A_486 = arith.constant 16 : i32
          %parallel_loop3A_487 = arith.addi %parallel_loop3A_485, %parallel_loop3A_486 : i32
          %parallel_loop3A_488 = arith.index_cast %parallel_loop3A_487 : i32 to index
          %parallel_loop3A_489 = tpu.vector_load %arg9[%parallel_loop3A_488] {strides = array<i32>} : memref<4096xf32, #tpu.memory_space<vmem>>, vector<16xf32>,
          tpu.vector_store %arg9[%parallel_loop3A_488], %parallel_loop3A_483 {strides = array<i32>} : memref<4096xf32, #tpu.memory_space<vmem>>, vector<16xf32>,
          %parallel_loop3A_490 = arith.addi %parallel_loop3A_431, %min3A_362 : vector<16xi32>
          %parallel_loop3A_491 = tpu.vector_load_idx %arg7[%parallel_loop3A_490] : memref<5476xf32, #tpu.memory_space<vmem>>[vector<16xi32>], vector<16xf32>,
          %parallel_loop3A_492 = arith.addi %parallel_loop3A_431, %min3A_391 : vector<16xi32>
          %parallel_loop3A_493 = tpu.vector_load_idx %arg7[%parallel_loop3A_492] : memref<5476xf32, #tpu.memory_space<vmem>>[vector<16xi32>], vector<16xf32>,
          %parallel_loop3A_494 = arith.addi %parallel_loop3A_437, %min3A_362 : vector<16xi32>
          %parallel_loop3A_495 = tpu.vector_load_idx %arg7[%parallel_loop3A_494] : memref<5476xf32, #tpu.memory_space<vmem>>[vector<16xi32>], vector<16xf32>,
          %parallel_loop3A_496 = arith.addi %parallel_loop3A_437, %min3A_391 : vector<16xi32>
          %parallel_loop3A_497 = tpu.vector_load_idx %arg7[%parallel_loop3A_496] : memref<5476xf32, #tpu.memory_space<vmem>>[vector<16xi32>], vector<16xf32>,
          %parallel_loop3A_498 = arith.subf %parallel_loop3A_493, %parallel_loop3A_491 : vector<16xf32>
          %parallel_loop3A_499 = vector.broadcast %reduce_sum3A_322 : f32 to vector<16xf32>
          %parallel_loop3A_500 = arith.mulf %parallel_loop3A_499, %parallel_loop3A_498 : vector<16xf32>
          %parallel_loop3A_501 = arith.addf %parallel_loop3A_491, %parallel_loop3A_500 : vector<16xf32>
          %parallel_loop3A_502 = arith.subf %parallel_loop3A_497, %parallel_loop3A_495 : vector<16xf32>
          %parallel_loop3A_503 = vector.broadcast %reduce_sum3A_322 : f32 to vector<16xf32>
          %parallel_loop3A_504 = arith.mulf %parallel_loop3A_503, %parallel_loop3A_502 : vector<16xf32>
          %parallel_loop3A_505 = arith.addf %parallel_loop3A_495, %parallel_loop3A_504 : vector<16xf32>
          %parallel_loop3A_506 = arith.subf %parallel_loop3A_505, %parallel_loop3A_501 : vector<16xf32>
          %parallel_loop3A_507 = vector.broadcast %reduce_sum3A_329 : f32 to vector<16xf32>
          %parallel_loop3A_508 = arith.mulf %parallel_loop3A_507, %parallel_loop3A_506 : vector<16xf32>
          %parallel_loop3A_509 = arith.addf %parallel_loop3A_501, %parallel_loop3A_508 : vector<16xf32>
          %parallel_loop3A_510 = arith.constant 64 : i32
          %parallel_loop3A_511 = arith.muli %parallel_loop3A_416, %parallel_loop3A_510 : i32
          %parallel_loop3A_512 = arith.constant 32 : i32
          %parallel_loop3A_513 = arith.addi %parallel_loop3A_511, %parallel_loop3A_512 : i32
          %parallel_loop3A_514 = arith.index_cast %parallel_loop3A_513 : i32 to index
          %parallel_loop3A_515 = tpu.vector_load %arg9[%parallel_loop3A_514] {strides = array<i32>} : memref<4096xf32, #tpu.memory_space<vmem>>, vector<16xf32>,
          tpu.vector_store %arg9[%parallel_loop3A_514], %parallel_loop3A_509 {strides = array<i32>} : memref<4096xf32, #tpu.memory_space<vmem>>, vector<16xf32>,
          %parallel_loop3A_516 = arith.addi %parallel_loop3A_431, %min3A_373 : vector<16xi32>
          %parallel_loop3A_517 = tpu.vector_load_idx %arg7[%parallel_loop3A_516] : memref<5476xf32, #tpu.memory_space<vmem>>[vector<16xi32>], vector<16xf32>,
          %parallel_loop3A_518 = arith.addi %parallel_loop3A_431, %min3A_397 : vector<16xi32>
          %parallel_loop3A_519 = tpu.vector_load_idx %arg7[%parallel_loop3A_518] : memref<5476xf32, #tpu.memory_space<vmem>>[vector<16xi32>], vector<16xf32>,
          %parallel_loop3A_520 = arith.addi %parallel_loop3A_437, %min3A_373 : vector<16xi32>
          %parallel_loop3A_521 = tpu.vector_load_idx %arg7[%parallel_loop3A_520] : memref<5476xf32, #tpu.memory_space<vmem>>[vector<16xi32>], vector<16xf32>,
          %parallel_loop3A_522 = arith.addi %parallel_loop3A_437, %min3A_397 : vector<16xi32>
          %parallel_loop3A_523 = tpu.vector_load_idx %arg7[%parallel_loop3A_522] : memref<5476xf32, #tpu.memory_space<vmem>>[vector<16xi32>], vector<16xf32>,
          %parallel_loop3A_524 = arith.subf %parallel_loop3A_519, %parallel_loop3A_517 : vector<16xf32>
          %parallel_loop3A_525 = vector.broadcast %reduce_sum3A_322 : f32 to vector<16xf32>
          %parallel_loop3A_526 = arith.mulf %parallel_loop3A_525, %parallel_loop3A_524 : vector<16xf32>
          %parallel_loop3A_527 = arith.addf %parallel_loop3A_517, %parallel_loop3A_526 : vector<16xf32>
          %parallel_loop3A_528 = arith.subf %parallel_loop3A_523, %parallel_loop3A_521 : vector<16xf32>
          %parallel_loop3A_529 = vector.broadcast %reduce_sum3A_322 : f32 to vector<16xf32>
          %parallel_loop3A_530 = arith.mulf %parallel_loop3A_529, %parallel_loop3A_528 : vector<16xf32>
          %parallel_loop3A_531 = arith.addf %parallel_loop3A_521, %parallel_loop3A_530 : vector<16xf32>
          %parallel_loop3A_532 = arith.subf %parallel_loop3A_531, %parallel_loop3A_527 : vector<16xf32>
          %parallel_loop3A_533 = vector.broadcast %reduce_sum3A_329 : f32 to vector<16xf32>
          %parallel_loop3A_534 = arith.mulf %parallel_loop3A_533, %parallel_loop3A_532 : vector<16xf32>
          %parallel_loop3A_535 = arith.addf %parallel_loop3A_527, %parallel_loop3A_534 : vector<16xf32>
          %parallel_loop3A_536 = arith.constant 64 : i32
          %parallel_loop3A_537 = arith.muli %parallel_loop3A_416, %parallel_loop3A_536 : i32
          %parallel_loop3A_538 = arith.constant 48 : i32
          %parallel_loop3A_539 = arith.addi %parallel_loop3A_537, %parallel_loop3A_538 : i32
          %parallel_loop3A_540 = arith.index_cast %parallel_loop3A_539 : i32 to index
          %parallel_loop3A_541 = tpu.vector_load %arg9[%parallel_loop3A_540] {strides = array<i32>} : memref<4096xf32, #tpu.memory_space<vmem>>, vector<16xf32>,
          tpu.vector_store %arg9[%parallel_loop3A_540], %parallel_loop3A_535 {strides = array<i32>} : memref<4096xf32, #tpu.memory_space<vmem>>, vector<16xf32>,
        } {sc.loop_unroll_factor = 4 : i64, sc.parallel_access}
      }
      %dma_start3A_403 = arith.constant 0 : i32
      %dma_start3A_404 = tpu.memref_slice %arg5[%add3A_222, %dma_start3A_403] : memref<4096x4096xf32, #tpu.memory_space<hbm>> -> memref<1x4096xf32, #tpu.memory_space<hbm>>
      %dma_start3A_405 = tpu.memref_squeeze %dma_start3A_404 : memref<1x4096xf32, #tpu.memory_space<hbm>> -> memref<4096xf32, #tpu.memory_space<hbm>>
      %dma_start3A_406 = arith.constant 0 : i32
      %dma_start3A_407 = tpu.memref_slice %arg5[%add3A_222, %dma_start3A_406] : memref<4096x4096xf32, #tpu.memory_space<hbm>> -> memref<1x4096xf32, #tpu.memory_space<hbm>>
      %dma_start3A_408 = tpu.memref_squeeze %dma_start3A_407 : memref<1x4096xf32, #tpu.memory_space<hbm>> -> memref<4096xf32, #tpu.memory_space<hbm>>
      tpu.enqueue_dma source(%arg9 : memref<4096xf32, #tpu.memory_space<vmem>>) target(%dma_start3A_408 : memref<4096xf32, #tpu.memory_space<hbm>>) target_semaphore(%arg15 : memref<!tpu.dma_semaphore, #tpu.memory_space<semaphore_mem>>)
      %lt3A_409 = arith.constant 63 : i32
      %lt3A_410 = arith.cmpi slt, %scan3A_39, %lt3A_409 : i32
      %convert_element_type3A_411 = arith.extui %lt3A_410 : i1 to i32
      %cond3A_412 = arith.constant 0 : i32
      %cond3A_413 = arith.cmpi ne, %convert_element_type3A_411, %cond3A_412 : i32
      scf.if %cond3A_413 {
        %add3A_414 = arith.constant 2 : i32
        %add3A_415 = arith.addi %add3A_222, %add3A_414 : i32
        %dma_start3A_416 = arith.constant 0 : i32
        %dma_start3A_417 = tpu.memref_slice %arg2[%add3A_415, %dma_start3A_416] : memref<4096x5476xf32, #tpu.memory_space<hbm>> -> memref<1x5476xf32, #tpu.memory_space<hbm>>
        %dma_start3A_418 = tpu.memref_squeeze %dma_start3A_417 : memref<1x5476xf32, #tpu.memory_space<hbm>> -> memref<5476xf32, #tpu.memory_space<hbm>>
        %dma_start3A_419 = arith.constant 0 : i32
        %dma_start3A_420 = tpu.memref_slice %arg2[%add3A_415, %dma_start3A_419] : memref<4096x5476xf32, #tpu.memory_space<hbm>> -> memref<1x5476xf32, #tpu.memory_space<hbm>>
        %dma_start3A_421 = tpu.memref_squeeze %dma_start3A_420 : memref<1x5476xf32, #tpu.memory_space<hbm>> -> memref<5476xf32, #tpu.memory_space<hbm>>
        tpu.enqueue_dma source(%dma_start3A_421 : memref<5476xf32, #tpu.memory_space<hbm>>) target(%arg7 : memref<5476xf32, #tpu.memory_space<vmem>>) target_semaphore(%arg13 : memref<!tpu.dma_semaphore, #tpu.memory_space<semaphore_mem>>)
      } else {
      }
    }
    %scan3A_20 = arith.constant 64 : i32
    %add3A_21 = arith.constant 128 : i32
    %add3A_22 = arith.addi %mul3A_2, %add3A_21 : i32
    %sub3A = arith.constant 2 : i32
    %sub3A_23 = arith.subi %add3A_22, %sub3A : i32
    %dma_wait3A = arith.constant 0 : i32
    %dma_wait3A_24 = tpu.memref_slice %arg5[%sub3A_23, %dma_wait3A] : memref<4096x4096xf32, #tpu.memory_space<hbm>> -> memref<1x4096xf32, #tpu.memory_space<hbm>>
    %dma_wait3A_25 = tpu.memref_squeeze %dma_wait3A_24 : memref<1x4096xf32, #tpu.memory_space<hbm>> -> memref<4096xf32, #tpu.memory_space<hbm>>
    %dma_wait3A_26 = arith.constant 0 : i32
    %dma_wait3A_27 = tpu.memref_slice %arg5[%sub3A_23, %dma_wait3A_26] : memref<4096x4096xf32, #tpu.memory_space<hbm>> -> memref<1x4096xf32, #tpu.memory_space<hbm>>
    %dma_wait3A_28 = tpu.memref_squeeze %dma_wait3A_27 : memref<1x4096xf32, #tpu.memory_space<hbm>> -> memref<4096xf32, #tpu.memory_space<hbm>>
    tpu.wait_dma2 semaphore(%arg14 : memref<!tpu.dma_semaphore, #tpu.memory_space<semaphore_mem>>) src(%arg8 : memref<4096xf32, #tpu.memory_space<vmem>>) dst(%dma_wait3A_28 : memref<4096xf32, #tpu.memory_space<hbm>>)
    %add3A_29 = arith.constant 128 : i32
    %add3A_30 = arith.addi %mul3A_2, %add3A_29 : i32
    %sub3A_31 = arith.constant 1 : i32
    %sub3A_32 = arith.subi %add3A_30, %sub3A_31 : i32
    %dma_wait3A_33 = arith.constant 0 : i32
    %dma_wait3A_34 = tpu.memref_slice %arg5[%sub3A_32, %dma_wait3A_33] : memref<4096x4096xf32, #tpu.memory_space<hbm>> -> memref<1x4096xf32, #tpu.memory_space<hbm>>
    %dma_wait3A_35 = tpu.memref_squeeze %dma_wait3A_34 : memref<1x4096xf32, #tpu.memory_space<hbm>> -> memref<4096xf32, #tpu.memory_space<hbm>>
    %dma_wait3A_36 = arith.constant 0 : i32
    %dma_wait3A_37 = tpu.memref_slice %arg5[%sub3A_32, %dma_wait3A_36] : memref<4096x4096xf32, #tpu.memory_space<hbm>> -> memref<1x4096xf32, #tpu.memory_space<hbm>>
    %dma_wait3A_38 = tpu.memref_squeeze %dma_wait3A_37 : memref<1x4096xf32, #tpu.memory_space<hbm>> -> memref<4096xf32, #tpu.memory_space<hbm>>
    tpu.wait_dma2 semaphore(%arg15 : memref<!tpu.dma_semaphore, #tpu.memory_space<semaphore_mem>>) src(%arg9 : memref<4096xf32, #tpu.memory_space<vmem>>) dst(%dma_wait3A_38 : memref<4096xf32, #tpu.memory_space<hbm>>)
    return
  }
}

</mosaic_0001>

<sc_bundles>
// kernel: _run.3.cloned.1.call-start
scs
__scs_entry_jumppad:
0x0: {  	(pc) =	sbr.rel $0x88, $3  }
0x1: {  	(tag) =	ssettag $0x0;
	lr =	simm.s32 $0x1  }
0x2: {  	[smem:$0x3F9E] =	sst lr;
	_ =	strace $0xD0000000  }
0x3: {  	_ = 	snop  }
0x4: {  	_ = 	snop  }
0x5: {  	_ = 	snop  }
0x6: {  	_ = 	snop  }
0x7: {  	_ = 	snop  }
__scs_overlays_trampoline_lowered:
0x8: {  	[smem:$0x3FAD] =	sst s0  }
0x9: {  	[smem:$0x3FAE] =	sst s1  }
0xa: {  	[smem:$0x3FAF] =	sst s2  }
0xb: {  	[smem:$0x3FB0] =	sst s3  }
0xc: {  	[smem:$0x3FB1] =	sst s4  }
0xd: {  	[smem:$0x3FB2] =	sst s5  }
0xe: {  	[smem:$0x3FB3] =	sst s6  }
0xf: {  	[smem:$0x3FB4] =	sst s7  }
0x10: {  	[smem:$0x3FB5] =	sst s8  }
0x11: {  	[smem:$0x3FB6] =	sst s9;
	s0 =	simm.s32 @!p0 $0x0  }
0x12: {  	s1 =	sld [smem:$0x3F9C];
	s0 =	simm.s32 @p0 $0x1  }
0x13: {  	[smem:$0x3FB7] =	sst s0;
	s0 =	simm.s32 @!p1 $0x0  }
0x14: {  	s2 =	sld [smem:$0x3F9B];
	s0 =	simm.s32 @p1 $0x1  }
0x15: {  	[smem:$0x3FB8] =	sst s0;
	s0 =	simm.s32 @!p2 $0x0  }
0x16: {  	s3 =	sld [smem:$0x3FDB];
	s0 =	simm.s32 @p2 $0x1  }
0x17: {  	s4 =	simm.s32 $0x1BF5;
	[smem:$0x3FBA] =	sst s0  }
0x18: {  	s0 =	sld [smem:$0x3F9D];
	_ =	swait.ge [sflag:s4], $0x0  }
0x19: {  	s7 =	sld [smem:$0x3F9E]  }
0x1a: {  	s8 =	sadd.s32 $0xFFFFE003, lr  }
0x1b: {  	s9 =	sadd.s32 $0xFFFFFEF7, lr;
	s5 =	simm.s32 $0xFFFFFFFF;
	p2 =	slt.u32 s8, $0xFFFFF086  }
0x1c: {  	p1 =	slt.u32 s9, $0xF7A;
	s5 =	simm.s32 @!p2 $0x0  }
0x1d: {  	s5 =	simm.s32 @p1 $0x1;
	p0 =	seq.s32 s7, s2  }
0x1e: {  	s7 =	smul.u32 @!p0 $0xF7A, s2;
	p2 =	seq.s32 @!p0 s5, $0x0  }
0x1f: {  	s9 =	smul.u32 $0xF7A, s1;
	s8 =	simm.s32 @!p0 $0x1BF5;
	p2 =	por !p2, p0  }
0x20: {  	[sflag:s8] =	ssyncset.s32 @!p0 $0xFFFFF086;
	s6 =	sadd.s32 @!p0 s3, s7;
	s7 =	simm.s32 @!p0 $0x108  }
0x21: {  	s3 =	sadd.s32 s3, s9;
	s6 =	sadd.s32 @!p0 $0x88, s6;
	s7 =	simm.s32 @p2 $0x1082  }
0x22: {  	[simem:s7], [sflag:s8] =	dma.local @!p0 [hbm:s6], $0xF7A  }
0x23: {  	s9 =	sor.u32 $0xD0000000, s2;
	s6 =	simm.s32 $0x108;
	_ =	swait.ge @!p0 [sflag:s8], $0x0  }
0x24: {  	s3 =	sadd.s32 $0x88, s3;
	s6 =	simm.s32 @!p1 $0x1082;
	[sflag:s4] =	ssyncset.s32 $0xFFFFF086  }
0x25: {  	[simem:s6], [sflag:s4] =	dma.local [hbm:s3], $0xF7A  }
0x26: {  	[smem:$0x3F9E] =	sst s1;
	(tag) =	ssettag s2;
	_ =	strace s9  }
0x27: {  	s1 =	sld [smem:$0x3FAE]  }
0x28: {  	s2 =	sld [smem:$0x3FAF]  }
0x29: {  	s4 =	sld [smem:$0x3FB1]  }
0x2a: {  	p0 =	seq.s32 s5, $0x0;
	s5 =	sld [smem:$0x3FB2]  }
0x2b: {  	s6 =	sld [smem:$0x3FB3]  }
0x2c: {  	s7 =	sld [smem:$0x3FB4]  }
0x2d: {  	s3 =	simm.s32 $0x108;
	s8 =	sld [smem:$0x3FB5]  }
0x2e: {  	s3 =	simm.s32 @!p0 $0x1082;
	s9 =	sld [smem:$0x3FB6]  }
0x2f: {  	lr =	sadd.s32 s0, s3;
	s0 =	sld [smem:$0x3FAD]  }
0x30: {  	s3 =	sld [smem:$0x3FB0]  }
0x31: {  	[smem:$0x3FB9] =	sst s10  }
0x32: {  	s10 =	sld [smem:$0x3FB7];
	_ =	sdelay $0x3  }
0x33: {  	p0 =	seq.s32 s10, $0x1;
	s10 =	sld [smem:$0x3FB9];
	_ =	sdelay $0x3  }
0x34: {  	[smem:$0x3FB9] =	sst s10  }
0x35: {  	s10 =	sld [smem:$0x3FB8];
	_ =	sdelay $0x3  }
0x36: {  	p1 =	seq.s32 s10, $0x1;
	s10 =	sld [smem:$0x3FB9];
	_ =	sdelay $0x3  }
0x37: {  	[smem:$0x3FB9] =	sst s10  }
0x38: {  	s10 =	sld [smem:$0x3FBA]  }
0x39: {  	_ = 	snop;
	(pc) =	sbr.ind lr, $3  }
0x3a: {  	_ = 	snop  }
0x3b: {  	_ = 	snop  }
0x3c: {  	p2 =	seq.s32 s10, $0x1;
	s10 =	sld [smem:$0x3FB9]  }
0x3d: {  	_ =	shalt  }
0x3e: {  	_ =	shalt  }
0x3f: {  	_ =	shalt  }
0x40: {  	_ =	shalt  }
0x41: {  	_ =	shalt  }
0x42: {  	_ =	shalt  }
0x43: {  	_ =	shalt  }
0x44: {  	_ =	shalt  }
0x45: {  	_ =	shalt  }
0x46: {  	_ =	shalt  }
0x47: {  	_ =	shalt  }
0x48: {  	_ =	shalt  }
0x49: {  	_ =	shalt  }
0x4a: {  	_ =	shalt  }
0x4b: {  	_ =	shalt  }
0x4c: {  	_ =	shalt  }
0x4d: {  	_ =	shalt  }
0x4e: {  	_ =	shalt  }
0x4f: {  	_ =	shalt  }
0x50: {  	_ =	shalt  }
0x51: {  	_ =	shalt  }
0x52: {  	_ =	shalt  }
0x53: {  	_ =	shalt  }
0x54: {  	_ =	shalt  }
0x55: {  	_ =	shalt  }
0x56: {  	_ =	shalt  }
0x57: {  	_ =	shalt  }
0x58: {  	_ =	shalt  }
0x59: {  	_ =	shalt  }
0x5a: {  	_ =	shalt  }
0x5b: {  	_ =	shalt  }
0x5c: {  	_ =	shalt  }
0x5d: {  	_ =	shalt  }
0x5e: {  	_ =	shalt  }
0x5f: {  	_ =	shalt  }
0x60: {  	_ =	shalt  }
0x61: {  	_ =	shalt  }
0x62: {  	_ =	shalt  }
0x63: {  	_ =	shalt  }
0x64: {  	_ =	shalt  }
0x65: {  	_ =	shalt  }
0x66: {  	_ =	shalt  }
0x67: {  	_ =	shalt  }
0x68: {  	_ =	shalt  }
0x69: {  	_ =	shalt  }
0x6a: {  	_ =	shalt  }
0x6b: {  	_ =	shalt  }
0x6c: {  	_ =	shalt  }
0x6d: {  	_ =	shalt  }
0x6e: {  	_ =	shalt  }
0x6f: {  	_ =	shalt  }
0x70: {  	_ =	shalt  }
0x71: {  	_ =	shalt  }
0x72: {  	_ =	shalt  }
0x73: {  	_ =	shalt  }
0x74: {  	_ =	shalt  }
0x75: {  	_ =	shalt  }
0x76: {  	_ =	shalt  }
0x77: {  	_ =	shalt  }
0x78: {  	_ =	shalt  }
0x79: {  	_ =	shalt  }
0x7a: {  	_ =	shalt  }
0x7b: {  	_ =	shalt  }
0x7c: {  	_ =	shalt  }
0x7d: {  	_ =	shalt  }
0x7e: {  	_ =	shalt  }
0x7f: {  	_ =	shalt  }
0x80: {  	_ =	shalt  }
0x81: {  	_ =	shalt  }
0x82: {  	_ =	shalt  }
0x83: {  	_ =	shalt  }
0x84: {  	_ =	shalt  }
0x85: {  	_ =	shalt  }
0x86: {  	_ =	shalt  }
0x87: {  	_ =	shalt  }
.Lfunc_end0:
.L_simem_size_0:
called_computation_lowered:
.L_overlay_start_0:
0x88: {  	s2 =	sld [smem:$0x3FD9]  }
0x89: {  	s3 =	sld [smem:$0x3FFE];
	_ =	sdelay $0x1  }
0x8a: {  	s1 =	srdreg.scid  }
0x8b: {  	s0 =	sand.u32 $0x1, s1  }
0x8c: {  	s17 =	sshll.u32 s0, $0xA;
	s2 =	sadd.s32 s3, s2  }
0x8d: {  	s2 =	sadd.s32 s2, s17  }
0x8e: {  	[smem:$0x3FC5] =	sst s2  }
0x8f: {  	_ = 	snop  }
0x90: {  	s2 =	sld [smem:$0x3FC8]  }
0x91: {  	s18 =	sld [smem:$0x3FC7]  }
0x92: {  	s4 =	sld [smem:$0x3FD0];
	(tm) =	ssettm $0x1  }
0x93: {  	s5 =	sld [smem:$0x3FFB];
	_ =	sdelay $0x3  }
0x94: {  	_ =	strace s5  }
0x95: {  	s5 =	sld [smem:$0x3FFC];
	_ =	sdelay $0x3  }
0x96: {  	_ =	strace s5  }
0x97: {  	s5 =	sld [smem:$0x3FFD];
	_ =	sdelay $0x3  }
0x98: {  	_ =	strace s5  }
0x99: {  	_ =	strace $0x8FFFFFFF  }
0x9a: {  	s19 =	sld [smem:$0x3FDB];
	_ =	sdelay $0x1  }
0x9b: {  	s6 =	simm.s32 $_scs_section_size  }
0x9c: {  	s7 =	simm.s32 $_size__tile_overlayer_lowered;
	s8 =	simm.s32 $_tile_overlayer_lowered  }
0x9d: {  	s22 =	simm.s32 $0x1BFF;
	s21 =	sshll.u32 s8, $0x1;
	s5 =	sadd.s32 s6, s19  }
0x9e: {  	s9 =	simm.s32 $0x0;
	s20 =	sshll.u32 s7, $0x1;
	s7 =	sadd.s32 s21, s5  }
0x9f: {  	[timem:s9], [sflag:s22] =	dma.local [hbm:s7], s20  }
0xa0: {  	_ =	swait.ge [sflag:s22], s20  }
0xa1: {  	s6 =	ssub.s32 $0x0, s20;
	[sflag:s22] =	ssyncset.done $0x0  }
0xa2: {  	[sflag:s22] =	ssyncadd.s32 s6;
	_ =	sdelay $0x1  }
0xa3: {  	s23 =	simm.s32 $0x1B8B  }
0xa4: {  	_ =	swait.ge [sflag:s23], $0x1  }
0xa5: {  	[sflag:s23] =	ssyncset.done $0x0  }
0xa6: {  	s25 =	simm.s32 $0x1B8E;
	s24 =	sld [smem:$0x3FFE];
	[sflag:s23] =	ssyncadd.s32 $0xFFFFFFFF  }
0xa7: {  	s26 =	simm.s32 $execute0_lowered;
	[smem:$0x3FD2] =	sst s25  }
0xa8: {  	s7 =	sshll.u32 s26, $0x1;
	_ =	strace $0x80000046;
	[dreg:$0x1] =	wrdreg $0xFFFFFFFF  }
0xa9: {  	s28 =	simm.s32 $_size_execute0_lowered;
	s5 =	sadd.s32 s5, s7;
	[dreg:$0x0] =	wrdreg $0x0  }
0xaa: {  	s7 =	sshll.u32 s28, $0x1;
	[dreg:$0x2] =	wrdreg s5  }
0xab: {  	[dreg:$0x3] =	wrdreg s7  }
0xac: {  	[dreg:$0x4] =	wrdreg $0xC0  }
0xad: {  	_ =	task [dreg:s9], $0x5FFFF  }
0xae: {  	[dreg:$0x1] =	wrdreg $0xFFFFFFFF  }
0xaf: {  	[dreg:$0x0] =	wrdreg $0x60  }
0xb0: {  	[dreg:$0x2] =	wrdreg s24  }
0xb1: {  	[dreg:$0x3] =	wrdreg s2  }
0xb2: {  	[dreg:$0x4] =	wrdreg s18  }
0xb3: {  	[dreg:$0x5] =	wrdreg s4  }
0xb4: {  	[dreg:$0x6] =	wrdreg $0x9  }
0xb5: {  	_ =	task.clear_ibuf [dreg:s9], $0x7FFFF;
	_ =	strace $0x90000046  }
0xb6: {  	s29 =	simm.s32 $0x9;
	_ =	strace $0x80000048  }
0xb7: {  	_ =	swait.ge [sflag:s29], $0x1  }
0xb8: {  	[sflag:s29] =	ssyncadd.s32 $0xFFFFFFFF  }
0xb9: {  	_ =	strace $0x90000048  }
0xba: {  	_ =	sfence  }
0xbb: {  	s30 =	sld [smem:$0x0];
	_ =	sdelay $0x2  }
0xbc: {  	s31 =	sshll.u32 s1, $0xD;
	s1 =	sshrl.u32 s1, $0x2  }
0xbd: {  	s3 =	sand.u32 $0x4000, s31;
	s1 =	sadd.s32 s1, s30  }
0xbe: {  	s0 =	sor.u32 s3, s0;
	s1 =	sshll.u32 s1, $0x11  }
0xbf: {  	s0 =	sor.u32 s1, s0  }
0xc0: {  	s0 =	sadd.s32 $0x8F2B, s0  }
0xc1: {  	[sflag:s0] =	ssyncadd.remote.s32 $0x1  }
0xc2: {  	_ =	sfence.sel $0xFFFF  }
0xc3: {  	[dreg:$0x0] =	wrdreg $0xFFFFFFFF;
	(pc) =	sbr.abs _section_cstart, $3  }
0xc4: {  	[dreg:$0x1] =	wrdreg $0xFFFFFFFF  }
0xc5: {  	_ =	task.clear_ibuf [dreg:s9], $0x2FFFF;
	_ =	strace $0x9FFFFFFF  }
0xc6: {  	(tm) =	ssettm $0x7FFFFFFF  }
0xc7: {  	_ =	shalt  }
tec
execute0_lowered:
.L_overlay_start_1:
0x0: {  	(tag) =	ssettag $0x1  }
0x1: {  	s0 =	rddreg [dreg:$0x0]  }
0x2: {  	s1 =	rddreg [dreg:$0x1]  }
0x3: {  	s2 =	srdreg.scid;
	s6 =	rddreg [dreg:$0x2]  }
0x4: {  	s3 =	stileid.u32;
	s19 =	rddreg [dreg:$0x3];
	s5 =	sand.u32 $0x1, s2  }
0x5: {  	s3 =	sshll.u32 s3, $0x8;
	s4 =	sshll.u32 s5, $0x7;
	s7 =	ssub.s32 $0x2, s5  }
0x6: {  	s3 =	sor.u32 s4, s3;
	s4 =	simm.s32 $0x0;
	s9 =	sshrl.u32 s7, $0x1  }
0x7: {  	s8 =	sshrl.u32 s3, $0x3;
	[smem:$0x7FF] =	sst s4;
	s29 =	ssub.s32 s7, s9  }
0x8: {  	s10 =	smul.u32 $0x1580, s8;
	_ =	strace $0x80000047;
	s1 =	sadd.s32 s1, s8  }
.Ltmp0:
0x9: {  	v47 =	vlaneseq.u32;
	s30 =	sadd.s32 s6, s8;
	[dreg:$0x5] =	wrdreg s1;
	(pc) =	sbr.rel .LBB2_1-.Ltmp0, $4  }
0xa: {  	v49 =	vor.u32 $0x10, v47;
	s5 =	sadd.s32 $0x400, s0;
	s0 =	smax.u32 s29, $0x1;
	[dreg:$0x6] =	wrdreg s30  }
0xb: {  	s14 =	simm.s32 $0x80;
	v50 =	vor.u32 $0x20, v47;
	[tilespmem:$0x1FFD0] =	vst v49;
	[dreg:$0x9] =	wrdreg s0;
	s31 =	sadd.s32 s5, s10  }
0xc: {  	s15 =	simm.s32 $0x400;
	v51 =	vor.u32 $0x30, v47;
	[tilespmem:$0x1FFE0] =	vst v50;
	[dreg:$0x7] =	wrdreg s31;
	s1 =	sadd.s32 $0x10, s31  }
0xd: {  	s16 =	simm.s32 $0x1580;
	v48 =	vimm.s32 $0x0;
	s2 =	simm.s32 $0x0;
	[tilespmem:$0x1FFF0] =	vst v51;
	[dreg:$0x8] =	wrdreg s1  }
.LBB2_18:
0xe: {  	s0 =	simm.s32 $0x3  }
0xf: {  	_ =	swait.ge [sflag:s0], $0x1000  }
0x10: {  	[sflag:s0] =	ssyncset.done $0x0  }
0x11: {  	s1 =	simm.s32 $0x4;
	[sflag:s0] =	ssyncadd.s32 $0xFFFFF000  }
0x12: {  	_ =	swait.ge [sflag:s1], $0x1000  }
0x13: {  	s2 =	rddreg [dreg:$0xa]  }
0x14: {  	s31 =	rddreg [dreg:$0x9];
	s2 =	sadd.s32 $0x1, s2  }
0x15: {  	p0 =	sne.s32 s2, s31  }
.Ltmp1:
0x16: {  	_ = 	snop;
	(pc) =	sbr.rel @!p0 .LBB2_19-.Ltmp1, $3  }
0x17: {  	_ =	sdelay $0x1  }
0x18: {  	[sflag:s1] =	ssyncset.done $0x0  }
0x19: {  	[sflag:s1] =	ssyncadd.s32 $0xFFFFF000  }
.LBB2_1:
0x1a: {  	[dreg:$0xa] =	wrdreg s2  }
0x1b: {  	s0 =	rddreg [dreg:$0x5];
	s1 =	simm.s32 $0x4B00;
	s26 =	simm.s32 $0x5  }
0x1c: {  	[tilespmem:s1], [sflag:$0x5] =	stream.linear.gather [hbm4b:s0+s4], $0x80, $0x38;
	[tilespmem:$0x4C00] =	vst v63  }
0x1d: {  	_ =	swait.ge [sflag:s26], $0x80  }
0x1e: {  	[sflag:s26] =	ssyncset.done $0x0  }
0x1f: {  	s29 =	simm.s32 $0x4B80;
	s28 =	rddreg [dreg:$0x6];
	[sflag:s26] =	ssyncadd.s32 $0xFFFFFF80  }
0x20: {  	[tilespmem:s29], [sflag:$0x5] =	stream.linear.gather [hbm4b:s28+s4], $0x80, $0x38;
	[tilespmem:$0x4C00] =	vst v63  }
0x21: {  	_ =	swait.ge [sflag:s26], $0x80  }
0x22: {  	[sflag:s26] =	ssyncset.done $0x0  }
0x23: {  	s30 =	rddreg [dreg:$0x7];
	[sflag:s26] =	ssyncadd.s32 $0xFFFFFF80  }
0x24: {  	[tilespmem:s4], [sflag:$0x1] =	stream.strided.gather [hbm4b:s30+s14], $0x1580, s15, s14, $0x38;
	[tilespmem:$0x4C00] =	vst v63  }
0x25: {  	s24 =	simm.s32 $0x0;
	s31 =	rddreg [dreg:$0x8]  }
0x26: {  	[tilespmem:s16], [sflag:$0x2] =	stream.strided.gather [hbm4b:s31+s14], $0x1580, s15, s14, $0x38;
	[tilespmem:$0x4C00] =	vst v63  }
.LBB2_2:
0x27: {  	s0 =	simm.s32 $0x1  }
0x28: {  	_ =	swait.ge [sflag:s0], $0x1580  }
0x29: {  	p0 =	seq.s32 s24, $0x0;
	[sflag:s0] =	ssyncset.done $0x0  }
0x2a: {  	[sflag:s0] =	ssyncadd.s32 $0xFFFFEA80;
	s0 =	simm.s32 @!p0 $0x3  }
0x2b: {  	_ =	swait.ge @!p0 [sflag:s0], $0x1000  }
0x2c: {  	s25 =	sshll.u32 s24, $0x1;
	[sflag:s0] =	ssyncset.done @!p0 $0x0  }
0x2d: {  	s26 =	sand.u32 $0x70, s25;
	[sflag:s0] =	ssyncadd.s32 @!p0 $0xFFFFF000  }
0x2e: {  	v0 =	vld [tilespmem:s26+$0x4B00]  }
0x2f: {  	v1 =	vld [tilespmem:s26+$0x4B80];
	_ =	sdelay $0x3  }
0x30: {  	v0 =	vadd.f32 $5.000000000e+00, v0  }
0x31: {  	s31 =	sand.u32 $0xE, s25;
	v1 =	vadd.f32 $5.000000000e+00, v1  }
0x32: {  	v2 =	vmov s31;
	v3 =	vtrunc.f32 v0  }
0x33: {  	v4 =	vcvt.f32.s32 v3;
	vm0 =	vlt.f32 v0, v3;
	v3 =	vtrunc.f32 v1  }
0x34: {  	v5 =	vsel vm0, $0xFFFFFFFF, v48;
	v6 =	vcvt.f32.s32 v3;
	vm11 =	vlt.f32 v1, v3  }
0x35: {  	vm1 =	veq.s32 v2, v47;
	v2 =	vadd.s32 v4, v5;
	v3 =	vsel vm11, $0xFFFFFFFF, v48  }
0x36: {  	v3 =	vadd.s32 v6, v3;
	v4 =	vnsel vm1, $0x0, v2  }
0x37: {  	(xrf0) =	vadd.scan.msk.s32 $0xffff, v4;
	v4 =	vnsel vm1, $0x0, v3  }
0x38: {  	(xrf0) =	vadd.scan.msk.s32 $0xffff, v4;
	_ =	sdelay $0x4  }
0x39: {  	v4, _, _ =	vpop (xrf0)  }
0x3a: {  	v5, _, _ =	vpop (xrf0)  }
0x3b: {  	(v2sf) =	vpush v5, $0xF;
	_ =	sdelay $0x4  }
0x3c: {  	v2 =	vcvt.s32.f32 v2  }
0x3d: {  	v3 =	vcvt.s32.f32 v3  }
0x3e: {  	v0 =	vsub.f32 v0, v2  }
0x3f: {  	v1 =	vsub.f32 v1, v3  }
0x40: {  	v0 =	vnsel vm1, $0x0, v0  }
0x41: {  	(xrf2) =	vadd.scan.msk.f32 $0xffff, v0;
	v0 =	vnsel vm1, $0x0, v1  }
0x42: {  	(xrf2) =	vadd.scan.msk.f32 $0xffff, v0  }
0x43: {  	v1 =	vbroadcast v4, $0xF;
	_ =	sdelay $0x1  }
0x44: {  	v0 =	vadd.s32 v47, v1;
	v2 =	vadd.s32 v49, v1;
	v3 =	vadd.s32 v50, v1  }
0x45: {  	v1 =	vadd.s32 v51, v1;
	vm12 =	vgt.s32 v0, $0x0;
	vm13 =	vgt.s32 v2, $0x0;
	s28 =	spop (v2sf)  }
0x46: {  	vm14 =	vgt.s32 v3, $0x0;
	vm15 =	vgt.s32 v1, $0x0;
	v0 =	vnsel vm12, $0x0, v0;
	p1 =	sgt.s32 s28, $0xFFFFFFFF  }
.Ltmp2:
0x47: {  	v2 =	vnsel vm13, $0x0, v2;
	v3 =	vnsel vm14, $0x0, v3;
	v4 =	vnsel vm15, $0x0, v1;
	(pc) =	sbr.rel @!p1 .LBB2_3-.Ltmp2, $4  }
0x48: {  	v7 =	vmin.u32 v0, $0x49;
	v9 =	vmin.u32 v2, $0x49;
	v0 =	vmin.u32 v0, $0x48  }
0x49: {  	v6 =	vmin.u32 v3, $0x49;
	v5 =	vmin.u32 v4, $0x49;
	v2 =	vmin.u32 v2, $0x48  }
0x4a: {  	v3 =	vmin.u32 v3, $0x48;
	v4 =	vmin.u32 v4, $0x48;
	v10 =	vadd.s32 $0x1, v0;
	v1, _, _ =	vpop (xrf2)  }
0x4b: {  	v11 =	vadd.s32 $0x1, v2;
	v8 =	vadd.s32 $0x1, v3;
	v63 =	vadd.s32 $0x1, v4;
	v0, _, _ =	vpop (xrf2)  }
0x4c: {  	s0 =	sadd.s32 $0xFFFFFFFC, s28  }
0x4d: {  	s1 =	sadd.s32 $0x4, s0  }
0x4e: {  	s6 =	smin.u32 s28, $0x49;
	p1 =	slt.s32 s1, $0x48  }
0x4f: {  	s9 =	smul.u32 $0x4A, s6;
	s6 =	sadd.s32 $0x5, s0;
	s1 =	simm.s32 @!p1 $0x48  }
0x50: {  	p1 =	slt.s32 s6, $0x48;
	s1 =	smul.u32 $0x4A, s1  }
0x51: {  	s10 =	sadd.s32 $0x6, s0;
	v2 =	vadd.s32 s9, v7;
	s6 =	simm.s32 @!p1 $0x48  }
0x52: {  	v3 =	vadd.s32 s9, v10;
	p1 =	slt.s32 s10, $0x48;
	s22 =	smul.u32 $0x4A, s6;
	s7 =	sadd.s32 $0x4A, s1  }
0x53: {  	s0 =	sadd.s32 $0x7, s0;
	s10 =	simm.s32 @!p1 $0x48;
	v4 =	vadd.s32 s7, v10  }
0x54: {  	p1 =	slt.s32 s0, $0x48;
	s23 =	smul.u32 $0x4A, s10;
	v13 =	vadd.s32 s7, v7;
	s8 =	sadd.s32 $0x4A, s22  }
0x55: {  	s0 =	simm.s32 @!p1 $0x48;
	v14 =	vadd.s32 s8, v10  }
0x56: {  	s0 =	smul.u32 $0x4A, s0;
	v2 =	vld.idx.msk [tilespmem:v2+s4+$0x0], $0xffff;
	v15 =	vadd.s32 s8, v7;
	s10 =	sadd.s32 $0x4A, s23  }
0x57: {  	v3 =	vld.idx.msk [tilespmem:v3+s4+$0x0], $0xffff;
	v16 =	vadd.s32 s10, v7  }
0x58: {  	s2 =	sadd.s32 $0x4A, s0;
	v17 =	vadd.s32 s10, v10;
	v4 =	vld.idx.msk [tilespmem:v4+s4+$0x0], $0xffff  }
0x59: {  	v18 =	vadd.s32 s2, v7;
	v13 =	vld.idx.msk [tilespmem:v13+s4+$0x0], $0xffff  }
0x5a: {  	v20 =	vadd.s32 s2, v10;
	v19 =	vld.idx.msk [tilespmem:v14+s4+$0x0], $0xffff  }
0x5b: {  	v15 =	vld.idx.msk [tilespmem:v15+s4+$0x0], $0xffff  }
0x5c: {  	v16 =	vld.idx.msk [tilespmem:v16+s4+$0x0], $0xffff  }
0x5d: {  	v17 =	vld.idx.msk [tilespmem:v17+s4+$0x0], $0xffff  }
0x5e: {  	v14 =	vbroadcast v1, $0xF;
	v1 =	vld.idx.msk [tilespmem:v18+s4+$0x0], $0xffff  }
0x5f: {  	v3 =	vsub.f32 v3, v2;
	v18 =	vld.idx.msk [tilespmem:v20+s4+$0x0], $0xffff  }
0x60: {  	v4 =	vsub.f32 v4, v13  }
0x61: {  	v3 =	vmul.f32 v3, v14;
	v19 =	vsub.f32 v19, v15  }
0x62: {  	v21 =	vadd.s32 s9, v11;
	v22 =	vadd.s32 s9, v8;
	v4 =	vmul.f32 v4, v14  }
0x63: {  	v2 =	vadd.f32 v3, v2;
	v17 =	vsub.f32 v17, v16;
	v19 =	vmul.f32 v19, v14  }
0x64: {  	v18 =	vsub.f32 v18, v1;
	v4 =	vadd.f32 v4, v13;
	v13 =	vbroadcast v0, $0xF  }
0x65: {  	v0 =	vmul.f32 v17, v14;
	v15 =	vadd.f32 v19, v15;
	v19 =	vadd.s32 s9, v5  }
0x66: {  	v20 =	vadd.s32 s9, v9;
	v18 =	vmul.f32 v18, v14  }
0x67: {  	v23 =	vadd.s32 s9, v63;
	v24 =	vsub.f32 v4, v2;
	v25 =	vadd.f32 v0, v16  }
0x68: {  	v21 =	vld.idx.msk [tilespmem:v21+s4+$0x0], $0xffff;
	v3 =	vadd.s32 s9, v6;
	v17 =	vsub.f32 v15, v4;
	v0 =	vadd.f32 v18, v1  }
0x69: {  	v22 =	vld.idx.msk [tilespmem:v22+s4+$0x0], $0xffff;
	v1 =	vadd.s32 s7, v9;
	v18 =	vmul.f32 v24, v13;
	v24 =	vsub.f32 v25, v15  }
0x6a: {  	v26 =	vadd.s32 s8, v11;
	v17 =	vmul.f32 v17, v13;
	v16 =	vld.idx.msk [tilespmem:v19+s4+$0x0], $0xffff;
	v19 =	vadd.s32 s7, v11  }
0x6b: {  	v20 =	vld.idx.msk [tilespmem:v20+s4+$0x0], $0xffff;
	v2 =	vadd.f32 v18, v2;
	v18 =	vmul.f32 v24, v13;
	v24 =	vsub.f32 v0, v25  }
0x6c: {  	s29 =	simm.s32 $0x2B80;
	v4 =	vadd.f32 v17, v4;
	v17 =	vld.idx.msk [tilespmem:v23+s4+$0x0], $0xffff;
	v23 =	vadd.s32 s8, v9  }
0x6d: {  	s11 =	sadd.s32 $0x0, s28;
	v27 =	vadd.s32 s2, v11;
	v3 =	vld.idx.msk [tilespmem:v3+s4+$0x0], $0xffff;
	[tilespmem:s29+$0xFFFFFF80] =	vst v2;
	v15 =	vadd.f32 v18, v15;
	v18 =	vmul.f32 v24, v13  }
0x6e: {  	s12 =	sadd.s32 $0x6, s11;
	[tilespmem:s29+$0xFFFFFFC0] =	vst v4;
	v4 =	vadd.s32 s10, v11;
	v1 =	vld.idx.msk [tilespmem:v1+s4+$0x0], $0xffff  }
0x6f: {  	p2 =	slt.s32 s12, $0x48;
	s1 =	sadd.s32 $0x4, s11;
	v2 =	vld.idx.msk [tilespmem:v26+s4+$0x0], $0xffff;
	v26 =	vadd.s32 s10, v9;
	v18 =	vadd.f32 v18, v25  }
0x70: {  	s12 =	simm.s32 @!p2 $0x48;
	p1 =	slt.s32 s1, $0x48;
	s9 =	sadd.s32 $0x7, s11;
	v24 =	vadd.s32 s2, v9;
	[tilespmem:s29+$0x0] =	vst v15;
	v19 =	vld.idx.msk [tilespmem:v19+s4+$0x0], $0xffff  }
0x71: {  	s1 =	simm.s32 @!p1 $0x48;
	s0 =	sadd.s32 $0x5, s11;
	p1 =	slt.s32 s9, $0x48;
	v15 =	vld.idx.msk [tilespmem:v23+s4+$0x0], $0xffff;
	[tilespmem:s29+$0x40] =	vst v18  }
0x72: {  	s13 =	smul.u32 $0x4A, s12;
	s9 =	simm.s32 @!p1 $0x48;
	p1 =	slt.s32 s0, $0x48;
	v21 =	vsub.f32 v21, v20;
	v23 =	vld.idx.msk [tilespmem:v27+s4+$0x0], $0xffff  }
0x73: {  	s9 =	smul.u32 $0x4A, s9;
	s0 =	simm.s32 @!p1 $0x48;
	v4 =	vld.idx.msk [tilespmem:v4+s4+$0x0], $0xffff  }
0x74: {  	s0 =	smul.u32 $0x4A, s0;
	v21 =	vmul.f32 v21, v14;
	v18 =	vld.idx.msk [tilespmem:v26+s4+$0x0], $0xffff  }
0x75: {  	v32 =	vadd.s32 s7, v8;
	s12 =	sadd.s32 $0x4A, s9;
	v24 =	vld.idx.msk [tilespmem:v24+s4+$0x0], $0xffff  }
0x76: {  	s31 =	sadd.s32 $0x4A, s13;
	s1 =	smul.u32 $0x4A, s1;
	s30 =	sadd.s32 $0x4A, s0;
	v20 =	vadd.f32 v21, v20;
	v21 =	vadd.s32 s12, v7;
	v19 =	vsub.f32 v19, v1  }
0x77: {  	v44 =	vadd.s32 s31, v8;
	v28 =	vadd.s32 s30, v10;
	v2 =	vsub.f32 v2, v15  }
0x78: {  	v33 =	vadd.s32 s8, v6;
	s11 =	sadd.s32 $0x4A, s1;
	v30 =	vadd.s32 s30, v7;
	v19 =	vmul.f32 v19, v14  }
0x79: {  	v25 =	vadd.s32 s11, v10;
	v2 =	vmul.f32 v2, v14;
	v4 =	vsub.f32 v4, v18  }
0x7a: {  	v27 =	vadd.s32 s31, v7;
	v23 =	vsub.f32 v23, v24;
	v1 =	vadd.f32 v19, v1  }
0x7b: {  	v21 =	vld.idx.msk [tilespmem:v21+s4+$0x0], $0xffff;
	v26 =	vadd.s32 s11, v7;
	v2 =	vadd.f32 v2, v15;
	v4 =	vmul.f32 v4, v14  }
0x7c: {  	v28 =	vld.idx.msk [tilespmem:v28+s4+$0x0], $0xffff;
	v19 =	vadd.s32 s12, v10;
	v15 =	vmul.f32 v23, v14;
	v29 =	vsub.f32 v1, v20  }
0x7d: {  	v30 =	vld.idx.msk [tilespmem:v30+s4+$0x0], $0xffff;
	v23 =	vadd.s32 s31, v10;
	v31 =	vsub.f32 v2, v1;
	v4 =	vadd.f32 v4, v18  }
0x7e: {  	v25 =	vld.idx.msk [tilespmem:v25+s4+$0x0], $0xffff;
	v29 =	vmul.f32 v29, v13;
	v18 =	vadd.f32 v15, v24;
	v24 =	vadd.s32 s7, v6  }
0x7f: {  	v34 =	vadd.s32 s10, v6;
	v58 =	vadd.s32 s10, v5;
	v27 =	vld.idx.msk [tilespmem:v27+s4+$0x0], $0xffff;
	v15 =	vsub.f32 v4, v2  }
0x80: {  	v26 =	vld.idx.msk [tilespmem:v26+s4+$0x0], $0xffff;
	v20 =	vadd.f32 v29, v20;
	v29 =	vmul.f32 v31, v13;
	v31 =	vsub.f32 v18, v4  }
0x81: {  	v61 =	vadd.s32 s11, v6;
	v17 =	vsub.f32 v17, v16;
	v19 =	vld.idx.msk [tilespmem:v19+s4+$0x0], $0xffff;
	v15 =	vmul.f32 v15, v13  }
0x82: {  	s0 =	simm.s32 $0x40;
	v23 =	vld.idx.msk [tilespmem:v23+s4+$0x0], $0xffff;
	[tilespmem:s29+$0xFFFFFF90] =	vst v20;
	v1 =	vadd.f32 v29, v1;
	v20 =	vmul.f32 v31, v13;
	v29 =	vadd.s32 s2, v8  }
0x83: {  	v22 =	vsub.f32 v22, v3;
	s17 =	sor.u32 $0x50, s0;
	v31 =	vadd.s32 s2, v6;
	v46 =	vld.idx.msk [tilespmem:v24+s4+$0x0], $0xffff;
	v2 =	vadd.f32 v15, v2  }
0x84: {  	s21 =	simm.s32 $0xC0;
	s20 =	sadd.s32 $0x4, s28;
	v17 =	vmul.f32 v17, v14;
	v24 =	vadd.s32 s8, v8;
	v15 =	vld.idx.msk [tilespmem:v32+s4+$0x0], $0xffff;
	[tilespmem:s17+$0x2B00] =	vst v1;
	v4 =	vadd.f32 v20, v4  }
0x85: {  	s18 =	sor.u32 $0x50, s21;
	s13 =	sadd.s32 $0x4, s20;
	v1 =	vadd.s32 s10, v8;
	v20 =	vmul.f32 v22, v14;
	v22 =	vsub.f32 v25, v26;
	[tilespmem:s29+$0x10] =	vst v2;
	v2 =	vld.idx.msk [tilespmem:v33+s4+$0x0], $0xffff  }
0x86: {  	p1 =	slt.s32 s13, $0x48;
	v45 =	vadd.s32 s12, v8;
	v19 =	vsub.f32 v19, v21;
	v25 =	vsub.f32 v28, v30;
	[tilespmem:s18+$0x2B00] =	vst v4;
	v4 =	vld.idx.msk [tilespmem:v34+s4+$0x0], $0xffff  }
0x87: {  	s13 =	simm.s32 @!p1 $0x48;
	v3 =	vadd.f32 v20, v3;
	v20 =	vmul.f32 v22, v14;
	v22 =	vsub.f32 v23, v27;
	v23 =	vld.idx.msk [tilespmem:v29+s4+$0x0], $0xffff  }
0x88: {  	s13 =	smul.u32 $0x4A, s13;
	v52 =	vadd.s32 s30, v11;
	v19 =	vmul.f32 v19, v14;
	v25 =	vmul.f32 v25, v14;
	v28 =	vld.idx.msk [tilespmem:v31+s4+$0x0], $0xffff  }
0x89: {  	v16 =	vadd.f32 v17, v16;
	v20 =	vadd.f32 v20, v26;
	v22 =	vmul.f32 v22, v14;
	v31 =	vld.idx.msk [tilespmem:v24+s4+$0x0], $0xffff  }
0x8a: {  	s6 =	sadd.s32 $0x4A, s13;
	v41 =	vadd.s32 s30, v6;
	v25 =	vadd.f32 v25, v30;
	v24 =	vadd.f32 v19, v21;
	v1 =	vld.idx.msk [tilespmem:v1+s4+$0x0], $0xffff  }
0x8b: {  	v55 =	vadd.s32 s6, v7;
	v15 =	vsub.f32 v15, v46;
	v21 =	vadd.f32 v22, v27  }
0x8c: {  	v17 =	vadd.s32 s2, v63;
	v19 =	vadd.s32 s30, v9;
	v27 =	vsub.f32 v25, v20  }
0x8d: {  	v22 =	vadd.s32 s11, v9;
	v30 =	vmul.f32 v15, v14;
	v15 =	vsub.f32 v21, v25  }
0x8e: {  	v53 =	vsub.f32 v20, v0;
	v27 =	vmul.f32 v27, v13;
	v23 =	vsub.f32 v23, v28  }
0x8f: {  	v1 =	vsub.f32 v1, v4;
	v35 =	vmul.f32 v15, v13;
	v15 =	vsub.f32 v31, v2  }
0x90: {  	v31 =	vmul.f32 v53, v13;
	v20 =	vadd.f32 v27, v20;
	v23 =	vmul.f32 v23, v14  }
0x91: {  	s1 =	simm.s32 $0x2C80;
	s18 =	sadd.s32 $0x5, s20;
	v29 =	vadd.s32 s11, v11;
	v1 =	vmul.f32 v1, v14;
	v27 =	vmul.f32 v15, v14  }
0x92: {  	p1 =	slt.s32 s18, $0x48;
	v0 =	vadd.f32 v31, v0;
	v31 =	vsub.f32 v24, v21;
	[tilespmem:s1+$0xFFFFFFC0] =	vst v20;
	v20 =	vadd.s32 s31, v11  }
0x93: {  	s18 =	simm.s32 @!p1 $0x48;
	v15 =	vadd.f32 v23, v28;
	v23 =	vadd.f32 v35, v25;
	v25 =	vadd.s32 s31, v9;
	v19 =	vld.idx.msk [tilespmem:v19+s4+$0x0], $0xffff  }
0x94: {  	v1 =	vadd.f32 v1, v4;
	v4 =	vadd.f32 v30, v46;
	[tilespmem:s1+$0xFFFFFF80] =	vst v0;
	v0 =	vld.idx.msk [tilespmem:v52+s4+$0x0], $0xffff;
	v30 =	vadd.s32 s2, v5;
	s2 =	smul.u32 $0x4A, s18  }
0x95: {  	v26 =	vadd.s32 s12, v11;
	v2 =	vadd.f32 v27, v2;
	v27 =	vmul.f32 v31, v13;
	v22 =	vld.idx.msk [tilespmem:v22+s4+$0x0], $0xffff  }
0x96: {  	v43 =	vadd.s32 s30, v8;
	v31 =	vadd.s32 s12, v9;
	v29 =	vld.idx.msk [tilespmem:v29+s4+$0x0], $0xffff;
	v28 =	vsub.f32 v15, v1;
	s13 =	sadd.s32 $0x4A, s2  }
0x97: {  	v33 =	vld.idx.msk [tilespmem:v55+s4+$0x0], $0xffff;
	[tilespmem:s1+$0x0] =	vst v23;
	v21 =	vadd.f32 v27, v21;
	v23 =	vsub.f32 v2, v4;
	v56 =	vadd.s32 s13, v10  }
0x98: {  	s22 =	sadd.s32 $0x7, s20;
	v54 =	vadd.s32 s6, v10;
	v55 =	vadd.s32 s6, v9;
	v20 =	vld.idx.msk [tilespmem:v20+s4+$0x0], $0xffff;
	v27 =	vmul.f32 v28, v13  }
0x99: {  	p2 =	slt.s32 s22, $0x48;
	v35 =	vadd.s32 s13, v9;
	v28 =	vsub.f32 v1, v2;
	[tilespmem:s1+$0x40] =	vst v21;
	v21 =	vmul.f32 v23, v13;
	v23 =	vld.idx.msk [tilespmem:v25+s4+$0x0], $0xffff  }
0x9a: {  	s22 =	simm.s32 @!p2 $0x48;
	s9 =	sadd.s32 $0x6, s20;
	v25 =	vadd.s32 s8, v5;
	v26 =	vld.idx.msk [tilespmem:v26+s4+$0x0], $0xffff;
	v0 =	vsub.f32 v0, v19;
	v1 =	vadd.f32 v27, v1  }
0x9b: {  	s23 =	sor.u32 $0x60, s21;
	s22 =	smul.u32 $0x4A, s22;
	p1 =	slt.s32 s9, $0x48;
	v31 =	vld.idx.msk [tilespmem:v31+s4+$0x0], $0xffff;
	v27 =	vmul.f32 v28, v13;
	v28 =	vsub.f32 v4, v3;
	v29 =	vsub.f32 v29, v22  }
0x9c: {  	s9 =	simm.s32 @!p1 $0x48;
	v4 =	vadd.f32 v21, v4;
	v0 =	vmul.f32 v0, v14;
	[tilespmem:s23+$0x2B00] =	vst v1;
	v1 =	vadd.s32 s7, v63;
	v32 =	vld.idx.msk [tilespmem:v56+s4+$0x0], $0xffff  }
0x9d: {  	s17 =	sor.u32 $0x60, s0;
	v2 =	vadd.f32 v27, v2;
	v21 =	vmul.f32 v28, v13;
	s23 =	smul.u32 $0x4A, s9;
	s9 =	sadd.s32 $0x4A, s22;
	v28 =	vadd.s32 s7, v5;
	v27 =	vld.idx.msk [tilespmem:v30+s4+$0x0], $0xffff  }
0x9e: {  	v29 =	vmul.f32 v29, v14;
	[tilespmem:s17+$0x2B00] =	vst v4;
	v56 =	vadd.s32 s13, v11;
	v4 =	vld.idx.msk [tilespmem:v17+s4+$0x0], $0xffff;
	v17 =	vadd.s32 s9, v7  }
0x9f: {  	v30 =	vadd.s32 s9, v10;
	v37 =	vld.idx.msk [tilespmem:v25+s4+$0x0], $0xffff;
	v20 =	vsub.f32 v20, v23;
	v3 =	vadd.f32 v21, v3  }
0xa0: {  	v25 =	vld.idx.msk [tilespmem:v54+s4+$0x0], $0xffff;
	v0 =	vadd.f32 v0, v19;
	s7 =	sadd.s32 $0x4A, s23;
	v21 =	vadd.s32 s13, v7;
	v22 =	vadd.f32 v29, v22;
	[tilespmem:s29+$0x20] =	vst v2  }
0xa1: {  	v26 =	vsub.f32 v26, v31;
	v57 =	vadd.s32 s7, v7;
	v20 =	vmul.f32 v20, v14;
	v60 =	vld.idx.msk [tilespmem:v58+s4+$0x0], $0xffff;
	[tilespmem:s29+$0xFFFFFFA0] =	vst v3  }
0xa2: {  	v29 =	vadd.s32 s7, v10;
	v3 =	vsub.f32 v22, v18;
	v38 =	vsub.f32 v0, v22;
	v36 =	vld.idx.msk [tilespmem:v28+s4+$0x0], $0xffff  }
0xa3: {  	v28 =	vadd.s32 s8, v63;
	v1 =	vld.idx.msk [tilespmem:v1+s4+$0x0], $0xffff;
	v19 =	vadd.f32 v20, v23;
	v20 =	vmul.f32 v26, v14  }
0xa4: {  	v26 =	vadd.s32 s10, v63;
	v3 =	vmul.f32 v3, v13;
	v23 =	vld.idx.msk [tilespmem:v17+s4+$0x0], $0xffff;
	v4 =	vsub.f32 v4, v27  }
0xa5: {  	v17 =	vadd.s32 s11, v63;
	v30 =	vld.idx.msk [tilespmem:v30+s4+$0x0], $0xffff;
	v25 =	vsub.f32 v25, v33;
	v39 =	vsub.f32 v19, v0  }
0xa6: {  	v34 =	vld.idx.msk [tilespmem:v57+s4+$0x0], $0xffff;
	v3 =	vadd.f32 v3, v18;
	v18 =	vadd.f32 v20, v31;
	v31 =	vmul.f32 v38, v13  }
0xa7: {  	v2 =	vld.idx.msk [tilespmem:v29+s4+$0x0], $0xffff;
	v29 =	vadd.s32 s11, v8;
	v20 =	vadd.s32 s12, v63;
	v40 =	vmul.f32 v25, v14  }
0xa8: {  	v59 =	vmul.f32 v39, v13;
	v1 =	vsub.f32 v1, v36;
	v22 =	vadd.f32 v31, v22;
	v31 =	vld.idx.msk [tilespmem:v21+s4+$0x0], $0xffff  }
0xa9: {  	v25 =	vsub.f32 v18, v19;
	v21 =	vadd.s32 s12, v5;
	[tilespmem:s1+$0xFFFFFF90] =	vst v3;
	v42 =	vld.idx.msk [tilespmem:v28+s4+$0x0], $0xffff;
	v33 =	vadd.f32 v40, v33  }
0xaa: {  	s8 =	simm.s32 $0x140;
	v3 =	vmul.f32 v4, v14;
	v0 =	vadd.f32 v59, v0;
	v28 =	vsub.f32 v30, v23;
	v46 =	vld.idx.msk [tilespmem:v61+s4+$0x0], $0xffff  }
0xab: {  	s20 =	sor.u32 $0x50, s8;
	v62 =	vmul.f32 v1, v14;
	v1 =	vld.idx.msk [tilespmem:v26+s4+$0x0], $0xffff;
	v26 =	vadd.s32 s31, v6;
	v25 =	vmul.f32 v25, v13  }
0xac: {  	[tilespmem:s20+$0x2B00] =	vst v22;
	v22 =	vadd.s32 s12, v6;
	v58 =	vsub.f32 v33, v24;
	v4 =	vld.idx.msk [tilespmem:v29+s4+$0x0], $0xffff;
	v2 =	vsub.f32 v2, v34  }
0xad: {  	s22 =	simm.s32 $0x1C0;
	v52 =	vld.idx.msk [tilespmem:v41+s4+$0x0], $0xffff;
	v29 =	vadd.f32 v25, v19;
	v19 =	vadd.f32 v3, v27;
	v27 =	vmul.f32 v28, v14  }
0xae: {  	s23 =	sor.u32 $0x50, s22;
	[tilespmem:s1+$0x10] =	vst v0;
	v53 =	vld.idx.msk [tilespmem:v43+s4+$0x0], $0xffff;
	v25 =	vadd.s32 s9, v9;
	v38 =	vmul.f32 v58, v13;
	v0 =	vsub.f32 v32, v31  }
0xaf: {  	v2 =	vmul.f32 v2, v14;
	[tilespmem:s23+$0x2B00] =	vst v29;
	v28 =	vadd.f32 v27, v23;
	v27 =	vsub.f32 v42, v37  }
0xb0: {  	v61 =	vadd.f32 v38, v24;
	v1 =	vsub.f32 v1, v60;
	v30 =	vld.idx.msk [tilespmem:v26+s4+$0x0], $0xffff;
	v0 =	vmul.f32 v0, v14  }
0xb1: {  	v34 =	vadd.f32 v2, v34;
	v2 =	vld.idx.msk [tilespmem:v44+s4+$0x0], $0xffff;
	v4 =	vsub.f32 v4, v46;
	v27 =	vmul.f32 v27, v14  }
0xb2: {  	v23 =	vmul.f32 v1, v14;
	v0 =	vadd.f32 v0, v31;
	v1 =	vld.idx.msk [tilespmem:v22+s4+$0x0], $0xffff;
	v22 =	vadd.f32 v62, v36  }
0xb3: {  	v3 =	vadd.s32 s6, v11;
	v54 =	vld.idx.msk [tilespmem:v45+s4+$0x0], $0xffff;
	v39 =	vsub.f32 v28, v34;
	v24 =	vadd.f32 v27, v37  }
0xb4: {  	v4 =	vmul.f32 v4, v14;
	v23 =	vadd.f32 v23, v60;
	v26 =	vsub.f32 v0, v33  }
0xb5: {  	v29 =	vadd.s32 s9, v11;
	v31 =	vsub.f32 v34, v0;
	v60 =	vsub.f32 v22, v16  }
0xb6: {  	v59 =	vmul.f32 v26, v13;
	v26 =	vadd.f32 v4, v46;
	v4 =	vsub.f32 v53, v52  }
0xb7: {  	v2 =	vsub.f32 v2, v30;
	v57 =	vsub.f32 v19, v23;
	v31 =	vmul.f32 v31, v13  }
0xb8: {  	s10 =	simm.s32 $0x2D80;
	v40 =	vsub.f32 v54, v1;
	v33 =	vadd.f32 v59, v33;
	v4 =	vmul.f32 v4, v14  }
0xb9: {  	[tilespmem:s10+$0xFFFFFF80] =	vst v61;
	v36 =	vmul.f32 v2, v14;
	v38 =	vadd.f32 v31, v0;
	v62 =	vmul.f32 v57, v13  }
0xba: {  	v37 =	vadd.s32 s7, v11;
	v2 =	vmul.f32 v40, v14;
	[tilespmem:s10+$0xFFFFFFC0] =	vst v33;
	v31 =	vadd.f32 v4, v52;
	v4 =	vld.idx.msk [tilespmem:v55+s4+$0x0], $0xffff  }
0xbb: {  	s18 =	sor.u32 $0x70, s21;
	s21 =	simm.s32 $0x1C0;
	s12 =	simm.s32 $0x8;
	v32 =	vsub.f32 v24, v22;
	v27 =	vadd.f32 v62, v23;
	v33 =	vmul.f32 v60, v13;
	v0 =	vld.idx.msk [tilespmem:v56+s4+$0x0], $0xffff  }
.LBB2_7:
0xbc: {  	s23 =	sadd.s32 s12, s28;
	s12 =	sadd.s32 $0x4, s12;
	v3 =	vld.idx.msk [tilespmem:v3+s4+$0x0], $0xffff;
	[tilespmem:s10+$0x0] =	vst v38;
	v38 =	vadd.s32 s7, v9;
	v30 =	vadd.f32 v36, v30;
	v1 =	vadd.f32 v2, v1;
	s22 =	sadd.s32 $0x100, s22  }
0xbd: {  	v23 =	vsub.f32 v23, v24;
	s20 =	sadd.s32 $0x4, s23;
	s2 =	sadd.s32 $0x5, s23;
	s17 =	sadd.s32 $0x7, s23;
	v35 =	vld.idx.msk [tilespmem:v35+s4+$0x0], $0xffff;
	v2 =	vmul.f32 v39, v13;
	v16 =	vadd.f32 v33, v16  }
0xbe: {  	v32 =	vmul.f32 v32, v13;
	p2 =	slt.s32 s20, $0x48;
	p3 =	slt.s32 s2, $0x48;
	p1 =	slt.s32 s17, $0x48;
	v33 =	vsub.f32 v30, v31;
	v36 =	vsub.f32 v1, v30;
	[tilespmem:s18+$0x2B00] =	vst v27  }
0xbf: {  	s18 =	sadd.s32 $0x6, s23;
	v27 =	vsub.f32 v31, v26;
	s20 =	simm.s32 @!p2 $0x48;
	s2 =	simm.s32 @!p3 $0x48;
	v2 =	vadd.f32 v2, v34;
	[tilespmem:s29+$0xFFFFFFB0] =	vst v16;
	v16 =	vmul.f32 v23, v13  }
0xc0: {  	p2 =	slt.s32 s18, $0x48;
	s17 =	simm.s32 @!p1 $0x48;
	v22 =	vadd.f32 v32, v22;
	s20 =	smul.u32 $0x4A, s20;
	v23 =	vld.idx.msk [tilespmem:v37+s4+$0x0], $0xffff;
	v33 =	vmul.f32 v33, v13;
	v34 =	vmul.f32 v36, v13  }
0xc1: {  	s0 =	sor.u32 $0x70, s0;
	s18 =	simm.s32 @!p2 $0x48;
	s17 =	smul.u32 $0x4A, s17;
	v27 =	vmul.f32 v27, v13;
	[tilespmem:s10+$0x40] =	vst v2;
	v2 =	vsub.f32 v26, v15;
	v12 =	vadd.f32 v16, v24  }
0xc2: {  	p1 =	slt.u32 s12, $0x3C;
	v32 =	vadd.s32 s30, v5;
	s18 =	smul.u32 $0x4A, s18;
	s20 =	sadd.s32 $0x4A, s20;
	v24 =	vld.idx.msk [tilespmem:v38+s4+$0x0], $0xffff;
	v31 =	vadd.f32 v33, v31;
	v30 =	vadd.f32 v34, v30;
	[tilespmem:s0+$0x2B00] =	vst v22  }
0xc3: {  	s23 =	sor.u32 $0x60, s21;
	s2 =	smul.u32 $0x4A, s2;
	v34 =	vsub.f32 v0, v35;
	s0 =	smov.u32 s8;
	v22 =	vadd.s32 s20, v7;
	v33 =	vadd.s32 s20, v10;
	v29 =	vld.idx.msk [tilespmem:v29+s4+$0x0], $0xffff;
	[tilespmem:s29+$0x30] =	vst v12;
	v16 =	vmovc v19  }
0xc4: {  	v3 =	vsub.f32 v3, v4;
	v26 =	vadd.f32 v27, v26;
	s8 =	sadd.s32 $0x4A, s18;
	s18 =	sadd.s32 $0x4A, s17;
	v19 =	vld.idx.msk [tilespmem:v25+s4+$0x0], $0xffff;
	v25 =	vadd.s32 s11, v5;
	[tilespmem:s23+$0x2B00] =	vst v30;
	s11 =	smov.u32 s6  }
0xc5: {  	s2 =	sadd.s32 $0x4A, s2;
	v0 =	vmovc v28;
	v2 =	vmul.f32 v2, v13;
	s17 =	sor.u32 $0x60, s0;
	v27 =	vadd.s32 s18, v7;
	v30 =	vadd.s32 s18, v10;
	s6 =	smov.u32 s20;
	[tilespmem:s1+$0x20] =	vst v31;
	v31 =	vld.idx.msk [tilespmem:v21+s4+$0x0], $0xffff  }
0xc6: {  	v3 =	vmul.f32 v3, v14;
	s29 =	smov.u32 s1;
	v28 =	vadd.s32 s8, v10;
	v21 =	vadd.s32 s2, v7;
	s1 =	smov.u32 s10;
	[tilespmem:s17+$0x2B00] =	vst v26;
	v20 =	vld.idx.msk [tilespmem:v20+s4+$0x0], $0xffff  }
0xc7: {  	v36 =	vadd.s32 s8, v7;
	v37 =	vadd.f32 v2, v15;
	v15 =	vmovc v1;
	v26 =	vadd.s32 s2, v10;
	v2 =	vld.idx.msk [tilespmem:v32+s4+$0x0], $0xffff  }
0xc8: {  	v3 =	vadd.f32 v3, v4;
	v4 =	vsub.f32 v23, v24;
	v1 =	vld.idx.msk [tilespmem:v33+s4+$0x0], $0xffff  }
0xc9: {  	v22 =	vld.idx.msk [tilespmem:v22+s4+$0x0], $0xffff;
	[tilespmem:s29+$0xFFFFFFA0] =	vst v37  }
0xca: {  	v23 =	vsub.f32 v3, v18;
	v32 =	vmul.f32 v34, v14;
	v4 =	vmul.f32 v4, v14;
	v33 =	vld.idx.msk [tilespmem:v25+s4+$0x0], $0xffff  }
0xcb: {  	v34 =	vadd.s32 s30, v63;
	s30 =	smov.u32 s13;
	s13 =	smov.u32 s2;
	v37 =	vadd.s32 s31, v5;
	v25 =	vsub.f32 v29, v19;
	v29 =	vld.idx.msk [tilespmem:v17+s4+$0x0], $0xffff  }
0xcc: {  	v23 =	vmul.f32 v23, v13;
	v32 =	vadd.f32 v32, v35;
	v4 =	vadd.f32 v4, v24;
	v27 =	vld.idx.msk [tilespmem:v27+s4+$0x0], $0xffff  }
0xcd: {  	v35 =	vadd.s32 s31, v63;
	s31 =	smov.u32 s7;
	s7 =	smov.u32 s8;
	v25 =	vmul.f32 v25, v14;
	v24 =	vld.idx.msk [tilespmem:v36+s4+$0x0], $0xffff;
	v36 =	vsub.f32 v20, v31  }
0xce: {  	v17 =	vadd.s32 s11, v63;
	v20 =	vsub.f32 v32, v3;
	v38 =	vsub.f32 v4, v32;
	v28 =	vld.idx.msk [tilespmem:v28+s4+$0x0], $0xffff  }
0xcf: {  	v39 =	vadd.s32 s11, v8;
	v23 =	vadd.f32 v23, v18;
	v18 =	vadd.f32 v25, v19;
	v30 =	vld.idx.msk [tilespmem:v30+s4+$0x0], $0xffff  }
0xd0: {  	v1 =	vsub.f32 v1, v22;
	v19 =	vmul.f32 v20, v13;
	v25 =	vmul.f32 v38, v13;
	v37 =	vld.idx.msk [tilespmem:v37+s4+$0x0], $0xffff  }
0xd1: {  	v20 =	vadd.s32 s9, v63;
	v29 =	vsub.f32 v29, v33;
	v26 =	vld.idx.msk [tilespmem:v26+s4+$0x0], $0xffff;
	[tilespmem:s10+$0xFFFFFF90] =	vst v23;
	v23 =	vadd.s32 s11, v6  }
0xd2: {  	s8 =	sadd.s32 $0xFFFFFF80, s22;
	v1 =	vmul.f32 v1, v14;
	v3 =	vadd.f32 v19, v3;
	v19 =	vsub.f32 v18, v4;
	v38 =	vld.idx.msk [tilespmem:v21+s4+$0x0], $0xffff  }
0xd3: {  	v40 =	vadd.s32 s30, v6;
	s2 =	sor.u32 $0x50, s8;
	v25 =	vadd.f32 v25, v32;
	v32 =	vmul.f32 v29, v14;
	v35 =	vld.idx.msk [tilespmem:v35+s4+$0x0], $0xffff  }
0xd4: {  	v41 =	vadd.s32 s31, v6;
	v21 =	vadd.s32 s9, v5;
	[tilespmem:s2+$0x2B00] =	vst v3;
	v3 =	vmul.f32 v19, v13;
	v34 =	vld.idx.msk [tilespmem:v34+s4+$0x0], $0xffff  }
0xd5: {  	v42 =	vadd.s32 s30, v8;
	v43 =	vadd.s32 s31, v8;
	v19 =	vmul.f32 v36, v14;
	v39 =	vld.idx.msk [tilespmem:v39+s4+$0x0], $0xffff  }
0xd6: {  	v29 =	vsub.f32 v30, v27;
	v36 =	vld.idx.msk [tilespmem:v23+s4+$0x0], $0xffff;
	[tilespmem:s10+$0x10] =	vst v25;
	v3 =	vadd.f32 v3, v4;
	v4 =	vadd.s32 s9, v8  }
0xd7: {  	v44 =	vadd.s32 s9, v6;
	s2 =	sor.u32 $0x50, s22;
	v23 =	vsub.f32 v28, v24;
	v19 =	vadd.f32 v19, v31;
	s9 =	smov.u32 s18  }
0xd8: {  	v28 =	vmul.f32 v29, v14;
	v26 =	vsub.f32 v26, v38;
	v25 =	vadd.s32 s9, v9;
	v31 =	vld.idx.msk [tilespmem:v40+s4+$0x0], $0xffff;
	[tilespmem:s2+$0x2B00] =	vst v3  }
0xd9: {  	s10 =	sadd.s32 $0x100, s10;
	v29 =	vadd.s32 s9, v11;
	v3 =	vadd.s32 s6, v11;
	v35 =	vsub.f32 v35, v37;
	v30 =	vld.idx.msk [tilespmem:v41+s4+$0x0], $0xffff  }
0xda: {  	v28 =	vadd.f32 v28, v27;
	v26 =	vmul.f32 v26, v14;
	v40 =	vsub.f32 v34, v2;
	v27 =	vld.idx.msk [tilespmem:v42+s4+$0x0], $0xffff  }
0xdb: {  	v41 =	vadd.f32 v1, v22;
	v22 =	vmul.f32 v23, v14;
	v23 =	vmul.f32 v35, v14;
	v4 =	vld.idx.msk [tilespmem:v4+s4+$0x0], $0xffff  }
0xdc: {  	v35 =	vadd.s32 s13, v9;
	v38 =	vadd.f32 v26, v38;
	v26 =	vsub.f32 v39, v36;
	v1 =	vld.idx.msk [tilespmem:v44+s4+$0x0], $0xffff  }
0xdd: {  	v39 =	vadd.s32 s6, v9;
	v34 =	vadd.f32 v22, v24;
	v23 =	vadd.f32 v23, v37;
	v24 =	vld.idx.msk [tilespmem:v43+s4+$0x0], $0xffff  }
0xde: {  	v22 =	vadd.f32 v32, v33;
	v37 =	vsub.f32 v38, v41;
	v26 =	vmul.f32 v26, v14  }
0xdf: {  	v32 =	vadd.s32 s13, v11;
	v33 =	vsub.f32 v34, v38;
	v42 =	vsub.f32 v19, v23  }
0xe0: {  	v43 =	vsub.f32 v41, v0;
	v44 =	vsub.f32 v22, v16;
	v37 =	vmul.f32 v37, v13  }
0xe1: {  	v33 =	vmul.f32 v33, v13;
	v26 =	vadd.f32 v26, v36;
	v27 =	vsub.f32 v27, v31  }
0xe2: {  	v36 =	vmul.f32 v43, v13;
	v37 =	vadd.f32 v37, v41;
	v4 =	vsub.f32 v4, v1  }
.Ltmp3:
0xe3: {  	v40 =	vmul.f32 v40, v14;
	v27 =	vmul.f32 v27, v14;
	v24 =	vsub.f32 v24, v30;
	(pc) =	sbr.rel @p1 .LBB2_7-.Ltmp3, $4  }
0xe4: {  	v0 =	vadd.f32 v36, v0;
	v38 =	vadd.f32 v33, v38;
	v33 =	vmul.f32 v42, v13;
	[tilespmem:s10+$0xFFFFFFC0] =	vst v37  }
0xe5: {  	v31 =	vadd.f32 v27, v31;
	v36 =	vmul.f32 v24, v14;
	v24 =	vadd.f32 v40, v2  }
0xe6: {  	v27 =	vadd.f32 v33, v23;
	v37 =	vadd.s32 s7, v11;
	v2 =	vmul.f32 v4, v14;
	[tilespmem:s10+$0xFFFFFF80] =	vst v0;
	v0 =	vld.idx.msk [tilespmem:v32+s4+$0x0], $0xffff  }
0xe7: {  	s18 =	sor.u32 $0x70, s21;
	s21 =	smov.u32 s22;
	v33 =	vmul.f32 v44, v13;
	v32 =	vsub.f32 v24, v22;
	v4 =	vld.idx.msk [tilespmem:v39+s4+$0x0], $0xffff;
	v39 =	vsub.f32 v28, v34  }
0xe8: {  	_ =	sdelay $0x2  }
0xe9: {  	v9 =	vadd.s32 s7, v9  }
0xea: {  	v3 =	vld.idx.msk [tilespmem:v3+s4+$0x0], $0xffff  }
0xeb: {  	v10 =	vmul.f32 v39, v13  }
0xec: {  	[tilespmem:s10+$0x0] =	vst v38;
	v11 =	vld.idx.msk [tilespmem:v35+s4+$0x0], $0xffff  }
0xed: {  	v12 =	vld.idx.msk [tilespmem:v37+s4+$0x0], $0xffff;
	v10 =	vadd.f32 v10, v34  }
0xee: {  	v9 =	vld.idx.msk [tilespmem:v9+s4+$0x0], $0xffff  }
0xef: {  	[tilespmem:s10+$0x40] =	vst v10;
	v3 =	vsub.f32 v3, v4  }
0xf0: {  	v10 =	vld.idx.msk [tilespmem:v29+s4+$0x0], $0xffff  }
0xf1: {  	v0 =	vsub.f32 v0, v11;
	v25 =	vld.idx.msk [tilespmem:v25+s4+$0x0], $0xffff;
	v3 =	vmul.f32 v3, v14;
	_ =	sdelay $0x1  }
0xf2: {  	v0 =	vmul.f32 v0, v14;
	v3 =	vadd.f32 v3, v4;
	v12 =	vsub.f32 v12, v9;
	_ =	sdelay $0x1  }
0xf3: {  	v0 =	vadd.f32 v0, v11;
	v44 =	vsub.f32 v3, v18;
	v43 =	vmul.f32 v12, v14  }
0xf4: {  	v46 =	vadd.s32 s6, v8;
	v42 =	vsub.f32 v10, v25  }
0xf5: {  	v54 =	vsub.f32 v0, v3;
	v45 =	vmul.f32 v44, v13;
	v9 =	vadd.f32 v43, v9  }
0xf6: {  	v52 =	vadd.s32 s6, v6;
	v7 =	vadd.s32 s13, v6;
	v4 =	vmul.f32 v42, v14  }
0xf7: {  	v58 =	vmul.f32 v54, v13;
	v10 =	vadd.f32 v45, v18;
	v11 =	vsub.f32 v9, v0  }
0xf8: {  	s12 =	sadd.s32 $0x100, s22;
	v59 =	vadd.s32 s13, v8;
	v4 =	vadd.f32 v4, v25  }
0xf9: {  	v53 =	vadd.s32 s7, v6;
	s22 =	sadd.s32 $0xFFFFFF80, s12;
	v3 =	vadd.f32 v58, v3;
	[tilespmem:s10+$0xFFFFFF90] =	vst v10;
	v11 =	vmul.f32 v11, v13  }
0xfa: {  	v57 =	vadd.s32 s7, v8;
	s28 =	sor.u32 $0x50, s22;
	v4 =	vsub.f32 v4, v9;
	v56 =	vld.idx.msk [tilespmem:v46+s4+$0x0], $0xffff  }
0xfb: {  	[tilespmem:s28+$0x2B00] =	vst v3;
	v25 =	vld.idx.msk [tilespmem:v52+s4+$0x0], $0xffff;
	v0 =	vadd.f32 v11, v0  }
0xfc: {  	v28 =	vadd.s32 s9, v8;
	v7 =	vld.idx.msk [tilespmem:v7+s4+$0x0], $0xffff;
	v4 =	vmul.f32 v4, v13  }
0xfd: {  	v55 =	vadd.s32 s9, v6;
	v62 =	vadd.f32 v36, v30;
	v1 =	vadd.f32 v2, v1;
	[tilespmem:s10+$0x10] =	vst v0;
	v0 =	vld.idx.msk [tilespmem:v59+s4+$0x0], $0xffff  }
0xfe: {  	v38 =	vsub.f32 v26, v15;
	v4 =	vadd.f32 v4, v9;
	v60 =	vld.idx.msk [tilespmem:v53+s4+$0x0], $0xffff  }
0xff: {  	s2 =	sor.u32 $0x50, s12;
	v37 =	vsub.f32 v31, v26;
	v34 =	vld.idx.msk [tilespmem:v57+s4+$0x0], $0xffff  }
0x100: {  	v40 =	vadd.s32 s11, v5;
	v36 =	vsub.f32 v1, v62;
	v41 =	vmul.f32 v38, v13;
	[tilespmem:s2+$0x2B00] =	vst v4  }
0x101: {  	v39 =	vadd.s32 s30, v5;
	v35 =	vsub.f32 v62, v31;
	v18 =	vmul.f32 v37, v13;
	v61 =	vld.idx.msk [tilespmem:v28+s4+$0x0], $0xffff  }
0x102: {  	v12 =	vmul.f32 v36, v13;
	v44 =	vadd.f32 v41, v15;
	v11 =	vsub.f32 v56, v25;
	v10 =	vld.idx.msk [tilespmem:v55+s4+$0x0], $0xffff  }
0x103: {  	v3 =	vmul.f32 v35, v13;
	v18 =	vadd.f32 v18, v26;
	v0 =	vsub.f32 v0, v7  }
0x104: {  	s17 =	sor.u32 $0x60, s8;
	[tilespmem:s1+$0xFFFFFFA0] =	vst v44;
	v52 =	vadd.s32 s31, v63;
	v11 =	vmul.f32 v11, v14;
	v2 =	vsub.f32 v34, v60  }
0x105: {  	v54 =	vadd.s32 s30, v63;
	[tilespmem:s17+$0x2B00] =	vst v18;
	v3 =	vadd.f32 v3, v31;
	v0 =	vmul.f32 v0, v14  }
0x106: {  	v9 =	vadd.f32 v12, v62;
	v12 =	vld.idx.msk [tilespmem:v40+s4+$0x0], $0xffff;
	v11 =	vadd.f32 v11, v25;
	v2 =	vmul.f32 v2, v14  }
0x107: {  	v53 =	vld.idx.msk [tilespmem:v39+s4+$0x0], $0xffff;
	v8 =	vsub.f32 v61, v10;
	v0 =	vadd.f32 v0, v7  }
0x108: {  	v45 =	vadd.s32 s31, v5;
	[tilespmem:s1+$0x20] =	vst v3;
	v57 =	vld.idx.msk [tilespmem:v17+s4+$0x0], $0xffff;
	v2 =	vadd.f32 v2, v60;
	v60 =	vsub.f32 v11, v1  }
0x109: {  	s11 =	sor.u32 $0x60, s21;
	v30 =	vadd.s32 s7, v5;
	v16 =	vadd.f32 v33, v16;
	v62 =	vld.idx.msk [tilespmem:v52+s4+$0x0], $0xffff;
	v8 =	vmul.f32 v8, v14  }
0x10a: {  	v29 =	vadd.s32 s6, v5;
	[tilespmem:s11+$0x2B00] =	vst v9;
	v9 =	vld.idx.msk [tilespmem:v54+s4+$0x0], $0xffff;
	v56 =	vsub.f32 v0, v11;
	v26 =	vmul.f32 v60, v13  }
0x10b: {  	v35 =	vadd.s32 s6, v63;
	v43 =	vld.idx.msk [tilespmem:v21+s4+$0x0], $0xffff;
	v61 =	vadd.s32 s13, v5;
	v42 =	vadd.f32 v8, v10  }
0x10c: {  	v46 =	vld.idx.msk [tilespmem:v20+s4+$0x0], $0xffff;
	v59 =	vsub.f32 v2, v0;
	v21 =	vmul.f32 v56, v13;
	v1 =	vadd.f32 v26, v1  }
0x10d: {  	v38 =	vadd.s32 s13, v63;
	v58 =	vadd.s32 s9, v63;
	v10 =	vld.idx.msk [tilespmem:v45+s4+$0x0], $0xffff;
	v4 =	vsub.f32 v42, v2  }
0x10e: {  	v40 =	vsub.f32 v23, v24;
	v25 =	vmul.f32 v59, v13;
	v11 =	vadd.f32 v21, v11;
	[tilespmem:s10+$0xFFFFFFA0] =	vst v1  }
0x10f: {  	s23 =	sor.u32 $0x60, s22;
	v34 =	vadd.s32 s7, v63;
	v3 =	vsub.f32 v57, v12;
	v4 =	vmul.f32 v4, v13;
	v39 =	vld.idx.msk [tilespmem:v29+s4+$0x0], $0xffff  }
0x110: {  	v55 =	vadd.s32 s9, v5;
	v9 =	vsub.f32 v9, v53;
	v0 =	vadd.f32 v25, v0;
	[tilespmem:s23+$0x2B00] =	vst v11;
	v42 =	vld.idx.msk [tilespmem:v35+s4+$0x0], $0xffff  }
0x111: {  	v15 =	vsub.f32 v46, v43;
	v3 =	vmul.f32 v3, v14;
	v2 =	vadd.f32 v4, v2;
	v37 =	vld.idx.msk [tilespmem:v61+s4+$0x0], $0xffff  }
0x112: {  	s20 =	sor.u32 $0x60, s12;
	v5 =	vmul.f32 v40, v13;
	v4 =	vsub.f32 v62, v10;
	[tilespmem:s10+$0x20] =	vst v0;
	v1 =	vld.idx.msk [tilespmem:v38+s4+$0x0], $0xffff  }
0x113: {  	v9 =	vmul.f32 v9, v14;
	v3 =	vadd.f32 v3, v12;
	[tilespmem:s20+$0x2B00] =	vst v2;
	v2 =	vld.idx.msk [tilespmem:v30+s4+$0x0], $0xffff  }
0x114: {  	v15 =	vmul.f32 v15, v14;
	v5 =	vadd.f32 v5, v24;
	v4 =	vmul.f32 v4, v14;
	v20 =	vld.idx.msk [tilespmem:v34+s4+$0x0], $0xffff  }
0x115: {  	v41 =	vmul.f32 v32, v13;
	v7 =	vadd.f32 v9, v53;
	v45 =	vsub.f32 v3, v19;
	v31 =	vld.idx.msk [tilespmem:v55+s4+$0x0], $0xffff  }
0x116: {  	v8 =	vadd.f32 v15, v43;
	v36 =	vld.idx.msk [tilespmem:v58+s4+$0x0], $0xffff;
	v4 =	vadd.f32 v4, v10  }
0x117: {  	v43 =	vadd.f32 v41, v22;
	v53 =	vsub.f32 v7, v3;
	v54 =	vmul.f32 v45, v13  }
0x118: {  	v46 =	vsub.f32 v42, v39;
	v44 =	vsub.f32 v8, v4  }
0x119: {  	v56 =	vadd.f32 v54, v19;
	v55 =	vmul.f32 v53, v13;
	v1 =	vsub.f32 v1, v37  }
0x11a: {  	v20 =	vsub.f32 v20, v2;
	v9 =	vmul.f32 v46, v14;
	v12 =	vmul.f32 v44, v13  }
0x11b: {  	v3 =	vadd.f32 v55, v3;
	v11 =	vsub.f32 v36, v31;
	v1 =	vmul.f32 v1, v14  }
0x11c: {  	[tilespmem:s18+$0x2B00] =	vst v27;
	v52 =	vmul.f32 v20, v14;
	v0 =	vadd.f32 v9, v39;
	v12 =	vadd.f32 v12, v4  }
0x11d: {  	[tilespmem:s29+$0xFFFFFFB0] =	vst v16;
	v11 =	vmul.f32 v11, v14;
	v4 =	vsub.f32 v4, v7;
	v1 =	vadd.f32 v1, v37  }
0x11e: {  	s0 =	sor.u32 $0x70, s0;
	[tilespmem:s29+$0x30] =	vst v5;
	v2 =	vadd.f32 v52, v2;
	v57 =	vsub.f32 v0, v8  }
0x11f: {  	[tilespmem:s0+$0x2B00] =	vst v43;
	v6 =	vadd.f32 v11, v31;
	v4 =	vmul.f32 v4, v13;
	v58 =	vsub.f32 v1, v0  }
0x120: {  	s29 =	sor.u32 $0x70, s8;
	[tilespmem:s1+$0xFFFFFFB0] =	vst v56;
	v59 =	vmul.f32 v57, v13;
	v60 =	vsub.f32 v2, v1  }
0x121: {  	s28 =	sor.u32 $0x70, s21;
	[tilespmem:s29+$0x2B00] =	vst v3;
	v6 =	vsub.f32 v6, v2;
	v4 =	vadd.f32 v4, v7;
	v61 =	vmul.f32 v58, v13  }
0x122: {  	[tilespmem:s28+$0x2B00] =	vst v12;
	v62 =	vadd.f32 v59, v8;
	v63 =	vmul.f32 v60, v13  }
.Ltmp4:
0x123: {  	v6 =	vmul.f32 v6, v13;
	[tilespmem:s1+$0x30] =	vst v4;
	v0 =	vadd.f32 v61, v0;
	(pc) =	sbr.rel .LBB2_9-.Ltmp4, $4  }
0x124: {  	s31 =	sor.u32 $0x70, s22;
	[tilespmem:s10+$0xFFFFFFB0] =	vst v62;
	v1 =	vadd.f32 v63, v1  }
0x125: {  	v2 =	vadd.f32 v6, v2;
	[tilespmem:s31+$0x2B00] =	vst v0  }
0x126: {  	s30 =	sor.u32 $0x70, s12;
	[tilespmem:s10+$0x30] =	vst v1  }
0x127: {  	[tilespmem:s30+$0x2B00] =	vst v2  }
.LBB2_3:
0x128: {  	s2 =	sadd.s32 $0xFFFFFFFC, s28  }
0x129: {  	s0 =	sadd.s32 $0x7, s2  }
0x12a: {  	p1 =	sgt.s32 s0, $0x0  }
0x12b: {  	s0 =	simm.s32 @!p1 $0x0  }
0x12c: {  	s6 =	smul.u32 $0x4A, s0;
	_ =	sdelay $0x1  }
0x12d: {  	v13 =	vbroadcast v0, $0xF;
	v0 =	vadd.s32 s6, v7  }
0x12e: {  	v14 =	vbroadcast v1, $0xF;
	s1 =	sadd.s32 $0x4A, s6;
	v1 =	vadd.s32 s6, v10  }
0x12f: {  	s0 =	sadd.s32 $0x4, s2;
	v2 =	vadd.s32 s1, v7  }
0x130: {  	p1 =	sgt.s32 s0, $0x0;
	v3 =	vadd.s32 s1, v10  }
0x131: {  	s0 =	simm.s32 @!p1 $0x0  }
0x132: {  	s8 =	smul.u32 $0x4A, s0;
	v0 =	vld.idx.msk [tilespmem:v0+s4+$0x0], $0xffff  }
0x133: {  	v1 =	vld.idx.msk [tilespmem:v1+s4+$0x0], $0xffff  }
0x134: {  	s7 =	sadd.s32 $0x5, s2;
	s0 =	sadd.s32 $0x4A, s8;
	v16 =	vadd.s32 s8, v7;
	v2 =	vld.idx.msk [tilespmem:v2+s4+$0x0], $0xffff  }
0x135: {  	p1 =	sgt.s32 s7, $0x0;
	v4 =	vadd.s32 s0, v7;
	v3 =	vld.idx.msk [tilespmem:v3+s4+$0x0], $0xffff  }
0x136: {  	s7 =	simm.s32 @!p1 $0x0;
	v15 =	vadd.s32 s0, v10  }
0x137: {  	s9 =	smul.u32 $0x4A, s7;
	v17 =	vadd.s32 s8, v10;
	_ =	sdelay $0x1  }
0x138: {  	s2 =	sadd.s32 $0x6, s2;
	s10 =	sadd.s32 $0x4A, s9;
	v20 =	vadd.s32 s9, v7;
	v16 =	vld.idx.msk [tilespmem:v16+s4+$0x0], $0xffff  }
0x139: {  	p1 =	sgt.s32 s2, $0x0;
	v18 =	vadd.s32 s10, v7;
	v4 =	vld.idx.msk [tilespmem:v4+s4+$0x0], $0xffff;
	v1 =	vsub.f32 v1, v0;
	v3 =	vsub.f32 v3, v2  }
0x13a: {  	s2 =	simm.s32 @!p1 $0x0;
	v19 =	vadd.s32 s10, v10;
	v15 =	vld.idx.msk [tilespmem:v15+s4+$0x0], $0xffff  }
0x13b: {  	s20 =	smul.u32 $0x4A, s2;
	v21 =	vadd.s32 s9, v10;
	v17 =	vld.idx.msk [tilespmem:v17+s4+$0x0], $0xffff;
	v1 =	vmul.f32 v1, v14;
	v3 =	vmul.f32 v3, v14;
	_ =	sdelay $0x1  }
0x13c: {  	s11 =	sadd.s32 $0x4A, s20;
	v23 =	vadd.s32 s20, v10;
	v20 =	vld.idx.msk [tilespmem:v20+s4+$0x0], $0xffff;
	v0 =	vadd.f32 v1, v0;
	v1 =	vadd.f32 v3, v2  }
0x13d: {  	v22 =	vadd.s32 s11, v7;
	v18 =	vld.idx.msk [tilespmem:v18+s4+$0x0], $0xffff  }
0x13e: {  	v15 =	vsub.f32 v15, v4;
	v2 =	vadd.s32 s11, v10;
	v3 =	vld.idx.msk [tilespmem:v19+s4+$0x0], $0xffff;
	v1 =	vsub.f32 v1, v0  }
0x13f: {  	v21 =	vld.idx.msk [tilespmem:v21+s4+$0x0], $0xffff;
	v17 =	vsub.f32 v17, v16;
	v19 =	vadd.s32 s20, v7  }
0x140: {  	v24 =	vadd.s32 s6, v9;
	v15 =	vmul.f32 v15, v14;
	v1 =	vmul.f32 v1, v13  }
0x141: {  	v25 =	vadd.s32 s6, v11;
	v23 =	vld.idx.msk [tilespmem:v23+s4+$0x0], $0xffff;
	v17 =	vmul.f32 v17, v14  }
0x142: {  	v22 =	vld.idx.msk [tilespmem:v22+s4+$0x0], $0xffff;
	v4 =	vadd.f32 v15, v4;
	v15 =	vadd.s32 s1, v11;
	v0 =	vadd.f32 v1, v0  }
0x143: {  	s29 =	simm.s32 $0x2B80;
	v2 =	vld.idx.msk [tilespmem:v2+s4+$0x0], $0xffff;
	v3 =	vsub.f32 v3, v18;
	v1 =	vadd.s32 s1, v9  }
0x144: {  	v21 =	vsub.f32 v21, v20;
	v19 =	vld.idx.msk [tilespmem:v19+s4+$0x0], $0xffff;
	[tilespmem:s29+$0x40] =	vst v0;
	v0 =	vadd.f32 v17, v16  }
0x145: {  	v3 =	vmul.f32 v3, v14;
	v16 =	vld.idx.msk [tilespmem:v24+s4+$0x0], $0xffff  }
0x146: {  	v17 =	vmul.f32 v21, v14;
	v21 =	vld.idx.msk [tilespmem:v25+s4+$0x0], $0xffff;
	v4 =	vsub.f32 v4, v0  }
0x147: {  	v24 =	vadd.s32 s8, v9;
	v3 =	vadd.f32 v3, v18;
	v15 =	vld.idx.msk [tilespmem:v15+s4+$0x0], $0xffff  }
0x148: {  	v2 =	vsub.f32 v2, v22;
	v17 =	vadd.f32 v17, v20;
	v1 =	vld.idx.msk [tilespmem:v1+s4+$0x0], $0xffff;
	v4 =	vmul.f32 v4, v13  }
0x149: {  	v18 =	vadd.s32 s0, v9;
	v20 =	vadd.s32 s8, v11;
	v23 =	vsub.f32 v23, v19  }
0x14a: {  	v2 =	vmul.f32 v2, v14;
	v3 =	vsub.f32 v3, v17;
	v0 =	vadd.f32 v4, v0  }
0x14b: {  	v25 =	vadd.s32 s9, v9;
	v4 =	vadd.s32 s0, v11  }
0x14c: {  	v2 =	vadd.f32 v2, v22;
	v22 =	vmul.f32 v23, v14;
	v3 =	vmul.f32 v3, v13;
	[tilespmem:s29+$0xFFFFFF80] =	vst v0  }
0x14d: {  	v21 =	vsub.f32 v21, v16;
	v0 =	vadd.s32 s9, v11;
	v15 =	vsub.f32 v15, v1;
	v23 =	vld.idx.msk [tilespmem:v24+s4+$0x0], $0xffff  }
0x14e: {  	v19 =	vadd.f32 v22, v19;
	v3 =	vadd.f32 v3, v17;
	v24 =	vadd.s32 s10, v9;
	v17 =	vld.idx.msk [tilespmem:v20+s4+$0x0], $0xffff  }
0x14f: {  	v21 =	vmul.f32 v21, v14;
	v20 =	vadd.s32 s10, v11;
	v18 =	vld.idx.msk [tilespmem:v18+s4+$0x0], $0xffff;
	v15 =	vmul.f32 v15, v14  }
0x150: {  	v2 =	vsub.f32 v2, v19;
	[tilespmem:s29+$0xFFFFFFC0] =	vst v3;
	v3 =	vld.idx.msk [tilespmem:v4+s4+$0x0], $0xffff  }
0x151: {  	v16 =	vadd.f32 v21, v16;
	v4 =	vld.idx.msk [tilespmem:v25+s4+$0x0], $0xffff;
	v1 =	vadd.f32 v15, v1  }
0x152: {  	v0 =	vld.idx.msk [tilespmem:v0+s4+$0x0], $0xffff  }
0x153: {  	v15 =	vadd.s32 s20, v9;
	v2 =	vmul.f32 v2, v13;
	v21 =	vld.idx.msk [tilespmem:v24+s4+$0x0], $0xffff;
	v1 =	vsub.f32 v1, v16  }
0x154: {  	v22 =	vadd.s32 s11, v9;
	v24 =	vadd.s32 s20, v11;
	v17 =	vsub.f32 v17, v23;
	v20 =	vld.idx.msk [tilespmem:v20+s4+$0x0], $0xffff  }
0x155: {  	v2 =	vadd.f32 v2, v19;
	v1 =	vmul.f32 v1, v13;
	v3 =	vsub.f32 v3, v18  }
0x156: {  	v19 =	vadd.s32 s6, v6;
	v17 =	vmul.f32 v17, v14  }
0x157: {  	[tilespmem:s29+$0x0] =	vst v2;
	v2 =	vadd.s32 s6, v8;
	v1 =	vadd.f32 v1, v16;
	v3 =	vmul.f32 v3, v14  }
0x158: {  	s31 =	simm.s32 $0xC0;
	v25 =	vld.idx.msk [tilespmem:v15+s4+$0x0], $0xffff;
	v15 =	vadd.s32 s1, v6;
	v0 =	vsub.f32 v0, v4;
	v16 =	vadd.f32 v17, v23  }
0x159: {  	s21 =	sor.u32 $0x50, s31;
	v26 =	vld.idx.msk [tilespmem:v22+s4+$0x0], $0xffff;
	v23 =	vadd.s32 s1, v8;
	v3 =	vadd.f32 v3, v18;
	v18 =	vsub.f32 v20, v21  }
0x15a: {  	v17 =	vld.idx.msk [tilespmem:v24+s4+$0x0], $0xffff;
	v20 =	vadd.s32 s11, v11;
	[tilespmem:s21+$0x2B00] =	vst v1  }
0x15b: {  	v31 =	vadd.s32 s9, v6;
	v0 =	vmul.f32 v0, v14;
	v1 =	vld.idx.msk [tilespmem:v19+s4+$0x0], $0xffff;
	v18 =	vmul.f32 v18, v14  }
0x15c: {  	v32 =	vadd.s32 s9, v8;
	v27 =	vadd.s32 s10, v6;
	v2 =	vld.idx.msk [tilespmem:v2+s4+$0x0], $0xffff;
	v3 =	vsub.f32 v3, v16  }
0x15d: {  	s12 =	sadd.s32 $0x0, s28;
	v34 =	vadd.s32 s10, v8;
	v0 =	vadd.f32 v0, v4;
	v4 =	vld.idx.msk [tilespmem:v15+s4+$0x0], $0xffff;
	v15 =	vadd.f32 v18, v21  }
0x15e: {  	s2 =	sadd.s32 $0x7, s12;
	v28 =	vadd.s32 s11, v6;
	v22 =	vadd.s32 s8, v6;
	v3 =	vmul.f32 v3, v13;
	v21 =	vld.idx.msk [tilespmem:v23+s4+$0x0], $0xffff  }
0x15f: {  	p1 =	sgt.s32 s2, $0x0;
	v24 =	vadd.s32 s0, v6;
	v18 =	vadd.s32 s8, v8;
	v20 =	vld.idx.msk [tilespmem:v20+s4+$0x0], $0xffff;
	v15 =	vsub.f32 v15, v0  }
0x160: {  	s2 =	simm.s32 @!p1 $0x0;
	v19 =	vadd.s32 s0, v8;
	v17 =	vsub.f32 v17, v25;
	v3 =	vadd.f32 v3, v16  }
0x161: {  	v16 =	vadd.s32 s0, v5;
	v35 =	vmul.f32 v15, v13;
	v15 =	vadd.s32 s0, v63;
	s0 =	smul.u32 $0x4A, s2  }
0x162: {  	v23 =	vadd.s32 s10, v5;
	v2 =	vsub.f32 v2, v1;
	v17 =	vmul.f32 v17, v14;
	[tilespmem:s29+$0xFFFFFF90] =	vst v3  }
0x163: {  	v3 =	vld.idx.msk [tilespmem:v22+s4+$0x0], $0xffff;
	v22 =	vadd.s32 s10, v63;
	v21 =	vsub.f32 v21, v4;
	v37 =	vadd.s32 s0, v7  }
0x164: {  	s13 =	simm.s32 $0x40;
	v50 =	vld.idx.msk [tilespmem:v18+s4+$0x0], $0xffff;
	v0 =	vadd.f32 v35, v0;
	v18 =	vsub.f32 v20, v26;
	s10 =	sadd.s32 $0x4A, s0;
	v38 =	vadd.s32 s0, v10  }
0x165: {  	s22 =	sor.u32 $0x50, s13;
	v2 =	vmul.f32 v2, v14;
	s2 =	sadd.s32 $0x4, s12;
	v36 =	vld.idx.msk [tilespmem:v24+s4+$0x0], $0xffff;
	v20 =	vmul.f32 v21, v14;
	v39 =	vadd.s32 s10, v7  }
0x166: {  	v41 =	vadd.f32 v17, v25;
	p1 =	sgt.s32 s2, $0x0;
	v40 =	vadd.s32 s10, v10;
	[tilespmem:s22+$0x2B00] =	vst v0;
	v0 =	vld.idx.msk [tilespmem:v19+s4+$0x0], $0xffff;
	v18 =	vmul.f32 v18, v14  }
0x167: {  	v29 =	vadd.s32 s11, v8;
	v1 =	vadd.f32 v2, v1;
	s2 =	simm.s32 @!p1 $0x0;
	v2 =	vadd.f32 v20, v4;
	v4 =	vld.idx.msk [tilespmem:v32+s4+$0x0], $0xffff  }
0x168: {  	v24 =	vadd.s32 s11, v5;
	v21 =	vadd.s32 s11, v63;
	s11 =	smul.u32 $0x4A, s2;
	v17 =	vadd.f32 v18, v26;
	v26 =	vld.idx.msk [tilespmem:v37+s4+$0x0], $0xffff  }
0x169: {  	v2 =	vsub.f32 v2, v1;
	v51 =	vld.idx.msk [tilespmem:v38+s4+$0x0], $0xffff  }
0x16a: {  	v45 =	vadd.s32 s11, v10;
	v39 =	vld.idx.msk [tilespmem:v39+s4+$0x0], $0xffff  }
0x16b: {  	v52 =	vadd.s32 s6, v5;
	v53 =	vadd.s32 s6, v63;
	v40 =	vld.idx.msk [tilespmem:v40+s4+$0x0], $0xffff;
	v2 =	vmul.f32 v2, v13  }
0x16c: {  	v44 =	vadd.s32 s1, v63;
	v33 =	vadd.s32 s20, v6;
	v32 =	vld.idx.msk [tilespmem:v27+s4+$0x0], $0xffff;
	v27 =	vsub.f32 v50, v3  }
0x16d: {  	v30 =	vadd.s32 s20, v8;
	v19 =	vadd.s32 s8, v63;
	v31 =	vld.idx.msk [tilespmem:v31+s4+$0x0], $0xffff;
	v1 =	vadd.f32 v2, v1  }
0x16e: {  	s23 =	sor.u32 $0x60, s31;
	s2 =	sadd.s32 $0x5, s12;
	v20 =	vadd.s32 s8, v5;
	v34 =	vld.idx.msk [tilespmem:v34+s4+$0x0], $0xffff;
	s8 =	sadd.s32 $0x4A, s11;
	v43 =	vmul.f32 v27, v14;
	v2 =	vadd.s32 s1, v5  }
0x16f: {  	v60 =	vadd.s32 s10, v9;
	p1 =	sgt.s32 s2, $0x0;
	v54 =	vadd.s32 s8, v7;
	v45 =	vld.idx.msk [tilespmem:v45+s4+$0x0], $0xffff;
	v37 =	vsub.f32 v51, v26;
	[tilespmem:s23+$0x2B00] =	vst v1  }
0x170: {  	s2 =	simm.s32 @!p1 $0x0;
	v55 =	vadd.s32 s8, v10;
	v1 =	vadd.f32 v43, v3;
	v40 =	vsub.f32 v40, v39;
	v3 =	vld.idx.msk [tilespmem:v52+s4+$0x0], $0xffff  }
0x171: {  	s7 =	sadd.s32 $0x6, s12;
	v56 =	vadd.s32 s11, v7;
	v18 =	vadd.s32 s9, v5;
	s6 =	smul.u32 $0x4A, s2;
	v25 =	vsub.f32 v17, v41;
	v35 =	vld.idx.msk [tilespmem:v53+s4+$0x0], $0xffff  }
0x172: {  	p1 =	sgt.s32 s7, $0x0;
	v49 =	vadd.s32 s8, v9;
	v44 =	vld.idx.msk [tilespmem:v44+s4+$0x0], $0xffff;
	v37 =	vmul.f32 v37, v14;
	v40 =	vmul.f32 v40, v14  }
0x173: {  	s7 =	simm.s32 @!p1 $0x0;
	v17 =	vadd.s32 s9, v63;
	s12 =	sadd.s32 $0x4A, s6;
	v0 =	vsub.f32 v0, v36;
	v42 =	vmul.f32 v25, v13;
	v2 =	vld.idx.msk [tilespmem:v2+s4+$0x0], $0xffff  }
0x174: {  	s9 =	smul.u32 $0x4A, s7;
	v46 =	vadd.s32 s12, v7;
	v38 =	vld.idx.msk [tilespmem:v54+s4+$0x0], $0xffff;
	v26 =	vadd.f32 v37, v26;
	v57 =	vadd.f32 v40, v39  }
0x175: {  	v47 =	vadd.s32 s12, v10;
	v0 =	vmul.f32 v0, v14;
	v41 =	vadd.f32 v42, v41;
	v42 =	vld.idx.msk [tilespmem:v55+s4+$0x0], $0xffff  }
0x176: {  	v58 =	vadd.s32 s6, v10;
	v4 =	vsub.f32 v4, v31;
	s17 =	sadd.s32 $0x4A, s9;
	v43 =	vld.idx.msk [tilespmem:v56+s4+$0x0], $0xffff;
	v37 =	vsub.f32 v57, v26  }
0x177: {  	v59 =	vadd.s32 s17, v7;
	v36 =	vadd.f32 v0, v36;
	v0 =	vadd.s32 s6, v7  }
0x178: {  	v35 =	vsub.f32 v35, v3;
	v44 =	vsub.f32 v44, v2;
	v37 =	vmul.f32 v37, v13  }
0x179: {  	v34 =	vsub.f32 v34, v32;
	v54 =	vadd.s32 s0, v11;
	v46 =	vld.idx.msk [tilespmem:v46+s4+$0x0], $0xffff;
	v53 =	vadd.s32 s0, v9  }
0x17a: {  	v47 =	vld.idx.msk [tilespmem:v47+s4+$0x0], $0xffff;
	v35 =	vmul.f32 v35, v14;
	v44 =	vmul.f32 v44, v14;
	v26 =	vadd.f32 v37, v26  }
0x17b: {  	s30 =	simm.s32 $0x2C80;
	v48 =	vadd.s32 s17, v10;
	v42 =	vsub.f32 v42, v38;
	v39 =	vld.idx.msk [tilespmem:v58+s4+$0x0], $0xffff;
	v45 =	vsub.f32 v45, v43  }
0x17c: {  	v50 =	vadd.s32 s9, v7;
	v0 =	vld.idx.msk [tilespmem:v0+s4+$0x0], $0xffff;
	v3 =	vadd.f32 v35, v3;
	v2 =	vadd.f32 v44, v2;
	[tilespmem:s30+$0x40] =	vst v26  }
0x17d: {  	v4 =	vmul.f32 v4, v14;
	v51 =	vadd.s32 s9, v10;
	v40 =	vld.idx.msk [tilespmem:v59+s4+$0x0], $0xffff;
	v35 =	vadd.s32 s10, v11;
	[tilespmem:$0x1FF70] =	vst v5  }
0x17e: {  	v26 =	vmul.f32 v42, v14;
	v42 =	vmul.f32 v45, v14;
	v53 =	vld.idx.msk [tilespmem:v53+s4+$0x0], $0xffff;
	v2 =	vsub.f32 v2, v3  }
0x17f: {  	v34 =	vmul.f32 v34, v14;
	v4 =	vadd.f32 v4, v31;
	v47 =	vsub.f32 v47, v46;
	v45 =	vld.idx.msk [tilespmem:v54+s4+$0x0], $0xffff  }
0x180: {  	v61 =	vadd.f32 v26, v38;
	v38 =	vadd.f32 v42, v43;
	v43 =	vld.idx.msk [tilespmem:v48+s4+$0x0], $0xffff;
	v2 =	vmul.f32 v2, v13  }
0x181: {  	v31 =	vadd.f32 v34, v32;
	v47 =	vmul.f32 v47, v14;
	v39 =	vsub.f32 v39, v0;
	v60 =	vld.idx.msk [tilespmem:v60+s4+$0x0], $0xffff  }
0x182: {  	v27 =	vadd.s32 s20, v63;
	v35 =	vld.idx.msk [tilespmem:v35+s4+$0x0], $0xffff;
	v26 =	vadd.f32 v2, v3;
	v2 =	vsub.f32 v61, v38  }
0x183: {  	v25 =	vadd.s32 s20, v5;
	v36 =	vsub.f32 v36, v1;
	v37 =	vadd.f32 v47, v46;
	v50 =	vld.idx.msk [tilespmem:v50+s4+$0x0], $0xffff  }
0x184: {  	v57 =	vadd.s32 s11, v9;
	v39 =	vmul.f32 v39, v14;
	v46 =	vld.idx.msk [tilespmem:v51+s4+$0x0], $0xffff;
	[tilespmem:s29+$0x10] =	vst v41;
	v2 =	vmul.f32 v2, v13  }
0x185: {  	v58 =	vadd.s32 s11, v11;
	v33 =	vld.idx.msk [tilespmem:v33+s4+$0x0], $0xffff;
	v45 =	vsub.f32 v45, v53;
	v62 =	vsub.f32 v43, v40  }
0x186: {  	v55 =	vadd.s32 s12, v9;
	v39 =	vadd.f32 v39, v0;
	v28 =	vld.idx.msk [tilespmem:v28+s4+$0x0], $0xffff;
	v38 =	vadd.f32 v2, v38  }
0x187: {  	v35 =	vsub.f32 v35, v60;
	v51 =	vmul.f32 v45, v14;
	v45 =	vld.idx.msk [tilespmem:v30+s4+$0x0], $0xffff;
	v41 =	vmul.f32 v62, v14  }
0x188: {  	v52 =	vadd.s32 s8, v11;
	v31 =	vsub.f32 v31, v4;
	v36 =	vmul.f32 v36, v13;
	v62 =	vld.idx.msk [tilespmem:v29+s4+$0x0], $0xffff;
	[tilespmem:s30+$0xFFFFFF80] =	vst v38  }
0x189: {  	v30 =	vsub.f32 v37, v39;
	v35 =	vmul.f32 v35, v14;
	v40 =	vadd.f32 v41, v40;
	v41 =	vld.idx.msk [tilespmem:v57+s4+$0x0], $0xffff  }
0x18a: {  	v59 =	vadd.s32 s6, v9;
	v1 =	vadd.f32 v36, v1;
	v46 =	vsub.f32 v46, v50;
	v47 =	vld.idx.msk [tilespmem:v58+s4+$0x0], $0xffff  }
0x18b: {  	v38 =	vadd.f32 v51, v53;
	v53 =	vmul.f32 v30, v13;
	v35 =	vadd.f32 v35, v60;
	v58 =	vld [tilespmem:$0x1FF70]  }
0x18c: {  	v56 =	vadd.s32 s17, v9;
	v42 =	vadd.s32 s6, v11;
	v46 =	vmul.f32 v46, v14;
	v49 =	vld.idx.msk [tilespmem:v49+s4+$0x0], $0xffff;
	[tilespmem:s29+$0xFFFFFFA0] =	vst v1  }
0x18d: {  	v31 =	vmul.f32 v31, v13;
	v39 =	vadd.f32 v53, v39;
	v35 =	vsub.f32 v35, v38;
	v20 =	vld.idx.msk [tilespmem:v20+s4+$0x0], $0xffff  }
0x18e: {  	v34 =	vadd.s32 s10, v8;
	v44 =	vadd.s32 s12, v11;
	v46 =	vadd.f32 v46, v50;
	v19 =	vld.idx.msk [tilespmem:v19+s4+$0x0], $0xffff  }
0x18f: {  	v4 =	vadd.f32 v31, v4;
	v50 =	vadd.s32 s0, v6;
	[tilespmem:s30+$0xFFFFFFC0] =	vst v39;
	v39 =	vld.idx.msk [tilespmem:v52+s4+$0x0], $0xffff;
	v35 =	vmul.f32 v35, v13  }
0x190: {  	v60 =	vadd.s32 s0, v8;
	v40 =	vsub.f32 v40, v46;
	v45 =	vsub.f32 v45, v33;
	v52 =	vld.idx.msk [tilespmem:v59+s4+$0x0], $0xffff  }
0x191: {  	s7 =	simm.s32 $0x1C0;
	v43 =	vsub.f32 v62, v28;
	v62 =	vadd.s32 s10, v6;
	v42 =	vld.idx.msk [tilespmem:v42+s4+$0x0], $0xffff;
	v35 =	vadd.f32 v35, v38  }
0x192: {  	s18 =	sor.u32 $0x50, s7;
	v54 =	vadd.s32 s17, v11;
	v48 =	vadd.s32 s9, v9;
	v45 =	vmul.f32 v45, v14;
	v32 =	vld.idx.msk [tilespmem:v55+s4+$0x0], $0xffff  }
0x193: {  	v0 =	vadd.s32 s8, v8;
	v61 =	vadd.s32 s9, v11;
	v40 =	vmul.f32 v40, v13;
	v44 =	vld.idx.msk [tilespmem:v44+s4+$0x0], $0xffff;
	[tilespmem:s18+$0x2B00] =	vst v35  }
0x194: {  	v57 =	vmul.f32 v43, v14;
	v43 =	vadd.f32 v45, v33;
	v59 =	vsub.f32 v47, v41;
	v45 =	vld.idx.msk [tilespmem:v50+s4+$0x0], $0xffff  }
0x195: {  	v3 =	vadd.s32 s8, v6;
	v40 =	vadd.f32 v40, v46;
	v39 =	vsub.f32 v39, v49;
	v46 =	vld.idx.msk [tilespmem:v60+s4+$0x0], $0xffff  }
0x196: {  	v37 =	vadd.s32 s12, v8;
	v2 =	vadd.s32 s12, v6;
	v33 =	vmul.f32 v59, v14;
	v60 =	vld.idx.msk [tilespmem:v62+s4+$0x0], $0xffff  }
0x197: {  	v51 =	vadd.s32 s11, v6;
	v28 =	vadd.f32 v57, v28;
	v34 =	vld.idx.msk [tilespmem:v34+s4+$0x0], $0xffff;
	v62 =	vmul.f32 v39, v14  }
0x198: {  	s20 =	sor.u32 $0x60, s13;
	v16 =	vld.idx.msk [tilespmem:v16+s4+$0x0], $0xffff;
	v55 =	vadd.s32 s11, v8;
	v42 =	vsub.f32 v42, v52;
	v41 =	vadd.f32 v33, v41  }
0x199: {  	[tilespmem:s20+$0x2B00] =	vst v4;
	v15 =	vld.idx.msk [tilespmem:v15+s4+$0x0], $0xffff;
	v38 =	vadd.s32 s6, v6;
	v57 =	vsub.f32 v44, v32;
	v53 =	vadd.f32 v62, v49  }
0x19a: {  	s21 =	sadd.s32 $0x4, s28;
	v18 =	vld.idx.msk [tilespmem:v18+s4+$0x0], $0xffff;
	v47 =	vadd.s32 s6, v8;
	v5 =	vadd.s32 s17, v58;
	v28 =	vsub.f32 v28, v43  }
0x19b: {  	s1 =	sadd.s32 $0x7, s21;
	[tilespmem:s30+$0x0] =	vst v40;
	v1 =	vmul.f32 v42, v14;
	v31 =	vmul.f32 v57, v14;
	v33 =	vsub.f32 v53, v41  }
0x19c: {  	p1 =	sgt.s32 s1, $0x0;
	v59 =	vld.idx.msk [tilespmem:v54+s4+$0x0], $0xffff;
	v62 =	vmul.f32 v28, v13;
	v28 =	vsub.f32 v46, v45;
	v34 =	vsub.f32 v34, v60  }
0x19d: {  	s1 =	simm.s32 @!p1 $0x0;
	v44 =	vld.idx.msk [tilespmem:v56+s4+$0x0], $0xffff;
	v42 =	vadd.f32 v1, v52;
	v31 =	vadd.f32 v31, v32;
	v50 =	vmul.f32 v33, v13  }
0x19e: {  	s1 =	smul.u32 $0x4A, s1;
	v19 =	vsub.f32 v19, v20;
	v15 =	vsub.f32 v15, v16;
	v40 =	vld.idx.msk [tilespmem:v48+s4+$0x0], $0xffff;
	v28 =	vmul.f32 v28, v14  }
0x19f: {  	v48 =	vld.idx.msk [tilespmem:v61+s4+$0x0], $0xffff;
	v34 =	vmul.f32 v34, v14;
	v4 =	vsub.f32 v31, v42;
	v41 =	vadd.f32 v50, v41  }
0x1a0: {  	v61 =	vadd.s32 s1, v10;
	v19 =	vmul.f32 v19, v14;
	v15 =	vmul.f32 v15, v14;
	v52 =	vld.idx.msk [tilespmem:v17+s4+$0x0], $0xffff  }
0x1a1: {  	v45 =	vadd.f32 v28, v45;
	v34 =	vadd.f32 v34, v60;
	v4 =	vmul.f32 v4, v13;
	[tilespmem:s30+$0xFFFFFF90] =	vst v41  }
0x1a2: {  	v54 =	vsub.f32 v59, v44;
	v31 =	vadd.s32 s8, v63;
	v41 =	vld.idx.msk [tilespmem:v51+s4+$0x0], $0xffff;
	[tilespmem:$0x1FF80] =	vst v5;
	v5 =	vadd.s32 s17, v63  }
0x1a3: {  	v33 =	vadd.s32 s8, v58;
	s8 =	simm.s32 $0x140;
	v34 =	vsub.f32 v34, v45;
	v4 =	vadd.f32 v4, v42;
	v42 =	vld.idx.msk [tilespmem:v55+s4+$0x0], $0xffff;
	[tilespmem:$0x1FF90] =	vst v5  }
0x1a4: {  	v56 =	vadd.s32 s0, v63;
	v32 =	vadd.f32 v62, v43;
	v53 =	vsub.f32 v48, v40;
	s22 =	sor.u32 $0x50, s8;
	v46 =	vld.idx.msk [tilespmem:v3+s4+$0x0], $0xffff  }
0x1a5: {  	v43 =	vmul.f32 v54, v14;
	v55 =	vadd.s32 s0, v58;
	v3 =	vmul.f32 v34, v13;
	[tilespmem:s22+$0x2B00] =	vst v4;
	v4 =	vld.idx.msk [tilespmem:v0+s4+$0x0], $0xffff  }
0x1a6: {  	v19 =	vadd.f32 v19, v20;
	v15 =	vadd.f32 v15, v16;
	v57 =	vadd.s32 s10, v58;
	v0 =	vld.idx.msk [tilespmem:v38+s4+$0x0], $0xffff  }
0x1a7: {  	v35 =	vmul.f32 v53, v14;
	v43 =	vadd.f32 v43, v44;
	v44 =	vld.idx.msk [tilespmem:v47+s4+$0x0], $0xffff;
	v3 =	vadd.f32 v3, v45  }
0x1a8: {  	s23 =	sor.u32 $0x60, s7;
	v59 =	vadd.s32 s10, v63;
	v28 =	vadd.s32 s12, v58;
	v60 =	vadd.s32 s12, v63;
	s12 =	sadd.s32 $0x4, s21;
	v2 =	vld.idx.msk [tilespmem:v2+s4+$0x0], $0xffff  }
0x1a9: {  	s2 =	sadd.s32 $0x6, s21;
	v40 =	vadd.f32 v35, v40;
	p1 =	sgt.s32 s12, $0x0;
	v35 =	vadd.s32 s11, v63;
	v34 =	vadd.s32 s11, v58;
	s11 =	sadd.s32 $0x5, s21;
	v37 =	vld.idx.msk [tilespmem:v37+s4+$0x0], $0xffff;
	[tilespmem:s23+$0x2B00] =	vst v3  }
0x1aa: {  	v29 =	vadd.s32 s17, v8;
	v30 =	vadd.s32 s17, v6;
	v62 =	vsub.f32 v52, v18;
	s12 =	simm.s32 @!p1 $0x0;
	s0 =	sadd.s32 $0x4A, s1;
	p1 =	sgt.s32 s11, $0x0;
	v47 =	vld.idx.msk [tilespmem:v55+s4+$0x0], $0xffff  }
0x1ab: {  	v15 =	vsub.f32 v15, v19;
	v43 =	vsub.f32 v43, v40;
	s10 =	smul.u32 $0x4A, s12;
	v50 =	vadd.s32 s0, v7;
	s11 =	simm.s32 @!p1 $0x0;
	p1 =	sgt.s32 s2, $0x0;
	v49 =	vld.idx.msk [tilespmem:v56+s4+$0x0], $0xffff  }
0x1ac: {  	v36 =	vadd.s32 s6, v58;
	v20 =	vmul.f32 v62, v14;
	s12 =	smul.u32 $0x4A, s11;
	s2 =	simm.s32 @!p1 $0x0;
	v3 =	vadd.s32 s1, v7;
	v38 =	vld.idx.msk [tilespmem:v57+s4+$0x0], $0xffff  }
0x1ad: {  	v15 =	vmul.f32 v15, v13;
	v43 =	vmul.f32 v43, v13;
	s18 =	sadd.s32 $0x4A, s10;
	s21 =	smul.u32 $0x4A, s2;
	v56 =	vadd.s32 s0, v10;
	v16 =	vld.idx.msk [tilespmem:v59+s4+$0x0], $0xffff  }
0x1ae: {  	v48 =	vld.idx.msk [tilespmem:v61+s4+$0x0], $0xffff;
	v61 =	vadd.f32 v20, v18;
	v57 =	vadd.s32 s18, v7;
	v59 =	vadd.s32 s18, v10;
	s23 =	sadd.s32 $0x4A, s12  }
0x1af: {  	v4 =	vsub.f32 v4, v46;
	v20 =	vadd.s32 s23, v7;
	v51 =	vadd.s32 s23, v10;
	s22 =	sadd.s32 $0x4A, s21  }
0x1b0: {  	v50 =	vld.idx.msk [tilespmem:v50+s4+$0x0], $0xffff;
	v44 =	vsub.f32 v44, v0;
	v37 =	vsub.f32 v37, v2;
	v53 =	vadd.s32 s22, v7  }
0x1b1: {  	v4 =	vmul.f32 v4, v14;
	v45 =	vld.idx.msk [tilespmem:v3+s4+$0x0], $0xffff;
	v3 =	vsub.f32 v42, v41;
	v49 =	vsub.f32 v49, v47  }
0x1b2: {  	v44 =	vmul.f32 v44, v14;
	v37 =	vmul.f32 v37, v14;
	v52 =	vld.idx.msk [tilespmem:v56+s4+$0x0], $0xffff;
	v16 =	vsub.f32 v16, v38  }
0x1b3: {  	v54 =	vadd.s32 s22, v10;
	v55 =	vld.idx.msk [tilespmem:v57+s4+$0x0], $0xffff;
	v3 =	vmul.f32 v3, v14;
	v62 =	vmul.f32 v49, v14  }
0x1b4: {  	v4 =	vadd.f32 v4, v46;
	v56 =	vadd.s32 s10, v10;
	v57 =	vld.idx.msk [tilespmem:v20+s4+$0x0], $0xffff;
	v16 =	vmul.f32 v16, v14  }
0x1b5: {  	v49 =	vld.idx.msk [tilespmem:v59+s4+$0x0], $0xffff;
	v3 =	vadd.f32 v3, v41;
	v41 =	vadd.s32 s10, v7;
	v20 =	vadd.f32 v62, v47  }
0x1b6: {  	v62 =	vsub.f32 v48, v45;
	v47 =	vadd.s32 s12, v7;
	v48 =	vld.idx.msk [tilespmem:v51+s4+$0x0], $0xffff;
	v16 =	vadd.f32 v16, v38  }
0x1b7: {  	v38 =	vadd.f32 v15, v19;
	v15 =	vadd.s32 s12, v10;
	v51 =	vld.idx.msk [tilespmem:v53+s4+$0x0], $0xffff;
	v59 =	vsub.f32 v52, v50  }
0x1b8: {  	v0 =	vadd.f32 v44, v0;
	v2 =	vadd.f32 v37, v2;
	v53 =	vld.idx.msk [tilespmem:v54+s4+$0x0], $0xffff;
	v52 =	vadd.s32 s21, v7  }
0x1b9: {  	v46 =	vadd.s32 s21, v10;
	v19 =	vmul.f32 v62, v14;
	v62 =	vmul.f32 v59, v14;
	v59 =	vld.idx.msk [tilespmem:v56+s4+$0x0], $0xffff  }
0x1ba: {  	v39 =	vadd.s32 s9, v6;
	v5 =	vadd.s32 s9, v63;
	v2 =	vsub.f32 v2, v0;
	v41 =	vld.idx.msk [tilespmem:v41+s4+$0x0], $0xffff  }
0x1bb: {  	v1 =	vadd.s32 s9, v8;
	v43 =	vadd.f32 v43, v40;
	v49 =	vsub.f32 v49, v55;
	v47 =	vld.idx.msk [tilespmem:v47+s4+$0x0], $0xffff;
	[tilespmem:$0x1FFA0] =	vst v5  }
0x1bc: {  	v12 =	vadd.s32 s12, v6;
	v2 =	vmul.f32 v2, v13;
	v4 =	vsub.f32 v4, v3;
	v15 =	vld.idx.msk [tilespmem:v15+s4+$0x0], $0xffff  }
0x1bd: {  	v16 =	vsub.f32 v16, v20;
	v50 =	vadd.f32 v62, v50;
	v62 =	vmul.f32 v49, v14;
	v49 =	vld.idx.msk [tilespmem:v52+s4+$0x0], $0xffff  }
0x1be: {  	v18 =	vadd.s32 s22, v8;
	v42 =	vadd.s32 s6, v63;
	v44 =	vadd.s32 s22, v9;
	v46 =	vld.idx.msk [tilespmem:v46+s4+$0x0], $0xffff  }
0x1bf: {  	v0 =	vadd.f32 v2, v0;
	v4 =	vmul.f32 v4, v13;
	v16 =	vmul.f32 v16, v13;
	v23 =	vld.idx.msk [tilespmem:v23+s4+$0x0], $0xffff  }
0x1c0: {  	v37 =	vadd.s32 s10, v11;
	v45 =	vadd.f32 v19, v45;
	v56 =	vsub.f32 v53, v51;
	[tilespmem:s30+$0x10] =	vst v43;
	v22 =	vld.idx.msk [tilespmem:v22+s4+$0x0], $0xffff  }
0x1c1: {  	v19 =	vadd.s32 s9, v58;
	v40 =	vadd.f32 v16, v20;
	v16 =	vsub.f32 v48, v57;
	v39 =	vld.idx.msk [tilespmem:v39+s4+$0x0], $0xffff  }
0x1c2: {  	v3 =	vadd.f32 v4, v3;
	v50 =	vsub.f32 v50, v45;
	v52 =	vmul.f32 v56, v14;
	v1 =	vld.idx.msk [tilespmem:v1+s4+$0x0], $0xffff  }
0x1c3: {  	v53 =	vadd.s32 s1, v9;
	[tilespmem:s29+$0x20] =	vst v32;
	v30 =	vld.idx.msk [tilespmem:v30+s4+$0x0], $0xffff;
	v16 =	vmul.f32 v16, v14;
	v59 =	vsub.f32 v59, v41  }
0x1c4: {  	v43 =	vadd.f32 v62, v55;
	v29 =	vld.idx.msk [tilespmem:v29+s4+$0x0], $0xffff;
	v50 =	vmul.f32 v50, v13;
	v51 =	vadd.f32 v52, v51  }
0x1c5: {  	v25 =	vld.idx.msk [tilespmem:v25+s4+$0x0], $0xffff;
	v16 =	vadd.f32 v16, v57;
	v15 =	vsub.f32 v15, v47;
	v48 =	vmul.f32 v59, v14  }
0x1c6: {  	v62 =	vadd.s32 s1, v11;
	v27 =	vld.idx.msk [tilespmem:v27+s4+$0x0], $0xffff;
	v45 =	vadd.f32 v50, v45;
	v46 =	vsub.f32 v46, v49  }
0x1c7: {  	v24 =	vld.idx.msk [tilespmem:v24+s4+$0x0], $0xffff;
	v57 =	vadd.s32 s0, v9;
	v1 =	vsub.f32 v1, v39;
	v41 =	vadd.f32 v48, v41  }
0x1c8: {  	s6 =	simm.s32 $0x2D80;
	v21 =	vld.idx.msk [tilespmem:v21+s4+$0x0], $0xffff;
	v59 =	vadd.s32 s0, v11;
	v15 =	vmul.f32 v15, v14;
	v46 =	vmul.f32 v46, v14  }
0x1c9: {  	v22 =	vsub.f32 v22, v23;
	[tilespmem:s6+$0x40] =	vst v45;
	v1 =	vmul.f32 v1, v14;
	v43 =	vsub.f32 v43, v41  }
0x1ca: {  	v5 =	vadd.s32 s21, v9;
	v53 =	vld.idx.msk [tilespmem:v53+s4+$0x0], $0xffff;
	v15 =	vadd.f32 v15, v47;
	v46 =	vadd.f32 v46, v49  }
0x1cb: {  	s20 =	sor.u32 $0x70, s31;
	v54 =	vld.idx.msk [tilespmem:v62+s4+$0x0], $0xffff;
	v49 =	vadd.s32 s10, v9;
	v39 =	vadd.f32 v1, v39;
	v1 =	vmul.f32 v43, v13  }
0x1cc: {  	[tilespmem:s20+$0x2B00] =	vst v26;
	v26 =	vadd.s32 s10, v58;
	v29 =	vsub.f32 v29, v30;
	v50 =	vld.idx.msk [tilespmem:v57+s4+$0x0], $0xffff;
	v16 =	vsub.f32 v16, v15  }
0x1cd: {  	v55 =	vadd.s32 s18, v9;
	v27 =	vsub.f32 v27, v25;
	v52 =	vld.idx.msk [tilespmem:v59+s4+$0x0], $0xffff;
	v1 =	vadd.f32 v1, v41  }
0x1ce: {  	v21 =	vsub.f32 v21, v24;
	v45 =	vadd.s32 s18, v11;
	v16 =	vmul.f32 v16, v13  }
0x1cf: {  	v48 =	vadd.s32 s23, v9;
	v29 =	vmul.f32 v29, v14;
	v43 =	vadd.s32 s12, v9;
	[tilespmem:s6+$0xFFFFFF80] =	vst v1  }
0x1d0: {  	v22 =	vmul.f32 v22, v14;
	v41 =	vadd.s32 s12, v11;
	v15 =	vadd.f32 v16, v15;
	v16 =	vld.idx.msk [tilespmem:v49+s4+$0x0], $0xffff  }
0x1d1: {  	v21 =	vmul.f32 v21, v14;
	v29 =	vadd.f32 v29, v30;
	v59 =	vsub.f32 v51, v46;
	v37 =	vld.idx.msk [tilespmem:v37+s4+$0x0], $0xffff  }
0x1d2: {  	v47 =	vadd.s32 s23, v11;
	v62 =	vsub.f32 v54, v53;
	v30 =	vsub.f32 v52, v50;
	v55 =	vld.idx.msk [tilespmem:v55+s4+$0x0], $0xffff  }
0x1d3: {  	v56 =	vadd.s32 s22, v11;
	v29 =	vsub.f32 v29, v39;
	v32 =	vmul.f32 v59, v13;
	v45 =	vld.idx.msk [tilespmem:v45+s4+$0x0], $0xffff;
	[tilespmem:s6+$0xFFFFFFC0] =	vst v15  }
0x1d4: {  	v57 =	vadd.s32 s21, v11;
	v1 =	vmul.f32 v62, v14;
	v30 =	vmul.f32 v30, v14;
	v4 =	vld.idx.msk [tilespmem:v43+s4+$0x0], $0xffff  }
0x1d5: {  	v21 =	vadd.f32 v21, v24;
	v52 =	vmul.f32 v29, v13;
	v15 =	vadd.f32 v32, v46;
	v41 =	vld.idx.msk [tilespmem:v41+s4+$0x0], $0xffff  }
0x1d6: {  	v27 =	vmul.f32 v27, v14;
	v62 =	vadd.f32 v1, v53;
	v2 =	vld.idx.msk [tilespmem:v48+s4+$0x0], $0xffff;
	v30 =	vadd.f32 v30, v50  }
0x1d7: {  	v51 =	vadd.s32 s18, v6;
	v59 =	vadd.s32 s1, v8;
	v43 =	vadd.f32 v52, v39;
	v39 =	vld.idx.msk [tilespmem:v47+s4+$0x0], $0xffff;
	[tilespmem:s6+$0x0] =	vst v15  }
0x1d8: {  	v29 =	vadd.s32 s23, v58;
	v53 =	vadd.s32 s18, v8;
	v47 =	vld.idx.msk [tilespmem:v5+s4+$0x0], $0xffff;
	v50 =	vsub.f32 v30, v62  }
0x1d9: {  	v1 =	vadd.s32 s23, v6;
	v57 =	vld.idx.msk [tilespmem:v57+s4+$0x0], $0xffff;
	v37 =	vsub.f32 v37, v16;
	v45 =	vsub.f32 v45, v55  }
0x1da: {  	v32 =	vadd.s32 s23, v8;
	v48 =	vadd.s32 s1, v6;
	v44 =	vld.idx.msk [tilespmem:v44+s4+$0x0], $0xffff;
	v15 =	vmul.f32 v50, v13  }
0x1db: {  	v5 =	vld.idx.msk [tilespmem:v56+s4+$0x0], $0xffff;
	v37 =	vmul.f32 v37, v14;
	v45 =	vmul.f32 v45, v14;
	v41 =	vsub.f32 v41, v4  }
0x1dc: {  	v46 =	vadd.s32 s10, v6;
	v39 =	vsub.f32 v39, v2;
	v15 =	vadd.f32 v15, v62  }
0x1dd: {  	s11 =	simm.s32 $0x2C0;
	[tilespmem:s30+$0xFFFFFFA0] =	vst v3;
	v30 =	vadd.s32 s22, v6;
	v16 =	vadd.f32 v37, v16;
	v45 =	vadd.f32 v45, v55  }
0x1de: {  	s17 =	sor.u32 $0x50, s11;
	v33 =	vld.idx.msk [tilespmem:v33+s4+$0x0], $0xffff;
	v55 =	vadd.f32 v22, v23;
	v22 =	vadd.s32 s0, v8;
	v23 =	vmul.f32 v41, v14  }
0x1df: {  	v50 =	vld.idx.msk [tilespmem:v34+s4+$0x0], $0xffff;
	v62 =	vadd.s32 s0, v6;
	v52 =	vsub.f32 v57, v47;
	v41 =	vadd.f32 v27, v25;
	[tilespmem:s17+$0x2B00] =	vst v15  }
0x1e0: {  	v25 =	vsub.f32 v5, v44;
	v4 =	vadd.f32 v23, v4;
	v23 =	vmul.f32 v39, v14;
	v48 =	vld.idx.msk [tilespmem:v48+s4+$0x0], $0xffff  }
0x1e1: {  	v34 =	vadd.s32 s23, v63;
	v57 =	vadd.s32 s12, v8;
	v27 =	vsub.f32 v45, v16;
	v54 =	vld.idx.msk [tilespmem:v59+s4+$0x0], $0xffff  }
0x1e2: {  	v24 =	vmul.f32 v25, v14;
	v25 =	vld.idx.msk [tilespmem:v35+s4+$0x0], $0xffff;
	v2 =	vadd.f32 v23, v2;
	v23 =	vmul.f32 v52, v14  }
0x1e3: {  	v37 =	vadd.s32 s21, v6;
	v27 =	vmul.f32 v27, v13;
	v3 =	vld.idx.msk [tilespmem:v22+s4+$0x0], $0xffff;
	v22 =	vadd.s32 s18, v58  }
0x1e4: {  	[tilespmem:s29+$0xFFFFFFB0] =	vst v38;
	v49 =	vld.idx.msk [tilespmem:v62+s4+$0x0], $0xffff;
	v2 =	vsub.f32 v2, v4;
	v35 =	vadd.f32 v23, v47;
	v23 =	vadd.s32 s18, v63;
	s18 =	sor.u32 $0x60, s8  }
0x1e5: {  	v15 =	vadd.s32 s10, v8;
	v21 =	vsub.f32 v21, v41;
	[tilespmem:s18+$0x2B00] =	vst v0;
	v0 =	vadd.f32 v27, v16;
	v16 =	vld.idx.msk [tilespmem:v31+s4+$0x0], $0xffff  }
0x1e6: {  	v62 =	vadd.f32 v24, v44;
	v2 =	vmul.f32 v2, v13;
	v59 =	vsub.f32 v54, v48;
	v54 =	vld.idx.msk [tilespmem:v36+s4+$0x0], $0xffff  }
0x1e7: {  	[tilespmem:s30+$0x20] =	vst v43;
	v39 =	vadd.s32 s21, v8;
	v55 =	vsub.f32 v55, v61;
	v24 =	vmul.f32 v21, v13;
	v56 =	vld.idx.msk [tilespmem:v28+s4+$0x0], $0xffff  }
0x1e8: {  	s17 =	simm.s32 $0x240;
	v47 =	vadd.s32 s12, v63;
	[tilespmem:s6+$0xFFFFFF90] =	vst v0;
	v36 =	vadd.f32 v2, v4;
	v2 =	vsub.f32 v62, v35;
	v62 =	vld.idx.msk [tilespmem:v42+s4+$0x0], $0xffff  }
0x1e9: {  	s23 =	sor.u32 $0x50, s17;
	v31 =	vsub.f32 v25, v50;
	v25 =	vadd.s32 s22, v63;
	v27 =	vmovc v6;
	v3 =	vsub.f32 v3, v49;
	v38 =	vld.idx.msk [tilespmem:v53+s4+$0x0], $0xffff  }
0x1ea: {  	v28 =	vmov v8;
	v4 =	vmul.f32 v59, v14;
	v0 =	vmul.f32 v2, v13;
	v2 =	vld.idx.msk [tilespmem:v46+s4+$0x0], $0xffff;
	[tilespmem:s23+$0x2B00] =	vst v36  }
0x1eb: {  	v59 =	vadd.s32 s22, v58;
	s22 =	sor.u32 $0x70, s7;
	v53 =	vmul.f32 v55, v13;
	v55 =	vmovc v11;
	v3 =	vmul.f32 v3, v14;
	v42 =	vld.idx.msk [tilespmem:v12+s4+$0x0], $0xffff  }
0x1ec: {  	[tilespmem:s22+$0x2B00] =	vst v40;
	v40 =	vadd.s32 s21, v58;
	v52 =	vadd.f32 v0, v35;
	v35 =	vld.idx.msk [tilespmem:v15+s4+$0x0], $0xffff;
	v15 =	vsub.f32 v16, v33  }
0x1ed: {  	v4 =	vadd.f32 v4, v48;
	v45 =	vld.idx.msk [tilespmem:v57+s4+$0x0], $0xffff;
	v48 =	vadd.f32 v3, v49;
	v3 =	vmul.f32 v31, v14  }
0x1ee: {  	v46 =	vadd.s32 s10, v63;
	v44 =	vld.idx.msk [tilespmem:v1+s4+$0x0], $0xffff;
	v62 =	vsub.f32 v62, v54;
	v15 =	vmul.f32 v15, v14;
	[tilespmem:s6+$0x10] =	vst v52  }
0x1ef: {  	s31 =	simm.s32 $0x2D80;
	s9 =	simm.s32 $0x8;
	s7 =	sor.u32 $0x70, s13;
	v49 =	vadd.s32 s12, v58;
	v0 =	vadd.f32 v3, v50;
	v3 =	vld.idx.msk [tilespmem:v51+s4+$0x0], $0xffff;
	v36 =	vsub.f32 v48, v4;
	[tilespmem:$0x1FFB0] =	vst v7  }
0x1f0: {  	s13 =	sor.u32 $0x70, s8;
	s8 =	sor.u32 $0x60, s17;
	s10 =	sor.u32 $0x70, s17;
	v31 =	vmovc v9;
	v1 =	vmul.f32 v62, v14;
	[tilespmem:$0x1FFC0] =	vst v10;
	v16 =	vadd.f32 v15, v33;
	v33 =	vadd.s32 s21, v63  }
.LBB2_4:
0x1f1: {  	v32 =	vld.idx.msk [tilespmem:v32+s4+$0x0], $0xffff;
	v5 =	vmov v49  }
0x1f2: {  	s2 =	sadd.s32 s9, s28;
	[tilespmem:$0x1FEF0] =	vst v5;
	v5 =	vld [tilespmem:$0x1FF70]  }
0x1f3: {  	v62 =	vadd.s32 s1, v58;
	v49 =	vld.idx.msk [tilespmem:v37+s4+$0x0], $0xffff;
	v43 =	vmul.f32 v36, v13;
	s18 =	sadd.s32 $0x7, s2  }
0x1f4: {  	s12 =	sadd.s32 $0x4, s2;
	v16 =	vsub.f32 v16, v0;
	v48 =	vadd.f32 v1, v54;
	v54 =	vld.idx.msk [tilespmem:v30+s4+$0x0], $0xffff;
	v30 =	vadd.s32 s0, v63;
	p3 =	sgt.s32 s18, $0x0  }
0x1f5: {  	[tilespmem:$0x1FED0] =	vst v26;
	v58 =	vld.idx.msk [tilespmem:v39+s4+$0x0], $0xffff;
	p1 =	sgt.s32 s12, $0x0;
	v4 =	vadd.f32 v43, v4;
	s18 =	simm.s32 @!p3 $0x0  }
0x1f6: {  	[tilespmem:$0x1FF30] =	vst v29;
	s20 =	sor.u32 $0x60, s11;
	v26 =	vld.idx.msk [tilespmem:v18+s4+$0x0], $0xffff;
	v16 =	vmul.f32 v16, v13;
	s12 =	simm.s32 @!p1 $0x0;
	v15 =	vsub.f32 v35, v2;
	v35 =	vadd.s32 s1, v63;
	s1 =	smul.u32 $0x4A, s18  }
0x1f7: {  	v8 =	vadd.f32 v53, v61;
	s17 =	sadd.s32 $0x5, s2;
	v1 =	vmov v47;
	s12 =	smul.u32 $0x4A, s12;
	v53 =	vld.idx.msk [tilespmem:v60+s4+$0x0], $0xffff;
	[tilespmem:s20+$0x2B00] =	vst v4;
	v51 =	vadd.s32 s0, v5  }
0x1f8: {  	[tilespmem:$0x1FF00] =	vst v1;
	p2 =	sgt.s32 s17, $0x0;
	v1 =	vsub.f32 v38, v3;
	v0 =	vadd.f32 v16, v0;
	v29 =	vld.idx.msk [tilespmem:v62+s4+$0x0], $0xffff;
	v16 =	vadd.s32 s1, v10  }
0x1f9: {  	[tilespmem:$0x1FEE0] =	vst v46;
	s2 =	sadd.s32 $0x6, s2;
	s17 =	simm.s32 @!p2 $0x0;
	v5 =	vmov v41;
	v15 =	vmul.f32 v15, v14;
	s0 =	sadd.s32 $0x4A, s1;
	v37 =	vadd.s32 s12, v7;
	v30 =	vld.idx.msk [tilespmem:v30+s4+$0x0], $0xffff  }
0x1fa: {  	p1 =	sgt.s32 s2, $0x0;
	s18 =	smul.u32 $0x4A, s17;
	v4 =	vsub.f32 v32, v44;
	v57 =	vmul.f32 v1, v14;
	s23 =	sadd.s32 $0x4A, s12;
	v41 =	vld.idx.msk [tilespmem:v19+s4+$0x0], $0xffff;
	[tilespmem:$0x1FF10] =	vst v5;
	v46 =	vadd.s32 s0, v10  }
0x1fb: {  	s2 =	simm.s32 @!p1 $0x0;
	[tilespmem:s30+$0xFFFFFFB0] =	vst v0;
	v43 =	vadd.s32 s23, v7;
	v11 =	vadd.s32 s23, v28;
	v47 =	vadd.f32 v15, v2;
	v15 =	vld.idx.msk [tilespmem:v35+s4+$0x0], $0xffff  }
0x1fc: {  	s21 =	smul.u32 $0x4A, s2;
	v1 =	vsub.f32 v45, v42;
	s22 =	sadd.s32 $0x4A, s18;
	v45 =	vadd.s32 s23, v10;
	[tilespmem:$0x1FF50] =	vst v11;
	v5 =	vmov v34;
	v32 =	vld.idx.msk [tilespmem:v51+s4+$0x0], $0xffff  }
0x1fd: {  	v2 =	vadd.s32 s1, v7;
	v11 =	vadd.s32 s22, v27;
	[tilespmem:$0x1FEC0] =	vst v5;
	v5 =	vld.idx.msk [tilespmem:v16+s4+$0x0], $0xffff  }
0x1fe: {  	v6 =	vmovc v48;
	v48 =	vadd.s32 s18, v7;
	s17 =	sadd.s32 $0x4A, s21;
	v35 =	vadd.f32 v57, v3;
	v3 =	vadd.s32 s0, v7;
	[tilespmem:$0x1FF60] =	vst v11;
	v11 =	vld.idx.msk [tilespmem:v37+s4+$0x0], $0xffff  }
0x1ff: {  	v50 =	vadd.s32 s22, v7;
	v20 =	vadd.s32 s21, v7;
	v52 =	vadd.s32 s17, v7;
	v7 =	vld.idx.msk [tilespmem:v46+s4+$0x0], $0xffff  }
0x200: {  	[tilespmem:s7+$0x2B00] =	vst v8;
	v8 =	vld.idx.msk [tilespmem:v43+s4+$0x0], $0xffff  }
0x201: {  	v18 =	vadd.s32 s21, v10;
	v21 =	vld.idx.msk [tilespmem:v45+s4+$0x0], $0xffff  }
0x202: {  	v19 =	vld.idx.msk [tilespmem:v2+s4+$0x0], $0xffff  }
0x203: {  	[tilespmem:$0x1FEB0] =	vst v6;
	v17 =	vadd.s32 s17, v10;
	v6 =	vld.idx.msk [tilespmem:v3+s4+$0x0], $0xffff;
	v3 =	vsub.f32 v15, v29  }
0x204: {  	v51 =	vadd.s32 s22, v10;
	v9 =	vld.idx.msk [tilespmem:v50+s4+$0x0], $0xffff;
	v30 =	vsub.f32 v30, v32  }
0x205: {  	v39 =	vadd.s32 s12, v10;
	v20 =	vld.idx.msk [tilespmem:v20+s4+$0x0], $0xffff;
	v12 =	vmul.f32 v3, v14  }
0x206: {  	v62 =	vadd.s32 s18, v10;
	v10 =	vadd.s32 s23, v27;
	v18 =	vld.idx.msk [tilespmem:v18+s4+$0x0], $0xffff;
	v30 =	vmul.f32 v30, v14  }
0x207: {  	[tilespmem:$0x1FF40] =	vst v10;
	v43 =	vmov v22;
	v22 =	vld.idx.msk [tilespmem:v52+s4+$0x0], $0xffff;
	v10 =	vadd.f32 v12, v29;
	v5 =	vsub.f32 v5, v19  }
0x208: {  	v17 =	vld.idx.msk [tilespmem:v17+s4+$0x0], $0xffff;
	v7 =	vsub.f32 v7, v6;
	v29 =	vadd.f32 v30, v32  }
0x209: {  	v50 =	vld.idx.msk [tilespmem:v51+s4+$0x0], $0xffff;
	v5 =	vmul.f32 v5, v14  }
0x20a: {  	v21 =	vsub.f32 v21, v8;
	v12 =	vld.idx.msk [tilespmem:v39+s4+$0x0], $0xffff;
	v7 =	vmul.f32 v7, v14;
	v51 =	vsub.f32 v29, v10  }
0x20b: {  	v5 =	vadd.f32 v5, v19  }
0x20c: {  	v29 =	vmul.f32 v21, v14;
	v6 =	vadd.f32 v7, v6;
	v37 =	vmul.f32 v51, v13  }
0x20d: {  	v52 =	vmov v23;
	v23 =	vld.idx.msk [tilespmem:v48+s4+$0x0], $0xffff;
	v18 =	vsub.f32 v18, v20;
	v17 =	vsub.f32 v17, v22  }
0x20e: {  	v21 =	vld.idx.msk [tilespmem:v62+s4+$0x0], $0xffff;
	v6 =	vsub.f32 v6, v5;
	v7 =	vadd.f32 v37, v10  }
0x20f: {  	s20 =	sor.u32 $0x70, s11;
	v4 =	vmul.f32 v4, v14;
	v12 =	vsub.f32 v12, v11;
	v10 =	vsub.f32 v50, v9  }
0x210: {  	v19 =	vmovc v33;
	v6 =	vmul.f32 v6, v13;
	[tilespmem:s20+$0x2B00] =	vst v7;
	v7 =	vadd.f32 v29, v8;
	v29 =	vmov v24;
	v24 =	vld [tilespmem:$0x1FF80]  }
0x211: {  	v18 =	vmul.f32 v18, v14;
	v8 =	vmul.f32 v10, v14;
	v10 =	vld [tilespmem:$0x1FFA0];
	[tilespmem:$0x1FFA0] =	vst v19;
	v19 =	vadd.s32 s1, v31  }
0x212: {  	v12 =	vmul.f32 v12, v14;
	v5 =	vadd.f32 v6, v5;
	v6 =	vadd.s32 s0, v31  }
0x213: {  	v21 =	vsub.f32 v21, v23;
	v8 =	vadd.f32 v8, v9;
	v9 =	vmul.f32 v17, v14  }
0x214: {  	s6 =	sadd.s32 $0x100, s6;
	v1 =	vmul.f32 v1, v14;
	v18 =	vadd.f32 v18, v20;
	v11 =	vadd.f32 v12, v11  }
0x215: {  	v21 =	vmul.f32 v21, v14;
	[tilespmem:s6+$0x40] =	vst v5;
	v9 =	vadd.f32 v9, v22;
	v22 =	vadd.s32 s0, v55  }
0x216: {  	v0 =	vmovc v40;
	v17 =	vadd.s32 s1, v55;
	v7 =	vsub.f32 v7, v11;
	v12 =	vld.idx.msk [tilespmem:v19+s4+$0x0], $0xffff;
	v19 =	vsub.f32 v26, v54  }
0x217: {  	v34 =	vadd.s32 s12, v31;
	[tilespmem:$0x1FF20] =	vst v0;
	v21 =	vadd.f32 v21, v23;
	v23 =	vadd.f32 v1, v42;
	v6 =	vld.idx.msk [tilespmem:v6+s4+$0x0], $0xffff  }
0x218: {  	v0 =	vadd.s32 s23, v31;
	v7 =	vmul.f32 v7, v13;
	v1 =	vmul.f32 v19, v14;
	v62 =	vld.idx.msk [tilespmem:v24+s4+$0x0], $0xffff;
	v24 =	vmovc v59  }
0x219: {  	v16 =	vadd.s32 s12, v55;
	v5 =	vsub.f32 v58, v49;
	v8 =	vsub.f32 v8, v21;
	[tilespmem:$0x1FF80] =	vst v24;
	v24 =	vld [tilespmem:$0x1FF90]  }
0x21a: {  	v2 =	vadd.s32 s23, v55;
	v19 =	vld.idx.msk [tilespmem:v22+s4+$0x0], $0xffff;
	v22 =	vadd.f32 v1, v54;
	v1 =	vadd.f32 v7, v11  }
0x21b: {  	v20 =	vadd.f32 v4, v44;
	v9 =	vsub.f32 v9, v18;
	v17 =	vld.idx.msk [tilespmem:v17+s4+$0x0], $0xffff;
	v8 =	vmul.f32 v8, v13  }
0x21c: {  	v3 =	vadd.s32 s18, v55;
	v5 =	vmul.f32 v5, v14;
	v10 =	vld.idx.msk [tilespmem:v10+s4+$0x0], $0xffff;
	[tilespmem:s6+$0xFFFFFF80] =	vst v1  }
0x21d: {  	v9 =	vmul.f32 v9, v13;
	v8 =	vadd.f32 v8, v21;
	v11 =	vsub.f32 v20, v23;
	v21 =	vld.idx.msk [tilespmem:v34+s4+$0x0], $0xffff  }
0x21e: {  	v15 =	vadd.s32 s18, v31;
	v5 =	vadd.f32 v5, v49;
	v16 =	vld.idx.msk [tilespmem:v16+s4+$0x0], $0xffff  }
0x21f: {  	v40 =	vadd.s32 s22, v31;
	v9 =	vadd.f32 v9, v18;
	v11 =	vmul.f32 v11, v13;
	v0 =	vld.idx.msk [tilespmem:v0+s4+$0x0], $0xffff  }
0x220: {  	v57 =	vadd.s32 s22, v55;
	v20 =	vsub.f32 v22, v5;
	[tilespmem:s6+$0xFFFFFFC0] =	vst v8;
	v2 =	vld.idx.msk [tilespmem:v2+s4+$0x0], $0xffff  }
0x221: {  	v8 =	vsub.f32 v17, v12;
	v24 =	vld.idx.msk [tilespmem:v24+s4+$0x0], $0xffff;
	[tilespmem:s6+$0x0] =	vst v9;
	v9 =	vadd.f32 v11, v23  }
0x222: {  	v7 =	vsub.f32 v35, v47;
	v3 =	vld.idx.msk [tilespmem:v3+s4+$0x0], $0xffff  }
0x223: {  	v18 =	vmul.f32 v20, v13;
	v8 =	vmul.f32 v8, v14;
	v11 =	vld.idx.msk [tilespmem:v15+s4+$0x0], $0xffff;
	[tilespmem:s8+$0x2B00] =	vst v9  }
0x224: {  	v61 =	vadd.s32 s21, v31;
	v10 =	vsub.f32 v10, v41;
	v17 =	vsub.f32 v19, v6;
	v9 =	vld.idx.msk [tilespmem:v40+s4+$0x0], $0xffff  }
0x225: {  	v60 =	vadd.s32 s21, v55;
	v5 =	vadd.f32 v18, v5;
	v8 =	vadd.f32 v8, v12;
	v12 =	vld.idx.msk [tilespmem:v57+s4+$0x0], $0xffff  }
0x226: {  	v36 =	vadd.s32 s17, v31;
	v10 =	vmul.f32 v10, v14;
	v2 =	vsub.f32 v2, v0  }
0x227: {  	v7 =	vmul.f32 v7, v13;
	v17 =	vmul.f32 v17, v14;
	[tilespmem:s31+$0x20] =	vst v5;
	v5 =	vsub.f32 v16, v21  }
0x228: {  	v41 =	vadd.f32 v10, v41;
	v2 =	vmul.f32 v2, v14;
	v3 =	vsub.f32 v3, v11  }
0x229: {  	v10 =	vld [tilespmem:$0x1FEE0];
	v6 =	vadd.f32 v17, v6;
	v16 =	vsub.f32 v53, v56;
	v5 =	vmul.f32 v5, v14  }
0x22a: {  	v17 =	vld.idx.msk [tilespmem:v61+s4+$0x0], $0xffff;
	v0 =	vadd.f32 v2, v0;
	v2 =	vmul.f32 v3, v14;
	v3 =	vsub.f32 v12, v9  }
0x22b: {  	v38 =	vadd.s32 s17, v55;
	v7 =	vadd.f32 v7, v47;
	v61 =	vld [tilespmem:$0x1FEB0];
	v5 =	vadd.f32 v5, v21  }
0x22c: {  	v58 =	vld [tilespmem:$0x1FF70];
	v16 =	vmul.f32 v16, v14;
	v11 =	vadd.f32 v2, v11;
	v2 =	vmul.f32 v3, v14  }
0x22d: {  	v19 =	vld.idx.msk [tilespmem:v60+s4+$0x0], $0xffff;
	v6 =	vsub.f32 v6, v8;
	v0 =	vsub.f32 v0, v5  }
0x22e: {  	v60 =	vld [tilespmem:$0x1FEC0];
	v16 =	vadd.f32 v16, v56;
	v2 =	vadd.f32 v2, v9  }
0x22f: {  	v18 =	vadd.s32 s1, v27;
	v22 =	vld.idx.msk [tilespmem:v36+s4+$0x0], $0xffff;
	v23 =	vsub.f32 v24, v62;
	v0 =	vmul.f32 v0, v13  }
0x230: {  	v6 =	vmul.f32 v6, v13;
	v24 =	vld.idx.msk [tilespmem:v38+s4+$0x0], $0xffff;
	v16 =	vsub.f32 v16, v61;
	v2 =	vsub.f32 v2, v11  }
0x231: {  	v20 =	vadd.s32 s1, v28;
	v57 =	vadd.s32 s0, v28;
	v0 =	vadd.f32 v0, v5;
	v5 =	vld [tilespmem:$0x1FEF0]  }
0x232: {  	s11 =	sadd.s32 $0x100, s11;
	[tilespmem:s31+$0xFFFFFFA0] =	vst v7;
	v6 =	vadd.f32 v6, v8;
	v53 =	vmul.f32 v16, v13;
	v16 =	vmul.f32 v2, v13;
	v2 =	vld [tilespmem:$0x1FF00]  }
0x233: {  	v32 =	vadd.s32 s22, v28;
	v1 =	vadd.s32 s22, v58;
	v34 =	vadd.s32 s22, v63;
	s22 =	sor.u32 $0x50, s11;
	v10 =	vld.idx.msk [tilespmem:v10+s4+$0x0], $0xffff  }
0x234: {  	v7 =	vadd.s32 s12, v58;
	[tilespmem:s22+$0x2B00] =	vst v6;
	v6 =	vld [tilespmem:$0x1FED0]  }
0x235: {  	v26 =	vmov v7;
	v7 =	vld.idx.msk [tilespmem:v18+s4+$0x0], $0xffff  }
0x236: {  	v12 =	vld.idx.msk [tilespmem:v20+s4+$0x0], $0xffff;
	v18 =	vmul.f32 v23, v14  }
0x237: {  	v3 =	vsub.f32 v19, v17;
	v19 =	vld.idx.msk [tilespmem:v57+s4+$0x0], $0xffff  }
0x238: {  	v8 =	vadd.s32 s0, v27;
	v20 =	vld.idx.msk [tilespmem:v43+s4+$0x0], $0xffff;
	v18 =	vadd.f32 v18, v62  }
0x239: {  	v3 =	vmul.f32 v3, v14;
	v9 =	vsub.f32 v24, v22;
	v54 =	vld.idx.msk [tilespmem:v5+s4+$0x0], $0xffff  }
0x23a: {  	v5 =	vsub.f32 v18, v41;
	v18 =	vld.idx.msk [tilespmem:v2+s4+$0x0], $0xffff  }
0x23b: {  	v4 =	vadd.s32 s23, v63;
	v17 =	vadd.f32 v3, v17;
	v3 =	vmul.f32 v9, v14;
	v2 =	vld [tilespmem:$0x1FF10]  }
0x23c: {  	v23 =	vmov v4;
	v4 =	vld [tilespmem:$0x1FF50]  }
0x23d: {  	v8 =	vld.idx.msk [tilespmem:v8+s4+$0x0], $0xffff;
	v3 =	vadd.f32 v3, v22  }
0x23e: {  	v51 =	vadd.s32 s12, v28;
	v6 =	vld.idx.msk [tilespmem:v6+s4+$0x0], $0xffff  }
0x23f: {  	v11 =	vadd.f32 v16, v11;
	v16 =	vsub.f32 v3, v17;
	v3 =	vld [tilespmem:$0x1FF40]  }
0x240: {  	v21 =	vadd.f32 v29, v2;
	v2 =	vld [tilespmem:$0x1FF30]  }
0x241: {  	v9 =	vld.idx.msk [tilespmem:v52+s4+$0x0], $0xffff;
	[tilespmem:s6+$0xFFFFFF90] =	vst v0;
	v0 =	vsub.f32 v12, v7  }
0x242: {  	v12 =	vsub.f32 v19, v8;
	v19 =	vld [tilespmem:$0x1FF20]  }
0x243: {  	v45 =	vadd.s32 s12, v27;
	v35 =	vld.idx.msk [tilespmem:v51+s4+$0x0], $0xffff;
	v0 =	vmul.f32 v0, v14  }
0x244: {  	v24 =	vmul.f32 v5, v13;
	v5 =	vmul.f32 v12, v14;
	v10 =	vsub.f32 v10, v6;
	v29 =	vmovc v1;
	v1 =	vld [tilespmem:$0x1FF60]  }
0x245: {  	v48 =	vadd.s32 s18, v28;
	v39 =	vadd.s32 s21, v28;
	v50 =	vadd.s32 s18, v27;
	v38 =	vld.idx.msk [tilespmem:v4+s4+$0x0], $0xffff  }
0x246: {  	v4 =	vadd.f32 v0, v7;
	v0 =	vadd.f32 v5, v8;
	v5 =	vmul.f32 v10, v14;
	v10 =	vld [tilespmem:$0x1FFC0]  }
0x247: {  	s9 =	sadd.s32 $0x4, s9;
	v33 =	vadd.s32 s21, v63;
	v37 =	vadd.s32 s21, v27;
	v40 =	vadd.s32 s21, v58;
	s21 =	sadd.s32 $0xFFFFFF80, s11;
	v3 =	vld.idx.msk [tilespmem:v3+s4+$0x0], $0xffff  }
0x248: {  	p1 =	slt.u32 s9, $0x3C;
	v46 =	vadd.s32 s17, v28;
	v30 =	vadd.s32 s17, v27;
	v59 =	vmovc v25;
	v42 =	vadd.s32 s23, v58;
	s23 =	sor.u32 $0x50, s21;
	v56 =	vld.idx.msk [tilespmem:v2+s4+$0x0], $0xffff  }
.Ltmp5:
0x249: {  	v25 =	vadd.s32 s17, v63;
	v9 =	vsub.f32 v9, v20;
	v2 =	vld.idx.msk [tilespmem:v45+s4+$0x0], $0xffff;
	[tilespmem:s23+$0x2B00] =	vst v11;
	v11 =	vmul.f32 v16, v13;
	(pc) =	sbr.rel @p1 .LBB2_4-.Ltmp5, $4  }
0x24a: {  	v49 =	vadd.s32 s18, v58;
	[tilespmem:$0x1FF90] =	vst v59;
	v59 =	vadd.s32 s17, v58;
	v47 =	vadd.s32 s18, v63;
	v22 =	vmovc v42;
	v42 =	vld.idx.msk [tilespmem:v50+s4+$0x0], $0xffff  }
0x24b: {  	s7 =	smov.u32 s13;
	v8 =	vmul.f32 v9, v14;
	v9 =	vsub.f32 v18, v54;
	v45 =	vld.idx.msk [tilespmem:v48+s4+$0x0], $0xffff;
	v7 =	vadd.f32 v11, v17  }
0x24c: {  	s13 =	smov.u32 s10;
	v15 =	vadd.s32 s12, v63;
	s8 =	sor.u32 $0x60, s21;
	s10 =	sor.u32 $0x70, s21;
	v36 =	vsub.f32 v0, v4;
	v0 =	vadd.f32 v5, v6;
	[tilespmem:s29+$0x30] =	vst v21;
	v44 =	vld.idx.msk [tilespmem:v1+s4+$0x0], $0xffff  }
0x24d: {  	v18 =	vmovc v46;
	v46 =	vmov v15;
	s29 =	smov.u32 s30;
	s30 =	smov.u32 s31;
	s31 =	smov.u32 s6;
	v16 =	vadd.f32 v8, v20;
	v1 =	vmul.f32 v9, v14;
	[tilespmem:s6+$0x10] =	vst v7;
	v7 =	vld [tilespmem:$0x1FFB0]  }
0x24e: {  	_ =	sdelay $0x3  }
0x24f: {  	v5 =	vld.idx.msk [tilespmem:v32+s4+$0x0], $0xffff  }
0x250: {  	v6 =	vmul.f32 v36, v13;
	v9 =	vld.idx.msk [tilespmem:v37+s4+$0x0], $0xffff  }
0x251: {  	v12 =	vld.idx.msk [tilespmem:v39+s4+$0x0], $0xffff  }
0x252: {  	v8 =	vsub.f32 v35, v2;
	v15 =	vld.idx.msk [tilespmem:v30+s4+$0x0], $0xffff;
	v4 =	vadd.f32 v6, v4  }
0x253: {  	v7 =	vadd.s32 s1, v58;
	v11 =	vsub.f32 v38, v3;
	s23 =	sor.u32 $0x60, s11;
	v18 =	vld.idx.msk [tilespmem:v18+s4+$0x0], $0xffff  }
0x254: {  	v10 =	vadd.s32 s1, v63;
	v17 =	vadd.s32 s0, v63;
	v63 =	vld.idx.msk [tilespmem:v60+s4+$0x0], $0xffff;
	v8 =	vmul.f32 v8, v14;
	[tilespmem:s23+$0x2B00] =	vst v4  }
0x255: {  	v11 =	vmul.f32 v11, v14;
	v30 =	vld [tilespmem:$0x1FFA0]  }
0x256: {  	v51 =	vadd.s32 s0, v58;
	v52 =	vsub.f32 v45, v42;
	v55 =	vadd.f32 v8, v2;
	v20 =	vld [tilespmem:$0x1FF80]  }
0x257: {  	v58 =	vadd.f32 v11, v3;
	v5 =	vsub.f32 v5, v44;
	v31 =	vld [tilespmem:$0x1FF90]  }
0x258: {  	v28 =	vld.idx.msk [tilespmem:v19+s4+$0x0], $0xffff  }
0x259: {  	v4 =	vmul.f32 v52, v14;
	v7 =	vld.idx.msk [tilespmem:v7+s4+$0x0], $0xffff;
	v3 =	vsub.f32 v58, v55;
	v5 =	vmul.f32 v5, v14  }
0x25a: {  	v57 =	vld.idx.msk [tilespmem:v10+s4+$0x0], $0xffff;
	v12 =	vsub.f32 v12, v9;
	v27 =	vsub.f32 v18, v15  }
0x25b: {  	v6 =	vld.idx.msk [tilespmem:v51+s4+$0x0], $0xffff;
	v4 =	vadd.f32 v4, v42;
	v3 =	vmul.f32 v3, v13;
	v5 =	vadd.f32 v5, v44  }
0x25c: {  	v62 =	vld.idx.msk [tilespmem:v17+s4+$0x0], $0xffff;
	v12 =	vmul.f32 v12, v14  }
0x25d: {  	v17 =	vmul.f32 v27, v14;
	v2 =	vadd.f32 v3, v55;
	v5 =	vsub.f32 v5, v4;
	v19 =	vld.idx.msk [tilespmem:v30+s4+$0x0], $0xffff  }
0x25e: {  	v9 =	vadd.f32 v12, v9;
	v20 =	vld.idx.msk [tilespmem:v20+s4+$0x0], $0xffff  }
0x25f: {  	v32 =	vadd.f32 v17, v15;
	[tilespmem:s31+$0xFFFFFFA0] =	vst v2;
	v3 =	vld.idx.msk [tilespmem:v31+s4+$0x0], $0xffff;
	v5 =	vmul.f32 v5, v13  }
0x260: {  	v2 =	vld.idx.msk [tilespmem:v26+s4+$0x0], $0xffff  }
0x261: {  	v12 =	vsub.f32 v32, v9;
	v35 =	vld.idx.msk [tilespmem:v46+s4+$0x0], $0xffff;
	v4 =	vadd.f32 v5, v4  }
0x262: {  	v8 =	vsub.f32 v57, v7;
	v10 =	vsub.f32 v62, v6;
	v36 =	vld.idx.msk [tilespmem:v22+s4+$0x0], $0xffff  }
0x263: {  	v16 =	vsub.f32 v16, v0;
	v12 =	vmul.f32 v12, v13;
	v37 =	vld.idx.msk [tilespmem:v23+s4+$0x0], $0xffff;
	[tilespmem:s8+$0x2B00] =	vst v4  }
0x264: {  	v48 =	vadd.f32 v53, v61;
	v8 =	vmul.f32 v8, v14;
	v10 =	vmul.f32 v10, v14;
	v38 =	vld.idx.msk [tilespmem:v49+s4+$0x0], $0xffff  }
0x265: {  	v16 =	vmul.f32 v16, v13;
	v44 =	vsub.f32 v63, v56;
	v9 =	vadd.f32 v12, v9;
	v39 =	vld.idx.msk [tilespmem:v47+s4+$0x0], $0xffff  }
0x266: {  	v7 =	vadd.f32 v8, v7;
	v6 =	vadd.f32 v10, v6;
	v42 =	vld.idx.msk [tilespmem:v29+s4+$0x0], $0xffff  }
0x267: {  	v1 =	vadd.f32 v1, v54;
	v43 =	vadd.f32 v16, v0;
	[tilespmem:s31+$0x20] =	vst v9;
	v45 =	vld.idx.msk [tilespmem:v34+s4+$0x0], $0xffff  }
0x268: {  	v6 =	vsub.f32 v6, v7;
	v9 =	vmul.f32 v44, v14;
	v46 =	vsub.f32 v19, v28;
	v47 =	vld.idx.msk [tilespmem:v40+s4+$0x0], $0xffff  }
0x269: {  	v3 =	vsub.f32 v3, v20;
	v21 =	vld.idx.msk [tilespmem:v33+s4+$0x0], $0xffff;
	v5 =	vsub.f32 v35, v2  }
0x26a: {  	v49 =	vld.idx.msk [tilespmem:v59+s4+$0x0], $0xffff;
	v4 =	vsub.f32 v37, v36;
	v9 =	vadd.f32 v9, v56  }
0x26b: {  	v50 =	vld.idx.msk [tilespmem:v25+s4+$0x0], $0xffff;
	v59 =	vadd.f32 v24, v41;
	v11 =	vmul.f32 v46, v14;
	v3 =	vmul.f32 v3, v14  }
0x26c: {  	v5 =	vmul.f32 v5, v14;
	v4 =	vmul.f32 v4, v14;
	v9 =	vsub.f32 v9, v1  }
0x26d: {  	v51 =	vadd.f32 v11, v28;
	v3 =	vadd.f32 v3, v20  }
0x26e: {  	v2 =	vadd.f32 v5, v2;
	v4 =	vadd.f32 v4, v36  }
0x26f: {  	v52 =	vsub.f32 v39, v38;
	v53 =	vsub.f32 v45, v42  }
0x270: {  	v54 =	vsub.f32 v21, v47;
	v55 =	vsub.f32 v50, v49  }
0x271: {  	v3 =	vsub.f32 v3, v51;
	v11 =	vmul.f32 v52, v14;
	v5 =	vmul.f32 v53, v14  }
0x272: {  	v4 =	vsub.f32 v4, v2;
	v10 =	vmul.f32 v54, v14;
	v12 =	vmul.f32 v55, v14  }
0x273: {  	v6 =	vmul.f32 v6, v13;
	v11 =	vadd.f32 v11, v38;
	v5 =	vadd.f32 v5, v42  }
0x274: {  	[tilespmem:s7+$0x2B00] =	vst v48;
	v9 =	vmul.f32 v9, v13;
	v57 =	vadd.f32 v10, v47;
	v58 =	vadd.f32 v12, v49  }
0x275: {  	[tilespmem:s30+$0xFFFFFFB0] =	vst v43;
	v6 =	vadd.f32 v6, v7;
	v56 =	vmul.f32 v4, v13;
	v5 =	vsub.f32 v5, v11  }
0x276: {  	s28 =	sor.u32 $0x70, s11;
	[tilespmem:s29+$0x30] =	vst v59;
	v1 =	vadd.f32 v9, v1;
	v3 =	vmul.f32 v3, v13;
	v60 =	vsub.f32 v58, v57  }
0x277: {  	[tilespmem:s28+$0x2B00] =	vst v6;
	v0 =	vadd.f32 v56, v2;
	v5 =	vmul.f32 v5, v13  }
0x278: {  	[tilespmem:s13+$0x2B00] =	vst v1;
	v61 =	vadd.f32 v3, v51;
	v2 =	vmul.f32 v60, v13  }
0x279: {  	[tilespmem:s31+$0xFFFFFFB0] =	vst v0;
	v62 =	vadd.f32 v5, v11  }
0x27a: {  	[tilespmem:s30+$0x30] =	vst v61;
	v63 =	vadd.f32 v2, v57  }
0x27b: {  	[tilespmem:s10+$0x2B00] =	vst v62  }
0x27c: {  	[tilespmem:s31+$0x30] =	vst v63  }
0x27d: {  	v49 =	vld [tilespmem:$0x1FFD0]  }
0x27e: {  	v50 =	vld [tilespmem:$0x1FFE0]  }
0x27f: {  	v48 =	vimm.s32 $0x0;
	v47 =	vlaneseq.u32;
	v51 =	vld [tilespmem:$0x1FFF0]  }
.LBB2_9:
0x280: {  	s0 =	sor.u32 s3, s25;
	s1 =	sshll.u32 s24, $0x5  }
0x281: {  	s1 =	sand.u32 $0x60, s1;
	s2 =	sshll.u32 s0, $0x9  }
0x282: {  	p1 =	seq.s32 s24, $0x3F;
	s2 =	sand.u32 $0x1FF000, s2;
	s1 =	sadd.s32 s19, s1  }
0x283: {  	s29 =	simm.s32 $0x2B00;
	s0 =	sadd.s32 @!p1 $0x2, s0;
	s1 =	sadd.s32 s2, s1  }
0x284: {  	[hbm4b:s1+s14] =	stream.strided.scatter [tilespmem:s29], [sflag:$0x3], $0x1000, s15, s14, $0x38;
	[tilespmem:$0x4C00] =	vst v63  }
0x285: {  	s1 =	sshrl.u32 @!p1 s0, $0x3  }
0x286: {  	s0 =	sshll.u32 @!p1 s0, $0x7;
	s1 =	smul.u32 @!p1 $0xAC00, s1  }
0x287: {  	s0 =	sand.u32 @!p1 $0x300, s0  }
0x288: {  	s0 =	sor.u32 @!p1 s0, s1  }
0x289: {  	s30 =	simm.s32 $0x2;
	s6 =	simm.s32 @!p1 $0x0;
	s0 =	sshrl.u32 @!p1 s0, $0x3  }
0x28a: {  	s2 =	simm.s32 @!p1 $0x400;
	s1 =	simm.s32 @!p1 $0x80;
	s0 =	sadd.s32 @!p1 s5, s0  }
0x28b: {  	[tilespmem:s6], [sflag:$0x1] =	stream.strided.gather @!p1 [hbm4b:s0+s1], $0x1580, s2, s1, $0x38;
	[tilespmem:$0x4C00] =	vst v63  }
0x28c: {  	_ =	swait.ge [sflag:s30], $0x1580  }
0x28d: {  	[sflag:s30] =	ssyncset.done $0x0  }
0x28e: {  	s0 =	simm.s32 @!p0 $0x4;
	[sflag:s30] =	ssyncadd.s32 $0xFFFFEA80  }
0x28f: {  	_ =	swait.ge @!p0 [sflag:s0], $0x1000  }
0x290: {  	[sflag:s0] =	ssyncset.done @!p0 $0x0  }
0x291: {  	[sflag:s0] =	ssyncadd.s32 @!p0 $0xFFFFF000  }
0x292: {  	v0 =	vld [tilespmem:s26+$0x4B00]  }
0x293: {  	v1 =	vld [tilespmem:s26+$0x4B80];
	_ =	sdelay $0x3  }
0x294: {  	s25 =	sor.u32 $0x1, s25;
	v0 =	vadd.f32 $5.000000000e+00, v0  }
0x295: {  	s31 =	sand.u32 $0xF, s25;
	v1 =	vadd.f32 $5.000000000e+00, v1  }
0x296: {  	v2 =	vmov s31;
	v3 =	vtrunc.f32 v0  }
0x297: {  	v4 =	vcvt.f32.s32 v3;
	vm0 =	vlt.f32 v0, v3;
	v3 =	vtrunc.f32 v1  }
0x298: {  	v5 =	vsel vm0, $0xFFFFFFFF, v48;
	v6 =	vcvt.f32.s32 v3;
	vm11 =	vlt.f32 v1, v3  }
0x299: {  	vm1 =	veq.s32 v2, v47;
	v2 =	vadd.s32 v4, v5;
	v3 =	vsel vm11, $0xFFFFFFFF, v48  }
0x29a: {  	v3 =	vadd.s32 v6, v3;
	v4 =	vnsel vm1, $0x0, v2  }
0x29b: {  	(xrf0) =	vadd.scan.msk.s32 $0xffff, v4;
	v4 =	vnsel vm1, $0x0, v3  }
0x29c: {  	(xrf0) =	vadd.scan.msk.s32 $0xffff, v4;
	_ =	sdelay $0x4  }
0x29d: {  	v4, _, _ =	vpop (xrf0)  }
0x29e: {  	v5, _, _ =	vpop (xrf0)  }
0x29f: {  	(v2sf) =	vpush v5, $0xF;
	_ =	sdelay $0x4  }
0x2a0: {  	v2 =	vcvt.s32.f32 v2  }
0x2a1: {  	v3 =	vcvt.s32.f32 v3  }
0x2a2: {  	v0 =	vsub.f32 v0, v2  }
0x2a3: {  	v1 =	vsub.f32 v1, v3  }
0x2a4: {  	v0 =	vnsel vm1, $0x0, v0  }
0x2a5: {  	(xrf2) =	vadd.scan.msk.f32 $0xffff, v0;
	v0 =	vnsel vm1, $0x0, v1  }
0x2a6: {  	(xrf2) =	vadd.scan.msk.f32 $0xffff, v0  }
0x2a7: {  	v1 =	vbroadcast v4, $0xF;
	_ =	sdelay $0x1  }
0x2a8: {  	v0 =	vadd.s32 v47, v1;
	v2 =	vadd.s32 v49, v1;
	v3 =	vadd.s32 v50, v1  }
0x2a9: {  	v1 =	vadd.s32 v51, v1;
	vm12 =	vgt.s32 v0, $0x0;
	vm13 =	vgt.s32 v2, $0x0;
	s26 =	spop (v2sf)  }
0x2aa: {  	vm14 =	vgt.s32 v3, $0x0;
	vm15 =	vgt.s32 v1, $0x0;
	v0 =	vnsel vm12, $0x0, v0;
	p0 =	sgt.s32 s26, $0xFFFFFFFF  }
.Ltmp6:
0x2ab: {  	v2 =	vnsel vm13, $0x0, v2;
	v3 =	vnsel vm14, $0x0, v3;
	v4 =	vnsel vm15, $0x0, v1;
	(pc) =	sbr.rel @!p0 .LBB2_10-.Ltmp6, $4  }
0x2ac: {  	v7 =	vmin.u32 v0, $0x49;
	v9 =	vmin.u32 v2, $0x49;
	v0 =	vmin.u32 v0, $0x48  }
0x2ad: {  	v6 =	vmin.u32 v3, $0x49;
	v5 =	vmin.u32 v4, $0x49;
	v2 =	vmin.u32 v2, $0x48  }
0x2ae: {  	v3 =	vmin.u32 v3, $0x48;
	v4 =	vmin.u32 v4, $0x48;
	v10 =	vadd.s32 $0x1, v0;
	v1, _, _ =	vpop (xrf2)  }
0x2af: {  	v11 =	vadd.s32 $0x1, v2;
	v8 =	vadd.s32 $0x1, v3;
	v63 =	vadd.s32 $0x1, v4;
	v0, _, _ =	vpop (xrf2)  }
0x2b0: {  	s0 =	sadd.s32 $0xFFFFFFFC, s26  }
0x2b1: {  	s1 =	sadd.s32 $0x4, s0  }
0x2b2: {  	s2 =	smin.u32 s26, $0x49;
	p0 =	slt.s32 s1, $0x48  }
0x2b3: {  	s2 =	smul.u32 $0x4A, s2;
	s6 =	sadd.s32 $0x5, s0;
	s1 =	simm.s32 @!p0 $0x48  }
0x2b4: {  	p0 =	slt.s32 s6, $0x48;
	s1 =	smul.u32 $0x4A, s1  }
0x2b5: {  	s9 =	sadd.s32 $0x6, s0;
	v2 =	vadd.s32 s2, v7;
	s6 =	simm.s32 @!p0 $0x48  }
0x2b6: {  	v3 =	vadd.s32 s2, v10;
	p0 =	slt.s32 s9, $0x48;
	s22 =	smul.u32 $0x4A, s6;
	s7 =	sadd.s32 $0x4A, s1  }
0x2b7: {  	s0 =	sadd.s32 $0x7, s0;
	s9 =	simm.s32 @!p0 $0x48;
	v4 =	vadd.s32 s7, v10  }
0x2b8: {  	p0 =	slt.s32 s0, $0x48;
	s23 =	smul.u32 $0x4A, s9;
	v13 =	vadd.s32 s7, v7;
	s8 =	sadd.s32 $0x4A, s22  }
0x2b9: {  	s0 =	simm.s32 @!p0 $0x48;
	v14 =	vadd.s32 s8, v10  }
0x2ba: {  	s0 =	smul.u32 $0x4A, s0;
	v2 =	vld.idx.msk [tilespmem:v2+s16+$0x0], $0xffff;
	v15 =	vadd.s32 s8, v7;
	s10 =	sadd.s32 $0x4A, s23  }
0x2bb: {  	v3 =	vld.idx.msk [tilespmem:v3+s16+$0x0], $0xffff;
	v16 =	vadd.s32 s10, v7  }
0x2bc: {  	s31 =	sadd.s32 $0x4A, s0;
	v17 =	vadd.s32 s10, v10;
	v4 =	vld.idx.msk [tilespmem:v4+s16+$0x0], $0xffff  }
0x2bd: {  	v18 =	vadd.s32 s31, v7;
	v13 =	vld.idx.msk [tilespmem:v13+s16+$0x0], $0xffff  }
0x2be: {  	v20 =	vadd.s32 s31, v10;
	v19 =	vld.idx.msk [tilespmem:v14+s16+$0x0], $0xffff  }
0x2bf: {  	v15 =	vld.idx.msk [tilespmem:v15+s16+$0x0], $0xffff  }
0x2c0: {  	v16 =	vld.idx.msk [tilespmem:v16+s16+$0x0], $0xffff  }
0x2c1: {  	v17 =	vld.idx.msk [tilespmem:v17+s16+$0x0], $0xffff  }
0x2c2: {  	v14 =	vbroadcast v1, $0xF;
	v1 =	vld.idx.msk [tilespmem:v18+s16+$0x0], $0xffff  }
0x2c3: {  	v3 =	vsub.f32 v3, v2;
	v18 =	vld.idx.msk [tilespmem:v20+s16+$0x0], $0xffff  }
0x2c4: {  	v4 =	vsub.f32 v4, v13  }
0x2c5: {  	v3 =	vmul.f32 v3, v14;
	v19 =	vsub.f32 v19, v15  }
0x2c6: {  	v21 =	vadd.s32 s2, v11;
	v22 =	vadd.s32 s2, v8;
	v4 =	vmul.f32 v4, v14  }
0x2c7: {  	v2 =	vadd.f32 v3, v2;
	v17 =	vsub.f32 v17, v16;
	v19 =	vmul.f32 v19, v14  }
0x2c8: {  	v18 =	vsub.f32 v18, v1;
	v4 =	vadd.f32 v4, v13;
	v13 =	vbroadcast v0, $0xF  }
0x2c9: {  	v0 =	vmul.f32 v17, v14;
	v15 =	vadd.f32 v19, v15;
	v19 =	vadd.s32 s2, v5  }
0x2ca: {  	v20 =	vadd.s32 s2, v9;
	v18 =	vmul.f32 v18, v14  }
0x2cb: {  	v23 =	vadd.s32 s2, v63;
	v24 =	vsub.f32 v4, v2;
	v25 =	vadd.f32 v0, v16  }
0x2cc: {  	v21 =	vld.idx.msk [tilespmem:v21+s16+$0x0], $0xffff;
	v3 =	vadd.s32 s2, v6;
	v17 =	vsub.f32 v15, v4;
	v0 =	vadd.f32 v18, v1  }
0x2cd: {  	v22 =	vld.idx.msk [tilespmem:v22+s16+$0x0], $0xffff;
	v1 =	vadd.s32 s7, v9;
	v18 =	vmul.f32 v24, v13;
	v24 =	vsub.f32 v25, v15  }
0x2ce: {  	v26 =	vadd.s32 s8, v11;
	v17 =	vmul.f32 v17, v13;
	v16 =	vld.idx.msk [tilespmem:v19+s16+$0x0], $0xffff;
	v19 =	vadd.s32 s7, v11  }
0x2cf: {  	v20 =	vld.idx.msk [tilespmem:v20+s16+$0x0], $0xffff;
	v2 =	vadd.f32 v18, v2;
	v18 =	vmul.f32 v24, v13;
	v24 =	vsub.f32 v0, v25  }
0x2d0: {  	s28 =	simm.s32 $0x3B80;
	v4 =	vadd.f32 v17, v4;
	v17 =	vld.idx.msk [tilespmem:v23+s16+$0x0], $0xffff;
	v23 =	vadd.s32 s8, v9  }
0x2d1: {  	v27 =	vadd.s32 s31, v11;
	v3 =	vld.idx.msk [tilespmem:v3+s16+$0x0], $0xffff;
	[tilespmem:s28+$0xFFFFFF80] =	vst v2;
	v15 =	vadd.f32 v18, v15;
	v18 =	vmul.f32 v24, v13  }
0x2d2: {  	s12 =	sadd.s32 $0x0, s26;
	[tilespmem:s28+$0xFFFFFFC0] =	vst v4;
	v4 =	vadd.s32 s10, v11;
	v1 =	vld.idx.msk [tilespmem:v1+s16+$0x0], $0xffff  }
0x2d3: {  	s1 =	sadd.s32 $0x4, s12;
	v2 =	vld.idx.msk [tilespmem:v26+s16+$0x0], $0xffff;
	v26 =	vadd.s32 s10, v9;
	v18 =	vadd.f32 v18, v25  }
0x2d4: {  	s9 =	sadd.s32 $0x6, s12;
	p0 =	slt.s32 s1, $0x48;
	s2 =	sadd.s32 $0x7, s12;
	v24 =	vadd.s32 s31, v9;
	[tilespmem:s28+$0x0] =	vst v15;
	v19 =	vld.idx.msk [tilespmem:v19+s16+$0x0], $0xffff  }
0x2d5: {  	s1 =	simm.s32 @!p0 $0x48;
	s0 =	sadd.s32 $0x5, s12;
	p0 =	slt.s32 s2, $0x48;
	v15 =	vld.idx.msk [tilespmem:v23+s16+$0x0], $0xffff;
	[tilespmem:s28+$0x40] =	vst v18  }
0x2d6: {  	s1 =	smul.u32 $0x4A, s1;
	s2 =	simm.s32 @!p0 $0x48;
	p0 =	slt.s32 s0, $0x48;
	v21 =	vsub.f32 v21, v20;
	v23 =	vld.idx.msk [tilespmem:v27+s16+$0x0], $0xffff  }
0x2d7: {  	p2 =	slt.s32 s9, $0x48;
	s2 =	smul.u32 $0x4A, s2;
	s0 =	simm.s32 @!p0 $0x48;
	v4 =	vld.idx.msk [tilespmem:v4+s16+$0x0], $0xffff  }
0x2d8: {  	v32 =	vadd.s32 s7, v8;
	s9 =	simm.s32 @!p2 $0x48;
	s0 =	smul.u32 $0x4A, s0;
	v21 =	vmul.f32 v21, v14;
	v18 =	vld.idx.msk [tilespmem:v26+s16+$0x0], $0xffff  }
0x2d9: {  	v33 =	vadd.s32 s8, v6;
	s13 =	smul.u32 $0x4A, s9;
	v34 =	vadd.s32 s10, v6;
	v58 =	vadd.s32 s10, v5;
	s12 =	sadd.s32 $0x4A, s2;
	v24 =	vld.idx.msk [tilespmem:v24+s16+$0x0], $0xffff  }
0x2da: {  	s11 =	sadd.s32 $0x4A, s1;
	s29 =	sadd.s32 $0x4A, s0;
	v20 =	vadd.f32 v21, v20;
	v21 =	vadd.s32 s12, v7;
	v19 =	vsub.f32 v19, v1  }
0x2db: {  	s30 =	sadd.s32 $0x4A, s13;
	v61 =	vadd.s32 s11, v6;
	v28 =	vadd.s32 s29, v10;
	v2 =	vsub.f32 v2, v15  }
0x2dc: {  	v44 =	vadd.s32 s30, v8;
	v30 =	vadd.s32 s29, v7;
	v19 =	vmul.f32 v19, v14  }
0x2dd: {  	v25 =	vadd.s32 s11, v10;
	v2 =	vmul.f32 v2, v14;
	v4 =	vsub.f32 v4, v18  }
0x2de: {  	v27 =	vadd.s32 s30, v7;
	v23 =	vsub.f32 v23, v24;
	v1 =	vadd.f32 v19, v1  }
0x2df: {  	v21 =	vld.idx.msk [tilespmem:v21+s16+$0x0], $0xffff;
	v26 =	vadd.s32 s11, v7;
	v2 =	vadd.f32 v2, v15;
	v4 =	vmul.f32 v4, v14  }
0x2e0: {  	v28 =	vld.idx.msk [tilespmem:v28+s16+$0x0], $0xffff;
	v19 =	vadd.s32 s12, v10;
	v15 =	vmul.f32 v23, v14;
	v29 =	vsub.f32 v1, v20  }
0x2e1: {  	s20 =	sadd.s32 $0x4, s26;
	v30 =	vld.idx.msk [tilespmem:v30+s16+$0x0], $0xffff;
	v23 =	vadd.s32 s30, v10;
	v31 =	vsub.f32 v2, v1;
	v4 =	vadd.f32 v4, v18  }
0x2e2: {  	s9 =	sadd.s32 $0x4, s20;
	v25 =	vld.idx.msk [tilespmem:v25+s16+$0x0], $0xffff;
	v29 =	vmul.f32 v29, v13;
	v18 =	vadd.f32 v15, v24;
	v24 =	vadd.s32 s7, v6  }
0x2e3: {  	p0 =	slt.s32 s9, $0x48;
	v22 =	vsub.f32 v22, v3;
	v45 =	vadd.s32 s12, v8;
	v27 =	vld.idx.msk [tilespmem:v27+s16+$0x0], $0xffff;
	v15 =	vsub.f32 v4, v2  }
0x2e4: {  	s9 =	simm.s32 @!p0 $0x48;
	v26 =	vld.idx.msk [tilespmem:v26+s16+$0x0], $0xffff;
	v20 =	vadd.f32 v29, v20;
	v29 =	vmul.f32 v31, v13;
	v31 =	vsub.f32 v18, v4  }
0x2e5: {  	s9 =	smul.u32 $0x4A, s9;
	v52 =	vadd.s32 s29, v11;
	v41 =	vadd.s32 s29, v6;
	v19 =	vld.idx.msk [tilespmem:v19+s16+$0x0], $0xffff;
	v15 =	vmul.f32 v15, v13  }
0x2e6: {  	s0 =	simm.s32 $0x40;
	v23 =	vld.idx.msk [tilespmem:v23+s16+$0x0], $0xffff;
	[tilespmem:s28+$0xFFFFFF90] =	vst v20;
	v1 =	vadd.f32 v29, v1;
	v20 =	vmul.f32 v31, v13;
	v29 =	vadd.s32 s31, v8  }
0x2e7: {  	s13 =	sadd.s32 $0x5, s20;
	s17 =	sor.u32 $0x50, s0;
	s6 =	sadd.s32 $0x4A, s9;
	v43 =	vadd.s32 s29, v8;
	v31 =	vadd.s32 s31, v6;
	v46 =	vld.idx.msk [tilespmem:v24+s16+$0x0], $0xffff;
	v2 =	vadd.f32 v15, v2  }
0x2e8: {  	s21 =	simm.s32 $0xC0;
	p0 =	slt.s32 s13, $0x48;
	v54 =	vadd.s32 s6, v10;
	v15 =	vld.idx.msk [tilespmem:v32+s16+$0x0], $0xffff;
	[tilespmem:s17+$0x3B00] =	vst v1;
	v1 =	vadd.s32 s10, v8;
	v4 =	vadd.f32 v20, v4  }
0x2e9: {  	s18 =	sor.u32 $0x50, s21;
	s13 =	simm.s32 @!p0 $0x48;
	v24 =	vadd.s32 s8, v8;
	v20 =	vmul.f32 v22, v14;
	v22 =	vsub.f32 v25, v26;
	[tilespmem:s28+$0x10] =	vst v2;
	v2 =	vld.idx.msk [tilespmem:v33+s16+$0x0], $0xffff  }
0x2ea: {  	s13 =	smul.u32 $0x4A, s13;
	v55 =	vadd.s32 s6, v7;
	v19 =	vsub.f32 v19, v21;
	v25 =	vsub.f32 v28, v30;
	[tilespmem:s18+$0x3B00] =	vst v4;
	v4 =	vld.idx.msk [tilespmem:v34+s16+$0x0], $0xffff  }
0x2eb: {  	v3 =	vadd.f32 v20, v3;
	v20 =	vmul.f32 v22, v14;
	v22 =	vsub.f32 v23, v27;
	v23 =	vld.idx.msk [tilespmem:v29+s16+$0x0], $0xffff  }
0x2ec: {  	s13 =	sadd.s32 $0x4A, s13;
	v17 =	vsub.f32 v17, v16;
	v19 =	vmul.f32 v19, v14;
	v25 =	vmul.f32 v25, v14;
	v28 =	vld.idx.msk [tilespmem:v31+s16+$0x0], $0xffff  }
0x2ed: {  	v56 =	vadd.s32 s13, v10;
	v20 =	vadd.f32 v20, v26;
	v22 =	vmul.f32 v22, v14;
	v1 =	vld.idx.msk [tilespmem:v1+s16+$0x0], $0xffff  }
0x2ee: {  	v17 =	vmul.f32 v17, v14;
	v31 =	vld.idx.msk [tilespmem:v24+s16+$0x0], $0xffff;
	v25 =	vadd.f32 v25, v30;
	v24 =	vadd.f32 v19, v21  }
0x2ef: {  	v29 =	vadd.s32 s11, v11;
	v15 =	vsub.f32 v15, v46;
	v21 =	vadd.f32 v22, v27  }
0x2f0: {  	v19 =	vadd.s32 s29, v9;
	v22 =	vadd.s32 s11, v9;
	v27 =	vsub.f32 v25, v20  }
0x2f1: {  	v53 =	vsub.f32 v20, v0;
	v30 =	vmul.f32 v15, v14;
	v15 =	vsub.f32 v21, v25  }
0x2f2: {  	v27 =	vmul.f32 v27, v13;
	v23 =	vsub.f32 v23, v28;
	v1 =	vsub.f32 v1, v4  }
0x2f3: {  	v35 =	vmul.f32 v15, v13;
	v15 =	vsub.f32 v31, v2;
	v31 =	vmul.f32 v53, v13  }
0x2f4: {  	v20 =	vadd.f32 v27, v20;
	v23 =	vmul.f32 v23, v14;
	v1 =	vmul.f32 v1, v14  }
0x2f5: {  	s1 =	simm.s32 $0x3C80;
	v32 =	vld.idx.msk [tilespmem:v56+s16+$0x0], $0xffff;
	v27 =	vmul.f32 v15, v14;
	v0 =	vadd.f32 v31, v0;
	v31 =	vsub.f32 v24, v21  }
0x2f6: {  	v33 =	vld.idx.msk [tilespmem:v55+s16+$0x0], $0xffff;
	[tilespmem:s1+$0xFFFFFFC0] =	vst v20;
	v20 =	vadd.s32 s30, v11;
	v15 =	vadd.f32 v23, v28;
	v23 =	vadd.f32 v35, v25  }
0x2f7: {  	v25 =	vadd.s32 s30, v9;
	v19 =	vld.idx.msk [tilespmem:v19+s16+$0x0], $0xffff;
	v1 =	vadd.f32 v1, v4;
	v4 =	vadd.f32 v30, v46  }
0x2f8: {  	v26 =	vadd.s32 s12, v11;
	[tilespmem:s1+$0xFFFFFF80] =	vst v0;
	v0 =	vld.idx.msk [tilespmem:v52+s16+$0x0], $0xffff;
	v2 =	vadd.f32 v27, v2;
	v27 =	vmul.f32 v31, v13  }
0x2f9: {  	v16 =	vadd.f32 v17, v16;
	v31 =	vadd.s32 s12, v9;
	v22 =	vld.idx.msk [tilespmem:v22+s16+$0x0], $0xffff;
	v28 =	vsub.f32 v15, v1  }
0x2fa: {  	v17 =	vadd.s32 s31, v63;
	[tilespmem:s1+$0x0] =	vst v23;
	v29 =	vld.idx.msk [tilespmem:v29+s16+$0x0], $0xffff;
	v21 =	vadd.f32 v27, v21;
	v23 =	vsub.f32 v2, v4  }
0x2fb: {  	s17 =	sadd.s32 $0x7, s20;
	v56 =	vadd.s32 s13, v11;
	v30 =	vadd.s32 s31, v5;
	v20 =	vld.idx.msk [tilespmem:v20+s16+$0x0], $0xffff;
	v27 =	vmul.f32 v28, v13  }
0x2fc: {  	p2 =	slt.s32 s17, $0x48;
	v55 =	vadd.s32 s6, v9;
	v28 =	vsub.f32 v1, v2;
	[tilespmem:s1+$0x40] =	vst v21;
	v21 =	vmul.f32 v23, v13;
	v23 =	vld.idx.msk [tilespmem:v25+s16+$0x0], $0xffff  }
0x2fd: {  	s2 =	sadd.s32 $0x6, s20;
	s17 =	simm.s32 @!p2 $0x48;
	v25 =	vadd.s32 s8, v5;
	v26 =	vld.idx.msk [tilespmem:v26+s16+$0x0], $0xffff;
	v0 =	vsub.f32 v0, v19;
	v1 =	vadd.f32 v27, v1  }
0x2fe: {  	s22 =	sor.u32 $0x60, s21;
	p0 =	slt.s32 s2, $0x48;
	s17 =	smul.u32 $0x4A, s17;
	v35 =	vadd.s32 s13, v9;
	v31 =	vld.idx.msk [tilespmem:v31+s16+$0x0], $0xffff;
	v27 =	vmul.f32 v28, v13;
	v28 =	vsub.f32 v4, v3  }
0x2ff: {  	s2 =	simm.s32 @!p0 $0x48;
	v29 =	vsub.f32 v29, v22;
	v4 =	vadd.f32 v21, v4;
	v0 =	vmul.f32 v0, v14;
	[tilespmem:s22+$0x3B00] =	vst v1  }
0x300: {  	s2 =	smul.u32 $0x4A, s2;
	s18 =	sor.u32 $0x60, s0;
	s9 =	sadd.s32 $0x4A, s17;
	v2 =	vadd.f32 v27, v2;
	v21 =	vmul.f32 v28, v13;
	v28 =	vadd.s32 s7, v5;
	v27 =	vld.idx.msk [tilespmem:v30+s16+$0x0], $0xffff  }
0x301: {  	v1 =	vadd.s32 s7, v63;
	v29 =	vmul.f32 v29, v14;
	[tilespmem:s18+$0x3B00] =	vst v4;
	v4 =	vld.idx.msk [tilespmem:v17+s16+$0x0], $0xffff;
	v17 =	vadd.s32 s9, v7  }
0x302: {  	s7 =	sadd.s32 $0x4A, s2;
	v30 =	vadd.s32 s9, v10;
	v37 =	vld.idx.msk [tilespmem:v25+s16+$0x0], $0xffff;
	v20 =	vsub.f32 v20, v23;
	v3 =	vadd.f32 v21, v3  }
0x303: {  	v25 =	vld.idx.msk [tilespmem:v54+s16+$0x0], $0xffff;
	v57 =	vadd.s32 s7, v7;
	v0 =	vadd.f32 v0, v19;
	v22 =	vadd.f32 v29, v22;
	[tilespmem:s28+$0x20] =	vst v2  }
0x304: {  	v21 =	vadd.s32 s13, v7;
	v26 =	vsub.f32 v26, v31;
	v20 =	vmul.f32 v20, v14;
	v60 =	vld.idx.msk [tilespmem:v58+s16+$0x0], $0xffff;
	[tilespmem:s28+$0xFFFFFFA0] =	vst v3  }
0x305: {  	v29 =	vadd.s32 s7, v10;
	v3 =	vsub.f32 v22, v18;
	v38 =	vsub.f32 v0, v22;
	v36 =	vld.idx.msk [tilespmem:v28+s16+$0x0], $0xffff  }
0x306: {  	v28 =	vadd.s32 s8, v63;
	v1 =	vld.idx.msk [tilespmem:v1+s16+$0x0], $0xffff;
	v19 =	vadd.f32 v20, v23;
	v20 =	vmul.f32 v26, v14  }
0x307: {  	v26 =	vadd.s32 s10, v63;
	v3 =	vmul.f32 v3, v13;
	v23 =	vld.idx.msk [tilespmem:v17+s16+$0x0], $0xffff;
	v4 =	vsub.f32 v4, v27  }
0x308: {  	v17 =	vadd.s32 s11, v63;
	v30 =	vld.idx.msk [tilespmem:v30+s16+$0x0], $0xffff;
	v25 =	vsub.f32 v25, v33;
	v39 =	vsub.f32 v19, v0  }
0x309: {  	v34 =	vld.idx.msk [tilespmem:v57+s16+$0x0], $0xffff;
	v3 =	vadd.f32 v3, v18;
	v18 =	vadd.f32 v20, v31;
	v31 =	vmul.f32 v38, v13  }
0x30a: {  	v2 =	vld.idx.msk [tilespmem:v29+s16+$0x0], $0xffff;
	v29 =	vadd.s32 s11, v8;
	v20 =	vadd.s32 s12, v63;
	v40 =	vmul.f32 v25, v14  }
0x30b: {  	v59 =	vmul.f32 v39, v13;
	v1 =	vsub.f32 v1, v36;
	v22 =	vadd.f32 v31, v22;
	v31 =	vld.idx.msk [tilespmem:v21+s16+$0x0], $0xffff  }
0x30c: {  	v25 =	vsub.f32 v18, v19;
	v21 =	vadd.s32 s12, v5;
	[tilespmem:s1+$0xFFFFFF90] =	vst v3;
	v42 =	vld.idx.msk [tilespmem:v28+s16+$0x0], $0xffff;
	v33 =	vadd.f32 v40, v33  }
0x30d: {  	s8 =	simm.s32 $0x140;
	v3 =	vmul.f32 v4, v14;
	v0 =	vadd.f32 v59, v0;
	v28 =	vsub.f32 v30, v23;
	v46 =	vld.idx.msk [tilespmem:v61+s16+$0x0], $0xffff  }
0x30e: {  	s23 =	sor.u32 $0x50, s8;
	v62 =	vmul.f32 v1, v14;
	v1 =	vld.idx.msk [tilespmem:v26+s16+$0x0], $0xffff;
	v26 =	vadd.s32 s30, v6;
	v25 =	vmul.f32 v25, v13  }
0x30f: {  	v4 =	vld.idx.msk [tilespmem:v29+s16+$0x0], $0xffff;
	[tilespmem:s23+$0x3B00] =	vst v22;
	v2 =	vsub.f32 v2, v34;
	v22 =	vadd.s32 s12, v6;
	v58 =	vsub.f32 v33, v24  }
0x310: {  	s22 =	simm.s32 $0x1C0;
	v52 =	vld.idx.msk [tilespmem:v41+s16+$0x0], $0xffff;
	v29 =	vadd.f32 v25, v19;
	v19 =	vadd.f32 v3, v27;
	v27 =	vmul.f32 v28, v14  }
0x311: {  	s31 =	sor.u32 $0x50, s22;
	[tilespmem:s1+$0x10] =	vst v0;
	v53 =	vld.idx.msk [tilespmem:v43+s16+$0x0], $0xffff;
	v25 =	vadd.s32 s9, v9;
	v2 =	vmul.f32 v2, v14;
	v0 =	vsub.f32 v32, v31  }
0x312: {  	v38 =	vmul.f32 v58, v13;
	[tilespmem:s31+$0x3B00] =	vst v29;
	v28 =	vadd.f32 v27, v23;
	v27 =	vsub.f32 v42, v37  }
0x313: {  	v34 =	vadd.f32 v2, v34;
	v2 =	vld.idx.msk [tilespmem:v44+s16+$0x0], $0xffff;
	v1 =	vsub.f32 v1, v60;
	v0 =	vmul.f32 v0, v14  }
0x314: {  	v61 =	vadd.f32 v38, v24;
	v30 =	vld.idx.msk [tilespmem:v26+s16+$0x0], $0xffff;
	v4 =	vsub.f32 v4, v46;
	v27 =	vmul.f32 v27, v14  }
0x315: {  	v54 =	vld.idx.msk [tilespmem:v45+s16+$0x0], $0xffff;
	v39 =	vsub.f32 v28, v34;
	v23 =	vmul.f32 v1, v14;
	v0 =	vadd.f32 v0, v31  }
0x316: {  	v3 =	vadd.s32 s6, v11;
	v1 =	vld.idx.msk [tilespmem:v22+s16+$0x0], $0xffff;
	v22 =	vadd.f32 v62, v36;
	v24 =	vadd.f32 v27, v37  }
0x317: {  	v4 =	vmul.f32 v4, v14;
	v23 =	vadd.f32 v23, v60;
	v26 =	vsub.f32 v0, v33  }
0x318: {  	v29 =	vadd.s32 s9, v11;
	v31 =	vsub.f32 v34, v0;
	v60 =	vsub.f32 v22, v16  }
0x319: {  	v59 =	vmul.f32 v26, v13;
	v26 =	vadd.f32 v4, v46;
	v4 =	vsub.f32 v53, v52  }
0x31a: {  	v2 =	vsub.f32 v2, v30;
	v57 =	vsub.f32 v19, v23;
	v31 =	vmul.f32 v31, v13  }
0x31b: {  	s10 =	simm.s32 $0x3D80;
	v40 =	vsub.f32 v54, v1;
	v33 =	vadd.f32 v59, v33;
	v4 =	vmul.f32 v4, v14  }
0x31c: {  	[tilespmem:s10+$0xFFFFFF80] =	vst v61;
	v36 =	vmul.f32 v2, v14;
	v38 =	vadd.f32 v31, v0;
	v62 =	vmul.f32 v57, v13  }
0x31d: {  	v37 =	vadd.s32 s7, v11;
	v2 =	vmul.f32 v40, v14;
	[tilespmem:s10+$0xFFFFFFC0] =	vst v33;
	v31 =	vadd.f32 v4, v52;
	v4 =	vld.idx.msk [tilespmem:v55+s16+$0x0], $0xffff  }
0x31e: {  	s18 =	sor.u32 $0x70, s21;
	s21 =	simm.s32 $0x1C0;
	s12 =	simm.s32 $0x8;
	v32 =	vsub.f32 v24, v22;
	v27 =	vadd.f32 v62, v23;
	v33 =	vmul.f32 v60, v13;
	v0 =	vld.idx.msk [tilespmem:v56+s16+$0x0], $0xffff  }
.LBB2_14:
0x31f: {  	s2 =	sadd.s32 s12, s26;
	s12 =	sadd.s32 $0x4, s12;
	v3 =	vld.idx.msk [tilespmem:v3+s16+$0x0], $0xffff;
	[tilespmem:s10+$0x0] =	vst v38;
	v38 =	vadd.s32 s7, v9;
	v30 =	vadd.f32 v36, v30;
	v1 =	vadd.f32 v2, v1;
	s22 =	sadd.s32 $0x100, s22  }
0x320: {  	v23 =	vsub.f32 v23, v24;
	s17 =	sadd.s32 $0x4, s2;
	s20 =	sadd.s32 $0x5, s2;
	s23 =	sadd.s32 $0x7, s2;
	v35 =	vld.idx.msk [tilespmem:v35+s16+$0x0], $0xffff;
	v2 =	vmul.f32 v39, v13;
	v16 =	vadd.f32 v33, v16  }
0x321: {  	v32 =	vmul.f32 v32, v13;
	p2 =	slt.s32 s17, $0x48;
	p3 =	slt.s32 s20, $0x48;
	p0 =	slt.s32 s23, $0x48;
	v33 =	vsub.f32 v30, v31;
	v36 =	vsub.f32 v1, v30;
	[tilespmem:s18+$0x3B00] =	vst v27  }
0x322: {  	s2 =	sadd.s32 $0x6, s2;
	v27 =	vsub.f32 v31, v26;
	s17 =	simm.s32 @!p2 $0x48;
	s20 =	simm.s32 @!p3 $0x48;
	v2 =	vadd.f32 v2, v34;
	[tilespmem:s28+$0xFFFFFFB0] =	vst v16;
	v16 =	vmul.f32 v23, v13  }
0x323: {  	p2 =	slt.s32 s2, $0x48;
	s23 =	simm.s32 @!p0 $0x48;
	v22 =	vadd.f32 v32, v22;
	s17 =	smul.u32 $0x4A, s17;
	v23 =	vld.idx.msk [tilespmem:v37+s16+$0x0], $0xffff;
	v33 =	vmul.f32 v33, v13;
	v34 =	vmul.f32 v36, v13  }
0x324: {  	s0 =	sor.u32 $0x70, s0;
	s2 =	simm.s32 @!p2 $0x48;
	s18 =	smul.u32 $0x4A, s23;
	v27 =	vmul.f32 v27, v13;
	[tilespmem:s10+$0x40] =	vst v2;
	v2 =	vsub.f32 v26, v15;
	v12 =	vadd.f32 v16, v24  }
0x325: {  	p0 =	slt.u32 s12, $0x3C;
	v32 =	vadd.s32 s29, v5;
	s2 =	smul.u32 $0x4A, s2;
	s17 =	sadd.s32 $0x4A, s17;
	v24 =	vld.idx.msk [tilespmem:v38+s16+$0x0], $0xffff;
	v31 =	vadd.f32 v33, v31;
	v30 =	vadd.f32 v34, v30;
	[tilespmem:s0+$0x3B00] =	vst v22  }
0x326: {  	s20 =	smul.u32 $0x4A, s20;
	s23 =	sor.u32 $0x60, s21;
	v34 =	vsub.f32 v0, v35;
	s0 =	smov.u32 s8;
	v22 =	vadd.s32 s17, v7;
	v33 =	vadd.s32 s17, v10;
	v29 =	vld.idx.msk [tilespmem:v29+s16+$0x0], $0xffff;
	[tilespmem:s28+$0x30] =	vst v12;
	v16 =	vmovc v19  }
0x327: {  	v3 =	vsub.f32 v3, v4;
	s18 =	sadd.s32 $0x4A, s18;
	v26 =	vadd.f32 v27, v26;
	s2 =	sadd.s32 $0x4A, s2;
	v19 =	vld.idx.msk [tilespmem:v25+s16+$0x0], $0xffff;
	v25 =	vadd.s32 s11, v5;
	[tilespmem:s23+$0x3B00] =	vst v30;
	s11 =	smov.u32 s6  }
0x328: {  	s8 =	sadd.s32 $0x4A, s20;
	v0 =	vmovc v28;
	v27 =	vadd.s32 s18, v7;
	v2 =	vmul.f32 v2, v13;
	s20 =	sor.u32 $0x60, s0;
	v30 =	vadd.s32 s18, v10;
	s6 =	smov.u32 s17;
	[tilespmem:s1+$0x20] =	vst v31;
	v31 =	vld.idx.msk [tilespmem:v21+s16+$0x0], $0xffff  }
0x329: {  	v3 =	vmul.f32 v3, v14;
	s28 =	smov.u32 s1;
	v28 =	vadd.s32 s2, v10;
	v21 =	vadd.s32 s8, v7;
	s1 =	smov.u32 s10;
	[tilespmem:s20+$0x3B00] =	vst v26;
	v20 =	vld.idx.msk [tilespmem:v20+s16+$0x0], $0xffff  }
0x32a: {  	v36 =	vadd.s32 s2, v7;
	v37 =	vadd.f32 v2, v15;
	v15 =	vmovc v1;
	v26 =	vadd.s32 s8, v10;
	v2 =	vld.idx.msk [tilespmem:v32+s16+$0x0], $0xffff  }
0x32b: {  	v3 =	vadd.f32 v3, v4;
	v4 =	vsub.f32 v23, v24;
	v1 =	vld.idx.msk [tilespmem:v33+s16+$0x0], $0xffff  }
0x32c: {  	v22 =	vld.idx.msk [tilespmem:v22+s16+$0x0], $0xffff;
	[tilespmem:s28+$0xFFFFFFA0] =	vst v37  }
0x32d: {  	v23 =	vsub.f32 v3, v18;
	v32 =	vmul.f32 v34, v14;
	v4 =	vmul.f32 v4, v14;
	v33 =	vld.idx.msk [tilespmem:v25+s16+$0x0], $0xffff  }
0x32e: {  	v34 =	vadd.s32 s29, v63;
	s29 =	smov.u32 s13;
	s13 =	smov.u32 s8;
	v37 =	vadd.s32 s30, v5;
	v25 =	vsub.f32 v29, v19;
	v29 =	vld.idx.msk [tilespmem:v17+s16+$0x0], $0xffff  }
0x32f: {  	v23 =	vmul.f32 v23, v13;
	v32 =	vadd.f32 v32, v35;
	v4 =	vadd.f32 v4, v24;
	v27 =	vld.idx.msk [tilespmem:v27+s16+$0x0], $0xffff  }
0x330: {  	v35 =	vadd.s32 s30, v63;
	s30 =	smov.u32 s7;
	s7 =	smov.u32 s2;
	v25 =	vmul.f32 v25, v14;
	v24 =	vld.idx.msk [tilespmem:v36+s16+$0x0], $0xffff;
	v36 =	vsub.f32 v20, v31  }
0x331: {  	v17 =	vadd.s32 s11, v63;
	v20 =	vsub.f32 v32, v3;
	v38 =	vsub.f32 v4, v32;
	v28 =	vld.idx.msk [tilespmem:v28+s16+$0x0], $0xffff  }
0x332: {  	v39 =	vadd.s32 s11, v8;
	v23 =	vadd.f32 v23, v18;
	v18 =	vadd.f32 v25, v19;
	v30 =	vld.idx.msk [tilespmem:v30+s16+$0x0], $0xffff  }
0x333: {  	v1 =	vsub.f32 v1, v22;
	v19 =	vmul.f32 v20, v13;
	v25 =	vmul.f32 v38, v13;
	v37 =	vld.idx.msk [tilespmem:v37+s16+$0x0], $0xffff  }
0x334: {  	v20 =	vadd.s32 s9, v63;
	v29 =	vsub.f32 v29, v33;
	v26 =	vld.idx.msk [tilespmem:v26+s16+$0x0], $0xffff;
	[tilespmem:s10+$0xFFFFFF90] =	vst v23;
	v23 =	vadd.s32 s11, v6  }
0x335: {  	s8 =	sadd.s32 $0xFFFFFF80, s22;
	v1 =	vmul.f32 v1, v14;
	v3 =	vadd.f32 v19, v3;
	v19 =	vsub.f32 v18, v4;
	v38 =	vld.idx.msk [tilespmem:v21+s16+$0x0], $0xffff  }
0x336: {  	v40 =	vadd.s32 s29, v6;
	s2 =	sor.u32 $0x50, s8;
	v25 =	vadd.f32 v25, v32;
	v32 =	vmul.f32 v29, v14;
	v35 =	vld.idx.msk [tilespmem:v35+s16+$0x0], $0xffff  }
0x337: {  	v41 =	vadd.s32 s30, v6;
	v21 =	vadd.s32 s9, v5;
	[tilespmem:s2+$0x3B00] =	vst v3;
	v3 =	vmul.f32 v19, v13;
	v34 =	vld.idx.msk [tilespmem:v34+s16+$0x0], $0xffff  }
0x338: {  	v42 =	vadd.s32 s29, v8;
	v43 =	vadd.s32 s30, v8;
	v19 =	vmul.f32 v36, v14;
	v39 =	vld.idx.msk [tilespmem:v39+s16+$0x0], $0xffff  }
0x339: {  	v29 =	vsub.f32 v30, v27;
	v36 =	vld.idx.msk [tilespmem:v23+s16+$0x0], $0xffff;
	[tilespmem:s10+$0x10] =	vst v25;
	v3 =	vadd.f32 v3, v4;
	v4 =	vadd.s32 s9, v8  }
0x33a: {  	v44 =	vadd.s32 s9, v6;
	s2 =	sor.u32 $0x50, s22;
	v23 =	vsub.f32 v28, v24;
	v19 =	vadd.f32 v19, v31;
	s9 =	smov.u32 s18  }
0x33b: {  	v28 =	vmul.f32 v29, v14;
	v26 =	vsub.f32 v26, v38;
	v25 =	vadd.s32 s9, v9;
	v31 =	vld.idx.msk [tilespmem:v40+s16+$0x0], $0xffff;
	[tilespmem:s2+$0x3B00] =	vst v3  }
0x33c: {  	s10 =	sadd.s32 $0x100, s10;
	v29 =	vadd.s32 s9, v11;
	v3 =	vadd.s32 s6, v11;
	v35 =	vsub.f32 v35, v37;
	v30 =	vld.idx.msk [tilespmem:v41+s16+$0x0], $0xffff  }
0x33d: {  	v28 =	vadd.f32 v28, v27;
	v26 =	vmul.f32 v26, v14;
	v40 =	vsub.f32 v34, v2;
	v27 =	vld.idx.msk [tilespmem:v42+s16+$0x0], $0xffff  }
0x33e: {  	v41 =	vadd.f32 v1, v22;
	v22 =	vmul.f32 v23, v14;
	v23 =	vmul.f32 v35, v14;
	v4 =	vld.idx.msk [tilespmem:v4+s16+$0x0], $0xffff  }
0x33f: {  	v35 =	vadd.s32 s13, v9;
	v38 =	vadd.f32 v26, v38;
	v26 =	vsub.f32 v39, v36;
	v1 =	vld.idx.msk [tilespmem:v44+s16+$0x0], $0xffff  }
0x340: {  	v39 =	vadd.s32 s6, v9;
	v34 =	vadd.f32 v22, v24;
	v23 =	vadd.f32 v23, v37;
	v24 =	vld.idx.msk [tilespmem:v43+s16+$0x0], $0xffff  }
0x341: {  	v22 =	vadd.f32 v32, v33;
	v37 =	vsub.f32 v38, v41;
	v26 =	vmul.f32 v26, v14  }
0x342: {  	v32 =	vadd.s32 s13, v11;
	v33 =	vsub.f32 v34, v38;
	v42 =	vsub.f32 v19, v23  }
0x343: {  	v43 =	vsub.f32 v41, v0;
	v44 =	vsub.f32 v22, v16;
	v37 =	vmul.f32 v37, v13  }
0x344: {  	v33 =	vmul.f32 v33, v13;
	v26 =	vadd.f32 v26, v36;
	v27 =	vsub.f32 v27, v31  }
0x345: {  	v36 =	vmul.f32 v43, v13;
	v37 =	vadd.f32 v37, v41;
	v4 =	vsub.f32 v4, v1  }
.Ltmp7:
0x346: {  	v40 =	vmul.f32 v40, v14;
	v27 =	vmul.f32 v27, v14;
	v24 =	vsub.f32 v24, v30;
	(pc) =	sbr.rel @p0 .LBB2_14-.Ltmp7, $4  }
0x347: {  	v0 =	vadd.f32 v36, v0;
	v38 =	vadd.f32 v33, v38;
	v33 =	vmul.f32 v42, v13;
	[tilespmem:s10+$0xFFFFFFC0] =	vst v37  }
0x348: {  	v31 =	vadd.f32 v27, v31;
	v36 =	vmul.f32 v24, v14;
	v24 =	vadd.f32 v40, v2  }
0x349: {  	v27 =	vadd.f32 v33, v23;
	v37 =	vadd.s32 s7, v11;
	v2 =	vmul.f32 v4, v14;
	[tilespmem:s10+$0xFFFFFF80] =	vst v0;
	v0 =	vld.idx.msk [tilespmem:v32+s16+$0x0], $0xffff  }
0x34a: {  	s18 =	sor.u32 $0x70, s21;
	s21 =	smov.u32 s22;
	v33 =	vmul.f32 v44, v13;
	v32 =	vsub.f32 v24, v22;
	v4 =	vld.idx.msk [tilespmem:v39+s16+$0x0], $0xffff;
	v39 =	vsub.f32 v28, v34  }
0x34b: {  	_ =	sdelay $0x2  }
0x34c: {  	v9 =	vadd.s32 s7, v9  }
0x34d: {  	v3 =	vld.idx.msk [tilespmem:v3+s16+$0x0], $0xffff  }
0x34e: {  	v10 =	vmul.f32 v39, v13  }
0x34f: {  	[tilespmem:s10+$0x0] =	vst v38;
	v11 =	vld.idx.msk [tilespmem:v35+s16+$0x0], $0xffff  }
0x350: {  	v12 =	vld.idx.msk [tilespmem:v37+s16+$0x0], $0xffff;
	v10 =	vadd.f32 v10, v34  }
0x351: {  	v9 =	vld.idx.msk [tilespmem:v9+s16+$0x0], $0xffff  }
0x352: {  	[tilespmem:s10+$0x40] =	vst v10;
	v3 =	vsub.f32 v3, v4  }
0x353: {  	v10 =	vld.idx.msk [tilespmem:v29+s16+$0x0], $0xffff  }
0x354: {  	v0 =	vsub.f32 v0, v11;
	v25 =	vld.idx.msk [tilespmem:v25+s16+$0x0], $0xffff;
	v3 =	vmul.f32 v3, v14;
	_ =	sdelay $0x1  }
0x355: {  	v0 =	vmul.f32 v0, v14;
	v3 =	vadd.f32 v3, v4;
	v12 =	vsub.f32 v12, v9;
	_ =	sdelay $0x1  }
0x356: {  	v0 =	vadd.f32 v0, v11;
	v44 =	vsub.f32 v3, v18;
	v43 =	vmul.f32 v12, v14  }
0x357: {  	v46 =	vadd.s32 s6, v8;
	v42 =	vsub.f32 v10, v25  }
0x358: {  	v54 =	vsub.f32 v0, v3;
	v45 =	vmul.f32 v44, v13;
	v9 =	vadd.f32 v43, v9  }
0x359: {  	v52 =	vadd.s32 s6, v6;
	v7 =	vadd.s32 s13, v6;
	v4 =	vmul.f32 v42, v14  }
0x35a: {  	v58 =	vmul.f32 v54, v13;
	v10 =	vadd.f32 v45, v18;
	v11 =	vsub.f32 v9, v0  }
0x35b: {  	s12 =	sadd.s32 $0x100, s22;
	v59 =	vadd.s32 s13, v8;
	v4 =	vadd.f32 v4, v25  }
0x35c: {  	v53 =	vadd.s32 s7, v6;
	s22 =	sadd.s32 $0xFFFFFF80, s12;
	v3 =	vadd.f32 v58, v3;
	[tilespmem:s10+$0xFFFFFF90] =	vst v10;
	v11 =	vmul.f32 v11, v13  }
0x35d: {  	v57 =	vadd.s32 s7, v8;
	s31 =	sor.u32 $0x50, s22;
	v4 =	vsub.f32 v4, v9;
	v56 =	vld.idx.msk [tilespmem:v46+s16+$0x0], $0xffff  }
0x35e: {  	[tilespmem:s31+$0x3B00] =	vst v3;
	v25 =	vld.idx.msk [tilespmem:v52+s16+$0x0], $0xffff;
	v0 =	vadd.f32 v11, v0  }
0x35f: {  	v28 =	vadd.s32 s9, v8;
	v7 =	vld.idx.msk [tilespmem:v7+s16+$0x0], $0xffff;
	v4 =	vmul.f32 v4, v13  }
0x360: {  	v55 =	vadd.s32 s9, v6;
	v62 =	vadd.f32 v36, v30;
	v1 =	vadd.f32 v2, v1;
	[tilespmem:s10+$0x10] =	vst v0;
	v0 =	vld.idx.msk [tilespmem:v59+s16+$0x0], $0xffff  }
0x361: {  	v38 =	vsub.f32 v26, v15;
	v4 =	vadd.f32 v4, v9;
	v60 =	vld.idx.msk [tilespmem:v53+s16+$0x0], $0xffff  }
0x362: {  	s2 =	sor.u32 $0x50, s12;
	v37 =	vsub.f32 v31, v26;
	v34 =	vld.idx.msk [tilespmem:v57+s16+$0x0], $0xffff  }
0x363: {  	v40 =	vadd.s32 s11, v5;
	v36 =	vsub.f32 v1, v62;
	v41 =	vmul.f32 v38, v13;
	[tilespmem:s2+$0x3B00] =	vst v4  }
0x364: {  	v39 =	vadd.s32 s29, v5;
	v35 =	vsub.f32 v62, v31;
	v18 =	vmul.f32 v37, v13;
	v61 =	vld.idx.msk [tilespmem:v28+s16+$0x0], $0xffff  }
0x365: {  	v12 =	vmul.f32 v36, v13;
	v44 =	vadd.f32 v41, v15;
	v11 =	vsub.f32 v56, v25;
	v10 =	vld.idx.msk [tilespmem:v55+s16+$0x0], $0xffff  }
0x366: {  	v3 =	vmul.f32 v35, v13;
	v18 =	vadd.f32 v18, v26;
	v0 =	vsub.f32 v0, v7  }
0x367: {  	s20 =	sor.u32 $0x60, s8;
	[tilespmem:s1+$0xFFFFFFA0] =	vst v44;
	v52 =	vadd.s32 s30, v63;
	v11 =	vmul.f32 v11, v14;
	v2 =	vsub.f32 v34, v60  }
0x368: {  	v54 =	vadd.s32 s29, v63;
	[tilespmem:s20+$0x3B00] =	vst v18;
	v3 =	vadd.f32 v3, v31;
	v0 =	vmul.f32 v0, v14  }
0x369: {  	v9 =	vadd.f32 v12, v62;
	v12 =	vld.idx.msk [tilespmem:v40+s16+$0x0], $0xffff;
	v11 =	vadd.f32 v11, v25;
	v2 =	vmul.f32 v2, v14  }
0x36a: {  	v53 =	vld.idx.msk [tilespmem:v39+s16+$0x0], $0xffff;
	v8 =	vsub.f32 v61, v10;
	v0 =	vadd.f32 v0, v7  }
0x36b: {  	v45 =	vadd.s32 s30, v5;
	[tilespmem:s1+$0x20] =	vst v3;
	v57 =	vld.idx.msk [tilespmem:v17+s16+$0x0], $0xffff;
	v2 =	vadd.f32 v2, v60;
	v60 =	vsub.f32 v11, v1  }
0x36c: {  	s17 =	sor.u32 $0x60, s21;
	v30 =	vadd.s32 s7, v5;
	v16 =	vadd.f32 v33, v16;
	v62 =	vld.idx.msk [tilespmem:v52+s16+$0x0], $0xffff;
	v8 =	vmul.f32 v8, v14  }
0x36d: {  	v29 =	vadd.s32 s6, v5;
	[tilespmem:s17+$0x3B00] =	vst v9;
	v9 =	vld.idx.msk [tilespmem:v54+s16+$0x0], $0xffff;
	v56 =	vsub.f32 v0, v11;
	v26 =	vmul.f32 v60, v13  }
0x36e: {  	v35 =	vadd.s32 s6, v63;
	v43 =	vld.idx.msk [tilespmem:v21+s16+$0x0], $0xffff;
	v61 =	vadd.s32 s13, v5;
	v42 =	vadd.f32 v8, v10  }
0x36f: {  	v46 =	vld.idx.msk [tilespmem:v20+s16+$0x0], $0xffff;
	v59 =	vsub.f32 v2, v0;
	v21 =	vmul.f32 v56, v13;
	v1 =	vadd.f32 v26, v1  }
0x370: {  	v38 =	vadd.s32 s13, v63;
	v58 =	vadd.s32 s9, v63;
	v10 =	vld.idx.msk [tilespmem:v45+s16+$0x0], $0xffff;
	v4 =	vsub.f32 v42, v2  }
0x371: {  	v40 =	vsub.f32 v23, v24;
	v25 =	vmul.f32 v59, v13;
	v11 =	vadd.f32 v21, v11;
	[tilespmem:s10+$0xFFFFFFA0] =	vst v1  }
0x372: {  	s26 =	sor.u32 $0x60, s22;
	v34 =	vadd.s32 s7, v63;
	v3 =	vsub.f32 v57, v12;
	v4 =	vmul.f32 v4, v13;
	v39 =	vld.idx.msk [tilespmem:v29+s16+$0x0], $0xffff  }
0x373: {  	v55 =	vadd.s32 s9, v5;
	v9 =	vsub.f32 v9, v53;
	v0 =	vadd.f32 v25, v0;
	[tilespmem:s26+$0x3B00] =	vst v11;
	v42 =	vld.idx.msk [tilespmem:v35+s16+$0x0], $0xffff  }
0x374: {  	v15 =	vsub.f32 v46, v43;
	v3 =	vmul.f32 v3, v14;
	v2 =	vadd.f32 v4, v2;
	v37 =	vld.idx.msk [tilespmem:v61+s16+$0x0], $0xffff  }
0x375: {  	s23 =	sor.u32 $0x60, s12;
	v5 =	vmul.f32 v40, v13;
	v4 =	vsub.f32 v62, v10;
	[tilespmem:s10+$0x20] =	vst v0;
	v1 =	vld.idx.msk [tilespmem:v38+s16+$0x0], $0xffff  }
0x376: {  	v9 =	vmul.f32 v9, v14;
	v3 =	vadd.f32 v3, v12;
	[tilespmem:s23+$0x3B00] =	vst v2;
	v2 =	vld.idx.msk [tilespmem:v30+s16+$0x0], $0xffff  }
0x377: {  	v15 =	vmul.f32 v15, v14;
	v5 =	vadd.f32 v5, v24;
	v4 =	vmul.f32 v4, v14;
	v20 =	vld.idx.msk [tilespmem:v34+s16+$0x0], $0xffff  }
0x378: {  	v41 =	vmul.f32 v32, v13;
	v7 =	vadd.f32 v9, v53;
	v45 =	vsub.f32 v3, v19;
	v31 =	vld.idx.msk [tilespmem:v55+s16+$0x0], $0xffff  }
0x379: {  	v8 =	vadd.f32 v15, v43;
	v36 =	vld.idx.msk [tilespmem:v58+s16+$0x0], $0xffff;
	v4 =	vadd.f32 v4, v10  }
0x37a: {  	v43 =	vadd.f32 v41, v22;
	v53 =	vsub.f32 v7, v3;
	v54 =	vmul.f32 v45, v13  }
0x37b: {  	v46 =	vsub.f32 v42, v39;
	v44 =	vsub.f32 v8, v4  }
0x37c: {  	v56 =	vadd.f32 v54, v19;
	v55 =	vmul.f32 v53, v13;
	v1 =	vsub.f32 v1, v37  }
0x37d: {  	v20 =	vsub.f32 v20, v2;
	v9 =	vmul.f32 v46, v14;
	v12 =	vmul.f32 v44, v13  }
0x37e: {  	v3 =	vadd.f32 v55, v3;
	v11 =	vsub.f32 v36, v31;
	v1 =	vmul.f32 v1, v14  }
0x37f: {  	[tilespmem:s18+$0x3B00] =	vst v27;
	v52 =	vmul.f32 v20, v14;
	v0 =	vadd.f32 v9, v39;
	v12 =	vadd.f32 v12, v4  }
0x380: {  	[tilespmem:s28+$0xFFFFFFB0] =	vst v16;
	v11 =	vmul.f32 v11, v14;
	v4 =	vsub.f32 v4, v7;
	v1 =	vadd.f32 v1, v37  }
0x381: {  	s0 =	sor.u32 $0x70, s0;
	[tilespmem:s28+$0x30] =	vst v5;
	v2 =	vadd.f32 v52, v2;
	v57 =	vsub.f32 v0, v8  }
0x382: {  	[tilespmem:s0+$0x3B00] =	vst v43;
	v6 =	vadd.f32 v11, v31;
	v4 =	vmul.f32 v4, v13;
	v58 =	vsub.f32 v1, v0  }
0x383: {  	s29 =	sor.u32 $0x70, s8;
	[tilespmem:s1+$0xFFFFFFB0] =	vst v56;
	v59 =	vmul.f32 v57, v13;
	v60 =	vsub.f32 v2, v1  }
0x384: {  	s28 =	sor.u32 $0x70, s21;
	[tilespmem:s29+$0x3B00] =	vst v3;
	v6 =	vsub.f32 v6, v2;
	v4 =	vadd.f32 v4, v7;
	v61 =	vmul.f32 v58, v13  }
0x385: {  	[tilespmem:s28+$0x3B00] =	vst v12;
	v62 =	vadd.f32 v59, v8;
	v63 =	vmul.f32 v60, v13  }
.Ltmp8:
0x386: {  	v6 =	vmul.f32 v6, v13;
	[tilespmem:s1+$0x30] =	vst v4;
	v0 =	vadd.f32 v61, v0;
	(pc) =	sbr.rel .LBB2_16-.Ltmp8, $4  }
0x387: {  	s31 =	sor.u32 $0x70, s22;
	[tilespmem:s10+$0xFFFFFFB0] =	vst v62;
	v1 =	vadd.f32 v63, v1  }
0x388: {  	v2 =	vadd.f32 v6, v2;
	[tilespmem:s31+$0x3B00] =	vst v0  }
0x389: {  	s30 =	sor.u32 $0x70, s12;
	[tilespmem:s10+$0x30] =	vst v1  }
0x38a: {  	[tilespmem:s30+$0x3B00] =	vst v2  }
.LBB2_10:
0x38b: {  	s2 =	sadd.s32 $0xFFFFFFFC, s26  }
0x38c: {  	s0 =	sadd.s32 $0x7, s2  }
0x38d: {  	p0 =	sgt.s32 s0, $0x0  }
0x38e: {  	s0 =	simm.s32 @!p0 $0x0  }
0x38f: {  	s6 =	smul.u32 $0x4A, s0;
	_ =	sdelay $0x1  }
0x390: {  	v13 =	vbroadcast v0, $0xF;
	v0 =	vadd.s32 s6, v7  }
0x391: {  	v14 =	vbroadcast v1, $0xF;
	s1 =	sadd.s32 $0x4A, s6;
	v1 =	vadd.s32 s6, v10  }
0x392: {  	s0 =	sadd.s32 $0x4, s2;
	v2 =	vadd.s32 s1, v7  }
0x393: {  	p0 =	sgt.s32 s0, $0x0;
	v3 =	vadd.s32 s1, v10  }
0x394: {  	s0 =	simm.s32 @!p0 $0x0  }
0x395: {  	s8 =	smul.u32 $0x4A, s0;
	v0 =	vld.idx.msk [tilespmem:v0+s16+$0x0], $0xffff  }
0x396: {  	v1 =	vld.idx.msk [tilespmem:v1+s16+$0x0], $0xffff  }
0x397: {  	s7 =	sadd.s32 $0x5, s2;
	s0 =	sadd.s32 $0x4A, s8;
	v16 =	vadd.s32 s8, v7;
	v2 =	vld.idx.msk [tilespmem:v2+s16+$0x0], $0xffff  }
0x398: {  	p0 =	sgt.s32 s7, $0x0;
	v4 =	vadd.s32 s0, v7;
	v3 =	vld.idx.msk [tilespmem:v3+s16+$0x0], $0xffff  }
0x399: {  	s7 =	simm.s32 @!p0 $0x0;
	v15 =	vadd.s32 s0, v10  }
0x39a: {  	s9 =	smul.u32 $0x4A, s7;
	v17 =	vadd.s32 s8, v10;
	_ =	sdelay $0x1  }
0x39b: {  	s2 =	sadd.s32 $0x6, s2;
	s10 =	sadd.s32 $0x4A, s9;
	v20 =	vadd.s32 s9, v7;
	v16 =	vld.idx.msk [tilespmem:v16+s16+$0x0], $0xffff  }
0x39c: {  	p0 =	sgt.s32 s2, $0x0;
	v18 =	vadd.s32 s10, v7;
	v4 =	vld.idx.msk [tilespmem:v4+s16+$0x0], $0xffff;
	v1 =	vsub.f32 v1, v0;
	v3 =	vsub.f32 v3, v2  }
0x39d: {  	s2 =	simm.s32 @!p0 $0x0;
	v19 =	vadd.s32 s10, v10;
	v15 =	vld.idx.msk [tilespmem:v15+s16+$0x0], $0xffff  }
0x39e: {  	s21 =	smul.u32 $0x4A, s2;
	v21 =	vadd.s32 s9, v10;
	v17 =	vld.idx.msk [tilespmem:v17+s16+$0x0], $0xffff;
	v1 =	vmul.f32 v1, v14;
	v3 =	vmul.f32 v3, v14;
	_ =	sdelay $0x1  }
0x39f: {  	s11 =	sadd.s32 $0x4A, s21;
	v23 =	vadd.s32 s21, v10;
	v20 =	vld.idx.msk [tilespmem:v20+s16+$0x0], $0xffff;
	v0 =	vadd.f32 v1, v0;
	v1 =	vadd.f32 v3, v2  }
0x3a0: {  	v22 =	vadd.s32 s11, v7;
	v18 =	vld.idx.msk [tilespmem:v18+s16+$0x0], $0xffff  }
0x3a1: {  	v15 =	vsub.f32 v15, v4;
	v2 =	vadd.s32 s11, v10;
	v3 =	vld.idx.msk [tilespmem:v19+s16+$0x0], $0xffff;
	v1 =	vsub.f32 v1, v0  }
0x3a2: {  	v21 =	vld.idx.msk [tilespmem:v21+s16+$0x0], $0xffff;
	v17 =	vsub.f32 v17, v16;
	v19 =	vadd.s32 s21, v7  }
0x3a3: {  	v24 =	vadd.s32 s6, v9;
	v15 =	vmul.f32 v15, v14;
	v1 =	vmul.f32 v1, v13  }
0x3a4: {  	v25 =	vadd.s32 s6, v11;
	v23 =	vld.idx.msk [tilespmem:v23+s16+$0x0], $0xffff;
	v17 =	vmul.f32 v17, v14  }
0x3a5: {  	v22 =	vld.idx.msk [tilespmem:v22+s16+$0x0], $0xffff;
	v4 =	vadd.f32 v15, v4;
	v15 =	vadd.s32 s1, v11;
	v0 =	vadd.f32 v1, v0  }
0x3a6: {  	s28 =	simm.s32 $0x3B80;
	v2 =	vld.idx.msk [tilespmem:v2+s16+$0x0], $0xffff;
	v3 =	vsub.f32 v3, v18;
	v1 =	vadd.s32 s1, v9  }
0x3a7: {  	v21 =	vsub.f32 v21, v20;
	v19 =	vld.idx.msk [tilespmem:v19+s16+$0x0], $0xffff;
	[tilespmem:s28+$0x40] =	vst v0;
	v0 =	vadd.f32 v17, v16  }
0x3a8: {  	v3 =	vmul.f32 v3, v14;
	v16 =	vld.idx.msk [tilespmem:v24+s16+$0x0], $0xffff  }
0x3a9: {  	v17 =	vmul.f32 v21, v14;
	v21 =	vld.idx.msk [tilespmem:v25+s16+$0x0], $0xffff;
	v4 =	vsub.f32 v4, v0  }
0x3aa: {  	v24 =	vadd.s32 s8, v9;
	v3 =	vadd.f32 v3, v18;
	v15 =	vld.idx.msk [tilespmem:v15+s16+$0x0], $0xffff  }
0x3ab: {  	v2 =	vsub.f32 v2, v22;
	v17 =	vadd.f32 v17, v20;
	v1 =	vld.idx.msk [tilespmem:v1+s16+$0x0], $0xffff;
	v4 =	vmul.f32 v4, v13  }
0x3ac: {  	v18 =	vadd.s32 s0, v9;
	v20 =	vadd.s32 s8, v11;
	v23 =	vsub.f32 v23, v19  }
0x3ad: {  	v2 =	vmul.f32 v2, v14;
	v3 =	vsub.f32 v3, v17;
	v0 =	vadd.f32 v4, v0  }
0x3ae: {  	v25 =	vadd.s32 s9, v9;
	v4 =	vadd.s32 s0, v11  }
0x3af: {  	v2 =	vadd.f32 v2, v22;
	v22 =	vmul.f32 v23, v14;
	v3 =	vmul.f32 v3, v13;
	[tilespmem:s28+$0xFFFFFF80] =	vst v0  }
0x3b0: {  	v21 =	vsub.f32 v21, v16;
	v0 =	vadd.s32 s9, v11;
	v15 =	vsub.f32 v15, v1;
	v23 =	vld.idx.msk [tilespmem:v24+s16+$0x0], $0xffff  }
0x3b1: {  	v19 =	vadd.f32 v22, v19;
	v3 =	vadd.f32 v3, v17;
	v24 =	vadd.s32 s10, v9;
	v17 =	vld.idx.msk [tilespmem:v20+s16+$0x0], $0xffff  }
0x3b2: {  	v21 =	vmul.f32 v21, v14;
	v20 =	vadd.s32 s10, v11;
	v18 =	vld.idx.msk [tilespmem:v18+s16+$0x0], $0xffff;
	v15 =	vmul.f32 v15, v14  }
0x3b3: {  	v2 =	vsub.f32 v2, v19;
	[tilespmem:s28+$0xFFFFFFC0] =	vst v3;
	v3 =	vld.idx.msk [tilespmem:v4+s16+$0x0], $0xffff  }
0x3b4: {  	v16 =	vadd.f32 v21, v16;
	v4 =	vld.idx.msk [tilespmem:v25+s16+$0x0], $0xffff;
	v1 =	vadd.f32 v15, v1  }
0x3b5: {  	v0 =	vld.idx.msk [tilespmem:v0+s16+$0x0], $0xffff  }
0x3b6: {  	v15 =	vadd.s32 s21, v9;
	v2 =	vmul.f32 v2, v13;
	v21 =	vld.idx.msk [tilespmem:v24+s16+$0x0], $0xffff;
	v1 =	vsub.f32 v1, v16  }
0x3b7: {  	v22 =	vadd.s32 s11, v9;
	v24 =	vadd.s32 s21, v11;
	v17 =	vsub.f32 v17, v23;
	v20 =	vld.idx.msk [tilespmem:v20+s16+$0x0], $0xffff  }
0x3b8: {  	v2 =	vadd.f32 v2, v19;
	v1 =	vmul.f32 v1, v13;
	v3 =	vsub.f32 v3, v18  }
0x3b9: {  	v19 =	vadd.s32 s6, v6;
	v17 =	vmul.f32 v17, v14  }
0x3ba: {  	[tilespmem:s28+$0x0] =	vst v2;
	v2 =	vadd.s32 s6, v8;
	v1 =	vadd.f32 v1, v16;
	v3 =	vmul.f32 v3, v14  }
0x3bb: {  	s30 =	simm.s32 $0xC0;
	v25 =	vld.idx.msk [tilespmem:v15+s16+$0x0], $0xffff;
	v15 =	vadd.s32 s1, v6;
	v0 =	vsub.f32 v0, v4;
	v16 =	vadd.f32 v17, v23  }
0x3bc: {  	s22 =	sor.u32 $0x50, s30;
	v26 =	vld.idx.msk [tilespmem:v22+s16+$0x0], $0xffff;
	v23 =	vadd.s32 s1, v8;
	v3 =	vadd.f32 v3, v18;
	v18 =	vsub.f32 v20, v21  }
0x3bd: {  	v17 =	vld.idx.msk [tilespmem:v24+s16+$0x0], $0xffff;
	v20 =	vadd.s32 s11, v11;
	[tilespmem:s22+$0x3B00] =	vst v1  }
0x3be: {  	v31 =	vadd.s32 s9, v6;
	v0 =	vmul.f32 v0, v14;
	v1 =	vld.idx.msk [tilespmem:v19+s16+$0x0], $0xffff;
	v18 =	vmul.f32 v18, v14  }
0x3bf: {  	v32 =	vadd.s32 s9, v8;
	v27 =	vadd.s32 s10, v6;
	v2 =	vld.idx.msk [tilespmem:v2+s16+$0x0], $0xffff;
	v3 =	vsub.f32 v3, v16  }
0x3c0: {  	s12 =	sadd.s32 $0x0, s26;
	v34 =	vadd.s32 s10, v8;
	v0 =	vadd.f32 v0, v4;
	v4 =	vld.idx.msk [tilespmem:v15+s16+$0x0], $0xffff;
	v15 =	vadd.f32 v18, v21  }
0x3c1: {  	s2 =	sadd.s32 $0x7, s12;
	v28 =	vadd.s32 s11, v6;
	v22 =	vadd.s32 s8, v6;
	v3 =	vmul.f32 v3, v13;
	v21 =	vld.idx.msk [tilespmem:v23+s16+$0x0], $0xffff  }
0x3c2: {  	p0 =	sgt.s32 s2, $0x0;
	v24 =	vadd.s32 s0, v6;
	v18 =	vadd.s32 s8, v8;
	v20 =	vld.idx.msk [tilespmem:v20+s16+$0x0], $0xffff;
	v15 =	vsub.f32 v15, v0  }
0x3c3: {  	s2 =	simm.s32 @!p0 $0x0;
	v19 =	vadd.s32 s0, v8;
	v17 =	vsub.f32 v17, v25;
	v3 =	vadd.f32 v3, v16  }
0x3c4: {  	v16 =	vadd.s32 s0, v5;
	v35 =	vmul.f32 v15, v13;
	v15 =	vadd.s32 s0, v63;
	s0 =	smul.u32 $0x4A, s2  }
0x3c5: {  	v23 =	vadd.s32 s10, v5;
	v2 =	vsub.f32 v2, v1;
	v17 =	vmul.f32 v17, v14;
	[tilespmem:s28+$0xFFFFFF90] =	vst v3  }
0x3c6: {  	v3 =	vld.idx.msk [tilespmem:v22+s16+$0x0], $0xffff;
	v22 =	vadd.s32 s10, v63;
	v21 =	vsub.f32 v21, v4;
	v37 =	vadd.s32 s0, v7  }
0x3c7: {  	s13 =	simm.s32 $0x40;
	v50 =	vld.idx.msk [tilespmem:v18+s16+$0x0], $0xffff;
	v0 =	vadd.f32 v35, v0;
	v18 =	vsub.f32 v20, v26;
	s10 =	sadd.s32 $0x4A, s0;
	v38 =	vadd.s32 s0, v10  }
0x3c8: {  	s23 =	sor.u32 $0x50, s13;
	v2 =	vmul.f32 v2, v14;
	s2 =	sadd.s32 $0x4, s12;
	v36 =	vld.idx.msk [tilespmem:v24+s16+$0x0], $0xffff;
	v20 =	vmul.f32 v21, v14;
	v39 =	vadd.s32 s10, v7  }
0x3c9: {  	v41 =	vadd.f32 v17, v25;
	p0 =	sgt.s32 s2, $0x0;
	v40 =	vadd.s32 s10, v10;
	[tilespmem:s23+$0x3B00] =	vst v0;
	v0 =	vld.idx.msk [tilespmem:v19+s16+$0x0], $0xffff;
	v18 =	vmul.f32 v18, v14  }
0x3ca: {  	v29 =	vadd.s32 s11, v8;
	v1 =	vadd.f32 v2, v1;
	s2 =	simm.s32 @!p0 $0x0;
	v2 =	vadd.f32 v20, v4;
	v4 =	vld.idx.msk [tilespmem:v32+s16+$0x0], $0xffff  }
0x3cb: {  	v24 =	vadd.s32 s11, v5;
	v21 =	vadd.s32 s11, v63;
	s11 =	smul.u32 $0x4A, s2;
	v17 =	vadd.f32 v18, v26;
	v26 =	vld.idx.msk [tilespmem:v37+s16+$0x0], $0xffff  }
0x3cc: {  	v2 =	vsub.f32 v2, v1;
	v51 =	vld.idx.msk [tilespmem:v38+s16+$0x0], $0xffff  }
0x3cd: {  	v52 =	vadd.s32 s6, v5;
	v45 =	vadd.s32 s11, v10;
	v39 =	vld.idx.msk [tilespmem:v39+s16+$0x0], $0xffff  }
0x3ce: {  	v53 =	vadd.s32 s6, v63;
	v44 =	vadd.s32 s1, v63;
	v40 =	vld.idx.msk [tilespmem:v40+s16+$0x0], $0xffff;
	v2 =	vmul.f32 v2, v13  }
0x3cf: {  	v33 =	vadd.s32 s21, v6;
	v30 =	vadd.s32 s21, v8;
	v32 =	vld.idx.msk [tilespmem:v27+s16+$0x0], $0xffff;
	v27 =	vsub.f32 v50, v3  }
0x3d0: {  	v60 =	vadd.s32 s10, v9;
	v19 =	vadd.s32 s8, v63;
	v31 =	vld.idx.msk [tilespmem:v31+s16+$0x0], $0xffff;
	v1 =	vadd.f32 v2, v1  }
0x3d1: {  	s31 =	sor.u32 $0x60, s30;
	s2 =	sadd.s32 $0x5, s12;
	v20 =	vadd.s32 s8, v5;
	v34 =	vld.idx.msk [tilespmem:v34+s16+$0x0], $0xffff;
	s8 =	sadd.s32 $0x4A, s11;
	v43 =	vmul.f32 v27, v14;
	v2 =	vadd.s32 s1, v5  }
0x3d2: {  	p0 =	sgt.s32 s2, $0x0;
	v56 =	vadd.s32 s11, v7;
	v54 =	vadd.s32 s8, v7;
	v45 =	vld.idx.msk [tilespmem:v45+s16+$0x0], $0xffff;
	v37 =	vsub.f32 v51, v26;
	[tilespmem:s31+$0x3B00] =	vst v1  }
0x3d3: {  	s2 =	simm.s32 @!p0 $0x0;
	v55 =	vadd.s32 s8, v10;
	v1 =	vadd.f32 v43, v3;
	v40 =	vsub.f32 v40, v39;
	v3 =	vld.idx.msk [tilespmem:v52+s16+$0x0], $0xffff  }
0x3d4: {  	s7 =	sadd.s32 $0x6, s12;
	v18 =	vadd.s32 s9, v5;
	s6 =	smul.u32 $0x4A, s2;
	v49 =	vadd.s32 s8, v9;
	v25 =	vsub.f32 v17, v41;
	v35 =	vld.idx.msk [tilespmem:v53+s16+$0x0], $0xffff  }
0x3d5: {  	p0 =	sgt.s32 s7, $0x0;
	v17 =	vadd.s32 s9, v63;
	v44 =	vld.idx.msk [tilespmem:v44+s16+$0x0], $0xffff;
	v37 =	vmul.f32 v37, v14;
	v40 =	vmul.f32 v40, v14  }
0x3d6: {  	s7 =	simm.s32 @!p0 $0x0;
	v27 =	vadd.s32 s21, v63;
	s12 =	sadd.s32 $0x4A, s6;
	v0 =	vsub.f32 v0, v36;
	v42 =	vmul.f32 v25, v13;
	v2 =	vld.idx.msk [tilespmem:v2+s16+$0x0], $0xffff  }
0x3d7: {  	s9 =	smul.u32 $0x4A, s7;
	v46 =	vadd.s32 s12, v7;
	v38 =	vld.idx.msk [tilespmem:v54+s16+$0x0], $0xffff;
	v26 =	vadd.f32 v37, v26;
	v57 =	vadd.f32 v40, v39  }
0x3d8: {  	v47 =	vadd.s32 s12, v10;
	v0 =	vmul.f32 v0, v14;
	v41 =	vadd.f32 v42, v41;
	v42 =	vld.idx.msk [tilespmem:v55+s16+$0x0], $0xffff  }
0x3d9: {  	v58 =	vadd.s32 s6, v10;
	v4 =	vsub.f32 v4, v31;
	s17 =	sadd.s32 $0x4A, s9;
	v43 =	vld.idx.msk [tilespmem:v56+s16+$0x0], $0xffff;
	v37 =	vsub.f32 v57, v26  }
0x3da: {  	v59 =	vadd.s32 s17, v7;
	v36 =	vadd.f32 v0, v36;
	v0 =	vadd.s32 s6, v7  }
0x3db: {  	v35 =	vsub.f32 v35, v3;
	v44 =	vsub.f32 v44, v2;
	v37 =	vmul.f32 v37, v13  }
0x3dc: {  	v34 =	vsub.f32 v34, v32;
	v54 =	vadd.s32 s0, v11;
	v46 =	vld.idx.msk [tilespmem:v46+s16+$0x0], $0xffff;
	v53 =	vadd.s32 s0, v9  }
0x3dd: {  	v47 =	vld.idx.msk [tilespmem:v47+s16+$0x0], $0xffff;
	v35 =	vmul.f32 v35, v14;
	v44 =	vmul.f32 v44, v14;
	v26 =	vadd.f32 v37, v26  }
0x3de: {  	s29 =	simm.s32 $0x3C80;
	v48 =	vadd.s32 s17, v10;
	v42 =	vsub.f32 v42, v38;
	v39 =	vld.idx.msk [tilespmem:v58+s16+$0x0], $0xffff;
	v45 =	vsub.f32 v45, v43  }
0x3df: {  	v50 =	vadd.s32 s9, v7;
	v0 =	vld.idx.msk [tilespmem:v0+s16+$0x0], $0xffff;
	v3 =	vadd.f32 v35, v3;
	v2 =	vadd.f32 v44, v2;
	[tilespmem:s29+$0x40] =	vst v26  }
0x3e0: {  	v4 =	vmul.f32 v4, v14;
	v51 =	vadd.s32 s9, v10;
	v40 =	vld.idx.msk [tilespmem:v59+s16+$0x0], $0xffff;
	v35 =	vadd.s32 s10, v11;
	[tilespmem:$0x1FE50] =	vst v5  }
0x3e1: {  	v26 =	vmul.f32 v42, v14;
	v42 =	vmul.f32 v45, v14;
	v53 =	vld.idx.msk [tilespmem:v53+s16+$0x0], $0xffff;
	v2 =	vsub.f32 v2, v3  }
0x3e2: {  	v34 =	vmul.f32 v34, v14;
	v4 =	vadd.f32 v4, v31;
	v47 =	vsub.f32 v47, v46;
	v45 =	vld.idx.msk [tilespmem:v54+s16+$0x0], $0xffff  }
0x3e3: {  	v61 =	vadd.f32 v26, v38;
	v38 =	vadd.f32 v42, v43;
	v43 =	vld.idx.msk [tilespmem:v48+s16+$0x0], $0xffff;
	v2 =	vmul.f32 v2, v13  }
0x3e4: {  	v31 =	vadd.f32 v34, v32;
	v47 =	vmul.f32 v47, v14;
	v39 =	vsub.f32 v39, v0;
	v60 =	vld.idx.msk [tilespmem:v60+s16+$0x0], $0xffff  }
0x3e5: {  	v25 =	vadd.s32 s21, v5;
	v35 =	vld.idx.msk [tilespmem:v35+s16+$0x0], $0xffff;
	v26 =	vadd.f32 v2, v3;
	v2 =	vsub.f32 v61, v38  }
0x3e6: {  	v55 =	vadd.s32 s12, v9;
	v36 =	vsub.f32 v36, v1;
	v37 =	vadd.f32 v47, v46;
	v50 =	vld.idx.msk [tilespmem:v50+s16+$0x0], $0xffff  }
0x3e7: {  	v57 =	vadd.s32 s11, v9;
	v39 =	vmul.f32 v39, v14;
	v46 =	vld.idx.msk [tilespmem:v51+s16+$0x0], $0xffff;
	[tilespmem:s28+$0x10] =	vst v41;
	v2 =	vmul.f32 v2, v13  }
0x3e8: {  	v58 =	vadd.s32 s11, v11;
	v33 =	vld.idx.msk [tilespmem:v33+s16+$0x0], $0xffff;
	v45 =	vsub.f32 v45, v53;
	v62 =	vsub.f32 v43, v40  }
0x3e9: {  	v56 =	vadd.s32 s17, v9;
	v39 =	vadd.f32 v39, v0;
	v28 =	vld.idx.msk [tilespmem:v28+s16+$0x0], $0xffff;
	v38 =	vadd.f32 v2, v38  }
0x3ea: {  	v35 =	vsub.f32 v35, v60;
	v51 =	vmul.f32 v45, v14;
	v45 =	vld.idx.msk [tilespmem:v30+s16+$0x0], $0xffff;
	v41 =	vmul.f32 v62, v14  }
0x3eb: {  	v52 =	vadd.s32 s8, v11;
	v31 =	vsub.f32 v31, v4;
	v36 =	vmul.f32 v36, v13;
	v62 =	vld.idx.msk [tilespmem:v29+s16+$0x0], $0xffff;
	[tilespmem:s29+$0xFFFFFF80] =	vst v38  }
0x3ec: {  	v30 =	vsub.f32 v37, v39;
	v35 =	vmul.f32 v35, v14;
	v40 =	vadd.f32 v41, v40;
	v41 =	vld.idx.msk [tilespmem:v57+s16+$0x0], $0xffff  }
0x3ed: {  	v59 =	vadd.s32 s6, v9;
	v1 =	vadd.f32 v36, v1;
	v46 =	vsub.f32 v46, v50;
	v47 =	vld.idx.msk [tilespmem:v58+s16+$0x0], $0xffff  }
0x3ee: {  	v38 =	vadd.f32 v51, v53;
	v53 =	vmul.f32 v30, v13;
	v35 =	vadd.f32 v35, v60;
	v58 =	vld [tilespmem:$0x1FE50]  }
0x3ef: {  	v31 =	vmul.f32 v31, v13;
	v42 =	vadd.s32 s6, v11;
	v46 =	vmul.f32 v46, v14;
	v49 =	vld.idx.msk [tilespmem:v49+s16+$0x0], $0xffff;
	[tilespmem:s28+$0xFFFFFFA0] =	vst v1  }
0x3f0: {  	v34 =	vadd.s32 s10, v8;
	v39 =	vadd.f32 v53, v39;
	v35 =	vsub.f32 v35, v38;
	v20 =	vld.idx.msk [tilespmem:v20+s16+$0x0], $0xffff  }
0x3f1: {  	v4 =	vadd.f32 v31, v4;
	v44 =	vadd.s32 s12, v11;
	v46 =	vadd.f32 v46, v50;
	v19 =	vld.idx.msk [tilespmem:v19+s16+$0x0], $0xffff  }
0x3f2: {  	v54 =	vadd.s32 s17, v11;
	v50 =	vadd.s32 s0, v6;
	[tilespmem:s29+$0xFFFFFFC0] =	vst v39;
	v39 =	vld.idx.msk [tilespmem:v52+s16+$0x0], $0xffff;
	v35 =	vmul.f32 v35, v13  }
0x3f3: {  	v60 =	vadd.s32 s0, v8;
	v40 =	vsub.f32 v40, v46;
	v45 =	vsub.f32 v45, v33;
	v52 =	vld.idx.msk [tilespmem:v59+s16+$0x0], $0xffff  }
0x3f4: {  	s7 =	simm.s32 $0x1C0;
	v43 =	vsub.f32 v62, v28;
	v62 =	vadd.s32 s10, v6;
	v42 =	vld.idx.msk [tilespmem:v42+s16+$0x0], $0xffff;
	v35 =	vadd.f32 v35, v38  }
0x3f5: {  	s18 =	sor.u32 $0x50, s7;
	v48 =	vadd.s32 s9, v9;
	v0 =	vadd.s32 s8, v8;
	v45 =	vmul.f32 v45, v14;
	v32 =	vld.idx.msk [tilespmem:v55+s16+$0x0], $0xffff  }
0x3f6: {  	v61 =	vadd.s32 s9, v11;
	v3 =	vadd.s32 s8, v6;
	v40 =	vmul.f32 v40, v13;
	v44 =	vld.idx.msk [tilespmem:v44+s16+$0x0], $0xffff;
	[tilespmem:s18+$0x3B00] =	vst v35  }
0x3f7: {  	v57 =	vmul.f32 v43, v14;
	v43 =	vadd.f32 v45, v33;
	v59 =	vsub.f32 v47, v41;
	v45 =	vld.idx.msk [tilespmem:v50+s16+$0x0], $0xffff  }
0x3f8: {  	v37 =	vadd.s32 s12, v8;
	v40 =	vadd.f32 v40, v46;
	v39 =	vsub.f32 v39, v49;
	v46 =	vld.idx.msk [tilespmem:v60+s16+$0x0], $0xffff  }
0x3f9: {  	v29 =	vadd.s32 s17, v8;
	v2 =	vadd.s32 s12, v6;
	v33 =	vmul.f32 v59, v14;
	v60 =	vld.idx.msk [tilespmem:v62+s16+$0x0], $0xffff  }
0x3fa: {  	v51 =	vadd.s32 s11, v6;
	v28 =	vadd.f32 v57, v28;
	v34 =	vld.idx.msk [tilespmem:v34+s16+$0x0], $0xffff;
	v62 =	vmul.f32 v39, v14  }
0x3fb: {  	s20 =	sor.u32 $0x60, s13;
	v16 =	vld.idx.msk [tilespmem:v16+s16+$0x0], $0xffff;
	v55 =	vadd.s32 s11, v8;
	v42 =	vsub.f32 v42, v52;
	v41 =	vadd.f32 v33, v41  }
0x3fc: {  	[tilespmem:s20+$0x3B00] =	vst v4;
	v15 =	vld.idx.msk [tilespmem:v15+s16+$0x0], $0xffff;
	v38 =	vadd.s32 s6, v6;
	v57 =	vsub.f32 v44, v32;
	v53 =	vadd.f32 v62, v49  }
0x3fd: {  	s21 =	sadd.s32 $0x4, s26;
	v18 =	vld.idx.msk [tilespmem:v18+s16+$0x0], $0xffff;
	v47 =	vadd.s32 s6, v8;
	v5 =	vadd.s32 s17, v58;
	v28 =	vsub.f32 v28, v43  }
0x3fe: {  	s1 =	sadd.s32 $0x7, s21;
	[tilespmem:s29+$0x0] =	vst v40;
	v1 =	vmul.f32 v42, v14;
	v31 =	vmul.f32 v57, v14;
	v33 =	vsub.f32 v53, v41  }
0x3ff: {  	p0 =	sgt.s32 s1, $0x0;
	v59 =	vld.idx.msk [tilespmem:v54+s16+$0x0], $0xffff;
	v62 =	vmul.f32 v28, v13;
	v28 =	vsub.f32 v46, v45;
	v34 =	vsub.f32 v34, v60  }
0x400: {  	s1 =	simm.s32 @!p0 $0x0;
	v44 =	vld.idx.msk [tilespmem:v56+s16+$0x0], $0xffff;
	v42 =	vadd.f32 v1, v52;
	v31 =	vadd.f32 v31, v32;
	v50 =	vmul.f32 v33, v13  }
0x401: {  	s1 =	smul.u32 $0x4A, s1;
	v19 =	vsub.f32 v19, v20;
	v15 =	vsub.f32 v15, v16;
	v40 =	vld.idx.msk [tilespmem:v48+s16+$0x0], $0xffff;
	v28 =	vmul.f32 v28, v14  }
0x402: {  	v48 =	vld.idx.msk [tilespmem:v61+s16+$0x0], $0xffff;
	v34 =	vmul.f32 v34, v14;
	v4 =	vsub.f32 v31, v42;
	v41 =	vadd.f32 v50, v41  }
0x403: {  	v61 =	vadd.s32 s1, v10;
	v19 =	vmul.f32 v19, v14;
	v15 =	vmul.f32 v15, v14;
	v52 =	vld.idx.msk [tilespmem:v17+s16+$0x0], $0xffff  }
0x404: {  	v45 =	vadd.f32 v28, v45;
	v34 =	vadd.f32 v34, v60;
	v4 =	vmul.f32 v4, v13;
	[tilespmem:s29+$0xFFFFFF90] =	vst v41  }
0x405: {  	v54 =	vsub.f32 v59, v44;
	v31 =	vadd.s32 s8, v63;
	v41 =	vld.idx.msk [tilespmem:v51+s16+$0x0], $0xffff;
	[tilespmem:$0x1FE60] =	vst v5;
	v5 =	vadd.s32 s17, v63  }
0x406: {  	v33 =	vadd.s32 s8, v58;
	s8 =	simm.s32 $0x140;
	v34 =	vsub.f32 v34, v45;
	v4 =	vadd.f32 v4, v42;
	v42 =	vld.idx.msk [tilespmem:v55+s16+$0x0], $0xffff;
	[tilespmem:$0x1FE70] =	vst v5  }
0x407: {  	v56 =	vadd.s32 s0, v63;
	v32 =	vadd.f32 v62, v43;
	v53 =	vsub.f32 v48, v40;
	s22 =	sor.u32 $0x50, s8;
	v46 =	vld.idx.msk [tilespmem:v3+s16+$0x0], $0xffff  }
0x408: {  	v43 =	vmul.f32 v54, v14;
	v55 =	vadd.s32 s0, v58;
	v3 =	vmul.f32 v34, v13;
	[tilespmem:s22+$0x3B00] =	vst v4;
	v4 =	vld.idx.msk [tilespmem:v0+s16+$0x0], $0xffff  }
0x409: {  	v19 =	vadd.f32 v19, v20;
	v15 =	vadd.f32 v15, v16;
	v57 =	vadd.s32 s10, v58;
	v0 =	vld.idx.msk [tilespmem:v38+s16+$0x0], $0xffff  }
0x40a: {  	v35 =	vmul.f32 v53, v14;
	v43 =	vadd.f32 v43, v44;
	v44 =	vld.idx.msk [tilespmem:v47+s16+$0x0], $0xffff;
	v3 =	vadd.f32 v3, v45  }
0x40b: {  	s23 =	sor.u32 $0x60, s7;
	v59 =	vadd.s32 s10, v63;
	v28 =	vadd.s32 s12, v58;
	v60 =	vadd.s32 s12, v63;
	s12 =	sadd.s32 $0x4, s21;
	v2 =	vld.idx.msk [tilespmem:v2+s16+$0x0], $0xffff  }
0x40c: {  	s2 =	sadd.s32 $0x6, s21;
	v40 =	vadd.f32 v35, v40;
	p0 =	sgt.s32 s12, $0x0;
	v35 =	vadd.s32 s11, v63;
	v34 =	vadd.s32 s11, v58;
	s11 =	sadd.s32 $0x5, s21;
	v37 =	vld.idx.msk [tilespmem:v37+s16+$0x0], $0xffff;
	[tilespmem:s23+$0x3B00] =	vst v3  }
0x40d: {  	v30 =	vadd.s32 s17, v6;
	v36 =	vadd.s32 s6, v58;
	v62 =	vsub.f32 v52, v18;
	s12 =	simm.s32 @!p0 $0x0;
	s0 =	sadd.s32 $0x4A, s1;
	p0 =	sgt.s32 s11, $0x0;
	v47 =	vld.idx.msk [tilespmem:v55+s16+$0x0], $0xffff  }
0x40e: {  	v15 =	vsub.f32 v15, v19;
	v43 =	vsub.f32 v43, v40;
	s31 =	smul.u32 $0x4A, s12;
	v50 =	vadd.s32 s0, v7;
	s11 =	simm.s32 @!p0 $0x0;
	p0 =	sgt.s32 s2, $0x0;
	v49 =	vld.idx.msk [tilespmem:v56+s16+$0x0], $0xffff  }
0x40f: {  	v39 =	vadd.s32 s9, v6;
	v20 =	vmul.f32 v62, v14;
	s12 =	smul.u32 $0x4A, s11;
	s2 =	simm.s32 @!p0 $0x0;
	v3 =	vadd.s32 s1, v7;
	v38 =	vld.idx.msk [tilespmem:v57+s16+$0x0], $0xffff  }
0x410: {  	v15 =	vmul.f32 v15, v13;
	v43 =	vmul.f32 v43, v13;
	s18 =	sadd.s32 $0x4A, s31;
	s21 =	smul.u32 $0x4A, s2;
	v56 =	vadd.s32 s0, v10;
	v16 =	vld.idx.msk [tilespmem:v59+s16+$0x0], $0xffff  }
0x411: {  	v48 =	vld.idx.msk [tilespmem:v61+s16+$0x0], $0xffff;
	v61 =	vadd.f32 v20, v18;
	v57 =	vadd.s32 s18, v7;
	v59 =	vadd.s32 s18, v10;
	s23 =	sadd.s32 $0x4A, s12  }
0x412: {  	v4 =	vsub.f32 v4, v46;
	v20 =	vadd.s32 s23, v7;
	v51 =	vadd.s32 s23, v10;
	s22 =	sadd.s32 $0x4A, s21  }
0x413: {  	v50 =	vld.idx.msk [tilespmem:v50+s16+$0x0], $0xffff;
	v44 =	vsub.f32 v44, v0;
	v37 =	vsub.f32 v37, v2;
	v53 =	vadd.s32 s22, v7  }
0x414: {  	v4 =	vmul.f32 v4, v14;
	v45 =	vld.idx.msk [tilespmem:v3+s16+$0x0], $0xffff;
	v3 =	vsub.f32 v42, v41;
	v49 =	vsub.f32 v49, v47  }
0x415: {  	v44 =	vmul.f32 v44, v14;
	v37 =	vmul.f32 v37, v14;
	v52 =	vld.idx.msk [tilespmem:v56+s16+$0x0], $0xffff;
	v16 =	vsub.f32 v16, v38  }
0x416: {  	v54 =	vadd.s32 s22, v10;
	v55 =	vld.idx.msk [tilespmem:v57+s16+$0x0], $0xffff;
	v3 =	vmul.f32 v3, v14;
	v62 =	vmul.f32 v49, v14  }
0x417: {  	v4 =	vadd.f32 v4, v46;
	v56 =	vadd.s32 s31, v10;
	v57 =	vld.idx.msk [tilespmem:v20+s16+$0x0], $0xffff;
	v16 =	vmul.f32 v16, v14  }
0x418: {  	v49 =	vld.idx.msk [tilespmem:v59+s16+$0x0], $0xffff;
	v3 =	vadd.f32 v3, v41;
	v41 =	vadd.s32 s31, v7;
	v20 =	vadd.f32 v62, v47  }
0x419: {  	v62 =	vsub.f32 v48, v45;
	v47 =	vadd.s32 s12, v7;
	v48 =	vld.idx.msk [tilespmem:v51+s16+$0x0], $0xffff;
	v16 =	vadd.f32 v16, v38  }
0x41a: {  	v38 =	vadd.f32 v15, v19;
	v15 =	vadd.s32 s12, v10;
	v51 =	vld.idx.msk [tilespmem:v53+s16+$0x0], $0xffff;
	v59 =	vsub.f32 v52, v50  }
0x41b: {  	v0 =	vadd.f32 v44, v0;
	v2 =	vadd.f32 v37, v2;
	v53 =	vld.idx.msk [tilespmem:v54+s16+$0x0], $0xffff;
	v52 =	vadd.s32 s21, v7  }
0x41c: {  	v46 =	vadd.s32 s21, v10;
	v19 =	vmul.f32 v62, v14;
	v62 =	vmul.f32 v59, v14;
	v59 =	vld.idx.msk [tilespmem:v56+s16+$0x0], $0xffff  }
0x41d: {  	v1 =	vadd.s32 s9, v8;
	v5 =	vadd.s32 s9, v63;
	v2 =	vsub.f32 v2, v0;
	v41 =	vld.idx.msk [tilespmem:v41+s16+$0x0], $0xffff  }
0x41e: {  	v43 =	vadd.f32 v43, v40;
	v12 =	vadd.s32 s12, v6;
	v49 =	vsub.f32 v49, v55;
	v47 =	vld.idx.msk [tilespmem:v47+s16+$0x0], $0xffff;
	[tilespmem:$0x1FE80] =	vst v5  }
0x41f: {  	v18 =	vadd.s32 s22, v8;
	v2 =	vmul.f32 v2, v13;
	v4 =	vsub.f32 v4, v3;
	v15 =	vld.idx.msk [tilespmem:v15+s16+$0x0], $0xffff  }
0x420: {  	v16 =	vsub.f32 v16, v20;
	v50 =	vadd.f32 v62, v50;
	v62 =	vmul.f32 v49, v14;
	v49 =	vld.idx.msk [tilespmem:v52+s16+$0x0], $0xffff  }
0x421: {  	v42 =	vadd.s32 s6, v63;
	v44 =	vadd.s32 s22, v9;
	v37 =	vadd.s32 s31, v11;
	v46 =	vld.idx.msk [tilespmem:v46+s16+$0x0], $0xffff  }
0x422: {  	v0 =	vadd.f32 v2, v0;
	v4 =	vmul.f32 v4, v13;
	v16 =	vmul.f32 v16, v13;
	v23 =	vld.idx.msk [tilespmem:v23+s16+$0x0], $0xffff  }
0x423: {  	v45 =	vadd.f32 v19, v45;
	v19 =	vadd.s32 s9, v58;
	v56 =	vsub.f32 v53, v51;
	[tilespmem:s29+$0x10] =	vst v43;
	v22 =	vld.idx.msk [tilespmem:v22+s16+$0x0], $0xffff  }
0x424: {  	v53 =	vadd.s32 s1, v9;
	v40 =	vadd.f32 v16, v20;
	v16 =	vsub.f32 v48, v57;
	v39 =	vld.idx.msk [tilespmem:v39+s16+$0x0], $0xffff  }
0x425: {  	v3 =	vadd.f32 v4, v3;
	v50 =	vsub.f32 v50, v45;
	v52 =	vmul.f32 v56, v14;
	v1 =	vld.idx.msk [tilespmem:v1+s16+$0x0], $0xffff  }
0x426: {  	v43 =	vadd.f32 v62, v55;
	v30 =	vld.idx.msk [tilespmem:v30+s16+$0x0], $0xffff;
	v16 =	vmul.f32 v16, v14;
	v59 =	vsub.f32 v59, v41  }
0x427: {  	[tilespmem:s28+$0x20] =	vst v32;
	v62 =	vadd.s32 s1, v11;
	v29 =	vld.idx.msk [tilespmem:v29+s16+$0x0], $0xffff;
	v50 =	vmul.f32 v50, v13;
	v51 =	vadd.f32 v52, v51  }
0x428: {  	v25 =	vld.idx.msk [tilespmem:v25+s16+$0x0], $0xffff;
	v16 =	vadd.f32 v16, v57;
	v15 =	vsub.f32 v15, v47;
	v48 =	vmul.f32 v59, v14  }
0x429: {  	v27 =	vld.idx.msk [tilespmem:v27+s16+$0x0], $0xffff;
	v57 =	vadd.s32 s0, v9;
	v45 =	vadd.f32 v50, v45;
	v46 =	vsub.f32 v46, v49  }
0x42a: {  	v24 =	vld.idx.msk [tilespmem:v24+s16+$0x0], $0xffff;
	v59 =	vadd.s32 s0, v11;
	v1 =	vsub.f32 v1, v39;
	v41 =	vadd.f32 v48, v41  }
0x42b: {  	s6 =	simm.s32 $0x3D80;
	v21 =	vld.idx.msk [tilespmem:v21+s16+$0x0], $0xffff;
	v22 =	vsub.f32 v22, v23;
	v15 =	vmul.f32 v15, v14;
	v46 =	vmul.f32 v46, v14  }
0x42c: {  	v29 =	vsub.f32 v29, v30;
	[tilespmem:s6+$0x40] =	vst v45;
	v1 =	vmul.f32 v1, v14;
	v43 =	vsub.f32 v43, v41  }
0x42d: {  	v5 =	vadd.s32 s21, v9;
	v53 =	vld.idx.msk [tilespmem:v53+s16+$0x0], $0xffff;
	v15 =	vadd.f32 v15, v47;
	v46 =	vadd.f32 v46, v49  }
0x42e: {  	s20 =	sor.u32 $0x70, s30;
	v54 =	vld.idx.msk [tilespmem:v62+s16+$0x0], $0xffff;
	v49 =	vadd.s32 s31, v9;
	v39 =	vadd.f32 v1, v39;
	v1 =	vmul.f32 v43, v13  }
0x42f: {  	[tilespmem:s20+$0x3B00] =	vst v26;
	v26 =	vadd.s32 s31, v58;
	v27 =	vsub.f32 v27, v25;
	v50 =	vld.idx.msk [tilespmem:v57+s16+$0x0], $0xffff;
	v16 =	vsub.f32 v16, v15  }
0x430: {  	v55 =	vadd.s32 s18, v9;
	v21 =	vsub.f32 v21, v24;
	v52 =	vld.idx.msk [tilespmem:v59+s16+$0x0], $0xffff;
	v1 =	vadd.f32 v1, v41  }
0x431: {  	v45 =	vadd.s32 s18, v11;
	v48 =	vadd.s32 s23, v9;
	v16 =	vmul.f32 v16, v13  }
0x432: {  	v22 =	vmul.f32 v22, v14;
	v29 =	vmul.f32 v29, v14;
	v43 =	vadd.s32 s12, v9;
	[tilespmem:s6+$0xFFFFFF80] =	vst v1  }
0x433: {  	v27 =	vmul.f32 v27, v14;
	v41 =	vadd.s32 s12, v11;
	v15 =	vadd.f32 v16, v15;
	v16 =	vld.idx.msk [tilespmem:v49+s16+$0x0], $0xffff  }
0x434: {  	v21 =	vmul.f32 v21, v14;
	v29 =	vadd.f32 v29, v30;
	v59 =	vsub.f32 v51, v46;
	v37 =	vld.idx.msk [tilespmem:v37+s16+$0x0], $0xffff  }
0x435: {  	v47 =	vadd.s32 s23, v11;
	v62 =	vsub.f32 v54, v53;
	v30 =	vsub.f32 v52, v50;
	v55 =	vld.idx.msk [tilespmem:v55+s16+$0x0], $0xffff  }
0x436: {  	v56 =	vadd.s32 s22, v11;
	v29 =	vsub.f32 v29, v39;
	v32 =	vmul.f32 v59, v13;
	v45 =	vld.idx.msk [tilespmem:v45+s16+$0x0], $0xffff;
	[tilespmem:s6+$0xFFFFFFC0] =	vst v15  }
0x437: {  	v57 =	vadd.s32 s21, v11;
	v1 =	vmul.f32 v62, v14;
	v30 =	vmul.f32 v30, v14;
	v4 =	vld.idx.msk [tilespmem:v43+s16+$0x0], $0xffff  }
0x438: {  	v21 =	vadd.f32 v21, v24;
	v52 =	vmul.f32 v29, v13;
	v15 =	vadd.f32 v32, v46;
	v41 =	vld.idx.msk [tilespmem:v41+s16+$0x0], $0xffff  }
0x439: {  	v51 =	vadd.s32 s18, v6;
	v62 =	vadd.f32 v1, v53;
	v2 =	vld.idx.msk [tilespmem:v48+s16+$0x0], $0xffff;
	v30 =	vadd.f32 v30, v50  }
0x43a: {  	v59 =	vadd.s32 s1, v8;
	v29 =	vadd.s32 s23, v58;
	v43 =	vadd.f32 v52, v39;
	v39 =	vld.idx.msk [tilespmem:v47+s16+$0x0], $0xffff;
	[tilespmem:s6+$0x0] =	vst v15  }
0x43b: {  	v53 =	vadd.s32 s18, v8;
	v1 =	vadd.s32 s23, v6;
	v47 =	vld.idx.msk [tilespmem:v5+s16+$0x0], $0xffff;
	v50 =	vsub.f32 v30, v62  }
0x43c: {  	v32 =	vadd.s32 s23, v8;
	v46 =	vadd.s32 s31, v6;
	v57 =	vld.idx.msk [tilespmem:v57+s16+$0x0], $0xffff;
	v45 =	vsub.f32 v45, v55  }
0x43d: {  	v48 =	vadd.s32 s1, v6;
	v44 =	vld.idx.msk [tilespmem:v44+s16+$0x0], $0xffff;
	v37 =	vsub.f32 v37, v16;
	v15 =	vmul.f32 v50, v13  }
0x43e: {  	v5 =	vld.idx.msk [tilespmem:v56+s16+$0x0], $0xffff;
	v30 =	vadd.s32 s22, v6;
	v45 =	vmul.f32 v45, v14;
	v41 =	vsub.f32 v41, v4  }
0x43f: {  	[tilespmem:s29+$0xFFFFFFA0] =	vst v3;
	v37 =	vmul.f32 v37, v14;
	v39 =	vsub.f32 v39, v2;
	v15 =	vadd.f32 v15, v62  }
0x440: {  	s11 =	simm.s32 $0x2C0;
	v33 =	vld.idx.msk [tilespmem:v33+s16+$0x0], $0xffff;
	v45 =	vadd.f32 v45, v55;
	v55 =	vadd.f32 v22, v23;
	v23 =	vmul.f32 v41, v14  }
0x441: {  	s17 =	sor.u32 $0x50, s11;
	v50 =	vld.idx.msk [tilespmem:v34+s16+$0x0], $0xffff;
	v16 =	vadd.f32 v37, v16;
	v62 =	vadd.s32 s0, v6;
	v22 =	vadd.s32 s0, v8  }
0x442: {  	v52 =	vsub.f32 v57, v47;
	[tilespmem:s17+$0x3B00] =	vst v15;
	v4 =	vadd.f32 v23, v4;
	v23 =	vmul.f32 v39, v14  }
0x443: {  	v34 =	vadd.s32 s23, v63;
	s23 =	sor.u32 $0x70, s7;
	v41 =	vadd.f32 v27, v25;
	v25 =	vsub.f32 v5, v44;
	v48 =	vld.idx.msk [tilespmem:v48+s16+$0x0], $0xffff  }
0x444: {  	[tilespmem:s23+$0x3B00] =	vst v40;
	v40 =	vadd.s32 s21, v58;
	v27 =	vsub.f32 v45, v16;
	v54 =	vld.idx.msk [tilespmem:v59+s16+$0x0], $0xffff;
	v2 =	vadd.f32 v23, v2  }
0x445: {  	v57 =	vadd.s32 s12, v8;
	v24 =	vmul.f32 v25, v14;
	v25 =	vld.idx.msk [tilespmem:v35+s16+$0x0], $0xffff;
	v23 =	vmul.f32 v52, v14  }
0x446: {  	v27 =	vmul.f32 v27, v13;
	v3 =	vld.idx.msk [tilespmem:v22+s16+$0x0], $0xffff;
	v22 =	vadd.s32 s18, v58;
	v2 =	vsub.f32 v2, v4  }
0x447: {  	v49 =	vld.idx.msk [tilespmem:v62+s16+$0x0], $0xffff;
	v62 =	vadd.f32 v24, v44;
	v35 =	vadd.f32 v23, v47;
	v23 =	vadd.s32 s18, v63;
	s18 =	sor.u32 $0x60, s8  }
0x448: {  	v37 =	vadd.s32 s21, v6;
	[tilespmem:s18+$0x3B00] =	vst v0;
	v0 =	vadd.f32 v27, v16;
	v16 =	vld.idx.msk [tilespmem:v31+s16+$0x0], $0xffff;
	v2 =	vmul.f32 v2, v13  }
0x449: {  	v15 =	vadd.s32 s31, v8;
	v21 =	vsub.f32 v21, v41;
	v59 =	vsub.f32 v54, v48;
	v54 =	vld.idx.msk [tilespmem:v36+s16+$0x0], $0xffff  }
0x44a: {  	[tilespmem:s28+$0xFFFFFFB0] =	vst v38;
	v39 =	vadd.s32 s21, v8;
	v56 =	vld.idx.msk [tilespmem:v28+s16+$0x0], $0xffff;
	v36 =	vadd.f32 v2, v4;
	v2 =	vsub.f32 v62, v35  }
0x44b: {  	v55 =	vsub.f32 v55, v61;
	v24 =	vmul.f32 v21, v13;
	v47 =	vadd.s32 s12, v63;
	[tilespmem:s6+$0xFFFFFF90] =	vst v0;
	v62 =	vld.idx.msk [tilespmem:v42+s16+$0x0], $0xffff  }
0x44c: {  	s17 =	simm.s32 $0x240;
	v31 =	vsub.f32 v25, v50;
	v3 =	vsub.f32 v3, v49;
	v38 =	vld.idx.msk [tilespmem:v53+s16+$0x0], $0xffff;
	v0 =	vmul.f32 v2, v13  }
0x44d: {  	[tilespmem:s29+$0x20] =	vst v43;
	v25 =	vadd.s32 s22, v63;
	v4 =	vmul.f32 v59, v14;
	v2 =	vld.idx.msk [tilespmem:v46+s16+$0x0], $0xffff;
	v46 =	vadd.s32 s31, v63;
	s31 =	sor.u32 $0x50, s17  }
0x44e: {  	v27 =	vmov v6;
	v3 =	vmul.f32 v3, v14;
	[tilespmem:s31+$0x3B00] =	vst v36;
	v52 =	vadd.f32 v0, v35;
	v35 =	vld.idx.msk [tilespmem:v15+s16+$0x0], $0xffff  }
0x44f: {  	v28 =	vmovc v8;
	v59 =	vadd.s32 s22, v58;
	v53 =	vmul.f32 v55, v13;
	v15 =	vsub.f32 v16, v33;
	v42 =	vld.idx.msk [tilespmem:v12+s16+$0x0], $0xffff  }
0x450: {  	v4 =	vadd.f32 v4, v48;
	v48 =	vadd.f32 v3, v49;
	v3 =	vmul.f32 v31, v14;
	v45 =	vld.idx.msk [tilespmem:v57+s16+$0x0], $0xffff  }
0x451: {  	v55 =	vmov v11;
	v44 =	vld.idx.msk [tilespmem:v1+s16+$0x0], $0xffff;
	v62 =	vsub.f32 v62, v54;
	v15 =	vmul.f32 v15, v14;
	[tilespmem:s6+$0x10] =	vst v52  }
0x452: {  	s30 =	simm.s32 $0x3D80;
	s9 =	simm.s32 $0x8;
	s7 =	sor.u32 $0x70, s13;
	v49 =	vadd.s32 s12, v58;
	v0 =	vadd.f32 v3, v50;
	v3 =	vld.idx.msk [tilespmem:v51+s16+$0x0], $0xffff;
	v36 =	vsub.f32 v48, v4;
	[tilespmem:$0x1FE90] =	vst v7  }
0x453: {  	s13 =	sor.u32 $0x70, s8;
	s10 =	sor.u32 $0x70, s17;
	s8 =	sor.u32 $0x60, s17;
	v31 =	vmovc v9;
	v1 =	vmul.f32 v62, v14;
	[tilespmem:$0x1FEA0] =	vst v10;
	v16 =	vadd.f32 v15, v33;
	v33 =	vadd.s32 s21, v63  }
.LBB2_11:
0x454: {  	v32 =	vld.idx.msk [tilespmem:v32+s16+$0x0], $0xffff;
	v5 =	vmov v49  }
0x455: {  	s2 =	sadd.s32 s9, s26;
	[tilespmem:$0x1FDD0] =	vst v5;
	v5 =	vld [tilespmem:$0x1FE50]  }
0x456: {  	v62 =	vadd.s32 s1, v58;
	v49 =	vld.idx.msk [tilespmem:v37+s16+$0x0], $0xffff;
	v43 =	vmul.f32 v36, v13;
	s18 =	sadd.s32 $0x7, s2  }
0x457: {  	s12 =	sadd.s32 $0x4, s2;
	v16 =	vsub.f32 v16, v0;
	v48 =	vadd.f32 v1, v54;
	v54 =	vld.idx.msk [tilespmem:v30+s16+$0x0], $0xffff;
	v30 =	vadd.s32 s0, v63;
	p3 =	sgt.s32 s18, $0x0  }
0x458: {  	[tilespmem:$0x1FDB0] =	vst v26;
	v58 =	vld.idx.msk [tilespmem:v39+s16+$0x0], $0xffff;
	p0 =	sgt.s32 s12, $0x0;
	v4 =	vadd.f32 v43, v4;
	s18 =	simm.s32 @!p3 $0x0  }
0x459: {  	[tilespmem:$0x1FE10] =	vst v29;
	s20 =	sor.u32 $0x60, s11;
	v26 =	vld.idx.msk [tilespmem:v18+s16+$0x0], $0xffff;
	v16 =	vmul.f32 v16, v13;
	s12 =	simm.s32 @!p0 $0x0;
	v15 =	vsub.f32 v35, v2;
	v35 =	vadd.s32 s1, v63;
	s1 =	smul.u32 $0x4A, s18  }
0x45a: {  	v8 =	vadd.f32 v53, v61;
	s17 =	sadd.s32 $0x5, s2;
	v1 =	vmov v47;
	s12 =	smul.u32 $0x4A, s12;
	v53 =	vld.idx.msk [tilespmem:v60+s16+$0x0], $0xffff;
	[tilespmem:s20+$0x3B00] =	vst v4;
	v51 =	vadd.s32 s0, v5  }
0x45b: {  	[tilespmem:$0x1FDE0] =	vst v1;
	p2 =	sgt.s32 s17, $0x0;
	v1 =	vsub.f32 v38, v3;
	v0 =	vadd.f32 v16, v0;
	v29 =	vld.idx.msk [tilespmem:v62+s16+$0x0], $0xffff;
	v16 =	vadd.s32 s1, v10  }
0x45c: {  	[tilespmem:$0x1FDC0] =	vst v46;
	s2 =	sadd.s32 $0x6, s2;
	s17 =	simm.s32 @!p2 $0x0;
	v5 =	vmov v41;
	v15 =	vmul.f32 v15, v14;
	s0 =	sadd.s32 $0x4A, s1;
	v37 =	vadd.s32 s12, v7;
	v30 =	vld.idx.msk [tilespmem:v30+s16+$0x0], $0xffff  }
0x45d: {  	p0 =	sgt.s32 s2, $0x0;
	s31 =	smul.u32 $0x4A, s17;
	v4 =	vsub.f32 v32, v44;
	v57 =	vmul.f32 v1, v14;
	s23 =	sadd.s32 $0x4A, s12;
	v41 =	vld.idx.msk [tilespmem:v19+s16+$0x0], $0xffff;
	[tilespmem:$0x1FDF0] =	vst v5;
	v46 =	vadd.s32 s0, v10  }
0x45e: {  	s2 =	simm.s32 @!p0 $0x0;
	[tilespmem:s29+$0xFFFFFFB0] =	vst v0;
	v43 =	vadd.s32 s23, v7;
	v11 =	vadd.s32 s23, v28;
	v47 =	vadd.f32 v15, v2;
	v15 =	vld.idx.msk [tilespmem:v35+s16+$0x0], $0xffff  }
0x45f: {  	s21 =	smul.u32 $0x4A, s2;
	v1 =	vsub.f32 v45, v42;
	s22 =	sadd.s32 $0x4A, s31;
	v45 =	vadd.s32 s23, v10;
	[tilespmem:$0x1FE30] =	vst v11;
	v5 =	vmov v34;
	v32 =	vld.idx.msk [tilespmem:v51+s16+$0x0], $0xffff  }
0x460: {  	v2 =	vadd.s32 s1, v7;
	v11 =	vadd.s32 s22, v27;
	[tilespmem:$0x1FDA0] =	vst v5;
	v5 =	vld.idx.msk [tilespmem:v16+s16+$0x0], $0xffff  }
0x461: {  	v6 =	vmovc v48;
	v48 =	vadd.s32 s31, v7;
	s17 =	sadd.s32 $0x4A, s21;
	v35 =	vadd.f32 v57, v3;
	v3 =	vadd.s32 s0, v7;
	[tilespmem:$0x1FE40] =	vst v11;
	v11 =	vld.idx.msk [tilespmem:v37+s16+$0x0], $0xffff  }
0x462: {  	v50 =	vadd.s32 s22, v7;
	v20 =	vadd.s32 s21, v7;
	v52 =	vadd.s32 s17, v7;
	v7 =	vld.idx.msk [tilespmem:v46+s16+$0x0], $0xffff  }
0x463: {  	[tilespmem:s7+$0x3B00] =	vst v8;
	v8 =	vld.idx.msk [tilespmem:v43+s16+$0x0], $0xffff  }
0x464: {  	v18 =	vadd.s32 s21, v10;
	v21 =	vld.idx.msk [tilespmem:v45+s16+$0x0], $0xffff  }
0x465: {  	v19 =	vld.idx.msk [tilespmem:v2+s16+$0x0], $0xffff  }
0x466: {  	[tilespmem:$0x1FD90] =	vst v6;
	v17 =	vadd.s32 s17, v10;
	v6 =	vld.idx.msk [tilespmem:v3+s16+$0x0], $0xffff;
	v3 =	vsub.f32 v15, v29  }
0x467: {  	v51 =	vadd.s32 s22, v10;
	v9 =	vld.idx.msk [tilespmem:v50+s16+$0x0], $0xffff;
	v30 =	vsub.f32 v30, v32  }
0x468: {  	v39 =	vadd.s32 s12, v10;
	v20 =	vld.idx.msk [tilespmem:v20+s16+$0x0], $0xffff;
	v12 =	vmul.f32 v3, v14  }
0x469: {  	v62 =	vadd.s32 s31, v10;
	v10 =	vadd.s32 s23, v27;
	v18 =	vld.idx.msk [tilespmem:v18+s16+$0x0], $0xffff;
	v30 =	vmul.f32 v30, v14  }
0x46a: {  	[tilespmem:$0x1FE20] =	vst v10;
	v43 =	vmov v22;
	v22 =	vld.idx.msk [tilespmem:v52+s16+$0x0], $0xffff;
	v10 =	vadd.f32 v12, v29;
	v5 =	vsub.f32 v5, v19  }
0x46b: {  	v17 =	vld.idx.msk [tilespmem:v17+s16+$0x0], $0xffff;
	v7 =	vsub.f32 v7, v6;
	v29 =	vadd.f32 v30, v32  }
0x46c: {  	v50 =	vld.idx.msk [tilespmem:v51+s16+$0x0], $0xffff;
	v5 =	vmul.f32 v5, v14  }
0x46d: {  	v21 =	vsub.f32 v21, v8;
	v12 =	vld.idx.msk [tilespmem:v39+s16+$0x0], $0xffff;
	v7 =	vmul.f32 v7, v14;
	v51 =	vsub.f32 v29, v10  }
0x46e: {  	v5 =	vadd.f32 v5, v19  }
0x46f: {  	v29 =	vmul.f32 v21, v14;
	v6 =	vadd.f32 v7, v6;
	v37 =	vmul.f32 v51, v13  }
0x470: {  	v52 =	vmov v23;
	v23 =	vld.idx.msk [tilespmem:v48+s16+$0x0], $0xffff;
	v18 =	vsub.f32 v18, v20;
	v17 =	vsub.f32 v17, v22  }
0x471: {  	v21 =	vld.idx.msk [tilespmem:v62+s16+$0x0], $0xffff;
	v6 =	vsub.f32 v6, v5;
	v7 =	vadd.f32 v37, v10  }
0x472: {  	s20 =	sor.u32 $0x70, s11;
	v4 =	vmul.f32 v4, v14;
	v12 =	vsub.f32 v12, v11;
	v10 =	vsub.f32 v50, v9  }
0x473: {  	v19 =	vmovc v33;
	v6 =	vmul.f32 v6, v13;
	[tilespmem:s20+$0x3B00] =	vst v7;
	v7 =	vadd.f32 v29, v8;
	v29 =	vmov v24;
	v24 =	vld [tilespmem:$0x1FE60]  }
0x474: {  	v18 =	vmul.f32 v18, v14;
	v8 =	vmul.f32 v10, v14;
	v10 =	vld [tilespmem:$0x1FE80];
	[tilespmem:$0x1FE80] =	vst v19;
	v19 =	vadd.s32 s1, v31  }
0x475: {  	v12 =	vmul.f32 v12, v14;
	v5 =	vadd.f32 v6, v5;
	v6 =	vadd.s32 s0, v31  }
0x476: {  	v21 =	vsub.f32 v21, v23;
	v8 =	vadd.f32 v8, v9;
	v9 =	vmul.f32 v17, v14  }
0x477: {  	s6 =	sadd.s32 $0x100, s6;
	v1 =	vmul.f32 v1, v14;
	v18 =	vadd.f32 v18, v20;
	v11 =	vadd.f32 v12, v11  }
0x478: {  	v21 =	vmul.f32 v21, v14;
	[tilespmem:s6+$0x40] =	vst v5;
	v9 =	vadd.f32 v9, v22;
	v22 =	vadd.s32 s0, v55  }
0x479: {  	v0 =	vmovc v40;
	v17 =	vadd.s32 s1, v55;
	v7 =	vsub.f32 v7, v11;
	v12 =	vld.idx.msk [tilespmem:v19+s16+$0x0], $0xffff;
	v19 =	vsub.f32 v26, v54  }
0x47a: {  	v34 =	vadd.s32 s12, v31;
	[tilespmem:$0x1FE00] =	vst v0;
	v21 =	vadd.f32 v21, v23;
	v23 =	vadd.f32 v1, v42;
	v6 =	vld.idx.msk [tilespmem:v6+s16+$0x0], $0xffff  }
0x47b: {  	v0 =	vadd.s32 s23, v31;
	v7 =	vmul.f32 v7, v13;
	v1 =	vmul.f32 v19, v14;
	v62 =	vld.idx.msk [tilespmem:v24+s16+$0x0], $0xffff;
	v24 =	vmovc v59  }
0x47c: {  	v16 =	vadd.s32 s12, v55;
	v5 =	vsub.f32 v58, v49;
	v8 =	vsub.f32 v8, v21;
	[tilespmem:$0x1FE60] =	vst v24;
	v24 =	vld [tilespmem:$0x1FE70]  }
0x47d: {  	v2 =	vadd.s32 s23, v55;
	v19 =	vld.idx.msk [tilespmem:v22+s16+$0x0], $0xffff;
	v22 =	vadd.f32 v1, v54;
	v1 =	vadd.f32 v7, v11  }
0x47e: {  	v20 =	vadd.f32 v4, v44;
	v9 =	vsub.f32 v9, v18;
	v17 =	vld.idx.msk [tilespmem:v17+s16+$0x0], $0xffff;
	v8 =	vmul.f32 v8, v13  }
0x47f: {  	v3 =	vadd.s32 s31, v55;
	v5 =	vmul.f32 v5, v14;
	v10 =	vld.idx.msk [tilespmem:v10+s16+$0x0], $0xffff;
	[tilespmem:s6+$0xFFFFFF80] =	vst v1  }
0x480: {  	v9 =	vmul.f32 v9, v13;
	v8 =	vadd.f32 v8, v21;
	v11 =	vsub.f32 v20, v23;
	v21 =	vld.idx.msk [tilespmem:v34+s16+$0x0], $0xffff  }
0x481: {  	v15 =	vadd.s32 s31, v31;
	v5 =	vadd.f32 v5, v49;
	v16 =	vld.idx.msk [tilespmem:v16+s16+$0x0], $0xffff  }
0x482: {  	v40 =	vadd.s32 s22, v31;
	v9 =	vadd.f32 v9, v18;
	v11 =	vmul.f32 v11, v13;
	v0 =	vld.idx.msk [tilespmem:v0+s16+$0x0], $0xffff  }
0x483: {  	v57 =	vadd.s32 s22, v55;
	v20 =	vsub.f32 v22, v5;
	[tilespmem:s6+$0xFFFFFFC0] =	vst v8;
	v2 =	vld.idx.msk [tilespmem:v2+s16+$0x0], $0xffff  }
0x484: {  	v8 =	vsub.f32 v17, v12;
	v24 =	vld.idx.msk [tilespmem:v24+s16+$0x0], $0xffff;
	[tilespmem:s6+$0x0] =	vst v9;
	v9 =	vadd.f32 v11, v23  }
0x485: {  	v7 =	vsub.f32 v35, v47;
	v3 =	vld.idx.msk [tilespmem:v3+s16+$0x0], $0xffff  }
0x486: {  	v18 =	vmul.f32 v20, v13;
	v8 =	vmul.f32 v8, v14;
	v11 =	vld.idx.msk [tilespmem:v15+s16+$0x0], $0xffff;
	[tilespmem:s8+$0x3B00] =	vst v9  }
0x487: {  	v61 =	vadd.s32 s21, v31;
	v10 =	vsub.f32 v10, v41;
	v17 =	vsub.f32 v19, v6;
	v9 =	vld.idx.msk [tilespmem:v40+s16+$0x0], $0xffff  }
0x488: {  	v60 =	vadd.s32 s21, v55;
	v5 =	vadd.f32 v18, v5;
	v8 =	vadd.f32 v8, v12;
	v12 =	vld.idx.msk [tilespmem:v57+s16+$0x0], $0xffff  }
0x489: {  	v36 =	vadd.s32 s17, v31;
	v10 =	vmul.f32 v10, v14;
	v2 =	vsub.f32 v2, v0  }
0x48a: {  	v7 =	vmul.f32 v7, v13;
	v17 =	vmul.f32 v17, v14;
	[tilespmem:s30+$0x20] =	vst v5;
	v5 =	vsub.f32 v16, v21  }
0x48b: {  	v41 =	vadd.f32 v10, v41;
	v2 =	vmul.f32 v2, v14;
	v3 =	vsub.f32 v3, v11  }
0x48c: {  	v10 =	vld [tilespmem:$0x1FDC0];
	v6 =	vadd.f32 v17, v6;
	v16 =	vsub.f32 v53, v56;
	v5 =	vmul.f32 v5, v14  }
0x48d: {  	v17 =	vld.idx.msk [tilespmem:v61+s16+$0x0], $0xffff;
	v0 =	vadd.f32 v2, v0;
	v2 =	vmul.f32 v3, v14;
	v3 =	vsub.f32 v12, v9  }
0x48e: {  	v38 =	vadd.s32 s17, v55;
	v7 =	vadd.f32 v7, v47;
	v61 =	vld [tilespmem:$0x1FD90];
	v5 =	vadd.f32 v5, v21  }
0x48f: {  	v58 =	vld [tilespmem:$0x1FE50];
	v16 =	vmul.f32 v16, v14;
	v11 =	vadd.f32 v2, v11;
	v2 =	vmul.f32 v3, v14  }
0x490: {  	v19 =	vld.idx.msk [tilespmem:v60+s16+$0x0], $0xffff;
	v6 =	vsub.f32 v6, v8;
	v0 =	vsub.f32 v0, v5  }
0x491: {  	v60 =	vld [tilespmem:$0x1FDA0];
	v16 =	vadd.f32 v16, v56;
	v2 =	vadd.f32 v2, v9  }
0x492: {  	v18 =	vadd.s32 s1, v27;
	v22 =	vld.idx.msk [tilespmem:v36+s16+$0x0], $0xffff;
	v23 =	vsub.f32 v24, v62;
	v0 =	vmul.f32 v0, v13  }
0x493: {  	v6 =	vmul.f32 v6, v13;
	v24 =	vld.idx.msk [tilespmem:v38+s16+$0x0], $0xffff;
	v16 =	vsub.f32 v16, v61;
	v2 =	vsub.f32 v2, v11  }
0x494: {  	v20 =	vadd.s32 s1, v28;
	v57 =	vadd.s32 s0, v28;
	v0 =	vadd.f32 v0, v5;
	v5 =	vld [tilespmem:$0x1FDD0]  }
0x495: {  	s11 =	sadd.s32 $0x100, s11;
	[tilespmem:s30+$0xFFFFFFA0] =	vst v7;
	v6 =	vadd.f32 v6, v8;
	v53 =	vmul.f32 v16, v13;
	v16 =	vmul.f32 v2, v13;
	v2 =	vld [tilespmem:$0x1FDE0]  }
0x496: {  	v4 =	vadd.s32 s23, v63;
	v42 =	vadd.s32 s23, v58;
	s23 =	sor.u32 $0x50, s11;
	v10 =	vld.idx.msk [tilespmem:v10+s16+$0x0], $0xffff  }
0x497: {  	v7 =	vadd.s32 s12, v58;
	[tilespmem:s23+$0x3B00] =	vst v6;
	v6 =	vld [tilespmem:$0x1FDB0]  }
0x498: {  	v26 =	vmov v7;
	v7 =	vld.idx.msk [tilespmem:v18+s16+$0x0], $0xffff  }
0x499: {  	v12 =	vld.idx.msk [tilespmem:v20+s16+$0x0], $0xffff;
	v18 =	vmul.f32 v23, v14  }
0x49a: {  	v3 =	vsub.f32 v19, v17;
	v19 =	vld.idx.msk [tilespmem:v57+s16+$0x0], $0xffff  }
0x49b: {  	v8 =	vadd.s32 s0, v27;
	v20 =	vld.idx.msk [tilespmem:v43+s16+$0x0], $0xffff;
	v18 =	vadd.f32 v18, v62  }
0x49c: {  	v3 =	vmul.f32 v3, v14;
	v9 =	vsub.f32 v24, v22;
	v54 =	vld.idx.msk [tilespmem:v5+s16+$0x0], $0xffff  }
0x49d: {  	v5 =	vsub.f32 v18, v41;
	v18 =	vld.idx.msk [tilespmem:v2+s16+$0x0], $0xffff  }
0x49e: {  	v17 =	vadd.f32 v3, v17;
	v3 =	vmul.f32 v9, v14;
	v2 =	vld [tilespmem:$0x1FDF0]  }
0x49f: {  	v23 =	vmov v4;
	v4 =	vld [tilespmem:$0x1FE30]  }
0x4a0: {  	v8 =	vld.idx.msk [tilespmem:v8+s16+$0x0], $0xffff;
	v3 =	vadd.f32 v3, v22  }
0x4a1: {  	v51 =	vadd.s32 s12, v28;
	v6 =	vld.idx.msk [tilespmem:v6+s16+$0x0], $0xffff  }
0x4a2: {  	v11 =	vadd.f32 v16, v11;
	v16 =	vsub.f32 v3, v17;
	v3 =	vld [tilespmem:$0x1FE20]  }
0x4a3: {  	v21 =	vadd.f32 v29, v2;
	v2 =	vld [tilespmem:$0x1FE10]  }
0x4a4: {  	v9 =	vld.idx.msk [tilespmem:v52+s16+$0x0], $0xffff;
	[tilespmem:s6+$0xFFFFFF90] =	vst v0;
	v0 =	vsub.f32 v12, v7  }
0x4a5: {  	v46 =	vadd.s32 s17, v28;
	v45 =	vadd.s32 s12, v27;
	v12 =	vsub.f32 v19, v8;
	v19 =	vld [tilespmem:$0x1FE00]  }
0x4a6: {  	v48 =	vadd.s32 s31, v28;
	v1 =	vadd.s32 s22, v58;
	v35 =	vld.idx.msk [tilespmem:v51+s16+$0x0], $0xffff;
	v0 =	vmul.f32 v0, v14  }
0x4a7: {  	v24 =	vmul.f32 v5, v13;
	v5 =	vmul.f32 v12, v14;
	v10 =	vsub.f32 v10, v6;
	v29 =	vmovc v1;
	v1 =	vld [tilespmem:$0x1FE40]  }
0x4a8: {  	v39 =	vadd.s32 s21, v28;
	v32 =	vadd.s32 s22, v28;
	v50 =	vadd.s32 s31, v27;
	v38 =	vld.idx.msk [tilespmem:v4+s16+$0x0], $0xffff  }
0x4a9: {  	v4 =	vadd.f32 v0, v7;
	v0 =	vadd.f32 v5, v8;
	v5 =	vmul.f32 v10, v14;
	v10 =	vld [tilespmem:$0x1FEA0]  }
0x4aa: {  	s9 =	sadd.s32 $0x4, s9;
	v30 =	vadd.s32 s17, v27;
	v33 =	vadd.s32 s21, v63;
	v34 =	vadd.s32 s22, v63;
	s22 =	sadd.s32 $0xFFFFFF80, s11;
	v3 =	vld.idx.msk [tilespmem:v3+s16+$0x0], $0xffff  }
0x4ab: {  	p0 =	slt.u32 s9, $0x3C;
	v37 =	vadd.s32 s21, v27;
	v49 =	vadd.s32 s31, v58;
	v47 =	vadd.s32 s31, v63;
	s31 =	sor.u32 $0x50, s22;
	v56 =	vld.idx.msk [tilespmem:v2+s16+$0x0], $0xffff  }
.Ltmp9:
0x4ac: {  	v59 =	vmov v25;
	v9 =	vsub.f32 v9, v20;
	v2 =	vld.idx.msk [tilespmem:v45+s16+$0x0], $0xffff;
	[tilespmem:s31+$0x3B00] =	vst v11;
	v11 =	vmul.f32 v16, v13;
	(pc) =	sbr.rel @p0 .LBB2_11-.Ltmp9, $4  }
0x4ad: {  	v25 =	vadd.s32 s17, v63;
	[tilespmem:$0x1FE70] =	vst v59;
	v59 =	vadd.s32 s17, v58;
	v15 =	vadd.s32 s12, v63;
	v22 =	vmovc v42;
	v42 =	vld.idx.msk [tilespmem:v50+s16+$0x0], $0xffff  }
0x4ae: {  	s7 =	smov.u32 s13;
	v8 =	vmul.f32 v9, v14;
	v9 =	vsub.f32 v18, v54;
	v45 =	vld.idx.msk [tilespmem:v48+s16+$0x0], $0xffff;
	v7 =	vadd.f32 v11, v17  }
0x4af: {  	s13 =	smov.u32 s10;
	s10 =	sor.u32 $0x70, s22;
	s8 =	sor.u32 $0x60, s22;
	v40 =	vadd.s32 s21, v58;
	v36 =	vsub.f32 v0, v4;
	v0 =	vadd.f32 v5, v6;
	[tilespmem:s28+$0x30] =	vst v21;
	v44 =	vld.idx.msk [tilespmem:v1+s16+$0x0], $0xffff  }
0x4b0: {  	v18 =	vmovc v46;
	v46 =	vmov v15;
	s28 =	smov.u32 s29;
	s29 =	smov.u32 s30;
	s30 =	smov.u32 s6;
	v16 =	vadd.f32 v8, v20;
	v1 =	vmul.f32 v9, v14;
	[tilespmem:s6+$0x10] =	vst v7;
	v7 =	vld [tilespmem:$0x1FE90]  }
0x4b1: {  	_ =	sdelay $0x3  }
0x4b2: {  	v5 =	vld.idx.msk [tilespmem:v32+s16+$0x0], $0xffff  }
0x4b3: {  	v6 =	vmul.f32 v36, v13;
	v9 =	vld.idx.msk [tilespmem:v37+s16+$0x0], $0xffff  }
0x4b4: {  	v12 =	vld.idx.msk [tilespmem:v39+s16+$0x0], $0xffff  }
0x4b5: {  	v8 =	vsub.f32 v35, v2;
	v15 =	vld.idx.msk [tilespmem:v30+s16+$0x0], $0xffff;
	v4 =	vadd.f32 v6, v4  }
0x4b6: {  	v7 =	vadd.s32 s1, v58;
	v11 =	vsub.f32 v38, v3;
	s26 =	sor.u32 $0x60, s11;
	v18 =	vld.idx.msk [tilespmem:v18+s16+$0x0], $0xffff  }
0x4b7: {  	v10 =	vadd.s32 s1, v63;
	v17 =	vadd.s32 s0, v63;
	v63 =	vld.idx.msk [tilespmem:v60+s16+$0x0], $0xffff;
	v8 =	vmul.f32 v8, v14;
	[tilespmem:s26+$0x3B00] =	vst v4  }
0x4b8: {  	v11 =	vmul.f32 v11, v14;
	v30 =	vld [tilespmem:$0x1FE80]  }
0x4b9: {  	v51 =	vadd.s32 s0, v58;
	v52 =	vsub.f32 v45, v42;
	v55 =	vadd.f32 v8, v2;
	v20 =	vld [tilespmem:$0x1FE60]  }
0x4ba: {  	v58 =	vadd.f32 v11, v3;
	v5 =	vsub.f32 v5, v44;
	v31 =	vld [tilespmem:$0x1FE70]  }
0x4bb: {  	v28 =	vld.idx.msk [tilespmem:v19+s16+$0x0], $0xffff  }
0x4bc: {  	v4 =	vmul.f32 v52, v14;
	v7 =	vld.idx.msk [tilespmem:v7+s16+$0x0], $0xffff;
	v3 =	vsub.f32 v58, v55;
	v5 =	vmul.f32 v5, v14  }
0x4bd: {  	v57 =	vld.idx.msk [tilespmem:v10+s16+$0x0], $0xffff;
	v12 =	vsub.f32 v12, v9;
	v27 =	vsub.f32 v18, v15  }
0x4be: {  	v6 =	vld.idx.msk [tilespmem:v51+s16+$0x0], $0xffff;
	v4 =	vadd.f32 v4, v42;
	v3 =	vmul.f32 v3, v13;
	v5 =	vadd.f32 v5, v44  }
0x4bf: {  	v62 =	vld.idx.msk [tilespmem:v17+s16+$0x0], $0xffff;
	v12 =	vmul.f32 v12, v14  }
0x4c0: {  	v17 =	vmul.f32 v27, v14;
	v2 =	vadd.f32 v3, v55;
	v5 =	vsub.f32 v5, v4;
	v19 =	vld.idx.msk [tilespmem:v30+s16+$0x0], $0xffff  }
0x4c1: {  	v9 =	vadd.f32 v12, v9;
	v20 =	vld.idx.msk [tilespmem:v20+s16+$0x0], $0xffff  }
0x4c2: {  	v32 =	vadd.f32 v17, v15;
	[tilespmem:s30+$0xFFFFFFA0] =	vst v2;
	v3 =	vld.idx.msk [tilespmem:v31+s16+$0x0], $0xffff;
	v5 =	vmul.f32 v5, v13  }
0x4c3: {  	v2 =	vld.idx.msk [tilespmem:v26+s16+$0x0], $0xffff  }
0x4c4: {  	v12 =	vsub.f32 v32, v9;
	v35 =	vld.idx.msk [tilespmem:v46+s16+$0x0], $0xffff;
	v4 =	vadd.f32 v5, v4  }
0x4c5: {  	v8 =	vsub.f32 v57, v7;
	v10 =	vsub.f32 v62, v6;
	v36 =	vld.idx.msk [tilespmem:v22+s16+$0x0], $0xffff  }
0x4c6: {  	v16 =	vsub.f32 v16, v0;
	v12 =	vmul.f32 v12, v13;
	v37 =	vld.idx.msk [tilespmem:v23+s16+$0x0], $0xffff;
	[tilespmem:s8+$0x3B00] =	vst v4  }
0x4c7: {  	v48 =	vadd.f32 v53, v61;
	v8 =	vmul.f32 v8, v14;
	v10 =	vmul.f32 v10, v14;
	v38 =	vld.idx.msk [tilespmem:v49+s16+$0x0], $0xffff  }
0x4c8: {  	v16 =	vmul.f32 v16, v13;
	v44 =	vsub.f32 v63, v56;
	v9 =	vadd.f32 v12, v9;
	v39 =	vld.idx.msk [tilespmem:v47+s16+$0x0], $0xffff  }
0x4c9: {  	v7 =	vadd.f32 v8, v7;
	v6 =	vadd.f32 v10, v6;
	v42 =	vld.idx.msk [tilespmem:v29+s16+$0x0], $0xffff  }
0x4ca: {  	v1 =	vadd.f32 v1, v54;
	v43 =	vadd.f32 v16, v0;
	[tilespmem:s30+$0x20] =	vst v9;
	v45 =	vld.idx.msk [tilespmem:v34+s16+$0x0], $0xffff  }
0x4cb: {  	v6 =	vsub.f32 v6, v7;
	v9 =	vmul.f32 v44, v14;
	v46 =	vsub.f32 v19, v28;
	v47 =	vld.idx.msk [tilespmem:v40+s16+$0x0], $0xffff  }
0x4cc: {  	v3 =	vsub.f32 v3, v20;
	v21 =	vld.idx.msk [tilespmem:v33+s16+$0x0], $0xffff;
	v5 =	vsub.f32 v35, v2  }
0x4cd: {  	v49 =	vld.idx.msk [tilespmem:v59+s16+$0x0], $0xffff;
	v4 =	vsub.f32 v37, v36;
	v9 =	vadd.f32 v9, v56  }
0x4ce: {  	v50 =	vld.idx.msk [tilespmem:v25+s16+$0x0], $0xffff;
	v59 =	vadd.f32 v24, v41;
	v11 =	vmul.f32 v46, v14;
	v3 =	vmul.f32 v3, v14  }
0x4cf: {  	v5 =	vmul.f32 v5, v14;
	v4 =	vmul.f32 v4, v14;
	v9 =	vsub.f32 v9, v1  }
0x4d0: {  	v51 =	vadd.f32 v11, v28;
	v3 =	vadd.f32 v3, v20  }
0x4d1: {  	v2 =	vadd.f32 v5, v2;
	v4 =	vadd.f32 v4, v36  }
0x4d2: {  	v52 =	vsub.f32 v39, v38;
	v53 =	vsub.f32 v45, v42  }
0x4d3: {  	v54 =	vsub.f32 v21, v47;
	v55 =	vsub.f32 v50, v49  }
0x4d4: {  	v3 =	vsub.f32 v3, v51;
	v11 =	vmul.f32 v52, v14;
	v5 =	vmul.f32 v53, v14  }
0x4d5: {  	v4 =	vsub.f32 v4, v2;
	v10 =	vmul.f32 v54, v14;
	v12 =	vmul.f32 v55, v14  }
0x4d6: {  	v6 =	vmul.f32 v6, v13;
	v11 =	vadd.f32 v11, v38;
	v5 =	vadd.f32 v5, v42  }
0x4d7: {  	[tilespmem:s7+$0x3B00] =	vst v48;
	v9 =	vmul.f32 v9, v13;
	v57 =	vadd.f32 v10, v47;
	v58 =	vadd.f32 v12, v49  }
0x4d8: {  	[tilespmem:s29+$0xFFFFFFB0] =	vst v43;
	v6 =	vadd.f32 v6, v7;
	v56 =	vmul.f32 v4, v13;
	v5 =	vsub.f32 v5, v11  }
0x4d9: {  	s31 =	sor.u32 $0x70, s11;
	[tilespmem:s28+$0x30] =	vst v59;
	v1 =	vadd.f32 v9, v1;
	v3 =	vmul.f32 v3, v13;
	v60 =	vsub.f32 v58, v57  }
0x4da: {  	[tilespmem:s31+$0x3B00] =	vst v6;
	v0 =	vadd.f32 v56, v2;
	v5 =	vmul.f32 v5, v13  }
0x4db: {  	[tilespmem:s13+$0x3B00] =	vst v1;
	v61 =	vadd.f32 v3, v51;
	v2 =	vmul.f32 v60, v13  }
0x4dc: {  	[tilespmem:s30+$0xFFFFFFB0] =	vst v0;
	v62 =	vadd.f32 v5, v11  }
0x4dd: {  	[tilespmem:s29+$0x30] =	vst v61;
	v63 =	vadd.f32 v2, v57  }
0x4de: {  	[tilespmem:s10+$0x3B00] =	vst v62  }
0x4df: {  	[tilespmem:s30+$0x30] =	vst v63  }
0x4e0: {  	v49 =	vld [tilespmem:$0x1FFD0]  }
0x4e1: {  	v50 =	vld [tilespmem:$0x1FFE0]  }
0x4e2: {  	v48 =	vimm.s32 $0x0;
	v47 =	vlaneseq.u32;
	v51 =	vld [tilespmem:$0x1FFF0]  }
.LBB2_16:
.Ltmp10:
0x4e3: {  	s0 =	sor.u32 s3, s25;
	s1 =	sshll.u32 s25, $0x4;
	(pc) =	sbr.rel @p1 .LBB2_18-.Ltmp10, $4  }
0x4e4: {  	s1 =	sand.u32 $0x70, s1;
	s2 =	sshll.u32 s0, $0x9  }
0x4e5: {  	s2 =	sand.u32 $0x1FF000, s2;
	s1 =	sadd.s32 s19, s1  }
0x4e6: {  	s31 =	simm.s32 $0x3B00;
	s1 =	sadd.s32 s2, s1  }
0x4e7: {  	[hbm4b:s1+s14] =	stream.strided.scatter [tilespmem:s31], [sflag:$0x4], $0x1000, s15, s14, $0x38;
	[tilespmem:$0x4C00] =	vst v63  }
0x4e8: {  	s0 =	sadd.s32 $0x2, s0  }
0x4e9: {  	s1 =	sshrl.u32 s0, $0x3  }
0x4ea: {  	s0 =	sshll.u32 s0, $0x7;
	s1 =	smul.u32 $0xAC00, s1  }
.Ltmp11:
0x4eb: {  	s0 =	sand.u32 $0x380, s0;
	(pc) =	sbr.rel .LBB2_2-.Ltmp11, $4  }
0x4ec: {  	s0 =	sor.u32 s0, s1  }
0x4ed: {  	s0 =	sshrl.u32 s0, $0x3  }
0x4ee: {  	s24 =	sadd.s32 $0x1, s24;
	s0 =	sadd.s32 s5, s0  }
0x4ef: {  	[tilespmem:s16], [sflag:$0x2] =	stream.strided.gather [hbm4b:s0+s14], $0x1580, s15, s14, $0x38;
	[tilespmem:$0x4C00] =	vst v63  }
.LBB2_19:
0x4f0: {  	_ =	sfence.sel $0x180000  }
0x4f1: {  	[bflag:$0x0] =	sbarrier.arrive $0xFFFF  }
0x4f2: {  	_ =	strace $0x90000047  }
0x4f3: {  	s0 =	stileid.u32;
	[bflag:$0x2] =	sbarrier.arrive $0xFFFF  }
0x4f4: {  	p0 =	sne.s32 s0, $0x0;
	s0 =	rddreg [dreg:$0x4]  }
0x4f5: {  	s0 =	sadd.s32 @!p0 $0x100000, s0  }
0x4f6: {  	[sflag:s0] =	ssyncadd.tile.s32 @!p0 $0x1;
	_ =	shalt  }
.Lfunc_end2:
_tile_overlayer_lowered:
.L_overlay_start_2:
0x4f7: {  	(tag) =	ssettag $0x2  }
0x4f8: {  	s0 =	rddreg [dreg:$0x0];
	s2 =	stileid.u32  }
0x4f9: {  	s1 =	rddreg [dreg:$0x1];
	p0 =	sne.s32 s2, $0x0  }
0x4fa: {  	s3 =	rddreg [dreg:$0x2];
	[bflag:$0x3] =	sbarrier.arrive $0xFFFF;
	s2 =	simm.s32 @!p0 $0x1C05  }
0x4fb: {  	[timem:s3], [sflag:s2] =	dma.local @!p0 [hbm:s0], s1  }
0x4fc: {  	s0 =	simm.s32 @!p0 $0x5  }
0x4fd: {  	_ =	swait.ge @!p0 [sflag:s0], s1  }
0x4fe: {  	s1 =	ssub.s32 @!p0 $0x0, s1;
	[sflag:s0] =	ssyncset.done @!p0 $0x0  }
0x4ff: {  	[sflag:s0] =	ssyncadd.s32 @!p0 s1  }
0x500: {  	[bflag:$0x3] =	sbarrier.arrive $0xFFFF  }
0x501: {  	_ =	shalt  }

</sc_bundles>
